<compile_context>
chip_gen: v7x
topology: tpu7x:2x2x1
jax: 0.10.2.dev20260603
libtpu: 0.0.44.dev20260713+nightly
codegen_flags: <defaults>
</compile_context>

<pallas_src>
import functools

import jax
import jax.numpy as jnp
from jax import lax
from jax.experimental import pallas as pl
from jax.experimental.pallas import tpu as pltpu
from jax.experimental.pallas import tpu_sc as plsc

_LANES = 16
_NC = 2
_NS = 16
_NW = _NC * _NS
_C = 128


def _bf16_rn(x):
    u = lax.bitcast_convert_type(x, jnp.uint32)
    r = u + jnp.uint32(0x7FFF) + ((u >> 16) & jnp.uint32(1))
    return lax.bitcast_convert_type(r & jnp.uint32(0xFFFF0000), jnp.float32)


def _make_edge_agg(n_pad, ch):
    slc = n_pad // _NS
    mesh = plsc.VectorSubcoreMesh(core_axis_name="c", subcore_axis_name="s")

    @functools.partial(
        pl.kernel,
        out_type=jax.ShapeDtypeStruct((_NC * n_pad,), jnp.float32),
        mesh=mesh,
        compiler_params=pltpu.CompilerParams(needs_layout_passes=False),
        scratch_types=[
            pltpu.VMEM((n_pad,), jnp.float32),
            pltpu.VMEM((ch, _C), jnp.int32),
            pltpu.VMEM((ch, _C), jnp.int32),
            pltpu.VMEM((_C,), jnp.float32),
            pltpu.VMEM((slc,), jnp.float32),
            pltpu.VMEM_SHARED((n_pad,), jnp.float32),
        ],
    )
    def agg(values_hbm, src_hbm, dst_hbm, out_hbm,
            values_v, src_v, dst_v, vals_v, zbuf, acc):
        cid = lax.axis_index("c")
        sid = lax.axis_index("s")
        w = sid * _NC + cid

        def zero_body(i, carry):
            zbuf[pl.ds(i * _LANES, _LANES)] = jnp.zeros((_LANES,), jnp.float32)
            return carry

        lax.fori_loop(0, slc // _LANES, zero_body, 0)
        pltpu.sync_copy(zbuf, acc.at[pl.ds(sid * slc, slc)])
        pltpu.sync_copy(values_hbm, values_v)
        pltpu.sync_copy(src_hbm.at[w], src_v)
        pltpu.sync_copy(dst_hbm.at[w], dst_v)
        plsc.subcore_barrier()

        def chunk_body(i, carry):
            for j in range(_C // _LANES):
                idx = src_v[i, pl.ds(j * _LANES, _LANES)]
                vals_v[pl.ds(j * _LANES, _LANES)] = plsc.load_gather(
                    values_v, [idx])
            pltpu.sync_copy(vals_v, acc.at[dst_v.at[i]], add=True)
            return carry

        lax.fori_loop(0, ch, chunk_body, 0)
        plsc.subcore_barrier()
        pltpu.sync_copy(acc.at[pl.ds(sid * slc, slc)], zbuf)
        pltpu.sync_copy(zbuf, out_hbm.at[pl.ds(cid * n_pad + sid * slc, slc)])

    return agg


def _make_row_agg(n_pad, hdim, ch2):
    nh = n_pad // 2
    rpt = nh // _NS
    wb = next(c for c in range(56, 7, -8) if rpt % c == 0)
    nq = rpt // wb
    bch = next(c for c in range(28, 1, -2) if ch2 % c == 0)
    nbatch = ch2 // bch
    mesh = plsc.VectorSubcoreMesh(core_axis_name="c", subcore_axis_name="s")

    @functools.partial(
        pl.kernel,
        out_type=jax.ShapeDtypeStruct((n_pad, hdim), jnp.float32),
        mesh=mesh,
        compiler_params=pltpu.CompilerParams(
            needs_layout_passes=False, use_tc_tiling_on_sc=False),
        scratch_types=[
            pltpu.VMEM((bch, _C), jnp.int32),
            pltpu.VMEM((bch, _C), jnp.int32),
            pltpu.VMEM((_C, hdim), jnp.float32),
            pltpu.VMEM((_C, hdim), jnp.float32),
            pltpu.VMEM((wb, hdim), jnp.float32),
            pltpu.VMEM_SHARED((nh + 16, hdim), jnp.float32),
            pltpu.SemaphoreType.DMA,
            pltpu.SemaphoreType.DMA,
            pltpu.SemaphoreType.DMA,
            pltpu.SemaphoreType.DMA,
        ],
    )
    def agg(h_hbm, src_hbm, dst_hbm, out_hbm,
            src_v, idx_v, rows0, rows1, zbuf, acc, g0, g1, s0, s1):
        cid = lax.axis_index("c")
        sid = lax.axis_index("s")
        base = cid * nh

        def zero_body(i, carry):
            for j in range(hdim // _LANES):
                zbuf[i, pl.ds(j * _LANES, _LANES)] = jnp.zeros(
                    (_LANES,), jnp.float32)
            return carry

        lax.fori_loop(0, wb, zero_body, 0)
        for q in range(nq):
            pltpu.sync_copy(zbuf, acc.at[pl.ds(sid * rpt + q * wb, wb)])

        @pl.when(sid == 0)
        def _():
            pltpu.sync_copy(zbuf.at[pl.ds(0, 16)], acc.at[pl.ds(nh, 16)])

        plsc.subcore_barrier()

        bufs = ((rows0, g0, s0), (rows1, g1, s1))

        def batch_body(b, carry):
            pltpu.sync_copy(src_hbm.at[sid, pl.ds(b * bch, bch)], src_v)
            pltpu.sync_copy(dst_hbm.at[sid, pl.ds(b * bch, bch)], idx_v)

            dump = nh + lax.iota(jnp.int32, 16)

            def adj_body(i, c2):
                for j in range(_C // _LANES):
                    d = idx_v[i, pl.ds(j * _LANES, _LANES)]
                    local = d - base
                    ok = (local >= 0) & (local < nh)
                    idx_v[i, pl.ds(j * _LANES, _LANES)] = jnp.where(
                        ok, local, dump)
                return c2

            lax.fori_loop(0, bch, adj_body, 0)
            pltpu.async_copy(h_hbm.at[src_v.at[0]], rows0, g0)
            pltpu.async_copy(h_hbm.at[src_v.at[1]], rows1, g1)
            for k in range(bch):
                buf, gs, ss = bufs[k % 2]
                pltpu.make_async_copy(h_hbm.at[src_v.at[k]], buf, gs).wait()
                pltpu.async_copy(buf, acc.at[idx_v.at[k]], ss, add=True)
                pltpu.make_async_copy(buf, acc.at[idx_v.at[k]], ss).wait()
                if k + 2 < bch:
                    pltpu.async_copy(h_hbm.at[src_v.at[k + 2]], buf, gs)
            return carry

        lax.fori_loop(0, nbatch, batch_body, 0)
        plsc.subcore_barrier()
        for q in range(nq):
            r0 = sid * rpt + q * wb
            pltpu.sync_copy(acc.at[pl.ds(r0, wb)], zbuf)
            pltpu.sync_copy(zbuf, out_hbm.at[pl.ds(base + r0, wb)])

    return agg


def _dense1_body(n, blk, t2, w1, b1, wc, bc, h_ref, critic_ref, cacc):
    i = pl.program_id(0)

    @pl.when(i == 0)
    def _():
        cacc[0] = 0.0

    t = t2[0] + t2[1]
    h = jnp.maximum(t * w1[...] + b1[...], 0.0)
    h_ref[...] = h
    idx = i * blk + lax.broadcasted_iota(jnp.int32, h.shape, 0)
    hb = _bf16_rn(h) * wc[...]
    cacc[0] += jnp.sum(jnp.where(idx < n, hb, 0.0))

    @pl.when(i == pl.num_programs(0) - 1)
    def _():
        critic_ref[0, 0] = cacc[0] / n + bc[0]


def _final_body(n, blk, a2, w2, b2, g, node_ref, lp_ref,
                macc, seacc, bacc, selacc, lselacc):
    ph = pl.program_id(0)
    i = pl.program_id(1)

    @pl.when((ph == 0) & (i == 0))
    def _():
        macc[0] = -jnp.inf
        bacc[0] = -jnp.inf
        selacc[0] = 2**31 - 1
        seacc[0] = 0.0
        lselacc[0] = 0.0

    p = _bf16_rn(a2[...]) * w2[...]
    l = jnp.sum(p, axis=1, keepdims=True) + b2[0]
    idx = i * blk + lax.broadcasted_iota(jnp.int32, (blk, 1), 0)
    valid = idx < n

    @pl.when(ph == 0)
    def _():
        lm = jnp.where(valid, l, -jnp.inf)
        macc[0] = jnp.maximum(macc[0], jnp.max(lm))
        y = jnp.where(valid, l + g[...], -jnp.inf)
        bmax = jnp.max(y)
        bsel = jnp.min(jnp.where(y == bmax, idx, 2**31 - 1))
        better = bmax > bacc[0]
        equal = bmax == bacc[0]
        selacc[0] = jnp.where(
            better, bsel,
            jnp.where(equal, jnp.minimum(selacc[0], bsel), selacc[0]))
        bacc[0] = jnp.maximum(bacc[0], bmax)

    @pl.when(ph == 1)
    def _():
        seacc[0] += jnp.sum(jnp.where(valid, jnp.exp(l - macc[0]), 0.0))
        lselacc[0] += jnp.sum(jnp.where(idx == selacc[0], l, 0.0))

    @pl.when((ph == 1) & (i == pl.num_programs(1) - 1))
    def _():
        node_ref[0, 0] = selacc[0]
        lp_ref[0, 0] = (lselacc[0] - macc[0]) - jnp.log(seacc[0])


def _edge_aggregate(values_pad, src_p, dst_p, n_pad, ch):
    flat = _make_edge_agg(n_pad, ch)(values_pad, src_p, dst_p)
    return flat.reshape(_NC, n_pad)


def _row_aggregate(h_arr, src_q, dst_q, n_pad, hdim, ch2):
    return _make_row_agg(n_pad, hdim, ch2)(h_arr, src_q, dst_q)


def kernel(features, edge_index, W1, b1, W2, b2, Wc, bc):
    n = features.shape[0]
    e = edge_index.shape[1]
    hdim = W1.shape[1]
    n_pad = (n // 256 + 1) * 256
    src = edge_index[0]
    dst = edge_index[1]

    ch = -(-e // (_NW * _C))
    e_pad = _NW * _C * ch
    src_p = jnp.concatenate(
        [src, jnp.zeros((e_pad - e,), jnp.int32)]).reshape(_NW, ch, _C)
    dst_p = jnp.concatenate(
        [dst, jnp.full((e_pad - e,), n, jnp.int32)]).reshape(_NW, ch, _C)
    vals0 = jnp.concatenate(
        [features[:, 0], jnp.zeros((n_pad - n,), jnp.float32)])
    t2 = _edge_aggregate(vals0, src_p, dst_p, n_pad, ch).reshape(2, n_pad, 1)

    smem = pl.BlockSpec(memory_space=pltpu.SMEM)
    nb = 8
    blk = n_pad // nb
    h_arr, critic = pl.pallas_call(
        functools.partial(_dense1_body, n, blk),
        grid=(nb,),
        out_shape=(jax.ShapeDtypeStruct((n_pad, hdim), jnp.float32),
                   jax.ShapeDtypeStruct((1, 1), jnp.float32)),
        in_specs=[pl.BlockSpec((2, blk, 1), lambda i: (0, i, 0)),
                  pl.BlockSpec((1, hdim), lambda i: (0, 0)),
                  pl.BlockSpec((1, hdim), lambda i: (0, 0)),
                  pl.BlockSpec((1, hdim), lambda i: (0, 0)),
                  smem],
        out_specs=(pl.BlockSpec((blk, hdim), lambda i: (i, 0)),
                   pl.BlockSpec((1, 1), lambda i: (0, 0),
                                memory_space=pltpu.SMEM)),
        scratch_shapes=[pltpu.SMEM((1,), jnp.float32)],
    )(t2, W1, b1.reshape(1, hdim), _bf16_rn(Wc).reshape(1, hdim), bc)

    ch2 = -(-e // (_NS * _C))
    ch2 = ch2 + (ch2 % 2)
    e_pad2 = _NS * _C * ch2
    src_q = jnp.concatenate(
        [src, jnp.zeros((e_pad2 - e,), jnp.int32)]).reshape(_NS, ch2, _C)
    dst_q = jnp.concatenate(
        [dst, jnp.full((e_pad2 - e,), n, jnp.int32)]).reshape(_NS, ch2, _C)
    agg2 = _row_aggregate(h_arr, src_q, dst_q, n_pad, hdim, ch2)

    u = jax.random.uniform(jax.random.key(42), (n,), minval=1e-9, maxval=1.0)
    g = -jnp.log(-jnp.log(u))
    g_col = jnp.concatenate(
        [g, jnp.zeros((n_pad - n,), jnp.float32)]).reshape(n_pad, 1)
    node, lp = pl.pallas_call(
        functools.partial(_final_body, n, blk),
        grid=(2, nb),
        out_shape=(jax.ShapeDtypeStruct((1, 1), jnp.int32),
                   jax.ShapeDtypeStruct((1, 1), jnp.float32)),
        in_specs=[pl.BlockSpec((blk, hdim), lambda ph, i: (i, 0)),
                  pl.BlockSpec((1, hdim), lambda ph, i: (0, 0)),
                  smem,
                  pl.BlockSpec((blk, 1), lambda ph, i: (i, 0))],
        out_specs=(pl.BlockSpec((1, 1), lambda ph, i: (0, 0),
                                memory_space=pltpu.SMEM),
                   pl.BlockSpec((1, 1), lambda ph, i: (0, 0),
                                memory_space=pltpu.SMEM)),
        scratch_shapes=[pltpu.SMEM((1,), jnp.float32),
                        pltpu.SMEM((1,), jnp.float32),
                        pltpu.SMEM((1,), jnp.float32),
                        pltpu.SMEM((1,), jnp.int32),
                        pltpu.SMEM((1,), jnp.float32)],
    )(agg2, _bf16_rn(W2).reshape(1, hdim), b2, g_col)

    return node.reshape(()), lp.reshape(()), critic.reshape(())

# --- scband reference (transcript-rebuilt; emitter-appended) ---
"""Pipeline reference for scband-model-a2-c-sparse-56736517980408 (READ-ONLY COPY).

The authoritative reference and input builder live on the scoring server;
editing this copy changes nothing except your own understanding.
"""

import jax, jax.numpy as jnp
import numpy as np

N = 50000
E = 800000
H = 64


def _gcn_layer(x, src, dst, W, b, n):
    # sparse adj matmul: scatter-add messages from src to dst, then dense transform
    agg = jax.ops.segment_sum(x[src], dst, num_segments=n)
    return agg @ W + b


def setup_inputs(seed: int = 0) -> dict:
    key = jax.random.key(seed)
    ks = jax.random.split(key, 8)
    features = jnp.ones((N, 1), dtype=jnp.float32)
    edge_index = jax.random.randint(ks[0], (2, E), 0, N, dtype=jnp.int32)
    W1 = jax.random.normal(ks[1], (1, H), dtype=jnp.float32)
    b1 = jnp.zeros((H,), dtype=jnp.float32)
    W2 = jax.random.normal(ks[2], (H, 1), dtype=jnp.float32) * (1.0 / np.sqrt(H))
    b2 = jnp.zeros((1,), dtype=jnp.float32)
    Wc = jax.random.normal(ks[3], (H, 1), dtype=jnp.float32) * (1.0 / np.sqrt(H))
    bc = jnp.zeros((1,), dtype=jnp.float32)
    return {"features": features, "edge_index": edge_index, "W1": W1, "b1": b1, "W2": W2, "b2": b2, "Wc": Wc, "bc": bc}


def reference(features, edge_index, W1, b1, W2, b2, Wc, bc):
    src = edge_index[0]
    dst = edge_index[1]
    # actor: 2-layer GCN producing per-node logits (probs in the torch code are raw logits)
    h = jax.nn.relu(_gcn_layer(features, src, dst, W1, b1, N))
    logits = _gcn_layer(h, src, dst, W2, b2, N).reshape(-1)
    logp = jax.nn.log_softmax(logits)
    # Categorical(logits=probs).sample() via gumbel-max (epsilon=0 => no random fallback branch)
    u = jax.random.uniform(jax.random.key(42), (N,), minval=1e-9, maxval=1.0)
    g = -jnp.log(-jnp.log(u))
    node_selected = jnp.argmax(logits + g)
    log_prob = logp[node_selected]
    # critic on detached GCN hidden features
    h_det = jax.lax.stop_gradient(h)
    critic_current = jnp.mean(h_det @ Wc + bc)
    return node_selected, log_prob, critic_current

if __name__ == "__main__":
    import jax
    _d = setup_inputs()
    print(jax.jit(kernel)(*tuple(_d.values())))

</pallas_src>

<mosaic_0001>
#map = affine_map<(d0, d1) -> (0)>
#map1 = affine_map<(d0, d1) -> (0, 0, 0)>
module attributes {stable_mosaic.version = 14 : i64} {
  func.func @agg(%arg0: i32, %arg1: i32, %arg2: memref<50176xf32, #tpu.memory_space<hbm>>, %arg3: memref<32x196x128xi32, #tpu.memory_space<hbm>>, %arg4: memref<32x196x128xi32, #tpu.memory_space<hbm>>, %arg5: memref<100352xf32, #tpu.memory_space<hbm>>, %arg6: memref<50176xf32, #tpu.memory_space<vmem>>, %arg7: memref<196x128xi32, #tpu.memory_space<vmem>>, %arg8: memref<196x128xi32, #tpu.memory_space<vmem>>, %arg9: memref<128xf32, #tpu.memory_space<vmem>>, %arg10: memref<3136xf32, #tpu.memory_space<vmem>>, %arg11: memref<50176xf32, #tpu.memory_space<vmem_shared>>) attributes {dimension_semantics = [#tpu.dimension_semantics<core_parallel>, #tpu.dimension_semantics<subcore_parallel>], iteration_bounds = array<i64: 2, 16>, scalar_prefetch = 0 : i64, scratch_operands = 6 : i64, tpu.core_type = #tpu.core_type<sc_vector_subcore>, window_params = [{transform_indices = #map}, {transform_indices = #map1}, {transform_indices = #map1}, {transform_indices = #map}]} {
    %mul3A = arith.constant 2 : i32
    %mul3A_0 = arith.muli %arg1, %mul3A : i32
    %add3A = arith.addi %mul3A_0, %arg0 : i32
    %scan3A = arith.constant 0 : i32
    %scan3A_1 = arith.constant 0 : i32
    %scan3A_2 = arith.constant 196 : i32
    %scan3A_3 = arith.addi %scan3A_1, %scan3A_2 : i32
    %scan3A_4 = arith.constant 1 : i32
    scf.for %scan3A_22 = %scan3A_1 to %scan3A_3 step %scan3A_4  : i32 {
      %broadcast_in_dim3A = arith.constant 0.000000e+00 : f32
      %broadcast_in_dim3A_23 = vector.broadcast %broadcast_in_dim3A : f32 to vector<16xf32>
      %mul3A_24 = arith.constant 16 : i32
      %mul3A_25 = arith.muli %scan3A_22, %mul3A_24 : i32
      %swap3A = arith.index_cast %mul3A_25 : i32 to index
      %swap3A_26 = tpu.vector_load %arg10[%swap3A] {strides = array<i32>} : memref<3136xf32, #tpu.memory_space<vmem>>, vector<16xf32>,
      tpu.vector_store %arg10[%swap3A], %broadcast_in_dim3A_23 {strides = array<i32>} : memref<3136xf32, #tpu.memory_space<vmem>>, vector<16xf32>,
    }
    %scan3A_5 = arith.constant 196 : i32
    %mul3A_6 = arith.constant 3136 : i32
    %mul3A_7 = arith.muli %arg1, %mul3A_6 : i32
    "tpu.region"() ({
      %run_scoped3A = tpu.sem_alloc : memref<!tpu.dma_semaphore, #tpu.memory_space<semaphore_mem>>
      %dma_start3A = tpu.memref_slice %arg11[%mul3A_7] : memref<50176xf32, #tpu.memory_space<vmem_shared>> -> memref<3136xf32, #tpu.memory_space<vmem_shared>>
      %dma_start3A_22 = tpu.memref_slice %arg11[%mul3A_7] : memref<50176xf32, #tpu.memory_space<vmem_shared>> -> memref<3136xf32, #tpu.memory_space<vmem_shared>>
      tpu.enqueue_dma source(%arg10 : memref<3136xf32, #tpu.memory_space<vmem>>) target(%dma_start3A_22 : memref<3136xf32, #tpu.memory_space<vmem_shared>>) target_semaphore(%run_scoped3A : memref<!tpu.dma_semaphore, #tpu.memory_space<semaphore_mem>>)
      %dma_wait3A = tpu.memref_slice %arg11[%mul3A_7] : memref<50176xf32, #tpu.memory_space<vmem_shared>> -> memref<3136xf32, #tpu.memory_space<vmem_shared>>
      %dma_wait3A_23 = tpu.memref_slice %arg11[%mul3A_7] : memref<50176xf32, #tpu.memory_space<vmem_shared>> -> memref<3136xf32, #tpu.memory_space<vmem_shared>>
      tpu.wait_dma2 semaphore(%run_scoped3A : memref<!tpu.dma_semaphore, #tpu.memory_space<semaphore_mem>>) src(%arg10 : memref<3136xf32, #tpu.memory_space<vmem>>) dst(%dma_wait3A_23 : memref<3136xf32, #tpu.memory_space<vmem_shared>>)
      tpu.yield
    }) : () -> ()
    "tpu.region"() ({
      %run_scoped3A = tpu.sem_alloc : memref<!tpu.dma_semaphore, #tpu.memory_space<semaphore_mem>>
      tpu.enqueue_dma source(%arg2 : memref<50176xf32, #tpu.memory_space<hbm>>) target(%arg6 : memref<50176xf32, #tpu.memory_space<vmem>>) target_semaphore(%run_scoped3A : memref<!tpu.dma_semaphore, #tpu.memory_space<semaphore_mem>>)
      tpu.wait_dma2 semaphore(%run_scoped3A : memref<!tpu.dma_semaphore, #tpu.memory_space<semaphore_mem>>) src(%arg2 : memref<50176xf32, #tpu.memory_space<hbm>>) dst(%arg6 : memref<50176xf32, #tpu.memory_space<vmem>>)
      tpu.yield
    }) : () -> ()
    "tpu.region"() ({
      %run_scoped3A = tpu.sem_alloc : memref<!tpu.dma_semaphore, #tpu.memory_space<semaphore_mem>>
      %dma_start3A = arith.constant 0 : i32
      %dma_start3A_22 = arith.constant 0 : i32
      %dma_start3A_23 = tpu.memref_slice %arg3[%add3A, %dma_start3A, %dma_start3A_22] : memref<32x196x128xi32, #tpu.memory_space<hbm>> -> memref<1x196x128xi32, #tpu.memory_space<hbm>>
      %dma_start3A_24 = tpu.memref_squeeze %dma_start3A_23 : memref<1x196x128xi32, #tpu.memory_space<hbm>> -> memref<196x128xi32, #tpu.memory_space<hbm>>
      %dma_start3A_25 = arith.constant 0 : i32
      %dma_start3A_26 = arith.constant 0 : i32
      %dma_start3A_27 = tpu.memref_slice %arg3[%add3A, %dma_start3A_25, %dma_start3A_26] : memref<32x196x128xi32, #tpu.memory_space<hbm>> -> memref<1x196x128xi32, #tpu.memory_space<hbm>>
      %dma_start3A_28 = tpu.memref_squeeze %dma_start3A_27 : memref<1x196x128xi32, #tpu.memory_space<hbm>> -> memref<196x128xi32, #tpu.memory_space<hbm>>
      tpu.enqueue_dma source(%dma_start3A_28 : memref<196x128xi32, #tpu.memory_space<hbm>>) target(%arg7 : memref<196x128xi32, #tpu.memory_space<vmem>>) target_semaphore(%run_scoped3A : memref<!tpu.dma_semaphore, #tpu.memory_space<semaphore_mem>>)
      %dma_wait3A = arith.constant 0 : i32
      %dma_wait3A_29 = arith.constant 0 : i32
      %dma_wait3A_30 = tpu.memref_slice %arg3[%add3A, %dma_wait3A, %dma_wait3A_29] : memref<32x196x128xi32, #tpu.memory_space<hbm>> -> memref<1x196x128xi32, #tpu.memory_space<hbm>>
      %dma_wait3A_31 = tpu.memref_squeeze %dma_wait3A_30 : memref<1x196x128xi32, #tpu.memory_space<hbm>> -> memref<196x128xi32, #tpu.memory_space<hbm>>
      %dma_wait3A_32 = arith.constant 0 : i32
      %dma_wait3A_33 = arith.constant 0 : i32
      %dma_wait3A_34 = tpu.memref_slice %arg3[%add3A, %dma_wait3A_32, %dma_wait3A_33] : memref<32x196x128xi32, #tpu.memory_space<hbm>> -> memref<1x196x128xi32, #tpu.memory_space<hbm>>
      %dma_wait3A_35 = tpu.memref_squeeze %dma_wait3A_34 : memref<1x196x128xi32, #tpu.memory_space<hbm>> -> memref<196x128xi32, #tpu.memory_space<hbm>>
      tpu.wait_dma2 semaphore(%run_scoped3A : memref<!tpu.dma_semaphore, #tpu.memory_space<semaphore_mem>>) src(%dma_wait3A_35 : memref<196x128xi32, #tpu.memory_space<hbm>>) dst(%arg7 : memref<196x128xi32, #tpu.memory_space<vmem>>)
      tpu.yield
    }) : () -> ()
    "tpu.region"() ({
      %run_scoped3A = tpu.sem_alloc : memref<!tpu.dma_semaphore, #tpu.memory_space<semaphore_mem>>
      %dma_start3A = arith.constant 0 : i32
      %dma_start3A_22 = arith.constant 0 : i32
      %dma_start3A_23 = tpu.memref_slice %arg4[%add3A, %dma_start3A, %dma_start3A_22] : memref<32x196x128xi32, #tpu.memory_space<hbm>> -> memref<1x196x128xi32, #tpu.memory_space<hbm>>
      %dma_start3A_24 = tpu.memref_squeeze %dma_start3A_23 : memref<1x196x128xi32, #tpu.memory_space<hbm>> -> memref<196x128xi32, #tpu.memory_space<hbm>>
      %dma_start3A_25 = arith.constant 0 : i32
      %dma_start3A_26 = arith.constant 0 : i32
      %dma_start3A_27 = tpu.memref_slice %arg4[%add3A, %dma_start3A_25, %dma_start3A_26] : memref<32x196x128xi32, #tpu.memory_space<hbm>> -> memref<1x196x128xi32, #tpu.memory_space<hbm>>
      %dma_start3A_28 = tpu.memref_squeeze %dma_start3A_27 : memref<1x196x128xi32, #tpu.memory_space<hbm>> -> memref<196x128xi32, #tpu.memory_space<hbm>>
      tpu.enqueue_dma source(%dma_start3A_28 : memref<196x128xi32, #tpu.memory_space<hbm>>) target(%arg8 : memref<196x128xi32, #tpu.memory_space<vmem>>) target_semaphore(%run_scoped3A : memref<!tpu.dma_semaphore, #tpu.memory_space<semaphore_mem>>)
      %dma_wait3A = arith.constant 0 : i32
      %dma_wait3A_29 = arith.constant 0 : i32
      %dma_wait3A_30 = tpu.memref_slice %arg4[%add3A, %dma_wait3A, %dma_wait3A_29] : memref<32x196x128xi32, #tpu.memory_space<hbm>> -> memref<1x196x128xi32, #tpu.memory_space<hbm>>
      %dma_wait3A_31 = tpu.memref_squeeze %dma_wait3A_30 : memref<1x196x128xi32, #tpu.memory_space<hbm>> -> memref<196x128xi32, #tpu.memory_space<hbm>>
      %dma_wait3A_32 = arith.constant 0 : i32
      %dma_wait3A_33 = arith.constant 0 : i32
      %dma_wait3A_34 = tpu.memref_slice %arg4[%add3A, %dma_wait3A_32, %dma_wait3A_33] : memref<32x196x128xi32, #tpu.memory_space<hbm>> -> memref<1x196x128xi32, #tpu.memory_space<hbm>>
      %dma_wait3A_35 = tpu.memref_squeeze %dma_wait3A_34 : memref<1x196x128xi32, #tpu.memory_space<hbm>> -> memref<196x128xi32, #tpu.memory_space<hbm>>
      tpu.wait_dma2 semaphore(%run_scoped3A : memref<!tpu.dma_semaphore, #tpu.memory_space<semaphore_mem>>) src(%dma_wait3A_35 : memref<196x128xi32, #tpu.memory_space<hbm>>) dst(%arg8 : memref<196x128xi32, #tpu.memory_space<vmem>>)
      tpu.yield
    }) : () -> ()
    %barrier3A = arith.constant 0 : index
    tpu.barrier barrier_id(%barrier3A)
    %scan3A_8 = arith.constant 0 : i32
    %scan3A_9 = arith.constant 0 : i32
    %scan3A_10 = arith.constant 196 : i32
    %scan3A_11 = arith.addi %scan3A_9, %scan3A_10 : i32
    %scan3A_12 = arith.constant 1 : i32
    scf.for %scan3A_22 = %scan3A_9 to %scan3A_11 step %scan3A_12  : i32 {
      %get3A = arith.index_cast %scan3A_22 : i32 to index
      %get3A_23 = arith.constant 0 : index
      %get3A_24 = tpu.vector_load %arg7[%get3A, %get3A_23] {strides = array<i32>} : memref<196x128xi32, #tpu.memory_space<vmem>>, vector<16xi32>,
      %gather3A = tpu.vector_load_idx %arg6[%get3A_24] : memref<50176xf32, #tpu.memory_space<vmem>>[vector<16xi32>], vector<16xf32>,
      %swap3A = arith.constant 0 : index
      %swap3A_25 = tpu.vector_load %arg9[%swap3A] {strides = array<i32>} : memref<128xf32, #tpu.memory_space<vmem>>, vector<16xf32>,
      tpu.vector_store %arg9[%swap3A], %gather3A {strides = array<i32>} : memref<128xf32, #tpu.memory_space<vmem>>, vector<16xf32>,
      %get3A_26 = arith.index_cast %scan3A_22 : i32 to index
      %get3A_27 = arith.constant 16 : index
      %get3A_28 = tpu.vector_load %arg7[%get3A_26, %get3A_27] {strides = array<i32>} : memref<196x128xi32, #tpu.memory_space<vmem>>, vector<16xi32>,
      %gather3A_29 = tpu.vector_load_idx %arg6[%get3A_28] : memref<50176xf32, #tpu.memory_space<vmem>>[vector<16xi32>], vector<16xf32>,
      %swap3A_30 = arith.constant 16 : index
      %swap3A_31 = tpu.vector_load %arg9[%swap3A_30] {strides = array<i32>} : memref<128xf32, #tpu.memory_space<vmem>>, vector<16xf32>,
      tpu.vector_store %arg9[%swap3A_30], %gather3A_29 {strides = array<i32>} : memref<128xf32, #tpu.memory_space<vmem>>, vector<16xf32>,
      %get3A_32 = arith.index_cast %scan3A_22 : i32 to index
      %get3A_33 = arith.constant 32 : index
      %get3A_34 = tpu.vector_load %arg7[%get3A_32, %get3A_33] {strides = array<i32>} : memref<196x128xi32, #tpu.memory_space<vmem>>, vector<16xi32>,
      %gather3A_35 = tpu.vector_load_idx %arg6[%get3A_34] : memref<50176xf32, #tpu.memory_space<vmem>>[vector<16xi32>], vector<16xf32>,
      %swap3A_36 = arith.constant 32 : index
      %swap3A_37 = tpu.vector_load %arg9[%swap3A_36] {strides = array<i32>} : memref<128xf32, #tpu.memory_space<vmem>>, vector<16xf32>,
      tpu.vector_store %arg9[%swap3A_36], %gather3A_35 {strides = array<i32>} : memref<128xf32, #tpu.memory_space<vmem>>, vector<16xf32>,
      %get3A_38 = arith.index_cast %scan3A_22 : i32 to index
      %get3A_39 = arith.constant 48 : index
      %get3A_40 = tpu.vector_load %arg7[%get3A_38, %get3A_39] {strides = array<i32>} : memref<196x128xi32, #tpu.memory_space<vmem>>, vector<16xi32>,
      %gather3A_41 = tpu.vector_load_idx %arg6[%get3A_40] : memref<50176xf32, #tpu.memory_space<vmem>>[vector<16xi32>], vector<16xf32>,
      %swap3A_42 = arith.constant 48 : index
      %swap3A_43 = tpu.vector_load %arg9[%swap3A_42] {strides = array<i32>} : memref<128xf32, #tpu.memory_space<vmem>>, vector<16xf32>,
      tpu.vector_store %arg9[%swap3A_42], %gather3A_41 {strides = array<i32>} : memref<128xf32, #tpu.memory_space<vmem>>, vector<16xf32>,
      %get3A_44 = arith.index_cast %scan3A_22 : i32 to index
      %get3A_45 = arith.constant 64 : index
      %get3A_46 = tpu.vector_load %arg7[%get3A_44, %get3A_45] {strides = array<i32>} : memref<196x128xi32, #tpu.memory_space<vmem>>, vector<16xi32>,
      %gather3A_47 = tpu.vector_load_idx %arg6[%get3A_46] : memref<50176xf32, #tpu.memory_space<vmem>>[vector<16xi32>], vector<16xf32>,
      %swap3A_48 = arith.constant 64 : index
      %swap3A_49 = tpu.vector_load %arg9[%swap3A_48] {strides = array<i32>} : memref<128xf32, #tpu.memory_space<vmem>>, vector<16xf32>,
      tpu.vector_store %arg9[%swap3A_48], %gather3A_47 {strides = array<i32>} : memref<128xf32, #tpu.memory_space<vmem>>, vector<16xf32>,
      %get3A_50 = arith.index_cast %scan3A_22 : i32 to index
      %get3A_51 = arith.constant 80 : index
      %get3A_52 = tpu.vector_load %arg7[%get3A_50, %get3A_51] {strides = array<i32>} : memref<196x128xi32, #tpu.memory_space<vmem>>, vector<16xi32>,
      %gather3A_53 = tpu.vector_load_idx %arg6[%get3A_52] : memref<50176xf32, #tpu.memory_space<vmem>>[vector<16xi32>], vector<16xf32>,
      %swap3A_54 = arith.constant 80 : index
      %swap3A_55 = tpu.vector_load %arg9[%swap3A_54] {strides = array<i32>} : memref<128xf32, #tpu.memory_space<vmem>>, vector<16xf32>,
      tpu.vector_store %arg9[%swap3A_54], %gather3A_53 {strides = array<i32>} : memref<128xf32, #tpu.memory_space<vmem>>, vector<16xf32>,
      %get3A_56 = arith.index_cast %scan3A_22 : i32 to index
      %get3A_57 = arith.constant 96 : index
      %get3A_58 = tpu.vector_load %arg7[%get3A_56, %get3A_57] {strides = array<i32>} : memref<196x128xi32, #tpu.memory_space<vmem>>, vector<16xi32>,
      %gather3A_59 = tpu.vector_load_idx %arg6[%get3A_58] : memref<50176xf32, #tpu.memory_space<vmem>>[vector<16xi32>], vector<16xf32>,
      %swap3A_60 = arith.constant 96 : index
      %swap3A_61 = tpu.vector_load %arg9[%swap3A_60] {strides = array<i32>} : memref<128xf32, #tpu.memory_space<vmem>>, vector<16xf32>,
      tpu.vector_store %arg9[%swap3A_60], %gather3A_59 {strides = array<i32>} : memref<128xf32, #tpu.memory_space<vmem>>, vector<16xf32>,
      %get3A_62 = arith.index_cast %scan3A_22 : i32 to index
      %get3A_63 = arith.constant 112 : index
      %get3A_64 = tpu.vector_load %arg7[%get3A_62, %get3A_63] {strides = array<i32>} : memref<196x128xi32, #tpu.memory_space<vmem>>, vector<16xi32>,
      %gather3A_65 = tpu.vector_load_idx %arg6[%get3A_64] : memref<50176xf32, #tpu.memory_space<vmem>>[vector<16xi32>], vector<16xf32>,
      %swap3A_66 = arith.constant 112 : index
      %swap3A_67 = tpu.vector_load %arg9[%swap3A_66] {strides = array<i32>} : memref<128xf32, #tpu.memory_space<vmem>>, vector<16xf32>,
      tpu.vector_store %arg9[%swap3A_66], %gather3A_65 {strides = array<i32>} : memref<128xf32, #tpu.memory_space<vmem>>, vector<16xf32>,
      "tpu.region"() ({
        %run_scoped3A = tpu.sem_alloc : memref<!tpu.dma_semaphore, #tpu.memory_space<semaphore_mem>>
        %dma_start3A = arith.constant 0 : i32
        %dma_start3A_68 = tpu.memref_slice %arg8[%scan3A_22, %dma_start3A] : memref<196x128xi32, #tpu.memory_space<vmem>> -> memref<1x128xi32, #tpu.memory_space<vmem>>
        %dma_start3A_69 = tpu.memref_squeeze %dma_start3A_68 : memref<1x128xi32, #tpu.memory_space<vmem>> -> memref<128xi32, #tpu.memory_space<vmem>>
        %dma_start3A_70 = arith.constant 0 : i32
        %dma_start3A_71 = tpu.memref_slice %arg11[%dma_start3A_70] : memref<50176xf32, #tpu.memory_space<vmem_shared>> -> memref<50176xf32, #tpu.memory_space<vmem_shared>>
        tpu.enqueue_indirect_dma source(%arg9 : memref<128xf32, #tpu.memory_space<vmem>>) target(%dma_start3A_71 : memref<50176xf32, #tpu.memory_space<vmem_shared>>) offsets(%dma_start3A_69 : memref<128xi32, #tpu.memory_space<vmem>>) semaphore(%run_scoped3A : memref<!tpu.dma_semaphore, #tpu.memory_space<semaphore_mem>>) {add = true}
        %dma_wait3A = arith.constant 0 : i32
        %dma_wait3A_72 = tpu.memref_slice %arg8[%scan3A_22, %dma_wait3A] : memref<196x128xi32, #tpu.memory_space<vmem>> -> memref<1x128xi32, #tpu.memory_space<vmem>>
        %dma_wait3A_73 = tpu.memref_squeeze %dma_wait3A_72 : memref<1x128xi32, #tpu.memory_space<vmem>> -> memref<128xi32, #tpu.memory_space<vmem>>
        %dma_wait3A_74 = arith.constant 0 : i32
        %dma_wait3A_75 = tpu.memref_slice %arg11[%dma_wait3A_74] : memref<50176xf32, #tpu.memory_space<vmem_shared>> -> memref<50176xf32, #tpu.memory_space<vmem_shared>>
        tpu.wait_indirect_dma semaphore(%run_scoped3A : memref<!tpu.dma_semaphore, #tpu.memory_space<semaphore_mem>>) src(%arg9 : memref<128xf32, #tpu.memory_space<vmem>>) dst(%dma_wait3A_75 : memref<50176xf32, #tpu.memory_space<vmem_shared>>)
        tpu.yield
      }) : () -> ()
    }
    %scan3A_13 = arith.constant 196 : i32
    %barrier3A_14 = arith.constant 0 : index
    tpu.barrier barrier_id(%barrier3A_14)
    %mul3A_15 = arith.constant 3136 : i32
    %mul3A_16 = arith.muli %arg1, %mul3A_15 : i32
    "tpu.region"() ({
      %run_scoped3A = tpu.sem_alloc : memref<!tpu.dma_semaphore, #tpu.memory_space<semaphore_mem>>
      %dma_start3A = tpu.memref_slice %arg11[%mul3A_16] : memref<50176xf32, #tpu.memory_space<vmem_shared>> -> memref<3136xf32, #tpu.memory_space<vmem_shared>>
      %dma_start3A_22 = tpu.memref_slice %arg11[%mul3A_16] : memref<50176xf32, #tpu.memory_space<vmem_shared>> -> memref<3136xf32, #tpu.memory_space<vmem_shared>>
      tpu.enqueue_dma source(%dma_start3A_22 : memref<3136xf32, #tpu.memory_space<vmem_shared>>) target(%arg10 : memref<3136xf32, #tpu.memory_space<vmem>>) target_semaphore(%run_scoped3A : memref<!tpu.dma_semaphore, #tpu.memory_space<semaphore_mem>>)
      %dma_wait3A = tpu.memref_slice %arg11[%mul3A_16] : memref<50176xf32, #tpu.memory_space<vmem_shared>> -> memref<3136xf32, #tpu.memory_space<vmem_shared>>
      %dma_wait3A_23 = tpu.memref_slice %arg11[%mul3A_16] : memref<50176xf32, #tpu.memory_space<vmem_shared>> -> memref<3136xf32, #tpu.memory_space<vmem_shared>>
      tpu.wait_dma2 semaphore(%run_scoped3A : memref<!tpu.dma_semaphore, #tpu.memory_space<semaphore_mem>>) src(%dma_wait3A_23 : memref<3136xf32, #tpu.memory_space<vmem_shared>>) dst(%arg10 : memref<3136xf32, #tpu.memory_space<vmem>>)
      tpu.yield
    }) : () -> ()
    %mul3A_17 = arith.constant 50176 : i32
    %mul3A_18 = arith.muli %arg0, %mul3A_17 : i32
    %mul3A_19 = arith.constant 3136 : i32
    %mul3A_20 = arith.muli %arg1, %mul3A_19 : i32
    %add3A_21 = arith.addi %mul3A_18, %mul3A_20 : i32
    "tpu.region"() ({
      %run_scoped3A = tpu.sem_alloc : memref<!tpu.dma_semaphore, #tpu.memory_space<semaphore_mem>>
      %dma_start3A = tpu.memref_slice %arg5[%add3A_21] : memref<100352xf32, #tpu.memory_space<hbm>> -> memref<3136xf32, #tpu.memory_space<hbm>>
      %dma_start3A_22 = tpu.memref_slice %arg5[%add3A_21] : memref<100352xf32, #tpu.memory_space<hbm>> -> memref<3136xf32, #tpu.memory_space<hbm>>
      tpu.enqueue_dma source(%arg10 : memref<3136xf32, #tpu.memory_space<vmem>>) target(%dma_start3A_22 : memref<3136xf32, #tpu.memory_space<hbm>>) target_semaphore(%run_scoped3A : memref<!tpu.dma_semaphore, #tpu.memory_space<semaphore_mem>>)
      %dma_wait3A = tpu.memref_slice %arg5[%add3A_21] : memref<100352xf32, #tpu.memory_space<hbm>> -> memref<3136xf32, #tpu.memory_space<hbm>>
      %dma_wait3A_23 = tpu.memref_slice %arg5[%add3A_21] : memref<100352xf32, #tpu.memory_space<hbm>> -> memref<3136xf32, #tpu.memory_space<hbm>>
      tpu.wait_dma2 semaphore(%run_scoped3A : memref<!tpu.dma_semaphore, #tpu.memory_space<semaphore_mem>>) src(%arg10 : memref<3136xf32, #tpu.memory_space<vmem>>) dst(%dma_wait3A_23 : memref<3136xf32, #tpu.memory_space<hbm>>)
      tpu.yield
    }) : () -> ()
    return
  }
}

#map = affine_map<(d0, d1) -> (0, 0)>
#map1 = affine_map<(d0, d1) -> (0, 0, 0)>
module attributes {stable_mosaic.version = 14 : i64} {
  func.func @agg(%arg0: i32, %arg1: i32, %arg2: memref<50176x64xf32, #tpu.memory_space<hbm>>, %arg3: memref<16x392x128xi32, #tpu.memory_space<hbm>>, %arg4: memref<16x392x128xi32, #tpu.memory_space<hbm>>, %arg5: memref<50176x64xf32, #tpu.memory_space<hbm>>, %arg6: memref<28x128xi32, #tpu.memory_space<vmem>>, %arg7: memref<28x128xi32, #tpu.memory_space<vmem>>, %arg8: memref<128x64xf32, #tpu.memory_space<vmem>>, %arg9: memref<128x64xf32, #tpu.memory_space<vmem>>, %arg10: memref<56x64xf32, #tpu.memory_space<vmem>>, %arg11: memref<25104x64xf32, #tpu.memory_space<vmem_shared>>, %arg12: memref<!tpu.dma_semaphore, #tpu.memory_space<semaphore_mem>>, %arg13: memref<!tpu.dma_semaphore, #tpu.memory_space<semaphore_mem>>, %arg14: memref<!tpu.dma_semaphore, #tpu.memory_space<semaphore_mem>>, %arg15: memref<!tpu.dma_semaphore, #tpu.memory_space<semaphore_mem>>) attributes {dimension_semantics = [#tpu.dimension_semantics<core_parallel>, #tpu.dimension_semantics<subcore_parallel>], iteration_bounds = array<i64: 2, 16>, scalar_prefetch = 0 : i64, scratch_operands = 10 : i64, tpu.core_type = #tpu.core_type<sc_vector_subcore>, window_params = [{transform_indices = #map}, {transform_indices = #map1}, {transform_indices = #map1}, {transform_indices = #map}]} {
    %mul3A = arith.constant 25088 : i32
    %mul3A_0 = arith.muli %arg0, %mul3A : i32
    %scan3A = arith.constant 0 : i32
    %scan3A_1 = arith.constant 0 : i32
    %scan3A_2 = arith.constant 56 : i32
    %scan3A_3 = arith.addi %scan3A_1, %scan3A_2 : i32
    %scan3A_4 = arith.constant 1 : i32
    scf.for %scan3A_266 = %scan3A_1 to %scan3A_3 step %scan3A_4  : i32 {
      %broadcast_in_dim3A = arith.constant 0.000000e+00 : f32
      %broadcast_in_dim3A_267 = vector.broadcast %broadcast_in_dim3A : f32 to vector<16xf32>
      %swap3A = arith.index_cast %scan3A_266 : i32 to index
      %swap3A_268 = arith.constant 0 : index
      %swap3A_269 = tpu.vector_load %arg10[%swap3A, %swap3A_268] {strides = array<i32>} : memref<56x64xf32, #tpu.memory_space<vmem>>, vector<16xf32>,
      tpu.vector_store %arg10[%swap3A, %swap3A_268], %broadcast_in_dim3A_267 {strides = array<i32>} : memref<56x64xf32, #tpu.memory_space<vmem>>, vector<16xf32>,
      %broadcast_in_dim3A_270 = arith.constant 0.000000e+00 : f32
      %broadcast_in_dim3A_271 = vector.broadcast %broadcast_in_dim3A_270 : f32 to vector<16xf32>
      %swap3A_272 = arith.index_cast %scan3A_266 : i32 to index
      %swap3A_273 = arith.constant 16 : index
      %swap3A_274 = tpu.vector_load %arg10[%swap3A_272, %swap3A_273] {strides = array<i32>} : memref<56x64xf32, #tpu.memory_space<vmem>>, vector<16xf32>,
      tpu.vector_store %arg10[%swap3A_272, %swap3A_273], %broadcast_in_dim3A_271 {strides = array<i32>} : memref<56x64xf32, #tpu.memory_space<vmem>>, vector<16xf32>,
      %broadcast_in_dim3A_275 = arith.constant 0.000000e+00 : f32
      %broadcast_in_dim3A_276 = vector.broadcast %broadcast_in_dim3A_275 : f32 to vector<16xf32>
      %swap3A_277 = arith.index_cast %scan3A_266 : i32 to index
      %swap3A_278 = arith.constant 32 : index
      %swap3A_279 = tpu.vector_load %arg10[%swap3A_277, %swap3A_278] {strides = array<i32>} : memref<56x64xf32, #tpu.memory_space<vmem>>, vector<16xf32>,
      tpu.vector_store %arg10[%swap3A_277, %swap3A_278], %broadcast_in_dim3A_276 {strides = array<i32>} : memref<56x64xf32, #tpu.memory_space<vmem>>, vector<16xf32>,
      %broadcast_in_dim3A_280 = arith.constant 0.000000e+00 : f32
      %broadcast_in_dim3A_281 = vector.broadcast %broadcast_in_dim3A_280 : f32 to vector<16xf32>
      %swap3A_282 = arith.index_cast %scan3A_266 : i32 to index
      %swap3A_283 = arith.constant 48 : index
      %swap3A_284 = tpu.vector_load %arg10[%swap3A_282, %swap3A_283] {strides = array<i32>} : memref<56x64xf32, #tpu.memory_space<vmem>>, vector<16xf32>,
      tpu.vector_store %arg10[%swap3A_282, %swap3A_283], %broadcast_in_dim3A_281 {strides = array<i32>} : memref<56x64xf32, #tpu.memory_space<vmem>>, vector<16xf32>,
    }
    %scan3A_5 = arith.constant 56 : i32
    %mul3A_6 = arith.constant 1568 : i32
    %mul3A_7 = arith.muli %arg1, %mul3A_6 : i32
    %add3A = arith.constant 0 : i32
    %add3A_8 = arith.addi %mul3A_7, %add3A : i32
    "tpu.region"() ({
      %run_scoped3A = tpu.sem_alloc : memref<!tpu.dma_semaphore, #tpu.memory_space<semaphore_mem>>
      %dma_start3A = arith.constant 0 : i32
      %dma_start3A_266 = tpu.memref_slice %arg11[%add3A_8, %dma_start3A] : memref<25104x64xf32, #tpu.memory_space<vmem_shared>> -> memref<56x64xf32, #tpu.memory_space<vmem_shared>>
      %dma_start3A_267 = arith.constant 0 : i32
      %dma_start3A_268 = tpu.memref_slice %arg11[%add3A_8, %dma_start3A_267] : memref<25104x64xf32, #tpu.memory_space<vmem_shared>> -> memref<56x64xf32, #tpu.memory_space<vmem_shared>>
      tpu.enqueue_dma source(%arg10 : memref<56x64xf32, #tpu.memory_space<vmem>>) target(%dma_start3A_268 : memref<56x64xf32, #tpu.memory_space<vmem_shared>>) target_semaphore(%run_scoped3A : memref<!tpu.dma_semaphore, #tpu.memory_space<semaphore_mem>>)
      %dma_wait3A = arith.constant 0 : i32
      %dma_wait3A_269 = tpu.memref_slice %arg11[%add3A_8, %dma_wait3A] : memref<25104x64xf32, #tpu.memory_space<vmem_shared>> -> memref<56x64xf32, #tpu.memory_space<vmem_shared>>
      %dma_wait3A_270 = arith.constant 0 : i32
      %dma_wait3A_271 = tpu.memref_slice %arg11[%add3A_8, %dma_wait3A_270] : memref<25104x64xf32, #tpu.memory_space<vmem_shared>> -> memref<56x64xf32, #tpu.memory_space<vmem_shared>>
      tpu.wait_dma2 semaphore(%run_scoped3A : memref<!tpu.dma_semaphore, #tpu.memory_space<semaphore_mem>>) src(%arg10 : memref<56x64xf32, #tpu.memory_space<vmem>>) dst(%dma_wait3A_271 : memref<56x64xf32, #tpu.memory_space<vmem_shared>>)
      tpu.yield
    }) : () -> ()
    %mul3A_9 = arith.constant 1568 : i32
    %mul3A_10 = arith.muli %arg1, %mul3A_9 : i32
    %add3A_11 = arith.constant 56 : i32
    %add3A_12 = arith.addi %mul3A_10, %add3A_11 : i32
    "tpu.region"() ({
      %run_scoped3A = tpu.sem_alloc : memref<!tpu.dma_semaphore, #tpu.memory_space<semaphore_mem>>
      %dma_start3A = arith.constant 0 : i32
      %dma_start3A_266 = tpu.memref_slice %arg11[%add3A_12, %dma_start3A] : memref<25104x64xf32, #tpu.memory_space<vmem_shared>> -> memref<56x64xf32, #tpu.memory_space<vmem_shared>>
      %dma_start3A_267 = arith.constant 0 : i32
      %dma_start3A_268 = tpu.memref_slice %arg11[%add3A_12, %dma_start3A_267] : memref<25104x64xf32, #tpu.memory_space<vmem_shared>> -> memref<56x64xf32, #tpu.memory_space<vmem_shared>>
      tpu.enqueue_dma source(%arg10 : memref<56x64xf32, #tpu.memory_space<vmem>>) target(%dma_start3A_268 : memref<56x64xf32, #tpu.memory_space<vmem_shared>>) target_semaphore(%run_scoped3A : memref<!tpu.dma_semaphore, #tpu.memory_space<semaphore_mem>>)
      %dma_wait3A = arith.constant 0 : i32
      %dma_wait3A_269 = tpu.memref_slice %arg11[%add3A_12, %dma_wait3A] : memref<25104x64xf32, #tpu.memory_space<vmem_shared>> -> memref<56x64xf32, #tpu.memory_space<vmem_shared>>
      %dma_wait3A_270 = arith.constant 0 : i32
      %dma_wait3A_271 = tpu.memref_slice %arg11[%add3A_12, %dma_wait3A_270] : memref<25104x64xf32, #tpu.memory_space<vmem_shared>> -> memref<56x64xf32, #tpu.memory_space<vmem_shared>>
      tpu.wait_dma2 semaphore(%run_scoped3A : memref<!tpu.dma_semaphore, #tpu.memory_space<semaphore_mem>>) src(%arg10 : memref<56x64xf32, #tpu.memory_space<vmem>>) dst(%dma_wait3A_271 : memref<56x64xf32, #tpu.memory_space<vmem_shared>>)
      tpu.yield
    }) : () -> ()
    %mul3A_13 = arith.constant 1568 : i32
    %mul3A_14 = arith.muli %arg1, %mul3A_13 : i32
    %add3A_15 = arith.constant 112 : i32
    %add3A_16 = arith.addi %mul3A_14, %add3A_15 : i32
    "tpu.region"() ({
      %run_scoped3A = tpu.sem_alloc : memref<!tpu.dma_semaphore, #tpu.memory_space<semaphore_mem>>
      %dma_start3A = arith.constant 0 : i32
      %dma_start3A_266 = tpu.memref_slice %arg11[%add3A_16, %dma_start3A] : memref<25104x64xf32, #tpu.memory_space<vmem_shared>> -> memref<56x64xf32, #tpu.memory_space<vmem_shared>>
      %dma_start3A_267 = arith.constant 0 : i32
      %dma_start3A_268 = tpu.memref_slice %arg11[%add3A_16, %dma_start3A_267] : memref<25104x64xf32, #tpu.memory_space<vmem_shared>> -> memref<56x64xf32, #tpu.memory_space<vmem_shared>>
      tpu.enqueue_dma source(%arg10 : memref<56x64xf32, #tpu.memory_space<vmem>>) target(%dma_start3A_268 : memref<56x64xf32, #tpu.memory_space<vmem_shared>>) target_semaphore(%run_scoped3A : memref<!tpu.dma_semaphore, #tpu.memory_space<semaphore_mem>>)
      %dma_wait3A = arith.constant 0 : i32
      %dma_wait3A_269 = tpu.memref_slice %arg11[%add3A_16, %dma_wait3A] : memref<25104x64xf32, #tpu.memory_space<vmem_shared>> -> memref<56x64xf32, #tpu.memory_space<vmem_shared>>
      %dma_wait3A_270 = arith.constant 0 : i32
      %dma_wait3A_271 = tpu.memref_slice %arg11[%add3A_16, %dma_wait3A_270] : memref<25104x64xf32, #tpu.memory_space<vmem_shared>> -> memref<56x64xf32, #tpu.memory_space<vmem_shared>>
      tpu.wait_dma2 semaphore(%run_scoped3A : memref<!tpu.dma_semaphore, #tpu.memory_space<semaphore_mem>>) src(%arg10 : memref<56x64xf32, #tpu.memory_space<vmem>>) dst(%dma_wait3A_271 : memref<56x64xf32, #tpu.memory_space<vmem_shared>>)
      tpu.yield
    }) : () -> ()
    %mul3A_17 = arith.constant 1568 : i32
    %mul3A_18 = arith.muli %arg1, %mul3A_17 : i32
    %add3A_19 = arith.constant 168 : i32
    %add3A_20 = arith.addi %mul3A_18, %add3A_19 : i32
    "tpu.region"() ({
      %run_scoped3A = tpu.sem_alloc : memref<!tpu.dma_semaphore, #tpu.memory_space<semaphore_mem>>
      %dma_start3A = arith.constant 0 : i32
      %dma_start3A_266 = tpu.memref_slice %arg11[%add3A_20, %dma_start3A] : memref<25104x64xf32, #tpu.memory_space<vmem_shared>> -> memref<56x64xf32, #tpu.memory_space<vmem_shared>>
      %dma_start3A_267 = arith.constant 0 : i32
      %dma_start3A_268 = tpu.memref_slice %arg11[%add3A_20, %dma_start3A_267] : memref<25104x64xf32, #tpu.memory_space<vmem_shared>> -> memref<56x64xf32, #tpu.memory_space<vmem_shared>>
      tpu.enqueue_dma source(%arg10 : memref<56x64xf32, #tpu.memory_space<vmem>>) target(%dma_start3A_268 : memref<56x64xf32, #tpu.memory_space<vmem_shared>>) target_semaphore(%run_scoped3A : memref<!tpu.dma_semaphore, #tpu.memory_space<semaphore_mem>>)
      %dma_wait3A = arith.constant 0 : i32
      %dma_wait3A_269 = tpu.memref_slice %arg11[%add3A_20, %dma_wait3A] : memref<25104x64xf32, #tpu.memory_space<vmem_shared>> -> memref<56x64xf32, #tpu.memory_space<vmem_shared>>
      %dma_wait3A_270 = arith.constant 0 : i32
      %dma_wait3A_271 = tpu.memref_slice %arg11[%add3A_20, %dma_wait3A_270] : memref<25104x64xf32, #tpu.memory_space<vmem_shared>> -> memref<56x64xf32, #tpu.memory_space<vmem_shared>>
      tpu.wait_dma2 semaphore(%run_scoped3A : memref<!tpu.dma_semaphore, #tpu.memory_space<semaphore_mem>>) src(%arg10 : memref<56x64xf32, #tpu.memory_space<vmem>>) dst(%dma_wait3A_271 : memref<56x64xf32, #tpu.memory_space<vmem_shared>>)
      tpu.yield
    }) : () -> ()
    %mul3A_21 = arith.constant 1568 : i32
    %mul3A_22 = arith.muli %arg1, %mul3A_21 : i32
    %add3A_23 = arith.constant 224 : i32
    %add3A_24 = arith.addi %mul3A_22, %add3A_23 : i32
    "tpu.region"() ({
      %run_scoped3A = tpu.sem_alloc : memref<!tpu.dma_semaphore, #tpu.memory_space<semaphore_mem>>
      %dma_start3A = arith.constant 0 : i32
      %dma_start3A_266 = tpu.memref_slice %arg11[%add3A_24, %dma_start3A] : memref<25104x64xf32, #tpu.memory_space<vmem_shared>> -> memref<56x64xf32, #tpu.memory_space<vmem_shared>>
      %dma_start3A_267 = arith.constant 0 : i32
      %dma_start3A_268 = tpu.memref_slice %arg11[%add3A_24, %dma_start3A_267] : memref<25104x64xf32, #tpu.memory_space<vmem_shared>> -> memref<56x64xf32, #tpu.memory_space<vmem_shared>>
      tpu.enqueue_dma source(%arg10 : memref<56x64xf32, #tpu.memory_space<vmem>>) target(%dma_start3A_268 : memref<56x64xf32, #tpu.memory_space<vmem_shared>>) target_semaphore(%run_scoped3A : memref<!tpu.dma_semaphore, #tpu.memory_space<semaphore_mem>>)
      %dma_wait3A = arith.constant 0 : i32
      %dma_wait3A_269 = tpu.memref_slice %arg11[%add3A_24, %dma_wait3A] : memref<25104x64xf32, #tpu.memory_space<vmem_shared>> -> memref<56x64xf32, #tpu.memory_space<vmem_shared>>
      %dma_wait3A_270 = arith.constant 0 : i32
      %dma_wait3A_271 = tpu.memref_slice %arg11[%add3A_24, %dma_wait3A_270] : memref<25104x64xf32, #tpu.memory_space<vmem_shared>> -> memref<56x64xf32, #tpu.memory_space<vmem_shared>>
      tpu.wait_dma2 semaphore(%run_scoped3A : memref<!tpu.dma_semaphore, #tpu.memory_space<semaphore_mem>>) src(%arg10 : memref<56x64xf32, #tpu.memory_space<vmem>>) dst(%dma_wait3A_271 : memref<56x64xf32, #tpu.memory_space<vmem_shared>>)
      tpu.yield
    }) : () -> ()
    %mul3A_25 = arith.constant 1568 : i32
    %mul3A_26 = arith.muli %arg1, %mul3A_25 : i32
    %add3A_27 = arith.constant 280 : i32
    %add3A_28 = arith.addi %mul3A_26, %add3A_27 : i32
    "tpu.region"() ({
      %run_scoped3A = tpu.sem_alloc : memref<!tpu.dma_semaphore, #tpu.memory_space<semaphore_mem>>
      %dma_start3A = arith.constant 0 : i32
      %dma_start3A_266 = tpu.memref_slice %arg11[%add3A_28, %dma_start3A] : memref<25104x64xf32, #tpu.memory_space<vmem_shared>> -> memref<56x64xf32, #tpu.memory_space<vmem_shared>>
      %dma_start3A_267 = arith.constant 0 : i32
      %dma_start3A_268 = tpu.memref_slice %arg11[%add3A_28, %dma_start3A_267] : memref<25104x64xf32, #tpu.memory_space<vmem_shared>> -> memref<56x64xf32, #tpu.memory_space<vmem_shared>>
      tpu.enqueue_dma source(%arg10 : memref<56x64xf32, #tpu.memory_space<vmem>>) target(%dma_start3A_268 : memref<56x64xf32, #tpu.memory_space<vmem_shared>>) target_semaphore(%run_scoped3A : memref<!tpu.dma_semaphore, #tpu.memory_space<semaphore_mem>>)
      %dma_wait3A = arith.constant 0 : i32
      %dma_wait3A_269 = tpu.memref_slice %arg11[%add3A_28, %dma_wait3A] : memref<25104x64xf32, #tpu.memory_space<vmem_shared>> -> memref<56x64xf32, #tpu.memory_space<vmem_shared>>
      %dma_wait3A_270 = arith.constant 0 : i32
      %dma_wait3A_271 = tpu.memref_slice %arg11[%add3A_28, %dma_wait3A_270] : memref<25104x64xf32, #tpu.memory_space<vmem_shared>> -> memref<56x64xf32, #tpu.memory_space<vmem_shared>>
      tpu.wait_dma2 semaphore(%run_scoped3A : memref<!tpu.dma_semaphore, #tpu.memory_space<semaphore_mem>>) src(%arg10 : memref<56x64xf32, #tpu.memory_space<vmem>>) dst(%dma_wait3A_271 : memref<56x64xf32, #tpu.memory_space<vmem_shared>>)
      tpu.yield
    }) : () -> ()
    %mul3A_29 = arith.constant 1568 : i32
    %mul3A_30 = arith.muli %arg1, %mul3A_29 : i32
    %add3A_31 = arith.constant 336 : i32
    %add3A_32 = arith.addi %mul3A_30, %add3A_31 : i32
    "tpu.region"() ({
      %run_scoped3A = tpu.sem_alloc : memref<!tpu.dma_semaphore, #tpu.memory_space<semaphore_mem>>
      %dma_start3A = arith.constant 0 : i32
      %dma_start3A_266 = tpu.memref_slice %arg11[%add3A_32, %dma_start3A] : memref<25104x64xf32, #tpu.memory_space<vmem_shared>> -> memref<56x64xf32, #tpu.memory_space<vmem_shared>>
      %dma_start3A_267 = arith.constant 0 : i32
      %dma_start3A_268 = tpu.memref_slice %arg11[%add3A_32, %dma_start3A_267] : memref<25104x64xf32, #tpu.memory_space<vmem_shared>> -> memref<56x64xf32, #tpu.memory_space<vmem_shared>>
      tpu.enqueue_dma source(%arg10 : memref<56x64xf32, #tpu.memory_space<vmem>>) target(%dma_start3A_268 : memref<56x64xf32, #tpu.memory_space<vmem_shared>>) target_semaphore(%run_scoped3A : memref<!tpu.dma_semaphore, #tpu.memory_space<semaphore_mem>>)
      %dma_wait3A = arith.constant 0 : i32
      %dma_wait3A_269 = tpu.memref_slice %arg11[%add3A_32, %dma_wait3A] : memref<25104x64xf32, #tpu.memory_space<vmem_shared>> -> memref<56x64xf32, #tpu.memory_space<vmem_shared>>
      %dma_wait3A_270 = arith.constant 0 : i32
      %dma_wait3A_271 = tpu.memref_slice %arg11[%add3A_32, %dma_wait3A_270] : memref<25104x64xf32, #tpu.memory_space<vmem_shared>> -> memref<56x64xf32, #tpu.memory_space<vmem_shared>>
      tpu.wait_dma2 semaphore(%run_scoped3A : memref<!tpu.dma_semaphore, #tpu.memory_space<semaphore_mem>>) src(%arg10 : memref<56x64xf32, #tpu.memory_space<vmem>>) dst(%dma_wait3A_271 : memref<56x64xf32, #tpu.memory_space<vmem_shared>>)
      tpu.yield
    }) : () -> ()
    %mul3A_33 = arith.constant 1568 : i32
    %mul3A_34 = arith.muli %arg1, %mul3A_33 : i32
    %add3A_35 = arith.constant 392 : i32
    %add3A_36 = arith.addi %mul3A_34, %add3A_35 : i32
    "tpu.region"() ({
      %run_scoped3A = tpu.sem_alloc : memref<!tpu.dma_semaphore, #tpu.memory_space<semaphore_mem>>
      %dma_start3A = arith.constant 0 : i32
      %dma_start3A_266 = tpu.memref_slice %arg11[%add3A_36, %dma_start3A] : memref<25104x64xf32, #tpu.memory_space<vmem_shared>> -> memref<56x64xf32, #tpu.memory_space<vmem_shared>>
      %dma_start3A_267 = arith.constant 0 : i32
      %dma_start3A_268 = tpu.memref_slice %arg11[%add3A_36, %dma_start3A_267] : memref<25104x64xf32, #tpu.memory_space<vmem_shared>> -> memref<56x64xf32, #tpu.memory_space<vmem_shared>>
      tpu.enqueue_dma source(%arg10 : memref<56x64xf32, #tpu.memory_space<vmem>>) target(%dma_start3A_268 : memref<56x64xf32, #tpu.memory_space<vmem_shared>>) target_semaphore(%run_scoped3A : memref<!tpu.dma_semaphore, #tpu.memory_space<semaphore_mem>>)
      %dma_wait3A = arith.constant 0 : i32
      %dma_wait3A_269 = tpu.memref_slice %arg11[%add3A_36, %dma_wait3A] : memref<25104x64xf32, #tpu.memory_space<vmem_shared>> -> memref<56x64xf32, #tpu.memory_space<vmem_shared>>
      %dma_wait3A_270 = arith.constant 0 : i32
      %dma_wait3A_271 = tpu.memref_slice %arg11[%add3A_36, %dma_wait3A_270] : memref<25104x64xf32, #tpu.memory_space<vmem_shared>> -> memref<56x64xf32, #tpu.memory_space<vmem_shared>>
      tpu.wait_dma2 semaphore(%run_scoped3A : memref<!tpu.dma_semaphore, #tpu.memory_space<semaphore_mem>>) src(%arg10 : memref<56x64xf32, #tpu.memory_space<vmem>>) dst(%dma_wait3A_271 : memref<56x64xf32, #tpu.memory_space<vmem_shared>>)
      tpu.yield
    }) : () -> ()
    %mul3A_37 = arith.constant 1568 : i32
    %mul3A_38 = arith.muli %arg1, %mul3A_37 : i32
    %add3A_39 = arith.constant 448 : i32
    %add3A_40 = arith.addi %mul3A_38, %add3A_39 : i32
    "tpu.region"() ({
      %run_scoped3A = tpu.sem_alloc : memref<!tpu.dma_semaphore, #tpu.memory_space<semaphore_mem>>
      %dma_start3A = arith.constant 0 : i32
      %dma_start3A_266 = tpu.memref_slice %arg11[%add3A_40, %dma_start3A] : memref<25104x64xf32, #tpu.memory_space<vmem_shared>> -> memref<56x64xf32, #tpu.memory_space<vmem_shared>>
      %dma_start3A_267 = arith.constant 0 : i32
      %dma_start3A_268 = tpu.memref_slice %arg11[%add3A_40, %dma_start3A_267] : memref<25104x64xf32, #tpu.memory_space<vmem_shared>> -> memref<56x64xf32, #tpu.memory_space<vmem_shared>>
      tpu.enqueue_dma source(%arg10 : memref<56x64xf32, #tpu.memory_space<vmem>>) target(%dma_start3A_268 : memref<56x64xf32, #tpu.memory_space<vmem_shared>>) target_semaphore(%run_scoped3A : memref<!tpu.dma_semaphore, #tpu.memory_space<semaphore_mem>>)
      %dma_wait3A = arith.constant 0 : i32
      %dma_wait3A_269 = tpu.memref_slice %arg11[%add3A_40, %dma_wait3A] : memref<25104x64xf32, #tpu.memory_space<vmem_shared>> -> memref<56x64xf32, #tpu.memory_space<vmem_shared>>
      %dma_wait3A_270 = arith.constant 0 : i32
      %dma_wait3A_271 = tpu.memref_slice %arg11[%add3A_40, %dma_wait3A_270] : memref<25104x64xf32, #tpu.memory_space<vmem_shared>> -> memref<56x64xf32, #tpu.memory_space<vmem_shared>>
      tpu.wait_dma2 semaphore(%run_scoped3A : memref<!tpu.dma_semaphore, #tpu.memory_space<semaphore_mem>>) src(%arg10 : memref<56x64xf32, #tpu.memory_space<vmem>>) dst(%dma_wait3A_271 : memref<56x64xf32, #tpu.memory_space<vmem_shared>>)
      tpu.yield
    }) : () -> ()
    %mul3A_41 = arith.constant 1568 : i32
    %mul3A_42 = arith.muli %arg1, %mul3A_41 : i32
    %add3A_43 = arith.constant 504 : i32
    %add3A_44 = arith.addi %mul3A_42, %add3A_43 : i32
    "tpu.region"() ({
      %run_scoped3A = tpu.sem_alloc : memref<!tpu.dma_semaphore, #tpu.memory_space<semaphore_mem>>
      %dma_start3A = arith.constant 0 : i32
      %dma_start3A_266 = tpu.memref_slice %arg11[%add3A_44, %dma_start3A] : memref<25104x64xf32, #tpu.memory_space<vmem_shared>> -> memref<56x64xf32, #tpu.memory_space<vmem_shared>>
      %dma_start3A_267 = arith.constant 0 : i32
      %dma_start3A_268 = tpu.memref_slice %arg11[%add3A_44, %dma_start3A_267] : memref<25104x64xf32, #tpu.memory_space<vmem_shared>> -> memref<56x64xf32, #tpu.memory_space<vmem_shared>>
      tpu.enqueue_dma source(%arg10 : memref<56x64xf32, #tpu.memory_space<vmem>>) target(%dma_start3A_268 : memref<56x64xf32, #tpu.memory_space<vmem_shared>>) target_semaphore(%run_scoped3A : memref<!tpu.dma_semaphore, #tpu.memory_space<semaphore_mem>>)
      %dma_wait3A = arith.constant 0 : i32
      %dma_wait3A_269 = tpu.memref_slice %arg11[%add3A_44, %dma_wait3A] : memref<25104x64xf32, #tpu.memory_space<vmem_shared>> -> memref<56x64xf32, #tpu.memory_space<vmem_shared>>
      %dma_wait3A_270 = arith.constant 0 : i32
      %dma_wait3A_271 = tpu.memref_slice %arg11[%add3A_44, %dma_wait3A_270] : memref<25104x64xf32, #tpu.memory_space<vmem_shared>> -> memref<56x64xf32, #tpu.memory_space<vmem_shared>>
      tpu.wait_dma2 semaphore(%run_scoped3A : memref<!tpu.dma_semaphore, #tpu.memory_space<semaphore_mem>>) src(%arg10 : memref<56x64xf32, #tpu.memory_space<vmem>>) dst(%dma_wait3A_271 : memref<56x64xf32, #tpu.memory_space<vmem_shared>>)
      tpu.yield
    }) : () -> ()
    %mul3A_45 = arith.constant 1568 : i32
    %mul3A_46 = arith.muli %arg1, %mul3A_45 : i32
    %add3A_47 = arith.constant 560 : i32
    %add3A_48 = arith.addi %mul3A_46, %add3A_47 : i32
    "tpu.region"() ({
      %run_scoped3A = tpu.sem_alloc : memref<!tpu.dma_semaphore, #tpu.memory_space<semaphore_mem>>
      %dma_start3A = arith.constant 0 : i32
      %dma_start3A_266 = tpu.memref_slice %arg11[%add3A_48, %dma_start3A] : memref<25104x64xf32, #tpu.memory_space<vmem_shared>> -> memref<56x64xf32, #tpu.memory_space<vmem_shared>>
      %dma_start3A_267 = arith.constant 0 : i32
      %dma_start3A_268 = tpu.memref_slice %arg11[%add3A_48, %dma_start3A_267] : memref<25104x64xf32, #tpu.memory_space<vmem_shared>> -> memref<56x64xf32, #tpu.memory_space<vmem_shared>>
      tpu.enqueue_dma source(%arg10 : memref<56x64xf32, #tpu.memory_space<vmem>>) target(%dma_start3A_268 : memref<56x64xf32, #tpu.memory_space<vmem_shared>>) target_semaphore(%run_scoped3A : memref<!tpu.dma_semaphore, #tpu.memory_space<semaphore_mem>>)
      %dma_wait3A = arith.constant 0 : i32
      %dma_wait3A_269 = tpu.memref_slice %arg11[%add3A_48, %dma_wait3A] : memref<25104x64xf32, #tpu.memory_space<vmem_shared>> -> memref<56x64xf32, #tpu.memory_space<vmem_shared>>
      %dma_wait3A_270 = arith.constant 0 : i32
      %dma_wait3A_271 = tpu.memref_slice %arg11[%add3A_48, %dma_wait3A_270] : memref<25104x64xf32, #tpu.memory_space<vmem_shared>> -> memref<56x64xf32, #tpu.memory_space<vmem_shared>>
      tpu.wait_dma2 semaphore(%run_scoped3A : memref<!tpu.dma_semaphore, #tpu.memory_space<semaphore_mem>>) src(%arg10 : memref<56x64xf32, #tpu.memory_space<vmem>>) dst(%dma_wait3A_271 : memref<56x64xf32, #tpu.memory_space<vmem_shared>>)
      tpu.yield
    }) : () -> ()
    %mul3A_49 = arith.constant 1568 : i32
    %mul3A_50 = arith.muli %arg1, %mul3A_49 : i32
    %add3A_51 = arith.constant 616 : i32
    %add3A_52 = arith.addi %mul3A_50, %add3A_51 : i32
    "tpu.region"() ({
      %run_scoped3A = tpu.sem_alloc : memref<!tpu.dma_semaphore, #tpu.memory_space<semaphore_mem>>
      %dma_start3A = arith.constant 0 : i32
      %dma_start3A_266 = tpu.memref_slice %arg11[%add3A_52, %dma_start3A] : memref<25104x64xf32, #tpu.memory_space<vmem_shared>> -> memref<56x64xf32, #tpu.memory_space<vmem_shared>>
      %dma_start3A_267 = arith.constant 0 : i32
      %dma_start3A_268 = tpu.memref_slice %arg11[%add3A_52, %dma_start3A_267] : memref<25104x64xf32, #tpu.memory_space<vmem_shared>> -> memref<56x64xf32, #tpu.memory_space<vmem_shared>>
      tpu.enqueue_dma source(%arg10 : memref<56x64xf32, #tpu.memory_space<vmem>>) target(%dma_start3A_268 : memref<56x64xf32, #tpu.memory_space<vmem_shared>>) target_semaphore(%run_scoped3A : memref<!tpu.dma_semaphore, #tpu.memory_space<semaphore_mem>>)
      %dma_wait3A = arith.constant 0 : i32
      %dma_wait3A_269 = tpu.memref_slice %arg11[%add3A_52, %dma_wait3A] : memref<25104x64xf32, #tpu.memory_space<vmem_shared>> -> memref<56x64xf32, #tpu.memory_space<vmem_shared>>
      %dma_wait3A_270 = arith.constant 0 : i32
      %dma_wait3A_271 = tpu.memref_slice %arg11[%add3A_52, %dma_wait3A_270] : memref<25104x64xf32, #tpu.memory_space<vmem_shared>> -> memref<56x64xf32, #tpu.memory_space<vmem_shared>>
      tpu.wait_dma2 semaphore(%run_scoped3A : memref<!tpu.dma_semaphore, #tpu.memory_space<semaphore_mem>>) src(%arg10 : memref<56x64xf32, #tpu.memory_space<vmem>>) dst(%dma_wait3A_271 : memref<56x64xf32, #tpu.memory_space<vmem_shared>>)
      tpu.yield
    }) : () -> ()
    %mul3A_53 = arith.constant 1568 : i32
    %mul3A_54 = arith.muli %arg1, %mul3A_53 : i32
    %add3A_55 = arith.constant 672 : i32
    %add3A_56 = arith.addi %mul3A_54, %add3A_55 : i32
    "tpu.region"() ({
      %run_scoped3A = tpu.sem_alloc : memref<!tpu.dma_semaphore, #tpu.memory_space<semaphore_mem>>
      %dma_start3A = arith.constant 0 : i32
      %dma_start3A_266 = tpu.memref_slice %arg11[%add3A_56, %dma_start3A] : memref<25104x64xf32, #tpu.memory_space<vmem_shared>> -> memref<56x64xf32, #tpu.memory_space<vmem_shared>>
      %dma_start3A_267 = arith.constant 0 : i32
      %dma_start3A_268 = tpu.memref_slice %arg11[%add3A_56, %dma_start3A_267] : memref<25104x64xf32, #tpu.memory_space<vmem_shared>> -> memref<56x64xf32, #tpu.memory_space<vmem_shared>>
      tpu.enqueue_dma source(%arg10 : memref<56x64xf32, #tpu.memory_space<vmem>>) target(%dma_start3A_268 : memref<56x64xf32, #tpu.memory_space<vmem_shared>>) target_semaphore(%run_scoped3A : memref<!tpu.dma_semaphore, #tpu.memory_space<semaphore_mem>>)
      %dma_wait3A = arith.constant 0 : i32
      %dma_wait3A_269 = tpu.memref_slice %arg11[%add3A_56, %dma_wait3A] : memref<25104x64xf32, #tpu.memory_space<vmem_shared>> -> memref<56x64xf32, #tpu.memory_space<vmem_shared>>
      %dma_wait3A_270 = arith.constant 0 : i32
      %dma_wait3A_271 = tpu.memref_slice %arg11[%add3A_56, %dma_wait3A_270] : memref<25104x64xf32, #tpu.memory_space<vmem_shared>> -> memref<56x64xf32, #tpu.memory_space<vmem_shared>>
      tpu.wait_dma2 semaphore(%run_scoped3A : memref<!tpu.dma_semaphore, #tpu.memory_space<semaphore_mem>>) src(%arg10 : memref<56x64xf32, #tpu.memory_space<vmem>>) dst(%dma_wait3A_271 : memref<56x64xf32, #tpu.memory_space<vmem_shared>>)
      tpu.yield
    }) : () -> ()
    %mul3A_57 = arith.constant 1568 : i32
    %mul3A_58 = arith.muli %arg1, %mul3A_57 : i32
    %add3A_59 = arith.constant 728 : i32
    %add3A_60 = arith.addi %mul3A_58, %add3A_59 : i32
    "tpu.region"() ({
      %run_scoped3A = tpu.sem_alloc : memref<!tpu.dma_semaphore, #tpu.memory_space<semaphore_mem>>
      %dma_start3A = arith.constant 0 : i32
      %dma_start3A_266 = tpu.memref_slice %arg11[%add3A_60, %dma_start3A] : memref<25104x64xf32, #tpu.memory_space<vmem_shared>> -> memref<56x64xf32, #tpu.memory_space<vmem_shared>>
      %dma_start3A_267 = arith.constant 0 : i32
      %dma_start3A_268 = tpu.memref_slice %arg11[%add3A_60, %dma_start3A_267] : memref<25104x64xf32, #tpu.memory_space<vmem_shared>> -> memref<56x64xf32, #tpu.memory_space<vmem_shared>>
      tpu.enqueue_dma source(%arg10 : memref<56x64xf32, #tpu.memory_space<vmem>>) target(%dma_start3A_268 : memref<56x64xf32, #tpu.memory_space<vmem_shared>>) target_semaphore(%run_scoped3A : memref<!tpu.dma_semaphore, #tpu.memory_space<semaphore_mem>>)
      %dma_wait3A = arith.constant 0 : i32
      %dma_wait3A_269 = tpu.memref_slice %arg11[%add3A_60, %dma_wait3A] : memref<25104x64xf32, #tpu.memory_space<vmem_shared>> -> memref<56x64xf32, #tpu.memory_space<vmem_shared>>
      %dma_wait3A_270 = arith.constant 0 : i32
      %dma_wait3A_271 = tpu.memref_slice %arg11[%add3A_60, %dma_wait3A_270] : memref<25104x64xf32, #tpu.memory_space<vmem_shared>> -> memref<56x64xf32, #tpu.memory_space<vmem_shared>>
      tpu.wait_dma2 semaphore(%run_scoped3A : memref<!tpu.dma_semaphore, #tpu.memory_space<semaphore_mem>>) src(%arg10 : memref<56x64xf32, #tpu.memory_space<vmem>>) dst(%dma_wait3A_271 : memref<56x64xf32, #tpu.memory_space<vmem_shared>>)
      tpu.yield
    }) : () -> ()
    %mul3A_61 = arith.constant 1568 : i32
    %mul3A_62 = arith.muli %arg1, %mul3A_61 : i32
    %add3A_63 = arith.constant 784 : i32
    %add3A_64 = arith.addi %mul3A_62, %add3A_63 : i32
    "tpu.region"() ({
      %run_scoped3A = tpu.sem_alloc : memref<!tpu.dma_semaphore, #tpu.memory_space<semaphore_mem>>
      %dma_start3A = arith.constant 0 : i32
      %dma_start3A_266 = tpu.memref_slice %arg11[%add3A_64, %dma_start3A] : memref<25104x64xf32, #tpu.memory_space<vmem_shared>> -> memref<56x64xf32, #tpu.memory_space<vmem_shared>>
      %dma_start3A_267 = arith.constant 0 : i32
      %dma_start3A_268 = tpu.memref_slice %arg11[%add3A_64, %dma_start3A_267] : memref<25104x64xf32, #tpu.memory_space<vmem_shared>> -> memref<56x64xf32, #tpu.memory_space<vmem_shared>>
      tpu.enqueue_dma source(%arg10 : memref<56x64xf32, #tpu.memory_space<vmem>>) target(%dma_start3A_268 : memref<56x64xf32, #tpu.memory_space<vmem_shared>>) target_semaphore(%run_scoped3A : memref<!tpu.dma_semaphore, #tpu.memory_space<semaphore_mem>>)
      %dma_wait3A = arith.constant 0 : i32
      %dma_wait3A_269 = tpu.memref_slice %arg11[%add3A_64, %dma_wait3A] : memref<25104x64xf32, #tpu.memory_space<vmem_shared>> -> memref<56x64xf32, #tpu.memory_space<vmem_shared>>
      %dma_wait3A_270 = arith.constant 0 : i32
      %dma_wait3A_271 = tpu.memref_slice %arg11[%add3A_64, %dma_wait3A_270] : memref<25104x64xf32, #tpu.memory_space<vmem_shared>> -> memref<56x64xf32, #tpu.memory_space<vmem_shared>>
      tpu.wait_dma2 semaphore(%run_scoped3A : memref<!tpu.dma_semaphore, #tpu.memory_space<semaphore_mem>>) src(%arg10 : memref<56x64xf32, #tpu.memory_space<vmem>>) dst(%dma_wait3A_271 : memref<56x64xf32, #tpu.memory_space<vmem_shared>>)
      tpu.yield
    }) : () -> ()
    %mul3A_65 = arith.constant 1568 : i32
    %mul3A_66 = arith.muli %arg1, %mul3A_65 : i32
    %add3A_67 = arith.constant 840 : i32
    %add3A_68 = arith.addi %mul3A_66, %add3A_67 : i32
    "tpu.region"() ({
      %run_scoped3A = tpu.sem_alloc : memref<!tpu.dma_semaphore, #tpu.memory_space<semaphore_mem>>
      %dma_start3A = arith.constant 0 : i32
      %dma_start3A_266 = tpu.memref_slice %arg11[%add3A_68, %dma_start3A] : memref<25104x64xf32, #tpu.memory_space<vmem_shared>> -> memref<56x64xf32, #tpu.memory_space<vmem_shared>>
      %dma_start3A_267 = arith.constant 0 : i32
      %dma_start3A_268 = tpu.memref_slice %arg11[%add3A_68, %dma_start3A_267] : memref<25104x64xf32, #tpu.memory_space<vmem_shared>> -> memref<56x64xf32, #tpu.memory_space<vmem_shared>>
      tpu.enqueue_dma source(%arg10 : memref<56x64xf32, #tpu.memory_space<vmem>>) target(%dma_start3A_268 : memref<56x64xf32, #tpu.memory_space<vmem_shared>>) target_semaphore(%run_scoped3A : memref<!tpu.dma_semaphore, #tpu.memory_space<semaphore_mem>>)
      %dma_wait3A = arith.constant 0 : i32
      %dma_wait3A_269 = tpu.memref_slice %arg11[%add3A_68, %dma_wait3A] : memref<25104x64xf32, #tpu.memory_space<vmem_shared>> -> memref<56x64xf32, #tpu.memory_space<vmem_shared>>
      %dma_wait3A_270 = arith.constant 0 : i32
      %dma_wait3A_271 = tpu.memref_slice %arg11[%add3A_68, %dma_wait3A_270] : memref<25104x64xf32, #tpu.memory_space<vmem_shared>> -> memref<56x64xf32, #tpu.memory_space<vmem_shared>>
      tpu.wait_dma2 semaphore(%run_scoped3A : memref<!tpu.dma_semaphore, #tpu.memory_space<semaphore_mem>>) src(%arg10 : memref<56x64xf32, #tpu.memory_space<vmem>>) dst(%dma_wait3A_271 : memref<56x64xf32, #tpu.memory_space<vmem_shared>>)
      tpu.yield
    }) : () -> ()
    %mul3A_69 = arith.constant 1568 : i32
    %mul3A_70 = arith.muli %arg1, %mul3A_69 : i32
    %add3A_71 = arith.constant 896 : i32
    %add3A_72 = arith.addi %mul3A_70, %add3A_71 : i32
    "tpu.region"() ({
      %run_scoped3A = tpu.sem_alloc : memref<!tpu.dma_semaphore, #tpu.memory_space<semaphore_mem>>
      %dma_start3A = arith.constant 0 : i32
      %dma_start3A_266 = tpu.memref_slice %arg11[%add3A_72, %dma_start3A] : memref<25104x64xf32, #tpu.memory_space<vmem_shared>> -> memref<56x64xf32, #tpu.memory_space<vmem_shared>>
      %dma_start3A_267 = arith.constant 0 : i32
      %dma_start3A_268 = tpu.memref_slice %arg11[%add3A_72, %dma_start3A_267] : memref<25104x64xf32, #tpu.memory_space<vmem_shared>> -> memref<56x64xf32, #tpu.memory_space<vmem_shared>>
      tpu.enqueue_dma source(%arg10 : memref<56x64xf32, #tpu.memory_space<vmem>>) target(%dma_start3A_268 : memref<56x64xf32, #tpu.memory_space<vmem_shared>>) target_semaphore(%run_scoped3A : memref<!tpu.dma_semaphore, #tpu.memory_space<semaphore_mem>>)
      %dma_wait3A = arith.constant 0 : i32
      %dma_wait3A_269 = tpu.memref_slice %arg11[%add3A_72, %dma_wait3A] : memref<25104x64xf32, #tpu.memory_space<vmem_shared>> -> memref<56x64xf32, #tpu.memory_space<vmem_shared>>
      %dma_wait3A_270 = arith.constant 0 : i32
      %dma_wait3A_271 = tpu.memref_slice %arg11[%add3A_72, %dma_wait3A_270] : memref<25104x64xf32, #tpu.memory_space<vmem_shared>> -> memref<56x64xf32, #tpu.memory_space<vmem_shared>>
      tpu.wait_dma2 semaphore(%run_scoped3A : memref<!tpu.dma_semaphore, #tpu.memory_space<semaphore_mem>>) src(%arg10 : memref<56x64xf32, #tpu.memory_space<vmem>>) dst(%dma_wait3A_271 : memref<56x64xf32, #tpu.memory_space<vmem_shared>>)
      tpu.yield
    }) : () -> ()
    %mul3A_73 = arith.constant 1568 : i32
    %mul3A_74 = arith.muli %arg1, %mul3A_73 : i32
    %add3A_75 = arith.constant 952 : i32
    %add3A_76 = arith.addi %mul3A_74, %add3A_75 : i32
    "tpu.region"() ({
      %run_scoped3A = tpu.sem_alloc : memref<!tpu.dma_semaphore, #tpu.memory_space<semaphore_mem>>
      %dma_start3A = arith.constant 0 : i32
      %dma_start3A_266 = tpu.memref_slice %arg11[%add3A_76, %dma_start3A] : memref<25104x64xf32, #tpu.memory_space<vmem_shared>> -> memref<56x64xf32, #tpu.memory_space<vmem_shared>>
      %dma_start3A_267 = arith.constant 0 : i32
      %dma_start3A_268 = tpu.memref_slice %arg11[%add3A_76, %dma_start3A_267] : memref<25104x64xf32, #tpu.memory_space<vmem_shared>> -> memref<56x64xf32, #tpu.memory_space<vmem_shared>>
      tpu.enqueue_dma source(%arg10 : memref<56x64xf32, #tpu.memory_space<vmem>>) target(%dma_start3A_268 : memref<56x64xf32, #tpu.memory_space<vmem_shared>>) target_semaphore(%run_scoped3A : memref<!tpu.dma_semaphore, #tpu.memory_space<semaphore_mem>>)
      %dma_wait3A = arith.constant 0 : i32
      %dma_wait3A_269 = tpu.memref_slice %arg11[%add3A_76, %dma_wait3A] : memref<25104x64xf32, #tpu.memory_space<vmem_shared>> -> memref<56x64xf32, #tpu.memory_space<vmem_shared>>
      %dma_wait3A_270 = arith.constant 0 : i32
      %dma_wait3A_271 = tpu.memref_slice %arg11[%add3A_76, %dma_wait3A_270] : memref<25104x64xf32, #tpu.memory_space<vmem_shared>> -> memref<56x64xf32, #tpu.memory_space<vmem_shared>>
      tpu.wait_dma2 semaphore(%run_scoped3A : memref<!tpu.dma_semaphore, #tpu.memory_space<semaphore_mem>>) src(%arg10 : memref<56x64xf32, #tpu.memory_space<vmem>>) dst(%dma_wait3A_271 : memref<56x64xf32, #tpu.memory_space<vmem_shared>>)
      tpu.yield
    }) : () -> ()
    %mul3A_77 = arith.constant 1568 : i32
    %mul3A_78 = arith.muli %arg1, %mul3A_77 : i32
    %add3A_79 = arith.constant 1008 : i32
    %add3A_80 = arith.addi %mul3A_78, %add3A_79 : i32
    "tpu.region"() ({
      %run_scoped3A = tpu.sem_alloc : memref<!tpu.dma_semaphore, #tpu.memory_space<semaphore_mem>>
      %dma_start3A = arith.constant 0 : i32
      %dma_start3A_266 = tpu.memref_slice %arg11[%add3A_80, %dma_start3A] : memref<25104x64xf32, #tpu.memory_space<vmem_shared>> -> memref<56x64xf32, #tpu.memory_space<vmem_shared>>
      %dma_start3A_267 = arith.constant 0 : i32
      %dma_start3A_268 = tpu.memref_slice %arg11[%add3A_80, %dma_start3A_267] : memref<25104x64xf32, #tpu.memory_space<vmem_shared>> -> memref<56x64xf32, #tpu.memory_space<vmem_shared>>
      tpu.enqueue_dma source(%arg10 : memref<56x64xf32, #tpu.memory_space<vmem>>) target(%dma_start3A_268 : memref<56x64xf32, #tpu.memory_space<vmem_shared>>) target_semaphore(%run_scoped3A : memref<!tpu.dma_semaphore, #tpu.memory_space<semaphore_mem>>)
      %dma_wait3A = arith.constant 0 : i32
      %dma_wait3A_269 = tpu.memref_slice %arg11[%add3A_80, %dma_wait3A] : memref<25104x64xf32, #tpu.memory_space<vmem_shared>> -> memref<56x64xf32, #tpu.memory_space<vmem_shared>>
      %dma_wait3A_270 = arith.constant 0 : i32
      %dma_wait3A_271 = tpu.memref_slice %arg11[%add3A_80, %dma_wait3A_270] : memref<25104x64xf32, #tpu.memory_space<vmem_shared>> -> memref<56x64xf32, #tpu.memory_space<vmem_shared>>
      tpu.wait_dma2 semaphore(%run_scoped3A : memref<!tpu.dma_semaphore, #tpu.memory_space<semaphore_mem>>) src(%arg10 : memref<56x64xf32, #tpu.memory_space<vmem>>) dst(%dma_wait3A_271 : memref<56x64xf32, #tpu.memory_space<vmem_shared>>)
      tpu.yield
    }) : () -> ()
    %mul3A_81 = arith.constant 1568 : i32
    %mul3A_82 = arith.muli %arg1, %mul3A_81 : i32
    %add3A_83 = arith.constant 1064 : i32
    %add3A_84 = arith.addi %mul3A_82, %add3A_83 : i32
    "tpu.region"() ({
      %run_scoped3A = tpu.sem_alloc : memref<!tpu.dma_semaphore, #tpu.memory_space<semaphore_mem>>
      %dma_start3A = arith.constant 0 : i32
      %dma_start3A_266 = tpu.memref_slice %arg11[%add3A_84, %dma_start3A] : memref<25104x64xf32, #tpu.memory_space<vmem_shared>> -> memref<56x64xf32, #tpu.memory_space<vmem_shared>>
      %dma_start3A_267 = arith.constant 0 : i32
      %dma_start3A_268 = tpu.memref_slice %arg11[%add3A_84, %dma_start3A_267] : memref<25104x64xf32, #tpu.memory_space<vmem_shared>> -> memref<56x64xf32, #tpu.memory_space<vmem_shared>>
      tpu.enqueue_dma source(%arg10 : memref<56x64xf32, #tpu.memory_space<vmem>>) target(%dma_start3A_268 : memref<56x64xf32, #tpu.memory_space<vmem_shared>>) target_semaphore(%run_scoped3A : memref<!tpu.dma_semaphore, #tpu.memory_space<semaphore_mem>>)
      %dma_wait3A = arith.constant 0 : i32
      %dma_wait3A_269 = tpu.memref_slice %arg11[%add3A_84, %dma_wait3A] : memref<25104x64xf32, #tpu.memory_space<vmem_shared>> -> memref<56x64xf32, #tpu.memory_space<vmem_shared>>
      %dma_wait3A_270 = arith.constant 0 : i32
      %dma_wait3A_271 = tpu.memref_slice %arg11[%add3A_84, %dma_wait3A_270] : memref<25104x64xf32, #tpu.memory_space<vmem_shared>> -> memref<56x64xf32, #tpu.memory_space<vmem_shared>>
      tpu.wait_dma2 semaphore(%run_scoped3A : memref<!tpu.dma_semaphore, #tpu.memory_space<semaphore_mem>>) src(%arg10 : memref<56x64xf32, #tpu.memory_space<vmem>>) dst(%dma_wait3A_271 : memref<56x64xf32, #tpu.memory_space<vmem_shared>>)
      tpu.yield
    }) : () -> ()
    %mul3A_85 = arith.constant 1568 : i32
    %mul3A_86 = arith.muli %arg1, %mul3A_85 : i32
    %add3A_87 = arith.constant 1120 : i32
    %add3A_88 = arith.addi %mul3A_86, %add3A_87 : i32
    "tpu.region"() ({
      %run_scoped3A = tpu.sem_alloc : memref<!tpu.dma_semaphore, #tpu.memory_space<semaphore_mem>>
      %dma_start3A = arith.constant 0 : i32
      %dma_start3A_266 = tpu.memref_slice %arg11[%add3A_88, %dma_start3A] : memref<25104x64xf32, #tpu.memory_space<vmem_shared>> -> memref<56x64xf32, #tpu.memory_space<vmem_shared>>
      %dma_start3A_267 = arith.constant 0 : i32
      %dma_start3A_268 = tpu.memref_slice %arg11[%add3A_88, %dma_start3A_267] : memref<25104x64xf32, #tpu.memory_space<vmem_shared>> -> memref<56x64xf32, #tpu.memory_space<vmem_shared>>
      tpu.enqueue_dma source(%arg10 : memref<56x64xf32, #tpu.memory_space<vmem>>) target(%dma_start3A_268 : memref<56x64xf32, #tpu.memory_space<vmem_shared>>) target_semaphore(%run_scoped3A : memref<!tpu.dma_semaphore, #tpu.memory_space<semaphore_mem>>)
      %dma_wait3A = arith.constant 0 : i32
      %dma_wait3A_269 = tpu.memref_slice %arg11[%add3A_88, %dma_wait3A] : memref<25104x64xf32, #tpu.memory_space<vmem_shared>> -> memref<56x64xf32, #tpu.memory_space<vmem_shared>>
      %dma_wait3A_270 = arith.constant 0 : i32
      %dma_wait3A_271 = tpu.memref_slice %arg11[%add3A_88, %dma_wait3A_270] : memref<25104x64xf32, #tpu.memory_space<vmem_shared>> -> memref<56x64xf32, #tpu.memory_space<vmem_shared>>
      tpu.wait_dma2 semaphore(%run_scoped3A : memref<!tpu.dma_semaphore, #tpu.memory_space<semaphore_mem>>) src(%arg10 : memref<56x64xf32, #tpu.memory_space<vmem>>) dst(%dma_wait3A_271 : memref<56x64xf32, #tpu.memory_space<vmem_shared>>)
      tpu.yield
    }) : () -> ()
    %mul3A_89 = arith.constant 1568 : i32
    %mul3A_90 = arith.muli %arg1, %mul3A_89 : i32
    %add3A_91 = arith.constant 1176 : i32
    %add3A_92 = arith.addi %mul3A_90, %add3A_91 : i32
    "tpu.region"() ({
      %run_scoped3A = tpu.sem_alloc : memref<!tpu.dma_semaphore, #tpu.memory_space<semaphore_mem>>
      %dma_start3A = arith.constant 0 : i32
      %dma_start3A_266 = tpu.memref_slice %arg11[%add3A_92, %dma_start3A] : memref<25104x64xf32, #tpu.memory_space<vmem_shared>> -> memref<56x64xf32, #tpu.memory_space<vmem_shared>>
      %dma_start3A_267 = arith.constant 0 : i32
      %dma_start3A_268 = tpu.memref_slice %arg11[%add3A_92, %dma_start3A_267] : memref<25104x64xf32, #tpu.memory_space<vmem_shared>> -> memref<56x64xf32, #tpu.memory_space<vmem_shared>>
      tpu.enqueue_dma source(%arg10 : memref<56x64xf32, #tpu.memory_space<vmem>>) target(%dma_start3A_268 : memref<56x64xf32, #tpu.memory_space<vmem_shared>>) target_semaphore(%run_scoped3A : memref<!tpu.dma_semaphore, #tpu.memory_space<semaphore_mem>>)
      %dma_wait3A = arith.constant 0 : i32
      %dma_wait3A_269 = tpu.memref_slice %arg11[%add3A_92, %dma_wait3A] : memref<25104x64xf32, #tpu.memory_space<vmem_shared>> -> memref<56x64xf32, #tpu.memory_space<vmem_shared>>
      %dma_wait3A_270 = arith.constant 0 : i32
      %dma_wait3A_271 = tpu.memref_slice %arg11[%add3A_92, %dma_wait3A_270] : memref<25104x64xf32, #tpu.memory_space<vmem_shared>> -> memref<56x64xf32, #tpu.memory_space<vmem_shared>>
      tpu.wait_dma2 semaphore(%run_scoped3A : memref<!tpu.dma_semaphore, #tpu.memory_space<semaphore_mem>>) src(%arg10 : memref<56x64xf32, #tpu.memory_space<vmem>>) dst(%dma_wait3A_271 : memref<56x64xf32, #tpu.memory_space<vmem_shared>>)
      tpu.yield
    }) : () -> ()
    %mul3A_93 = arith.constant 1568 : i32
    %mul3A_94 = arith.muli %arg1, %mul3A_93 : i32
    %add3A_95 = arith.constant 1232 : i32
    %add3A_96 = arith.addi %mul3A_94, %add3A_95 : i32
    "tpu.region"() ({
      %run_scoped3A = tpu.sem_alloc : memref<!tpu.dma_semaphore, #tpu.memory_space<semaphore_mem>>
      %dma_start3A = arith.constant 0 : i32
      %dma_start3A_266 = tpu.memref_slice %arg11[%add3A_96, %dma_start3A] : memref<25104x64xf32, #tpu.memory_space<vmem_shared>> -> memref<56x64xf32, #tpu.memory_space<vmem_shared>>
      %dma_start3A_267 = arith.constant 0 : i32
      %dma_start3A_268 = tpu.memref_slice %arg11[%add3A_96, %dma_start3A_267] : memref<25104x64xf32, #tpu.memory_space<vmem_shared>> -> memref<56x64xf32, #tpu.memory_space<vmem_shared>>
      tpu.enqueue_dma source(%arg10 : memref<56x64xf32, #tpu.memory_space<vmem>>) target(%dma_start3A_268 : memref<56x64xf32, #tpu.memory_space<vmem_shared>>) target_semaphore(%run_scoped3A : memref<!tpu.dma_semaphore, #tpu.memory_space<semaphore_mem>>)
      %dma_wait3A = arith.constant 0 : i32
      %dma_wait3A_269 = tpu.memref_slice %arg11[%add3A_96, %dma_wait3A] : memref<25104x64xf32, #tpu.memory_space<vmem_shared>> -> memref<56x64xf32, #tpu.memory_space<vmem_shared>>
      %dma_wait3A_270 = arith.constant 0 : i32
      %dma_wait3A_271 = tpu.memref_slice %arg11[%add3A_96, %dma_wait3A_270] : memref<25104x64xf32, #tpu.memory_space<vmem_shared>> -> memref<56x64xf32, #tpu.memory_space<vmem_shared>>
      tpu.wait_dma2 semaphore(%run_scoped3A : memref<!tpu.dma_semaphore, #tpu.memory_space<semaphore_mem>>) src(%arg10 : memref<56x64xf32, #tpu.memory_space<vmem>>) dst(%dma_wait3A_271 : memref<56x64xf32, #tpu.memory_space<vmem_shared>>)
      tpu.yield
    }) : () -> ()
    %mul3A_97 = arith.constant 1568 : i32
    %mul3A_98 = arith.muli %arg1, %mul3A_97 : i32
    %add3A_99 = arith.constant 1288 : i32
    %add3A_100 = arith.addi %mul3A_98, %add3A_99 : i32
    "tpu.region"() ({
      %run_scoped3A = tpu.sem_alloc : memref<!tpu.dma_semaphore, #tpu.memory_space<semaphore_mem>>
      %dma_start3A = arith.constant 0 : i32
      %dma_start3A_266 = tpu.memref_slice %arg11[%add3A_100, %dma_start3A] : memref<25104x64xf32, #tpu.memory_space<vmem_shared>> -> memref<56x64xf32, #tpu.memory_space<vmem_shared>>
      %dma_start3A_267 = arith.constant 0 : i32
      %dma_start3A_268 = tpu.memref_slice %arg11[%add3A_100, %dma_start3A_267] : memref<25104x64xf32, #tpu.memory_space<vmem_shared>> -> memref<56x64xf32, #tpu.memory_space<vmem_shared>>
      tpu.enqueue_dma source(%arg10 : memref<56x64xf32, #tpu.memory_space<vmem>>) target(%dma_start3A_268 : memref<56x64xf32, #tpu.memory_space<vmem_shared>>) target_semaphore(%run_scoped3A : memref<!tpu.dma_semaphore, #tpu.memory_space<semaphore_mem>>)
      %dma_wait3A = arith.constant 0 : i32
      %dma_wait3A_269 = tpu.memref_slice %arg11[%add3A_100, %dma_wait3A] : memref<25104x64xf32, #tpu.memory_space<vmem_shared>> -> memref<56x64xf32, #tpu.memory_space<vmem_shared>>
      %dma_wait3A_270 = arith.constant 0 : i32
      %dma_wait3A_271 = tpu.memref_slice %arg11[%add3A_100, %dma_wait3A_270] : memref<25104x64xf32, #tpu.memory_space<vmem_shared>> -> memref<56x64xf32, #tpu.memory_space<vmem_shared>>
      tpu.wait_dma2 semaphore(%run_scoped3A : memref<!tpu.dma_semaphore, #tpu.memory_space<semaphore_mem>>) src(%arg10 : memref<56x64xf32, #tpu.memory_space<vmem>>) dst(%dma_wait3A_271 : memref<56x64xf32, #tpu.memory_space<vmem_shared>>)
      tpu.yield
    }) : () -> ()
    %mul3A_101 = arith.constant 1568 : i32
    %mul3A_102 = arith.muli %arg1, %mul3A_101 : i32
    %add3A_103 = arith.constant 1344 : i32
    %add3A_104 = arith.addi %mul3A_102, %add3A_103 : i32
    "tpu.region"() ({
      %run_scoped3A = tpu.sem_alloc : memref<!tpu.dma_semaphore, #tpu.memory_space<semaphore_mem>>
      %dma_start3A = arith.constant 0 : i32
      %dma_start3A_266 = tpu.memref_slice %arg11[%add3A_104, %dma_start3A] : memref<25104x64xf32, #tpu.memory_space<vmem_shared>> -> memref<56x64xf32, #tpu.memory_space<vmem_shared>>
      %dma_start3A_267 = arith.constant 0 : i32
      %dma_start3A_268 = tpu.memref_slice %arg11[%add3A_104, %dma_start3A_267] : memref<25104x64xf32, #tpu.memory_space<vmem_shared>> -> memref<56x64xf32, #tpu.memory_space<vmem_shared>>
      tpu.enqueue_dma source(%arg10 : memref<56x64xf32, #tpu.memory_space<vmem>>) target(%dma_start3A_268 : memref<56x64xf32, #tpu.memory_space<vmem_shared>>) target_semaphore(%run_scoped3A : memref<!tpu.dma_semaphore, #tpu.memory_space<semaphore_mem>>)
      %dma_wait3A = arith.constant 0 : i32
      %dma_wait3A_269 = tpu.memref_slice %arg11[%add3A_104, %dma_wait3A] : memref<25104x64xf32, #tpu.memory_space<vmem_shared>> -> memref<56x64xf32, #tpu.memory_space<vmem_shared>>
      %dma_wait3A_270 = arith.constant 0 : i32
      %dma_wait3A_271 = tpu.memref_slice %arg11[%add3A_104, %dma_wait3A_270] : memref<25104x64xf32, #tpu.memory_space<vmem_shared>> -> memref<56x64xf32, #tpu.memory_space<vmem_shared>>
      tpu.wait_dma2 semaphore(%run_scoped3A : memref<!tpu.dma_semaphore, #tpu.memory_space<semaphore_mem>>) src(%arg10 : memref<56x64xf32, #tpu.memory_space<vmem>>) dst(%dma_wait3A_271 : memref<56x64xf32, #tpu.memory_space<vmem_shared>>)
      tpu.yield
    }) : () -> ()
    %mul3A_105 = arith.constant 1568 : i32
    %mul3A_106 = arith.muli %arg1, %mul3A_105 : i32
    %add3A_107 = arith.constant 1400 : i32
    %add3A_108 = arith.addi %mul3A_106, %add3A_107 : i32
    "tpu.region"() ({
      %run_scoped3A = tpu.sem_alloc : memref<!tpu.dma_semaphore, #tpu.memory_space<semaphore_mem>>
      %dma_start3A = arith.constant 0 : i32
      %dma_start3A_266 = tpu.memref_slice %arg11[%add3A_108, %dma_start3A] : memref<25104x64xf32, #tpu.memory_space<vmem_shared>> -> memref<56x64xf32, #tpu.memory_space<vmem_shared>>
      %dma_start3A_267 = arith.constant 0 : i32
      %dma_start3A_268 = tpu.memref_slice %arg11[%add3A_108, %dma_start3A_267] : memref<25104x64xf32, #tpu.memory_space<vmem_shared>> -> memref<56x64xf32, #tpu.memory_space<vmem_shared>>
      tpu.enqueue_dma source(%arg10 : memref<56x64xf32, #tpu.memory_space<vmem>>) target(%dma_start3A_268 : memref<56x64xf32, #tpu.memory_space<vmem_shared>>) target_semaphore(%run_scoped3A : memref<!tpu.dma_semaphore, #tpu.memory_space<semaphore_mem>>)
      %dma_wait3A = arith.constant 0 : i32
      %dma_wait3A_269 = tpu.memref_slice %arg11[%add3A_108, %dma_wait3A] : memref<25104x64xf32, #tpu.memory_space<vmem_shared>> -> memref<56x64xf32, #tpu.memory_space<vmem_shared>>
      %dma_wait3A_270 = arith.constant 0 : i32
      %dma_wait3A_271 = tpu.memref_slice %arg11[%add3A_108, %dma_wait3A_270] : memref<25104x64xf32, #tpu.memory_space<vmem_shared>> -> memref<56x64xf32, #tpu.memory_space<vmem_shared>>
      tpu.wait_dma2 semaphore(%run_scoped3A : memref<!tpu.dma_semaphore, #tpu.memory_space<semaphore_mem>>) src(%arg10 : memref<56x64xf32, #tpu.memory_space<vmem>>) dst(%dma_wait3A_271 : memref<56x64xf32, #tpu.memory_space<vmem_shared>>)
      tpu.yield
    }) : () -> ()
    %mul3A_109 = arith.constant 1568 : i32
    %mul3A_110 = arith.muli %arg1, %mul3A_109 : i32
    %add3A_111 = arith.constant 1456 : i32
    %add3A_112 = arith.addi %mul3A_110, %add3A_111 : i32
    "tpu.region"() ({
      %run_scoped3A = tpu.sem_alloc : memref<!tpu.dma_semaphore, #tpu.memory_space<semaphore_mem>>
      %dma_start3A = arith.constant 0 : i32
      %dma_start3A_266 = tpu.memref_slice %arg11[%add3A_112, %dma_start3A] : memref<25104x64xf32, #tpu.memory_space<vmem_shared>> -> memref<56x64xf32, #tpu.memory_space<vmem_shared>>
      %dma_start3A_267 = arith.constant 0 : i32
      %dma_start3A_268 = tpu.memref_slice %arg11[%add3A_112, %dma_start3A_267] : memref<25104x64xf32, #tpu.memory_space<vmem_shared>> -> memref<56x64xf32, #tpu.memory_space<vmem_shared>>
      tpu.enqueue_dma source(%arg10 : memref<56x64xf32, #tpu.memory_space<vmem>>) target(%dma_start3A_268 : memref<56x64xf32, #tpu.memory_space<vmem_shared>>) target_semaphore(%run_scoped3A : memref<!tpu.dma_semaphore, #tpu.memory_space<semaphore_mem>>)
      %dma_wait3A = arith.constant 0 : i32
      %dma_wait3A_269 = tpu.memref_slice %arg11[%add3A_112, %dma_wait3A] : memref<25104x64xf32, #tpu.memory_space<vmem_shared>> -> memref<56x64xf32, #tpu.memory_space<vmem_shared>>
      %dma_wait3A_270 = arith.constant 0 : i32
      %dma_wait3A_271 = tpu.memref_slice %arg11[%add3A_112, %dma_wait3A_270] : memref<25104x64xf32, #tpu.memory_space<vmem_shared>> -> memref<56x64xf32, #tpu.memory_space<vmem_shared>>
      tpu.wait_dma2 semaphore(%run_scoped3A : memref<!tpu.dma_semaphore, #tpu.memory_space<semaphore_mem>>) src(%arg10 : memref<56x64xf32, #tpu.memory_space<vmem>>) dst(%dma_wait3A_271 : memref<56x64xf32, #tpu.memory_space<vmem_shared>>)
      tpu.yield
    }) : () -> ()
    %mul3A_113 = arith.constant 1568 : i32
    %mul3A_114 = arith.muli %arg1, %mul3A_113 : i32
    %add3A_115 = arith.constant 1512 : i32
    %add3A_116 = arith.addi %mul3A_114, %add3A_115 : i32
    "tpu.region"() ({
      %run_scoped3A = tpu.sem_alloc : memref<!tpu.dma_semaphore, #tpu.memory_space<semaphore_mem>>
      %dma_start3A = arith.constant 0 : i32
      %dma_start3A_266 = tpu.memref_slice %arg11[%add3A_116, %dma_start3A] : memref<25104x64xf32, #tpu.memory_space<vmem_shared>> -> memref<56x64xf32, #tpu.memory_space<vmem_shared>>
      %dma_start3A_267 = arith.constant 0 : i32
      %dma_start3A_268 = tpu.memref_slice %arg11[%add3A_116, %dma_start3A_267] : memref<25104x64xf32, #tpu.memory_space<vmem_shared>> -> memref<56x64xf32, #tpu.memory_space<vmem_shared>>
      tpu.enqueue_dma source(%arg10 : memref<56x64xf32, #tpu.memory_space<vmem>>) target(%dma_start3A_268 : memref<56x64xf32, #tpu.memory_space<vmem_shared>>) target_semaphore(%run_scoped3A : memref<!tpu.dma_semaphore, #tpu.memory_space<semaphore_mem>>)
      %dma_wait3A = arith.constant 0 : i32
      %dma_wait3A_269 = tpu.memref_slice %arg11[%add3A_116, %dma_wait3A] : memref<25104x64xf32, #tpu.memory_space<vmem_shared>> -> memref<56x64xf32, #tpu.memory_space<vmem_shared>>
      %dma_wait3A_270 = arith.constant 0 : i32
      %dma_wait3A_271 = tpu.memref_slice %arg11[%add3A_116, %dma_wait3A_270] : memref<25104x64xf32, #tpu.memory_space<vmem_shared>> -> memref<56x64xf32, #tpu.memory_space<vmem_shared>>
      tpu.wait_dma2 semaphore(%run_scoped3A : memref<!tpu.dma_semaphore, #tpu.memory_space<semaphore_mem>>) src(%arg10 : memref<56x64xf32, #tpu.memory_space<vmem>>) dst(%dma_wait3A_271 : memref<56x64xf32, #tpu.memory_space<vmem_shared>>)
      tpu.yield
    }) : () -> ()
    %eq3A = arith.constant 0 : i32
    %eq3A_117 = arith.cmpi eq, %arg1, %eq3A : i32
    %convert_element_type3A = arith.extui %eq3A_117 : i1 to i32
    %cond3A = arith.constant 0 : i32
    %cond3A_118 = arith.cmpi ne, %convert_element_type3A, %cond3A : i32
    scf.if %cond3A_118 {
      "tpu.region"() ({
        %run_scoped3A = tpu.sem_alloc : memref<!tpu.dma_semaphore, #tpu.memory_space<semaphore_mem>>
        %dma_start3A = arith.constant 0 : i32
        %dma_start3A_266 = arith.constant 0 : i32
        %dma_start3A_267 = tpu.memref_slice %arg10[%dma_start3A, %dma_start3A_266] : memref<56x64xf32, #tpu.memory_space<vmem>> -> memref<16x64xf32, #tpu.memory_space<vmem>>
        %dma_start3A_268 = arith.constant 25088 : i32
        %dma_start3A_269 = arith.constant 0 : i32
        %dma_start3A_270 = tpu.memref_slice %arg11[%dma_start3A_268, %dma_start3A_269] : memref<25104x64xf32, #tpu.memory_space<vmem_shared>> -> memref<16x64xf32, #tpu.memory_space<vmem_shared>>
        %dma_start3A_271 = arith.constant 25088 : i32
        %dma_start3A_272 = arith.constant 0 : i32
        %dma_start3A_273 = tpu.memref_slice %arg11[%dma_start3A_271, %dma_start3A_272] : memref<25104x64xf32, #tpu.memory_space<vmem_shared>> -> memref<16x64xf32, #tpu.memory_space<vmem_shared>>
        %dma_start3A_274 = arith.constant 0 : i32
        %dma_start3A_275 = arith.constant 0 : i32
        %dma_start3A_276 = tpu.memref_slice %arg10[%dma_start3A_274, %dma_start3A_275] : memref<56x64xf32, #tpu.memory_space<vmem>> -> memref<16x64xf32, #tpu.memory_space<vmem>>
        tpu.enqueue_dma source(%dma_start3A_276 : memref<16x64xf32, #tpu.memory_space<vmem>>) target(%dma_start3A_273 : memref<16x64xf32, #tpu.memory_space<vmem_shared>>) target_semaphore(%run_scoped3A : memref<!tpu.dma_semaphore, #tpu.memory_space<semaphore_mem>>)
        %dma_wait3A = arith.constant 0 : i32
        %dma_wait3A_277 = arith.constant 0 : i32
        %dma_wait3A_278 = tpu.memref_slice %arg10[%dma_wait3A, %dma_wait3A_277] : memref<56x64xf32, #tpu.memory_space<vmem>> -> memref<16x64xf32, #tpu.memory_space<vmem>>
        %dma_wait3A_279 = arith.constant 25088 : i32
        %dma_wait3A_280 = arith.constant 0 : i32
        %dma_wait3A_281 = tpu.memref_slice %arg11[%dma_wait3A_279, %dma_wait3A_280] : memref<25104x64xf32, #tpu.memory_space<vmem_shared>> -> memref<16x64xf32, #tpu.memory_space<vmem_shared>>
        %dma_wait3A_282 = arith.constant 25088 : i32
        %dma_wait3A_283 = arith.constant 0 : i32
        %dma_wait3A_284 = tpu.memref_slice %arg11[%dma_wait3A_282, %dma_wait3A_283] : memref<25104x64xf32, #tpu.memory_space<vmem_shared>> -> memref<16x64xf32, #tpu.memory_space<vmem_shared>>
        %dma_wait3A_285 = arith.constant 0 : i32
        %dma_wait3A_286 = arith.constant 0 : i32
        %dma_wait3A_287 = tpu.memref_slice %arg10[%dma_wait3A_285, %dma_wait3A_286] : memref<56x64xf32, #tpu.memory_space<vmem>> -> memref<16x64xf32, #tpu.memory_space<vmem>>
        tpu.wait_dma2 semaphore(%run_scoped3A : memref<!tpu.dma_semaphore, #tpu.memory_space<semaphore_mem>>) src(%dma_wait3A_287 : memref<16x64xf32, #tpu.memory_space<vmem>>) dst(%dma_wait3A_284 : memref<16x64xf32, #tpu.memory_space<vmem_shared>>)
        tpu.yield
      }) : () -> ()
    } else {
    }
    %barrier3A = arith.constant 0 : index
    tpu.barrier barrier_id(%barrier3A)
    %scan3A_119 = arith.constant 0 : i32
    %scan3A_120 = arith.constant 0 : i32
    %scan3A_121 = arith.constant 14 : i32
    %scan3A_122 = arith.addi %scan3A_120, %scan3A_121 : i32
    %scan3A_123 = arith.constant 1 : i32
    scf.for %scan3A_266 = %scan3A_120 to %scan3A_122 step %scan3A_123  : i32 {
      %mul3A_267 = arith.constant 28 : i32
      %mul3A_268 = arith.muli %scan3A_266, %mul3A_267 : i32
      "tpu.region"() ({
        %run_scoped3A = tpu.sem_alloc : memref<!tpu.dma_semaphore, #tpu.memory_space<semaphore_mem>>
        %dma_start3A_1062 = arith.constant 0 : i32
        %dma_start3A_1063 = tpu.memref_slice %arg3[%arg1, %mul3A_268, %dma_start3A_1062] : memref<16x392x128xi32, #tpu.memory_space<hbm>> -> memref<1x28x128xi32, #tpu.memory_space<hbm>>
        %dma_start3A_1064 = tpu.memref_squeeze %dma_start3A_1063 : memref<1x28x128xi32, #tpu.memory_space<hbm>> -> memref<28x128xi32, #tpu.memory_space<hbm>>
        %dma_start3A_1065 = arith.constant 0 : i32
        %dma_start3A_1066 = tpu.memref_slice %arg3[%arg1, %mul3A_268, %dma_start3A_1065] : memref<16x392x128xi32, #tpu.memory_space<hbm>> -> memref<1x28x128xi32, #tpu.memory_space<hbm>>
        %dma_start3A_1067 = tpu.memref_squeeze %dma_start3A_1066 : memref<1x28x128xi32, #tpu.memory_space<hbm>> -> memref<28x128xi32, #tpu.memory_space<hbm>>
        tpu.enqueue_dma source(%dma_start3A_1067 : memref<28x128xi32, #tpu.memory_space<hbm>>) target(%arg6 : memref<28x128xi32, #tpu.memory_space<vmem>>) target_semaphore(%run_scoped3A : memref<!tpu.dma_semaphore, #tpu.memory_space<semaphore_mem>>)
        %dma_wait3A_1068 = arith.constant 0 : i32
        %dma_wait3A_1069 = tpu.memref_slice %arg3[%arg1, %mul3A_268, %dma_wait3A_1068] : memref<16x392x128xi32, #tpu.memory_space<hbm>> -> memref<1x28x128xi32, #tpu.memory_space<hbm>>
        %dma_wait3A_1070 = tpu.memref_squeeze %dma_wait3A_1069 : memref<1x28x128xi32, #tpu.memory_space<hbm>> -> memref<28x128xi32, #tpu.memory_space<hbm>>
        %dma_wait3A_1071 = arith.constant 0 : i32
        %dma_wait3A_1072 = tpu.memref_slice %arg3[%arg1, %mul3A_268, %dma_wait3A_1071] : memref<16x392x128xi32, #tpu.memory_space<hbm>> -> memref<1x28x128xi32, #tpu.memory_space<hbm>>
        %dma_wait3A_1073 = tpu.memref_squeeze %dma_wait3A_1072 : memref<1x28x128xi32, #tpu.memory_space<hbm>> -> memref<28x128xi32, #tpu.memory_space<hbm>>
        tpu.wait_dma2 semaphore(%run_scoped3A : memref<!tpu.dma_semaphore, #tpu.memory_space<semaphore_mem>>) src(%dma_wait3A_1073 : memref<28x128xi32, #tpu.memory_space<hbm>>) dst(%arg6 : memref<28x128xi32, #tpu.memory_space<vmem>>)
        tpu.yield
      }) : () -> ()
      %mul3A_269 = arith.constant 28 : i32
      %mul3A_270 = arith.muli %scan3A_266, %mul3A_269 : i32
      "tpu.region"() ({
        %run_scoped3A = tpu.sem_alloc : memref<!tpu.dma_semaphore, #tpu.memory_space<semaphore_mem>>
        %dma_start3A_1062 = arith.constant 0 : i32
        %dma_start3A_1063 = tpu.memref_slice %arg4[%arg1, %mul3A_270, %dma_start3A_1062] : memref<16x392x128xi32, #tpu.memory_space<hbm>> -> memref<1x28x128xi32, #tpu.memory_space<hbm>>
        %dma_start3A_1064 = tpu.memref_squeeze %dma_start3A_1063 : memref<1x28x128xi32, #tpu.memory_space<hbm>> -> memref<28x128xi32, #tpu.memory_space<hbm>>
        %dma_start3A_1065 = arith.constant 0 : i32
        %dma_start3A_1066 = tpu.memref_slice %arg4[%arg1, %mul3A_270, %dma_start3A_1065] : memref<16x392x128xi32, #tpu.memory_space<hbm>> -> memref<1x28x128xi32, #tpu.memory_space<hbm>>
        %dma_start3A_1067 = tpu.memref_squeeze %dma_start3A_1066 : memref<1x28x128xi32, #tpu.memory_space<hbm>> -> memref<28x128xi32, #tpu.memory_space<hbm>>
        tpu.enqueue_dma source(%dma_start3A_1067 : memref<28x128xi32, #tpu.memory_space<hbm>>) target(%arg7 : memref<28x128xi32, #tpu.memory_space<vmem>>) target_semaphore(%run_scoped3A : memref<!tpu.dma_semaphore, #tpu.memory_space<semaphore_mem>>)
        %dma_wait3A_1068 = arith.constant 0 : i32
        %dma_wait3A_1069 = tpu.memref_slice %arg4[%arg1, %mul3A_270, %dma_wait3A_1068] : memref<16x392x128xi32, #tpu.memory_space<hbm>> -> memref<1x28x128xi32, #tpu.memory_space<hbm>>
        %dma_wait3A_1070 = tpu.memref_squeeze %dma_wait3A_1069 : memref<1x28x128xi32, #tpu.memory_space<hbm>> -> memref<28x128xi32, #tpu.memory_space<hbm>>
        %dma_wait3A_1071 = arith.constant 0 : i32
        %dma_wait3A_1072 = tpu.memref_slice %arg4[%arg1, %mul3A_270, %dma_wait3A_1071] : memref<16x392x128xi32, #tpu.memory_space<hbm>> -> memref<1x28x128xi32, #tpu.memory_space<hbm>>
        %dma_wait3A_1073 = tpu.memref_squeeze %dma_wait3A_1072 : memref<1x28x128xi32, #tpu.memory_space<hbm>> -> memref<28x128xi32, #tpu.memory_space<hbm>>
        tpu.wait_dma2 semaphore(%run_scoped3A : memref<!tpu.dma_semaphore, #tpu.memory_space<semaphore_mem>>) src(%dma_wait3A_1073 : memref<28x128xi32, #tpu.memory_space<hbm>>) dst(%arg7 : memref<28x128xi32, #tpu.memory_space<vmem>>)
        tpu.yield
      }) : () -> ()
      %iota3A = tpu.iota {dimensions = array<i32: 0>} : vector<16xi32>
      %add3A_271 = arith.constant 25088 : i32
      %add3A_272 = vector.broadcast %add3A_271 : i32 to vector<16xi32>
      %add3A_273 = arith.addi %add3A_272, %iota3A : vector<16xi32>
      %scan3A_274 = arith.constant 0 : i32
      %scan3A_275 = arith.constant 0 : i32
      %scan3A_276 = arith.constant 28 : i32
      %scan3A_277 = arith.addi %scan3A_275, %scan3A_276 : i32
      %scan3A_278 = arith.constant 1 : i32
      scf.for %scan3A_1062 = %scan3A_275 to %scan3A_277 step %scan3A_278  : i32 {
        %get3A = arith.index_cast %scan3A_1062 : i32 to index
        %get3A_1063 = arith.constant 0 : index
        %get3A_1064 = tpu.vector_load %arg7[%get3A, %get3A_1063] {strides = array<i32>} : memref<28x128xi32, #tpu.memory_space<vmem>>, vector<16xi32>,
        %sub3A = vector.broadcast %mul3A_0 : i32 to vector<16xi32>
        %sub3A_1065 = arith.subi %get3A_1064, %sub3A : vector<16xi32>
        %ge3A = arith.constant 0 : i32
        %ge3A_1066 = vector.broadcast %ge3A : i32 to vector<16xi32>
        %ge3A_1067 = arith.cmpi sge, %sub3A_1065, %ge3A_1066 : vector<16xi32>
        %lt3A = arith.constant 25088 : i32
        %lt3A_1068 = vector.broadcast %lt3A : i32 to vector<16xi32>
        %lt3A_1069 = arith.cmpi slt, %sub3A_1065, %lt3A_1068 : vector<16xi32>
        %and3A = arith.andi %ge3A_1067, %lt3A_1069 : vector<16xi1>
        %select_n3A = arith.select %and3A, %sub3A_1065, %add3A_273 : vector<16xi1>, vector<16xi32>
        %swap3A = arith.index_cast %scan3A_1062 : i32 to index
        %swap3A_1070 = arith.constant 0 : index
        %swap3A_1071 = tpu.vector_load %arg7[%swap3A, %swap3A_1070] {strides = array<i32>} : memref<28x128xi32, #tpu.memory_space<vmem>>, vector<16xi32>,
        tpu.vector_store %arg7[%swap3A, %swap3A_1070], %select_n3A {strides = array<i32>} : memref<28x128xi32, #tpu.memory_space<vmem>>, vector<16xi32>,
        %get3A_1072 = arith.index_cast %scan3A_1062 : i32 to index
        %get3A_1073 = arith.constant 16 : index
        %get3A_1074 = tpu.vector_load %arg7[%get3A_1072, %get3A_1073] {strides = array<i32>} : memref<28x128xi32, #tpu.memory_space<vmem>>, vector<16xi32>,
        %sub3A_1075 = vector.broadcast %mul3A_0 : i32 to vector<16xi32>
        %sub3A_1076 = arith.subi %get3A_1074, %sub3A_1075 : vector<16xi32>
        %ge3A_1077 = arith.constant 0 : i32
        %ge3A_1078 = vector.broadcast %ge3A_1077 : i32 to vector<16xi32>
        %ge3A_1079 = arith.cmpi sge, %sub3A_1076, %ge3A_1078 : vector<16xi32>
        %lt3A_1080 = arith.constant 25088 : i32
        %lt3A_1081 = vector.broadcast %lt3A_1080 : i32 to vector<16xi32>
        %lt3A_1082 = arith.cmpi slt, %sub3A_1076, %lt3A_1081 : vector<16xi32>
        %and3A_1083 = arith.andi %ge3A_1079, %lt3A_1082 : vector<16xi1>
        %select_n3A_1084 = arith.select %and3A_1083, %sub3A_1076, %add3A_273 : vector<16xi1>, vector<16xi32>
        %swap3A_1085 = arith.index_cast %scan3A_1062 : i32 to index
        %swap3A_1086 = arith.constant 16 : index
        %swap3A_1087 = tpu.vector_load %arg7[%swap3A_1085, %swap3A_1086] {strides = array<i32>} : memref<28x128xi32, #tpu.memory_space<vmem>>, vector<16xi32>,
        tpu.vector_store %arg7[%swap3A_1085, %swap3A_1086], %select_n3A_1084 {strides = array<i32>} : memref<28x128xi32, #tpu.memory_space<vmem>>, vector<16xi32>,
        %get3A_1088 = arith.index_cast %scan3A_1062 : i32 to index
        %get3A_1089 = arith.constant 32 : index
        %get3A_1090 = tpu.vector_load %arg7[%get3A_1088, %get3A_1089] {strides = array<i32>} : memref<28x128xi32, #tpu.memory_space<vmem>>, vector<16xi32>,
        %sub3A_1091 = vector.broadcast %mul3A_0 : i32 to vector<16xi32>
        %sub3A_1092 = arith.subi %get3A_1090, %sub3A_1091 : vector<16xi32>
        %ge3A_1093 = arith.constant 0 : i32
        %ge3A_1094 = vector.broadcast %ge3A_1093 : i32 to vector<16xi32>
        %ge3A_1095 = arith.cmpi sge, %sub3A_1092, %ge3A_1094 : vector<16xi32>
        %lt3A_1096 = arith.constant 25088 : i32
        %lt3A_1097 = vector.broadcast %lt3A_1096 : i32 to vector<16xi32>
        %lt3A_1098 = arith.cmpi slt, %sub3A_1092, %lt3A_1097 : vector<16xi32>
        %and3A_1099 = arith.andi %ge3A_1095, %lt3A_1098 : vector<16xi1>
        %select_n3A_1100 = arith.select %and3A_1099, %sub3A_1092, %add3A_273 : vector<16xi1>, vector<16xi32>
        %swap3A_1101 = arith.index_cast %scan3A_1062 : i32 to index
        %swap3A_1102 = arith.constant 32 : index
        %swap3A_1103 = tpu.vector_load %arg7[%swap3A_1101, %swap3A_1102] {strides = array<i32>} : memref<28x128xi32, #tpu.memory_space<vmem>>, vector<16xi32>,
        tpu.vector_store %arg7[%swap3A_1101, %swap3A_1102], %select_n3A_1100 {strides = array<i32>} : memref<28x128xi32, #tpu.memory_space<vmem>>, vector<16xi32>,
        %get3A_1104 = arith.index_cast %scan3A_1062 : i32 to index
        %get3A_1105 = arith.constant 48 : index
        %get3A_1106 = tpu.vector_load %arg7[%get3A_1104, %get3A_1105] {strides = array<i32>} : memref<28x128xi32, #tpu.memory_space<vmem>>, vector<16xi32>,
        %sub3A_1107 = vector.broadcast %mul3A_0 : i32 to vector<16xi32>
        %sub3A_1108 = arith.subi %get3A_1106, %sub3A_1107 : vector<16xi32>
        %ge3A_1109 = arith.constant 0 : i32
        %ge3A_1110 = vector.broadcast %ge3A_1109 : i32 to vector<16xi32>
        %ge3A_1111 = arith.cmpi sge, %sub3A_1108, %ge3A_1110 : vector<16xi32>
        %lt3A_1112 = arith.constant 25088 : i32
        %lt3A_1113 = vector.broadcast %lt3A_1112 : i32 to vector<16xi32>
        %lt3A_1114 = arith.cmpi slt, %sub3A_1108, %lt3A_1113 : vector<16xi32>
        %and3A_1115 = arith.andi %ge3A_1111, %lt3A_1114 : vector<16xi1>
        %select_n3A_1116 = arith.select %and3A_1115, %sub3A_1108, %add3A_273 : vector<16xi1>, vector<16xi32>
        %swap3A_1117 = arith.index_cast %scan3A_1062 : i32 to index
        %swap3A_1118 = arith.constant 48 : index
        %swap3A_1119 = tpu.vector_load %arg7[%swap3A_1117, %swap3A_1118] {strides = array<i32>} : memref<28x128xi32, #tpu.memory_space<vmem>>, vector<16xi32>,
        tpu.vector_store %arg7[%swap3A_1117, %swap3A_1118], %select_n3A_1116 {strides = array<i32>} : memref<28x128xi32, #tpu.memory_space<vmem>>, vector<16xi32>,
        %get3A_1120 = arith.index_cast %scan3A_1062 : i32 to index
        %get3A_1121 = arith.constant 64 : index
        %get3A_1122 = tpu.vector_load %arg7[%get3A_1120, %get3A_1121] {strides = array<i32>} : memref<28x128xi32, #tpu.memory_space<vmem>>, vector<16xi32>,
        %sub3A_1123 = vector.broadcast %mul3A_0 : i32 to vector<16xi32>
        %sub3A_1124 = arith.subi %get3A_1122, %sub3A_1123 : vector<16xi32>
        %ge3A_1125 = arith.constant 0 : i32
        %ge3A_1126 = vector.broadcast %ge3A_1125 : i32 to vector<16xi32>
        %ge3A_1127 = arith.cmpi sge, %sub3A_1124, %ge3A_1126 : vector<16xi32>
        %lt3A_1128 = arith.constant 25088 : i32
        %lt3A_1129 = vector.broadcast %lt3A_1128 : i32 to vector<16xi32>
        %lt3A_1130 = arith.cmpi slt, %sub3A_1124, %lt3A_1129 : vector<16xi32>
        %and3A_1131 = arith.andi %ge3A_1127, %lt3A_1130 : vector<16xi1>
        %select_n3A_1132 = arith.select %and3A_1131, %sub3A_1124, %add3A_273 : vector<16xi1>, vector<16xi32>
        %swap3A_1133 = arith.index_cast %scan3A_1062 : i32 to index
        %swap3A_1134 = arith.constant 64 : index
        %swap3A_1135 = tpu.vector_load %arg7[%swap3A_1133, %swap3A_1134] {strides = array<i32>} : memref<28x128xi32, #tpu.memory_space<vmem>>, vector<16xi32>,
        tpu.vector_store %arg7[%swap3A_1133, %swap3A_1134], %select_n3A_1132 {strides = array<i32>} : memref<28x128xi32, #tpu.memory_space<vmem>>, vector<16xi32>,
        %get3A_1136 = arith.index_cast %scan3A_1062 : i32 to index
        %get3A_1137 = arith.constant 80 : index
        %get3A_1138 = tpu.vector_load %arg7[%get3A_1136, %get3A_1137] {strides = array<i32>} : memref<28x128xi32, #tpu.memory_space<vmem>>, vector<16xi32>,
        %sub3A_1139 = vector.broadcast %mul3A_0 : i32 to vector<16xi32>
        %sub3A_1140 = arith.subi %get3A_1138, %sub3A_1139 : vector<16xi32>
        %ge3A_1141 = arith.constant 0 : i32
        %ge3A_1142 = vector.broadcast %ge3A_1141 : i32 to vector<16xi32>
        %ge3A_1143 = arith.cmpi sge, %sub3A_1140, %ge3A_1142 : vector<16xi32>
        %lt3A_1144 = arith.constant 25088 : i32
        %lt3A_1145 = vector.broadcast %lt3A_1144 : i32 to vector<16xi32>
        %lt3A_1146 = arith.cmpi slt, %sub3A_1140, %lt3A_1145 : vector<16xi32>
        %and3A_1147 = arith.andi %ge3A_1143, %lt3A_1146 : vector<16xi1>
        %select_n3A_1148 = arith.select %and3A_1147, %sub3A_1140, %add3A_273 : vector<16xi1>, vector<16xi32>
        %swap3A_1149 = arith.index_cast %scan3A_1062 : i32 to index
        %swap3A_1150 = arith.constant 80 : index
        %swap3A_1151 = tpu.vector_load %arg7[%swap3A_1149, %swap3A_1150] {strides = array<i32>} : memref<28x128xi32, #tpu.memory_space<vmem>>, vector<16xi32>,
        tpu.vector_store %arg7[%swap3A_1149, %swap3A_1150], %select_n3A_1148 {strides = array<i32>} : memref<28x128xi32, #tpu.memory_space<vmem>>, vector<16xi32>,
        %get3A_1152 = arith.index_cast %scan3A_1062 : i32 to index
        %get3A_1153 = arith.constant 96 : index
        %get3A_1154 = tpu.vector_load %arg7[%get3A_1152, %get3A_1153] {strides = array<i32>} : memref<28x128xi32, #tpu.memory_space<vmem>>, vector<16xi32>,
        %sub3A_1155 = vector.broadcast %mul3A_0 : i32 to vector<16xi32>
        %sub3A_1156 = arith.subi %get3A_1154, %sub3A_1155 : vector<16xi32>
        %ge3A_1157 = arith.constant 0 : i32
        %ge3A_1158 = vector.broadcast %ge3A_1157 : i32 to vector<16xi32>
        %ge3A_1159 = arith.cmpi sge, %sub3A_1156, %ge3A_1158 : vector<16xi32>
        %lt3A_1160 = arith.constant 25088 : i32
        %lt3A_1161 = vector.broadcast %lt3A_1160 : i32 to vector<16xi32>
        %lt3A_1162 = arith.cmpi slt, %sub3A_1156, %lt3A_1161 : vector<16xi32>
        %and3A_1163 = arith.andi %ge3A_1159, %lt3A_1162 : vector<16xi1>
        %select_n3A_1164 = arith.select %and3A_1163, %sub3A_1156, %add3A_273 : vector<16xi1>, vector<16xi32>
        %swap3A_1165 = arith.index_cast %scan3A_1062 : i32 to index
        %swap3A_1166 = arith.constant 96 : index
        %swap3A_1167 = tpu.vector_load %arg7[%swap3A_1165, %swap3A_1166] {strides = array<i32>} : memref<28x128xi32, #tpu.memory_space<vmem>>, vector<16xi32>,
        tpu.vector_store %arg7[%swap3A_1165, %swap3A_1166], %select_n3A_1164 {strides = array<i32>} : memref<28x128xi32, #tpu.memory_space<vmem>>, vector<16xi32>,
        %get3A_1168 = arith.index_cast %scan3A_1062 : i32 to index
        %get3A_1169 = arith.constant 112 : index
        %get3A_1170 = tpu.vector_load %arg7[%get3A_1168, %get3A_1169] {strides = array<i32>} : memref<28x128xi32, #tpu.memory_space<vmem>>, vector<16xi32>,
        %sub3A_1171 = vector.broadcast %mul3A_0 : i32 to vector<16xi32>
        %sub3A_1172 = arith.subi %get3A_1170, %sub3A_1171 : vector<16xi32>
        %ge3A_1173 = arith.constant 0 : i32
        %ge3A_1174 = vector.broadcast %ge3A_1173 : i32 to vector<16xi32>
        %ge3A_1175 = arith.cmpi sge, %sub3A_1172, %ge3A_1174 : vector<16xi32>
        %lt3A_1176 = arith.constant 25088 : i32
        %lt3A_1177 = vector.broadcast %lt3A_1176 : i32 to vector<16xi32>
        %lt3A_1178 = arith.cmpi slt, %sub3A_1172, %lt3A_1177 : vector<16xi32>
        %and3A_1179 = arith.andi %ge3A_1175, %lt3A_1178 : vector<16xi1>
        %select_n3A_1180 = arith.select %and3A_1179, %sub3A_1172, %add3A_273 : vector<16xi1>, vector<16xi32>
        %swap3A_1181 = arith.index_cast %scan3A_1062 : i32 to index
        %swap3A_1182 = arith.constant 112 : index
        %swap3A_1183 = tpu.vector_load %arg7[%swap3A_1181, %swap3A_1182] {strides = array<i32>} : memref<28x128xi32, #tpu.memory_space<vmem>>, vector<16xi32>,
        tpu.vector_store %arg7[%swap3A_1181, %swap3A_1182], %select_n3A_1180 {strides = array<i32>} : memref<28x128xi32, #tpu.memory_space<vmem>>, vector<16xi32>,
      }
      %scan3A_279 = arith.constant 28 : i32
      %dma_start3A = arith.constant 0 : i32
      %dma_start3A_280 = arith.constant 0 : i32
      %dma_start3A_281 = tpu.memref_slice %arg6[%dma_start3A, %dma_start3A_280] : memref<28x128xi32, #tpu.memory_space<vmem>> -> memref<1x128xi32, #tpu.memory_space<vmem>>
      %dma_start3A_282 = tpu.memref_squeeze %dma_start3A_281 : memref<1x128xi32, #tpu.memory_space<vmem>> -> memref<128xi32, #tpu.memory_space<vmem>>
      %dma_start3A_283 = arith.constant 0 : i32
      %dma_start3A_284 = arith.constant 0 : i32
      %dma_start3A_285 = tpu.memref_slice %arg2[%dma_start3A_283, %dma_start3A_284] : memref<50176x64xf32, #tpu.memory_space<hbm>> -> memref<50176x64xf32, #tpu.memory_space<hbm>>
      tpu.enqueue_indirect_dma source(%dma_start3A_285 : memref<50176x64xf32, #tpu.memory_space<hbm>>) target(%arg8 : memref<128x64xf32, #tpu.memory_space<vmem>>) offsets(%dma_start3A_282 : memref<128xi32, #tpu.memory_space<vmem>>) semaphore(%arg12 : memref<!tpu.dma_semaphore, #tpu.memory_space<semaphore_mem>>)
      %dma_start3A_286 = arith.constant 1 : i32
      %dma_start3A_287 = arith.constant 0 : i32
      %dma_start3A_288 = tpu.memref_slice %arg6[%dma_start3A_286, %dma_start3A_287] : memref<28x128xi32, #tpu.memory_space<vmem>> -> memref<1x128xi32, #tpu.memory_space<vmem>>
      %dma_start3A_289 = tpu.memref_squeeze %dma_start3A_288 : memref<1x128xi32, #tpu.memory_space<vmem>> -> memref<128xi32, #tpu.memory_space<vmem>>
      %dma_start3A_290 = arith.constant 0 : i32
      %dma_start3A_291 = arith.constant 0 : i32
      %dma_start3A_292 = tpu.memref_slice %arg2[%dma_start3A_290, %dma_start3A_291] : memref<50176x64xf32, #tpu.memory_space<hbm>> -> memref<50176x64xf32, #tpu.memory_space<hbm>>
      tpu.enqueue_indirect_dma source(%dma_start3A_292 : memref<50176x64xf32, #tpu.memory_space<hbm>>) target(%arg9 : memref<128x64xf32, #tpu.memory_space<vmem>>) offsets(%dma_start3A_289 : memref<128xi32, #tpu.memory_space<vmem>>) semaphore(%arg13 : memref<!tpu.dma_semaphore, #tpu.memory_space<semaphore_mem>>)
      %dma_wait3A = arith.constant 0 : i32
      %dma_wait3A_293 = arith.constant 0 : i32
      %dma_wait3A_294 = tpu.memref_slice %arg6[%dma_wait3A, %dma_wait3A_293] : memref<28x128xi32, #tpu.memory_space<vmem>> -> memref<1x128xi32, #tpu.memory_space<vmem>>
      %dma_wait3A_295 = tpu.memref_squeeze %dma_wait3A_294 : memref<1x128xi32, #tpu.memory_space<vmem>> -> memref<128xi32, #tpu.memory_space<vmem>>
      %dma_wait3A_296 = arith.constant 0 : i32
      %dma_wait3A_297 = arith.constant 0 : i32
      %dma_wait3A_298 = tpu.memref_slice %arg2[%dma_wait3A_296, %dma_wait3A_297] : memref<50176x64xf32, #tpu.memory_space<hbm>> -> memref<50176x64xf32, #tpu.memory_space<hbm>>
      tpu.wait_indirect_dma semaphore(%arg12 : memref<!tpu.dma_semaphore, #tpu.memory_space<semaphore_mem>>) src(%dma_wait3A_298 : memref<50176x64xf32, #tpu.memory_space<hbm>>) dst(%arg8 : memref<128x64xf32, #tpu.memory_space<vmem>>)
      %dma_start3A_299 = arith.constant 0 : i32
      %dma_start3A_300 = arith.constant 0 : i32
      %dma_start3A_301 = tpu.memref_slice %arg7[%dma_start3A_299, %dma_start3A_300] : memref<28x128xi32, #tpu.memory_space<vmem>> -> memref<1x128xi32, #tpu.memory_space<vmem>>
      %dma_start3A_302 = tpu.memref_squeeze %dma_start3A_301 : memref<1x128xi32, #tpu.memory_space<vmem>> -> memref<128xi32, #tpu.memory_space<vmem>>
      %dma_start3A_303 = arith.constant 0 : i32
      %dma_start3A_304 = arith.constant 0 : i32
      %dma_start3A_305 = tpu.memref_slice %arg11[%dma_start3A_303, %dma_start3A_304] : memref<25104x64xf32, #tpu.memory_space<vmem_shared>> -> memref<25104x64xf32, #tpu.memory_space<vmem_shared>>
      tpu.enqueue_indirect_dma source(%arg8 : memref<128x64xf32, #tpu.memory_space<vmem>>) target(%dma_start3A_305 : memref<25104x64xf32, #tpu.memory_space<vmem_shared>>) offsets(%dma_start3A_302 : memref<128xi32, #tpu.memory_space<vmem>>) semaphore(%arg14 : memref<!tpu.dma_semaphore, #tpu.memory_space<semaphore_mem>>) {add = true}
      %dma_wait3A_306 = arith.constant 0 : i32
      %dma_wait3A_307 = arith.constant 0 : i32
      %dma_wait3A_308 = tpu.memref_slice %arg7[%dma_wait3A_306, %dma_wait3A_307] : memref<28x128xi32, #tpu.memory_space<vmem>> -> memref<1x128xi32, #tpu.memory_space<vmem>>
      %dma_wait3A_309 = tpu.memref_squeeze %dma_wait3A_308 : memref<1x128xi32, #tpu.memory_space<vmem>> -> memref<128xi32, #tpu.memory_space<vmem>>
      %dma_wait3A_310 = arith.constant 0 : i32
      %dma_wait3A_311 = arith.constant 0 : i32
      %dma_wait3A_312 = tpu.memref_slice %arg11[%dma_wait3A_310, %dma_wait3A_311] : memref<25104x64xf32, #tpu.memory_space<vmem_shared>> -> memref<25104x64xf32, #tpu.memory_space<vmem_shared>>
      tpu.wait_indirect_dma semaphore(%arg14 : memref<!tpu.dma_semaphore, #tpu.memory_space<semaphore_mem>>) src(%arg8 : memref<128x64xf32, #tpu.memory_space<vmem>>) dst(%dma_wait3A_312 : memref<25104x64xf32, #tpu.memory_space<vmem_shared>>)
      %dma_start3A_313 = arith.constant 2 : i32
      %dma_start3A_314 = arith.constant 0 : i32
      %dma_start3A_315 = tpu.memref_slice %arg6[%dma_start3A_313, %dma_start3A_314] : memref<28x128xi32, #tpu.memory_space<vmem>> -> memref<1x128xi32, #tpu.memory_space<vmem>>
      %dma_start3A_316 = tpu.memref_squeeze %dma_start3A_315 : memref<1x128xi32, #tpu.memory_space<vmem>> -> memref<128xi32, #tpu.memory_space<vmem>>
      %dma_start3A_317 = arith.constant 0 : i32
      %dma_start3A_318 = arith.constant 0 : i32
      %dma_start3A_319 = tpu.memref_slice %arg2[%dma_start3A_317, %dma_start3A_318] : memref<50176x64xf32, #tpu.memory_space<hbm>> -> memref<50176x64xf32, #tpu.memory_space<hbm>>
      tpu.enqueue_indirect_dma source(%dma_start3A_319 : memref<50176x64xf32, #tpu.memory_space<hbm>>) target(%arg8 : memref<128x64xf32, #tpu.memory_space<vmem>>) offsets(%dma_start3A_316 : memref<128xi32, #tpu.memory_space<vmem>>) semaphore(%arg12 : memref<!tpu.dma_semaphore, #tpu.memory_space<semaphore_mem>>)
      %dma_wait3A_320 = arith.constant 1 : i32
      %dma_wait3A_321 = arith.constant 0 : i32
      %dma_wait3A_322 = tpu.memref_slice %arg6[%dma_wait3A_320, %dma_wait3A_321] : memref<28x128xi32, #tpu.memory_space<vmem>> -> memref<1x128xi32, #tpu.memory_space<vmem>>
      %dma_wait3A_323 = tpu.memref_squeeze %dma_wait3A_322 : memref<1x128xi32, #tpu.memory_space<vmem>> -> memref<128xi32, #tpu.memory_space<vmem>>
      %dma_wait3A_324 = arith.constant 0 : i32
      %dma_wait3A_325 = arith.constant 0 : i32
      %dma_wait3A_326 = tpu.memref_slice %arg2[%dma_wait3A_324, %dma_wait3A_325] : memref<50176x64xf32, #tpu.memory_space<hbm>> -> memref<50176x64xf32, #tpu.memory_space<hbm>>
      tpu.wait_indirect_dma semaphore(%arg13 : memref<!tpu.dma_semaphore, #tpu.memory_space<semaphore_mem>>) src(%dma_wait3A_326 : memref<50176x64xf32, #tpu.memory_space<hbm>>) dst(%arg9 : memref<128x64xf32, #tpu.memory_space<vmem>>)
      %dma_start3A_327 = arith.constant 1 : i32
      %dma_start3A_328 = arith.constant 0 : i32
      %dma_start3A_329 = tpu.memref_slice %arg7[%dma_start3A_327, %dma_start3A_328] : memref<28x128xi32, #tpu.memory_space<vmem>> -> memref<1x128xi32, #tpu.memory_space<vmem>>
      %dma_start3A_330 = tpu.memref_squeeze %dma_start3A_329 : memref<1x128xi32, #tpu.memory_space<vmem>> -> memref<128xi32, #tpu.memory_space<vmem>>
      %dma_start3A_331 = arith.constant 0 : i32
      %dma_start3A_332 = arith.constant 0 : i32
      %dma_start3A_333 = tpu.memref_slice %arg11[%dma_start3A_331, %dma_start3A_332] : memref<25104x64xf32, #tpu.memory_space<vmem_shared>> -> memref<25104x64xf32, #tpu.memory_space<vmem_shared>>
      tpu.enqueue_indirect_dma source(%arg9 : memref<128x64xf32, #tpu.memory_space<vmem>>) target(%dma_start3A_333 : memref<25104x64xf32, #tpu.memory_space<vmem_shared>>) offsets(%dma_start3A_330 : memref<128xi32, #tpu.memory_space<vmem>>) semaphore(%arg15 : memref<!tpu.dma_semaphore, #tpu.memory_space<semaphore_mem>>) {add = true}
      %dma_wait3A_334 = arith.constant 1 : i32
      %dma_wait3A_335 = arith.constant 0 : i32
      %dma_wait3A_336 = tpu.memref_slice %arg7[%dma_wait3A_334, %dma_wait3A_335] : memref<28x128xi32, #tpu.memory_space<vmem>> -> memref<1x128xi32, #tpu.memory_space<vmem>>
      %dma_wait3A_337 = tpu.memref_squeeze %dma_wait3A_336 : memref<1x128xi32, #tpu.memory_space<vmem>> -> memref<128xi32, #tpu.memory_space<vmem>>
      %dma_wait3A_338 = arith.constant 0 : i32
      %dma_wait3A_339 = arith.constant 0 : i32
      %dma_wait3A_340 = tpu.memref_slice %arg11[%dma_wait3A_338, %dma_wait3A_339] : memref<25104x64xf32, #tpu.memory_space<vmem_shared>> -> memref<25104x64xf32, #tpu.memory_space<vmem_shared>>
      tpu.wait_indirect_dma semaphore(%arg15 : memref<!tpu.dma_semaphore, #tpu.memory_space<semaphore_mem>>) src(%arg9 : memref<128x64xf32, #tpu.memory_space<vmem>>) dst(%dma_wait3A_340 : memref<25104x64xf32, #tpu.memory_space<vmem_shared>>)
      %dma_start3A_341 = arith.constant 3 : i32
      %dma_start3A_342 = arith.constant 0 : i32
      %dma_start3A_343 = tpu.memref_slice %arg6[%dma_start3A_341, %dma_start3A_342] : memref<28x128xi32, #tpu.memory_space<vmem>> -> memref<1x128xi32, #tpu.memory_space<vmem>>
      %dma_start3A_344 = tpu.memref_squeeze %dma_start3A_343 : memref<1x128xi32, #tpu.memory_space<vmem>> -> memref<128xi32, #tpu.memory_space<vmem>>
      %dma_start3A_345 = arith.constant 0 : i32
      %dma_start3A_346 = arith.constant 0 : i32
      %dma_start3A_347 = tpu.memref_slice %arg2[%dma_start3A_345, %dma_start3A_346] : memref<50176x64xf32, #tpu.memory_space<hbm>> -> memref<50176x64xf32, #tpu.memory_space<hbm>>
      tpu.enqueue_indirect_dma source(%dma_start3A_347 : memref<50176x64xf32, #tpu.memory_space<hbm>>) target(%arg9 : memref<128x64xf32, #tpu.memory_space<vmem>>) offsets(%dma_start3A_344 : memref<128xi32, #tpu.memory_space<vmem>>) semaphore(%arg13 : memref<!tpu.dma_semaphore, #tpu.memory_space<semaphore_mem>>)
      %dma_wait3A_348 = arith.constant 2 : i32
      %dma_wait3A_349 = arith.constant 0 : i32
      %dma_wait3A_350 = tpu.memref_slice %arg6[%dma_wait3A_348, %dma_wait3A_349] : memref<28x128xi32, #tpu.memory_space<vmem>> -> memref<1x128xi32, #tpu.memory_space<vmem>>
      %dma_wait3A_351 = tpu.memref_squeeze %dma_wait3A_350 : memref<1x128xi32, #tpu.memory_space<vmem>> -> memref<128xi32, #tpu.memory_space<vmem>>
      %dma_wait3A_352 = arith.constant 0 : i32
      %dma_wait3A_353 = arith.constant 0 : i32
      %dma_wait3A_354 = tpu.memref_slice %arg2[%dma_wait3A_352, %dma_wait3A_353] : memref<50176x64xf32, #tpu.memory_space<hbm>> -> memref<50176x64xf32, #tpu.memory_space<hbm>>
      tpu.wait_indirect_dma semaphore(%arg12 : memref<!tpu.dma_semaphore, #tpu.memory_space<semaphore_mem>>) src(%dma_wait3A_354 : memref<50176x64xf32, #tpu.memory_space<hbm>>) dst(%arg8 : memref<128x64xf32, #tpu.memory_space<vmem>>)
      %dma_start3A_355 = arith.constant 2 : i32
      %dma_start3A_356 = arith.constant 0 : i32
      %dma_start3A_357 = tpu.memref_slice %arg7[%dma_start3A_355, %dma_start3A_356] : memref<28x128xi32, #tpu.memory_space<vmem>> -> memref<1x128xi32, #tpu.memory_space<vmem>>
      %dma_start3A_358 = tpu.memref_squeeze %dma_start3A_357 : memref<1x128xi32, #tpu.memory_space<vmem>> -> memref<128xi32, #tpu.memory_space<vmem>>
      %dma_start3A_359 = arith.constant 0 : i32
      %dma_start3A_360 = arith.constant 0 : i32
      %dma_start3A_361 = tpu.memref_slice %arg11[%dma_start3A_359, %dma_start3A_360] : memref<25104x64xf32, #tpu.memory_space<vmem_shared>> -> memref<25104x64xf32, #tpu.memory_space<vmem_shared>>
      tpu.enqueue_indirect_dma source(%arg8 : memref<128x64xf32, #tpu.memory_space<vmem>>) target(%dma_start3A_361 : memref<25104x64xf32, #tpu.memory_space<vmem_shared>>) offsets(%dma_start3A_358 : memref<128xi32, #tpu.memory_space<vmem>>) semaphore(%arg14 : memref<!tpu.dma_semaphore, #tpu.memory_space<semaphore_mem>>) {add = true}
      %dma_wait3A_362 = arith.constant 2 : i32
      %dma_wait3A_363 = arith.constant 0 : i32
      %dma_wait3A_364 = tpu.memref_slice %arg7[%dma_wait3A_362, %dma_wait3A_363] : memref<28x128xi32, #tpu.memory_space<vmem>> -> memref<1x128xi32, #tpu.memory_space<vmem>>
      %dma_wait3A_365 = tpu.memref_squeeze %dma_wait3A_364 : memref<1x128xi32, #tpu.memory_space<vmem>> -> memref<128xi32, #tpu.memory_space<vmem>>
      %dma_wait3A_366 = arith.constant 0 : i32
      %dma_wait3A_367 = arith.constant 0 : i32
      %dma_wait3A_368 = tpu.memref_slice %arg11[%dma_wait3A_366, %dma_wait3A_367] : memref<25104x64xf32, #tpu.memory_space<vmem_shared>> -> memref<25104x64xf32, #tpu.memory_space<vmem_shared>>
      tpu.wait_indirect_dma semaphore(%arg14 : memref<!tpu.dma_semaphore, #tpu.memory_space<semaphore_mem>>) src(%arg8 : memref<128x64xf32, #tpu.memory_space<vmem>>) dst(%dma_wait3A_368 : memref<25104x64xf32, #tpu.memory_space<vmem_shared>>)
      %dma_start3A_369 = arith.constant 4 : i32
      %dma_start3A_370 = arith.constant 0 : i32
      %dma_start3A_371 = tpu.memref_slice %arg6[%dma_start3A_369, %dma_start3A_370] : memref<28x128xi32, #tpu.memory_space<vmem>> -> memref<1x128xi32, #tpu.memory_space<vmem>>
      %dma_start3A_372 = tpu.memref_squeeze %dma_start3A_371 : memref<1x128xi32, #tpu.memory_space<vmem>> -> memref<128xi32, #tpu.memory_space<vmem>>
      %dma_start3A_373 = arith.constant 0 : i32
      %dma_start3A_374 = arith.constant 0 : i32
      %dma_start3A_375 = tpu.memref_slice %arg2[%dma_start3A_373, %dma_start3A_374] : memref<50176x64xf32, #tpu.memory_space<hbm>> -> memref<50176x64xf32, #tpu.memory_space<hbm>>
      tpu.enqueue_indirect_dma source(%dma_start3A_375 : memref<50176x64xf32, #tpu.memory_space<hbm>>) target(%arg8 : memref<128x64xf32, #tpu.memory_space<vmem>>) offsets(%dma_start3A_372 : memref<128xi32, #tpu.memory_space<vmem>>) semaphore(%arg12 : memref<!tpu.dma_semaphore, #tpu.memory_space<semaphore_mem>>)
      %dma_wait3A_376 = arith.constant 3 : i32
      %dma_wait3A_377 = arith.constant 0 : i32
      %dma_wait3A_378 = tpu.memref_slice %arg6[%dma_wait3A_376, %dma_wait3A_377] : memref<28x128xi32, #tpu.memory_space<vmem>> -> memref<1x128xi32, #tpu.memory_space<vmem>>
      %dma_wait3A_379 = tpu.memref_squeeze %dma_wait3A_378 : memref<1x128xi32, #tpu.memory_space<vmem>> -> memref<128xi32, #tpu.memory_space<vmem>>
      %dma_wait3A_380 = arith.constant 0 : i32
      %dma_wait3A_381 = arith.constant 0 : i32
      %dma_wait3A_382 = tpu.memref_slice %arg2[%dma_wait3A_380, %dma_wait3A_381] : memref<50176x64xf32, #tpu.memory_space<hbm>> -> memref<50176x64xf32, #tpu.memory_space<hbm>>
      tpu.wait_indirect_dma semaphore(%arg13 : memref<!tpu.dma_semaphore, #tpu.memory_space<semaphore_mem>>) src(%dma_wait3A_382 : memref<50176x64xf32, #tpu.memory_space<hbm>>) dst(%arg9 : memref<128x64xf32, #tpu.memory_space<vmem>>)
      %dma_start3A_383 = arith.constant 3 : i32
      %dma_start3A_384 = arith.constant 0 : i32
      %dma_start3A_385 = tpu.memref_slice %arg7[%dma_start3A_383, %dma_start3A_384] : memref<28x128xi32, #tpu.memory_space<vmem>> -> memref<1x128xi32, #tpu.memory_space<vmem>>
      %dma_start3A_386 = tpu.memref_squeeze %dma_start3A_385 : memref<1x128xi32, #tpu.memory_space<vmem>> -> memref<128xi32, #tpu.memory_space<vmem>>
      %dma_start3A_387 = arith.constant 0 : i32
      %dma_start3A_388 = arith.constant 0 : i32
      %dma_start3A_389 = tpu.memref_slice %arg11[%dma_start3A_387, %dma_start3A_388] : memref<25104x64xf32, #tpu.memory_space<vmem_shared>> -> memref<25104x64xf32, #tpu.memory_space<vmem_shared>>
      tpu.enqueue_indirect_dma source(%arg9 : memref<128x64xf32, #tpu.memory_space<vmem>>) target(%dma_start3A_389 : memref<25104x64xf32, #tpu.memory_space<vmem_shared>>) offsets(%dma_start3A_386 : memref<128xi32, #tpu.memory_space<vmem>>) semaphore(%arg15 : memref<!tpu.dma_semaphore, #tpu.memory_space<semaphore_mem>>) {add = true}
      %dma_wait3A_390 = arith.constant 3 : i32
      %dma_wait3A_391 = arith.constant 0 : i32
      %dma_wait3A_392 = tpu.memref_slice %arg7[%dma_wait3A_390, %dma_wait3A_391] : memref<28x128xi32, #tpu.memory_space<vmem>> -> memref<1x128xi32, #tpu.memory_space<vmem>>
      %dma_wait3A_393 = tpu.memref_squeeze %dma_wait3A_392 : memref<1x128xi32, #tpu.memory_space<vmem>> -> memref<128xi32, #tpu.memory_space<vmem>>
      %dma_wait3A_394 = arith.constant 0 : i32
      %dma_wait3A_395 = arith.constant 0 : i32
      %dma_wait3A_396 = tpu.memref_slice %arg11[%dma_wait3A_394, %dma_wait3A_395] : memref<25104x64xf32, #tpu.memory_space<vmem_shared>> -> memref<25104x64xf32, #tpu.memory_space<vmem_shared>>
      tpu.wait_indirect_dma semaphore(%arg15 : memref<!tpu.dma_semaphore, #tpu.memory_space<semaphore_mem>>) src(%arg9 : memref<128x64xf32, #tpu.memory_space<vmem>>) dst(%dma_wait3A_396 : memref<25104x64xf32, #tpu.memory_space<vmem_shared>>)
      %dma_start3A_397 = arith.constant 5 : i32
      %dma_start3A_398 = arith.constant 0 : i32
      %dma_start3A_399 = tpu.memref_slice %arg6[%dma_start3A_397, %dma_start3A_398] : memref<28x128xi32, #tpu.memory_space<vmem>> -> memref<1x128xi32, #tpu.memory_space<vmem>>
      %dma_start3A_400 = tpu.memref_squeeze %dma_start3A_399 : memref<1x128xi32, #tpu.memory_space<vmem>> -> memref<128xi32, #tpu.memory_space<vmem>>
      %dma_start3A_401 = arith.constant 0 : i32
      %dma_start3A_402 = arith.constant 0 : i32
      %dma_start3A_403 = tpu.memref_slice %arg2[%dma_start3A_401, %dma_start3A_402] : memref<50176x64xf32, #tpu.memory_space<hbm>> -> memref<50176x64xf32, #tpu.memory_space<hbm>>
      tpu.enqueue_indirect_dma source(%dma_start3A_403 : memref<50176x64xf32, #tpu.memory_space<hbm>>) target(%arg9 : memref<128x64xf32, #tpu.memory_space<vmem>>) offsets(%dma_start3A_400 : memref<128xi32, #tpu.memory_space<vmem>>) semaphore(%arg13 : memref<!tpu.dma_semaphore, #tpu.memory_space<semaphore_mem>>)
      %dma_wait3A_404 = arith.constant 4 : i32
      %dma_wait3A_405 = arith.constant 0 : i32
      %dma_wait3A_406 = tpu.memref_slice %arg6[%dma_wait3A_404, %dma_wait3A_405] : memref<28x128xi32, #tpu.memory_space<vmem>> -> memref<1x128xi32, #tpu.memory_space<vmem>>
      %dma_wait3A_407 = tpu.memref_squeeze %dma_wait3A_406 : memref<1x128xi32, #tpu.memory_space<vmem>> -> memref<128xi32, #tpu.memory_space<vmem>>
      %dma_wait3A_408 = arith.constant 0 : i32
      %dma_wait3A_409 = arith.constant 0 : i32
      %dma_wait3A_410 = tpu.memref_slice %arg2[%dma_wait3A_408, %dma_wait3A_409] : memref<50176x64xf32, #tpu.memory_space<hbm>> -> memref<50176x64xf32, #tpu.memory_space<hbm>>
      tpu.wait_indirect_dma semaphore(%arg12 : memref<!tpu.dma_semaphore, #tpu.memory_space<semaphore_mem>>) src(%dma_wait3A_410 : memref<50176x64xf32, #tpu.memory_space<hbm>>) dst(%arg8 : memref<128x64xf32, #tpu.memory_space<vmem>>)
      %dma_start3A_411 = arith.constant 4 : i32
      %dma_start3A_412 = arith.constant 0 : i32
      %dma_start3A_413 = tpu.memref_slice %arg7[%dma_start3A_411, %dma_start3A_412] : memref<28x128xi32, #tpu.memory_space<vmem>> -> memref<1x128xi32, #tpu.memory_space<vmem>>
      %dma_start3A_414 = tpu.memref_squeeze %dma_start3A_413 : memref<1x128xi32, #tpu.memory_space<vmem>> -> memref<128xi32, #tpu.memory_space<vmem>>
      %dma_start3A_415 = arith.constant 0 : i32
      %dma_start3A_416 = arith.constant 0 : i32
      %dma_start3A_417 = tpu.memref_slice %arg11[%dma_start3A_415, %dma_start3A_416] : memref<25104x64xf32, #tpu.memory_space<vmem_shared>> -> memref<25104x64xf32, #tpu.memory_space<vmem_shared>>
      tpu.enqueue_indirect_dma source(%arg8 : memref<128x64xf32, #tpu.memory_space<vmem>>) target(%dma_start3A_417 : memref<25104x64xf32, #tpu.memory_space<vmem_shared>>) offsets(%dma_start3A_414 : memref<128xi32, #tpu.memory_space<vmem>>) semaphore(%arg14 : memref<!tpu.dma_semaphore, #tpu.memory_space<semaphore_mem>>) {add = true}
      %dma_wait3A_418 = arith.constant 4 : i32
      %dma_wait3A_419 = arith.constant 0 : i32
      %dma_wait3A_420 = tpu.memref_slice %arg7[%dma_wait3A_418, %dma_wait3A_419] : memref<28x128xi32, #tpu.memory_space<vmem>> -> memref<1x128xi32, #tpu.memory_space<vmem>>
      %dma_wait3A_421 = tpu.memref_squeeze %dma_wait3A_420 : memref<1x128xi32, #tpu.memory_space<vmem>> -> memref<128xi32, #tpu.memory_space<vmem>>
      %dma_wait3A_422 = arith.constant 0 : i32
      %dma_wait3A_423 = arith.constant 0 : i32
      %dma_wait3A_424 = tpu.memref_slice %arg11[%dma_wait3A_422, %dma_wait3A_423] : memref<25104x64xf32, #tpu.memory_space<vmem_shared>> -> memref<25104x64xf32, #tpu.memory_space<vmem_shared>>
      tpu.wait_indirect_dma semaphore(%arg14 : memref<!tpu.dma_semaphore, #tpu.memory_space<semaphore_mem>>) src(%arg8 : memref<128x64xf32, #tpu.memory_space<vmem>>) dst(%dma_wait3A_424 : memref<25104x64xf32, #tpu.memory_space<vmem_shared>>)
      %dma_start3A_425 = arith.constant 6 : i32
      %dma_start3A_426 = arith.constant 0 : i32
      %dma_start3A_427 = tpu.memref_slice %arg6[%dma_start3A_425, %dma_start3A_426] : memref<28x128xi32, #tpu.memory_space<vmem>> -> memref<1x128xi32, #tpu.memory_space<vmem>>
      %dma_start3A_428 = tpu.memref_squeeze %dma_start3A_427 : memref<1x128xi32, #tpu.memory_space<vmem>> -> memref<128xi32, #tpu.memory_space<vmem>>
      %dma_start3A_429 = arith.constant 0 : i32
      %dma_start3A_430 = arith.constant 0 : i32
      %dma_start3A_431 = tpu.memref_slice %arg2[%dma_start3A_429, %dma_start3A_430] : memref<50176x64xf32, #tpu.memory_space<hbm>> -> memref<50176x64xf32, #tpu.memory_space<hbm>>
      tpu.enqueue_indirect_dma source(%dma_start3A_431 : memref<50176x64xf32, #tpu.memory_space<hbm>>) target(%arg8 : memref<128x64xf32, #tpu.memory_space<vmem>>) offsets(%dma_start3A_428 : memref<128xi32, #tpu.memory_space<vmem>>) semaphore(%arg12 : memref<!tpu.dma_semaphore, #tpu.memory_space<semaphore_mem>>)
      %dma_wait3A_432 = arith.constant 5 : i32
      %dma_wait3A_433 = arith.constant 0 : i32
      %dma_wait3A_434 = tpu.memref_slice %arg6[%dma_wait3A_432, %dma_wait3A_433] : memref<28x128xi32, #tpu.memory_space<vmem>> -> memref<1x128xi32, #tpu.memory_space<vmem>>
      %dma_wait3A_435 = tpu.memref_squeeze %dma_wait3A_434 : memref<1x128xi32, #tpu.memory_space<vmem>> -> memref<128xi32, #tpu.memory_space<vmem>>
      %dma_wait3A_436 = arith.constant 0 : i32
      %dma_wait3A_437 = arith.constant 0 : i32
      %dma_wait3A_438 = tpu.memref_slice %arg2[%dma_wait3A_436, %dma_wait3A_437] : memref<50176x64xf32, #tpu.memory_space<hbm>> -> memref<50176x64xf32, #tpu.memory_space<hbm>>
      tpu.wait_indirect_dma semaphore(%arg13 : memref<!tpu.dma_semaphore, #tpu.memory_space<semaphore_mem>>) src(%dma_wait3A_438 : memref<50176x64xf32, #tpu.memory_space<hbm>>) dst(%arg9 : memref<128x64xf32, #tpu.memory_space<vmem>>)
      %dma_start3A_439 = arith.constant 5 : i32
      %dma_start3A_440 = arith.constant 0 : i32
      %dma_start3A_441 = tpu.memref_slice %arg7[%dma_start3A_439, %dma_start3A_440] : memref<28x128xi32, #tpu.memory_space<vmem>> -> memref<1x128xi32, #tpu.memory_space<vmem>>
      %dma_start3A_442 = tpu.memref_squeeze %dma_start3A_441 : memref<1x128xi32, #tpu.memory_space<vmem>> -> memref<128xi32, #tpu.memory_space<vmem>>
      %dma_start3A_443 = arith.constant 0 : i32
      %dma_start3A_444 = arith.constant 0 : i32
      %dma_start3A_445 = tpu.memref_slice %arg11[%dma_start3A_443, %dma_start3A_444] : memref<25104x64xf32, #tpu.memory_space<vmem_shared>> -> memref<25104x64xf32, #tpu.memory_space<vmem_shared>>
      tpu.enqueue_indirect_dma source(%arg9 : memref<128x64xf32, #tpu.memory_space<vmem>>) target(%dma_start3A_445 : memref<25104x64xf32, #tpu.memory_space<vmem_shared>>) offsets(%dma_start3A_442 : memref<128xi32, #tpu.memory_space<vmem>>) semaphore(%arg15 : memref<!tpu.dma_semaphore, #tpu.memory_space<semaphore_mem>>) {add = true}
      %dma_wait3A_446 = arith.constant 5 : i32
      %dma_wait3A_447 = arith.constant 0 : i32
      %dma_wait3A_448 = tpu.memref_slice %arg7[%dma_wait3A_446, %dma_wait3A_447] : memref<28x128xi32, #tpu.memory_space<vmem>> -> memref<1x128xi32, #tpu.memory_space<vmem>>
      %dma_wait3A_449 = tpu.memref_squeeze %dma_wait3A_448 : memref<1x128xi32, #tpu.memory_space<vmem>> -> memref<128xi32, #tpu.memory_space<vmem>>
      %dma_wait3A_450 = arith.constant 0 : i32
      %dma_wait3A_451 = arith.constant 0 : i32
      %dma_wait3A_452 = tpu.memref_slice %arg11[%dma_wait3A_450, %dma_wait3A_451] : memref<25104x64xf32, #tpu.memory_space<vmem_shared>> -> memref<25104x64xf32, #tpu.memory_space<vmem_shared>>
      tpu.wait_indirect_dma semaphore(%arg15 : memref<!tpu.dma_semaphore, #tpu.memory_space<semaphore_mem>>) src(%arg9 : memref<128x64xf32, #tpu.memory_space<vmem>>) dst(%dma_wait3A_452 : memref<25104x64xf32, #tpu.memory_space<vmem_shared>>)
      %dma_start3A_453 = arith.constant 7 : i32
      %dma_start3A_454 = arith.constant 0 : i32
      %dma_start3A_455 = tpu.memref_slice %arg6[%dma_start3A_453, %dma_start3A_454] : memref<28x128xi32, #tpu.memory_space<vmem>> -> memref<1x128xi32, #tpu.memory_space<vmem>>
      %dma_start3A_456 = tpu.memref_squeeze %dma_start3A_455 : memref<1x128xi32, #tpu.memory_space<vmem>> -> memref<128xi32, #tpu.memory_space<vmem>>
      %dma_start3A_457 = arith.constant 0 : i32
      %dma_start3A_458 = arith.constant 0 : i32
      %dma_start3A_459 = tpu.memref_slice %arg2[%dma_start3A_457, %dma_start3A_458] : memref<50176x64xf32, #tpu.memory_space<hbm>> -> memref<50176x64xf32, #tpu.memory_space<hbm>>
      tpu.enqueue_indirect_dma source(%dma_start3A_459 : memref<50176x64xf32, #tpu.memory_space<hbm>>) target(%arg9 : memref<128x64xf32, #tpu.memory_space<vmem>>) offsets(%dma_start3A_456 : memref<128xi32, #tpu.memory_space<vmem>>) semaphore(%arg13 : memref<!tpu.dma_semaphore, #tpu.memory_space<semaphore_mem>>)
      %dma_wait3A_460 = arith.constant 6 : i32
      %dma_wait3A_461 = arith.constant 0 : i32
      %dma_wait3A_462 = tpu.memref_slice %arg6[%dma_wait3A_460, %dma_wait3A_461] : memref<28x128xi32, #tpu.memory_space<vmem>> -> memref<1x128xi32, #tpu.memory_space<vmem>>
      %dma_wait3A_463 = tpu.memref_squeeze %dma_wait3A_462 : memref<1x128xi32, #tpu.memory_space<vmem>> -> memref<128xi32, #tpu.memory_space<vmem>>
      %dma_wait3A_464 = arith.constant 0 : i32
      %dma_wait3A_465 = arith.constant 0 : i32
      %dma_wait3A_466 = tpu.memref_slice %arg2[%dma_wait3A_464, %dma_wait3A_465] : memref<50176x64xf32, #tpu.memory_space<hbm>> -> memref<50176x64xf32, #tpu.memory_space<hbm>>
      tpu.wait_indirect_dma semaphore(%arg12 : memref<!tpu.dma_semaphore, #tpu.memory_space<semaphore_mem>>) src(%dma_wait3A_466 : memref<50176x64xf32, #tpu.memory_space<hbm>>) dst(%arg8 : memref<128x64xf32, #tpu.memory_space<vmem>>)
      %dma_start3A_467 = arith.constant 6 : i32
      %dma_start3A_468 = arith.constant 0 : i32
      %dma_start3A_469 = tpu.memref_slice %arg7[%dma_start3A_467, %dma_start3A_468] : memref<28x128xi32, #tpu.memory_space<vmem>> -> memref<1x128xi32, #tpu.memory_space<vmem>>
      %dma_start3A_470 = tpu.memref_squeeze %dma_start3A_469 : memref<1x128xi32, #tpu.memory_space<vmem>> -> memref<128xi32, #tpu.memory_space<vmem>>
      %dma_start3A_471 = arith.constant 0 : i32
      %dma_start3A_472 = arith.constant 0 : i32
      %dma_start3A_473 = tpu.memref_slice %arg11[%dma_start3A_471, %dma_start3A_472] : memref<25104x64xf32, #tpu.memory_space<vmem_shared>> -> memref<25104x64xf32, #tpu.memory_space<vmem_shared>>
      tpu.enqueue_indirect_dma source(%arg8 : memref<128x64xf32, #tpu.memory_space<vmem>>) target(%dma_start3A_473 : memref<25104x64xf32, #tpu.memory_space<vmem_shared>>) offsets(%dma_start3A_470 : memref<128xi32, #tpu.memory_space<vmem>>) semaphore(%arg14 : memref<!tpu.dma_semaphore, #tpu.memory_space<semaphore_mem>>) {add = true}
      %dma_wait3A_474 = arith.constant 6 : i32
      %dma_wait3A_475 = arith.constant 0 : i32
      %dma_wait3A_476 = tpu.memref_slice %arg7[%dma_wait3A_474, %dma_wait3A_475] : memref<28x128xi32, #tpu.memory_space<vmem>> -> memref<1x128xi32, #tpu.memory_space<vmem>>
      %dma_wait3A_477 = tpu.memref_squeeze %dma_wait3A_476 : memref<1x128xi32, #tpu.memory_space<vmem>> -> memref<128xi32, #tpu.memory_space<vmem>>
      %dma_wait3A_478 = arith.constant 0 : i32
      %dma_wait3A_479 = arith.constant 0 : i32
      %dma_wait3A_480 = tpu.memref_slice %arg11[%dma_wait3A_478, %dma_wait3A_479] : memref<25104x64xf32, #tpu.memory_space<vmem_shared>> -> memref<25104x64xf32, #tpu.memory_space<vmem_shared>>
      tpu.wait_indirect_dma semaphore(%arg14 : memref<!tpu.dma_semaphore, #tpu.memory_space<semaphore_mem>>) src(%arg8 : memref<128x64xf32, #tpu.memory_space<vmem>>) dst(%dma_wait3A_480 : memref<25104x64xf32, #tpu.memory_space<vmem_shared>>)
      %dma_start3A_481 = arith.constant 8 : i32
      %dma_start3A_482 = arith.constant 0 : i32
      %dma_start3A_483 = tpu.memref_slice %arg6[%dma_start3A_481, %dma_start3A_482] : memref<28x128xi32, #tpu.memory_space<vmem>> -> memref<1x128xi32, #tpu.memory_space<vmem>>
      %dma_start3A_484 = tpu.memref_squeeze %dma_start3A_483 : memref<1x128xi32, #tpu.memory_space<vmem>> -> memref<128xi32, #tpu.memory_space<vmem>>
      %dma_start3A_485 = arith.constant 0 : i32
      %dma_start3A_486 = arith.constant 0 : i32
      %dma_start3A_487 = tpu.memref_slice %arg2[%dma_start3A_485, %dma_start3A_486] : memref<50176x64xf32, #tpu.memory_space<hbm>> -> memref<50176x64xf32, #tpu.memory_space<hbm>>
      tpu.enqueue_indirect_dma source(%dma_start3A_487 : memref<50176x64xf32, #tpu.memory_space<hbm>>) target(%arg8 : memref<128x64xf32, #tpu.memory_space<vmem>>) offsets(%dma_start3A_484 : memref<128xi32, #tpu.memory_space<vmem>>) semaphore(%arg12 : memref<!tpu.dma_semaphore, #tpu.memory_space<semaphore_mem>>)
      %dma_wait3A_488 = arith.constant 7 : i32
      %dma_wait3A_489 = arith.constant 0 : i32
      %dma_wait3A_490 = tpu.memref_slice %arg6[%dma_wait3A_488, %dma_wait3A_489] : memref<28x128xi32, #tpu.memory_space<vmem>> -> memref<1x128xi32, #tpu.memory_space<vmem>>
      %dma_wait3A_491 = tpu.memref_squeeze %dma_wait3A_490 : memref<1x128xi32, #tpu.memory_space<vmem>> -> memref<128xi32, #tpu.memory_space<vmem>>
      %dma_wait3A_492 = arith.constant 0 : i32
      %dma_wait3A_493 = arith.constant 0 : i32
      %dma_wait3A_494 = tpu.memref_slice %arg2[%dma_wait3A_492, %dma_wait3A_493] : memref<50176x64xf32, #tpu.memory_space<hbm>> -> memref<50176x64xf32, #tpu.memory_space<hbm>>
      tpu.wait_indirect_dma semaphore(%arg13 : memref<!tpu.dma_semaphore, #tpu.memory_space<semaphore_mem>>) src(%dma_wait3A_494 : memref<50176x64xf32, #tpu.memory_space<hbm>>) dst(%arg9 : memref<128x64xf32, #tpu.memory_space<vmem>>)
      %dma_start3A_495 = arith.constant 7 : i32
      %dma_start3A_496 = arith.constant 0 : i32
      %dma_start3A_497 = tpu.memref_slice %arg7[%dma_start3A_495, %dma_start3A_496] : memref<28x128xi32, #tpu.memory_space<vmem>> -> memref<1x128xi32, #tpu.memory_space<vmem>>
      %dma_start3A_498 = tpu.memref_squeeze %dma_start3A_497 : memref<1x128xi32, #tpu.memory_space<vmem>> -> memref<128xi32, #tpu.memory_space<vmem>>
      %dma_start3A_499 = arith.constant 0 : i32
      %dma_start3A_500 = arith.constant 0 : i32
      %dma_start3A_501 = tpu.memref_slice %arg11[%dma_start3A_499, %dma_start3A_500] : memref<25104x64xf32, #tpu.memory_space<vmem_shared>> -> memref<25104x64xf32, #tpu.memory_space<vmem_shared>>
      tpu.enqueue_indirect_dma source(%arg9 : memref<128x64xf32, #tpu.memory_space<vmem>>) target(%dma_start3A_501 : memref<25104x64xf32, #tpu.memory_space<vmem_shared>>) offsets(%dma_start3A_498 : memref<128xi32, #tpu.memory_space<vmem>>) semaphore(%arg15 : memref<!tpu.dma_semaphore, #tpu.memory_space<semaphore_mem>>) {add = true}
      %dma_wait3A_502 = arith.constant 7 : i32
      %dma_wait3A_503 = arith.constant 0 : i32
      %dma_wait3A_504 = tpu.memref_slice %arg7[%dma_wait3A_502, %dma_wait3A_503] : memref<28x128xi32, #tpu.memory_space<vmem>> -> memref<1x128xi32, #tpu.memory_space<vmem>>
      %dma_wait3A_505 = tpu.memref_squeeze %dma_wait3A_504 : memref<1x128xi32, #tpu.memory_space<vmem>> -> memref<128xi32, #tpu.memory_space<vmem>>
      %dma_wait3A_506 = arith.constant 0 : i32
      %dma_wait3A_507 = arith.constant 0 : i32
      %dma_wait3A_508 = tpu.memref_slice %arg11[%dma_wait3A_506, %dma_wait3A_507] : memref<25104x64xf32, #tpu.memory_space<vmem_shared>> -> memref<25104x64xf32, #tpu.memory_space<vmem_shared>>
      tpu.wait_indirect_dma semaphore(%arg15 : memref<!tpu.dma_semaphore, #tpu.memory_space<semaphore_mem>>) src(%arg9 : memref<128x64xf32, #tpu.memory_space<vmem>>) dst(%dma_wait3A_508 : memref<25104x64xf32, #tpu.memory_space<vmem_shared>>)
      %dma_start3A_509 = arith.constant 9 : i32
      %dma_start3A_510 = arith.constant 0 : i32
      %dma_start3A_511 = tpu.memref_slice %arg6[%dma_start3A_509, %dma_start3A_510] : memref<28x128xi32, #tpu.memory_space<vmem>> -> memref<1x128xi32, #tpu.memory_space<vmem>>
      %dma_start3A_512 = tpu.memref_squeeze %dma_start3A_511 : memref<1x128xi32, #tpu.memory_space<vmem>> -> memref<128xi32, #tpu.memory_space<vmem>>
      %dma_start3A_513 = arith.constant 0 : i32
      %dma_start3A_514 = arith.constant 0 : i32
      %dma_start3A_515 = tpu.memref_slice %arg2[%dma_start3A_513, %dma_start3A_514] : memref<50176x64xf32, #tpu.memory_space<hbm>> -> memref<50176x64xf32, #tpu.memory_space<hbm>>
      tpu.enqueue_indirect_dma source(%dma_start3A_515 : memref<50176x64xf32, #tpu.memory_space<hbm>>) target(%arg9 : memref<128x64xf32, #tpu.memory_space<vmem>>) offsets(%dma_start3A_512 : memref<128xi32, #tpu.memory_space<vmem>>) semaphore(%arg13 : memref<!tpu.dma_semaphore, #tpu.memory_space<semaphore_mem>>)
      %dma_wait3A_516 = arith.constant 8 : i32
      %dma_wait3A_517 = arith.constant 0 : i32
      %dma_wait3A_518 = tpu.memref_slice %arg6[%dma_wait3A_516, %dma_wait3A_517] : memref<28x128xi32, #tpu.memory_space<vmem>> -> memref<1x128xi32, #tpu.memory_space<vmem>>
      %dma_wait3A_519 = tpu.memref_squeeze %dma_wait3A_518 : memref<1x128xi32, #tpu.memory_space<vmem>> -> memref<128xi32, #tpu.memory_space<vmem>>
      %dma_wait3A_520 = arith.constant 0 : i32
      %dma_wait3A_521 = arith.constant 0 : i32
      %dma_wait3A_522 = tpu.memref_slice %arg2[%dma_wait3A_520, %dma_wait3A_521] : memref<50176x64xf32, #tpu.memory_space<hbm>> -> memref<50176x64xf32, #tpu.memory_space<hbm>>
      tpu.wait_indirect_dma semaphore(%arg12 : memref<!tpu.dma_semaphore, #tpu.memory_space<semaphore_mem>>) src(%dma_wait3A_522 : memref<50176x64xf32, #tpu.memory_space<hbm>>) dst(%arg8 : memref<128x64xf32, #tpu.memory_space<vmem>>)
      %dma_start3A_523 = arith.constant 8 : i32
      %dma_start3A_524 = arith.constant 0 : i32
      %dma_start3A_525 = tpu.memref_slice %arg7[%dma_start3A_523, %dma_start3A_524] : memref<28x128xi32, #tpu.memory_space<vmem>> -> memref<1x128xi32, #tpu.memory_space<vmem>>
      %dma_start3A_526 = tpu.memref_squeeze %dma_start3A_525 : memref<1x128xi32, #tpu.memory_space<vmem>> -> memref<128xi32, #tpu.memory_space<vmem>>
      %dma_start3A_527 = arith.constant 0 : i32
      %dma_start3A_528 = arith.constant 0 : i32
      %dma_start3A_529 = tpu.memref_slice %arg11[%dma_start3A_527, %dma_start3A_528] : memref<25104x64xf32, #tpu.memory_space<vmem_shared>> -> memref<25104x64xf32, #tpu.memory_space<vmem_shared>>
      tpu.enqueue_indirect_dma source(%arg8 : memref<128x64xf32, #tpu.memory_space<vmem>>) target(%dma_start3A_529 : memref<25104x64xf32, #tpu.memory_space<vmem_shared>>) offsets(%dma_start3A_526 : memref<128xi32, #tpu.memory_space<vmem>>) semaphore(%arg14 : memref<!tpu.dma_semaphore, #tpu.memory_space<semaphore_mem>>) {add = true}
      %dma_wait3A_530 = arith.constant 8 : i32
      %dma_wait3A_531 = arith.constant 0 : i32
      %dma_wait3A_532 = tpu.memref_slice %arg7[%dma_wait3A_530, %dma_wait3A_531] : memref<28x128xi32, #tpu.memory_space<vmem>> -> memref<1x128xi32, #tpu.memory_space<vmem>>
      %dma_wait3A_533 = tpu.memref_squeeze %dma_wait3A_532 : memref<1x128xi32, #tpu.memory_space<vmem>> -> memref<128xi32, #tpu.memory_space<vmem>>
      %dma_wait3A_534 = arith.constant 0 : i32
      %dma_wait3A_535 = arith.constant 0 : i32
      %dma_wait3A_536 = tpu.memref_slice %arg11[%dma_wait3A_534, %dma_wait3A_535] : memref<25104x64xf32, #tpu.memory_space<vmem_shared>> -> memref<25104x64xf32, #tpu.memory_space<vmem_shared>>
      tpu.wait_indirect_dma semaphore(%arg14 : memref<!tpu.dma_semaphore, #tpu.memory_space<semaphore_mem>>) src(%arg8 : memref<128x64xf32, #tpu.memory_space<vmem>>) dst(%dma_wait3A_536 : memref<25104x64xf32, #tpu.memory_space<vmem_shared>>)
      %dma_start3A_537 = arith.constant 10 : i32
      %dma_start3A_538 = arith.constant 0 : i32
      %dma_start3A_539 = tpu.memref_slice %arg6[%dma_start3A_537, %dma_start3A_538] : memref<28x128xi32, #tpu.memory_space<vmem>> -> memref<1x128xi32, #tpu.memory_space<vmem>>
      %dma_start3A_540 = tpu.memref_squeeze %dma_start3A_539 : memref<1x128xi32, #tpu.memory_space<vmem>> -> memref<128xi32, #tpu.memory_space<vmem>>
      %dma_start3A_541 = arith.constant 0 : i32
      %dma_start3A_542 = arith.constant 0 : i32
      %dma_start3A_543 = tpu.memref_slice %arg2[%dma_start3A_541, %dma_start3A_542] : memref<50176x64xf32, #tpu.memory_space<hbm>> -> memref<50176x64xf32, #tpu.memory_space<hbm>>
      tpu.enqueue_indirect_dma source(%dma_start3A_543 : memref<50176x64xf32, #tpu.memory_space<hbm>>) target(%arg8 : memref<128x64xf32, #tpu.memory_space<vmem>>) offsets(%dma_start3A_540 : memref<128xi32, #tpu.memory_space<vmem>>) semaphore(%arg12 : memref<!tpu.dma_semaphore, #tpu.memory_space<semaphore_mem>>)
      %dma_wait3A_544 = arith.constant 9 : i32
      %dma_wait3A_545 = arith.constant 0 : i32
      %dma_wait3A_546 = tpu.memref_slice %arg6[%dma_wait3A_544, %dma_wait3A_545] : memref<28x128xi32, #tpu.memory_space<vmem>> -> memref<1x128xi32, #tpu.memory_space<vmem>>
      %dma_wait3A_547 = tpu.memref_squeeze %dma_wait3A_546 : memref<1x128xi32, #tpu.memory_space<vmem>> -> memref<128xi32, #tpu.memory_space<vmem>>
      %dma_wait3A_548 = arith.constant 0 : i32
      %dma_wait3A_549 = arith.constant 0 : i32
      %dma_wait3A_550 = tpu.memref_slice %arg2[%dma_wait3A_548, %dma_wait3A_549] : memref<50176x64xf32, #tpu.memory_space<hbm>> -> memref<50176x64xf32, #tpu.memory_space<hbm>>
      tpu.wait_indirect_dma semaphore(%arg13 : memref<!tpu.dma_semaphore, #tpu.memory_space<semaphore_mem>>) src(%dma_wait3A_550 : memref<50176x64xf32, #tpu.memory_space<hbm>>) dst(%arg9 : memref<128x64xf32, #tpu.memory_space<vmem>>)
      %dma_start3A_551 = arith.constant 9 : i32
      %dma_start3A_552 = arith.constant 0 : i32
      %dma_start3A_553 = tpu.memref_slice %arg7[%dma_start3A_551, %dma_start3A_552] : memref<28x128xi32, #tpu.memory_space<vmem>> -> memref<1x128xi32, #tpu.memory_space<vmem>>
      %dma_start3A_554 = tpu.memref_squeeze %dma_start3A_553 : memref<1x128xi32, #tpu.memory_space<vmem>> -> memref<128xi32, #tpu.memory_space<vmem>>
      %dma_start3A_555 = arith.constant 0 : i32
      %dma_start3A_556 = arith.constant 0 : i32
      %dma_start3A_557 = tpu.memref_slice %arg11[%dma_start3A_555, %dma_start3A_556] : memref<25104x64xf32, #tpu.memory_space<vmem_shared>> -> memref<25104x64xf32, #tpu.memory_space<vmem_shared>>
      tpu.enqueue_indirect_dma source(%arg9 : memref<128x64xf32, #tpu.memory_space<vmem>>) target(%dma_start3A_557 : memref<25104x64xf32, #tpu.memory_space<vmem_shared>>) offsets(%dma_start3A_554 : memref<128xi32, #tpu.memory_space<vmem>>) semaphore(%arg15 : memref<!tpu.dma_semaphore, #tpu.memory_space<semaphore_mem>>) {add = true}
      %dma_wait3A_558 = arith.constant 9 : i32
      %dma_wait3A_559 = arith.constant 0 : i32
      %dma_wait3A_560 = tpu.memref_slice %arg7[%dma_wait3A_558, %dma_wait3A_559] : memref<28x128xi32, #tpu.memory_space<vmem>> -> memref<1x128xi32, #tpu.memory_space<vmem>>
      %dma_wait3A_561 = tpu.memref_squeeze %dma_wait3A_560 : memref<1x128xi32, #tpu.memory_space<vmem>> -> memref<128xi32, #tpu.memory_space<vmem>>
      %dma_wait3A_562 = arith.constant 0 : i32
      %dma_wait3A_563 = arith.constant 0 : i32
      %dma_wait3A_564 = tpu.memref_slice %arg11[%dma_wait3A_562, %dma_wait3A_563] : memref<25104x64xf32, #tpu.memory_space<vmem_shared>> -> memref<25104x64xf32, #tpu.memory_space<vmem_shared>>
      tpu.wait_indirect_dma semaphore(%arg15 : memref<!tpu.dma_semaphore, #tpu.memory_space<semaphore_mem>>) src(%arg9 : memref<128x64xf32, #tpu.memory_space<vmem>>) dst(%dma_wait3A_564 : memref<25104x64xf32, #tpu.memory_space<vmem_shared>>)
      %dma_start3A_565 = arith.constant 11 : i32
      %dma_start3A_566 = arith.constant 0 : i32
      %dma_start3A_567 = tpu.memref_slice %arg6[%dma_start3A_565, %dma_start3A_566] : memref<28x128xi32, #tpu.memory_space<vmem>> -> memref<1x128xi32, #tpu.memory_space<vmem>>
      %dma_start3A_568 = tpu.memref_squeeze %dma_start3A_567 : memref<1x128xi32, #tpu.memory_space<vmem>> -> memref<128xi32, #tpu.memory_space<vmem>>
      %dma_start3A_569 = arith.constant 0 : i32
      %dma_start3A_570 = arith.constant 0 : i32
      %dma_start3A_571 = tpu.memref_slice %arg2[%dma_start3A_569, %dma_start3A_570] : memref<50176x64xf32, #tpu.memory_space<hbm>> -> memref<50176x64xf32, #tpu.memory_space<hbm>>
      tpu.enqueue_indirect_dma source(%dma_start3A_571 : memref<50176x64xf32, #tpu.memory_space<hbm>>) target(%arg9 : memref<128x64xf32, #tpu.memory_space<vmem>>) offsets(%dma_start3A_568 : memref<128xi32, #tpu.memory_space<vmem>>) semaphore(%arg13 : memref<!tpu.dma_semaphore, #tpu.memory_space<semaphore_mem>>)
      %dma_wait3A_572 = arith.constant 10 : i32
      %dma_wait3A_573 = arith.constant 0 : i32
      %dma_wait3A_574 = tpu.memref_slice %arg6[%dma_wait3A_572, %dma_wait3A_573] : memref<28x128xi32, #tpu.memory_space<vmem>> -> memref<1x128xi32, #tpu.memory_space<vmem>>
      %dma_wait3A_575 = tpu.memref_squeeze %dma_wait3A_574 : memref<1x128xi32, #tpu.memory_space<vmem>> -> memref<128xi32, #tpu.memory_space<vmem>>
      %dma_wait3A_576 = arith.constant 0 : i32
      %dma_wait3A_577 = arith.constant 0 : i32
      %dma_wait3A_578 = tpu.memref_slice %arg2[%dma_wait3A_576, %dma_wait3A_577] : memref<50176x64xf32, #tpu.memory_space<hbm>> -> memref<50176x64xf32, #tpu.memory_space<hbm>>
      tpu.wait_indirect_dma semaphore(%arg12 : memref<!tpu.dma_semaphore, #tpu.memory_space<semaphore_mem>>) src(%dma_wait3A_578 : memref<50176x64xf32, #tpu.memory_space<hbm>>) dst(%arg8 : memref<128x64xf32, #tpu.memory_space<vmem>>)
      %dma_start3A_579 = arith.constant 10 : i32
      %dma_start3A_580 = arith.constant 0 : i32
      %dma_start3A_581 = tpu.memref_slice %arg7[%dma_start3A_579, %dma_start3A_580] : memref<28x128xi32, #tpu.memory_space<vmem>> -> memref<1x128xi32, #tpu.memory_space<vmem>>
      %dma_start3A_582 = tpu.memref_squeeze %dma_start3A_581 : memref<1x128xi32, #tpu.memory_space<vmem>> -> memref<128xi32, #tpu.memory_space<vmem>>
      %dma_start3A_583 = arith.constant 0 : i32
      %dma_start3A_584 = arith.constant 0 : i32
      %dma_start3A_585 = tpu.memref_slice %arg11[%dma_start3A_583, %dma_start3A_584] : memref<25104x64xf32, #tpu.memory_space<vmem_shared>> -> memref<25104x64xf32, #tpu.memory_space<vmem_shared>>
      tpu.enqueue_indirect_dma source(%arg8 : memref<128x64xf32, #tpu.memory_space<vmem>>) target(%dma_start3A_585 : memref<25104x64xf32, #tpu.memory_space<vmem_shared>>) offsets(%dma_start3A_582 : memref<128xi32, #tpu.memory_space<vmem>>) semaphore(%arg14 : memref<!tpu.dma_semaphore, #tpu.memory_space<semaphore_mem>>) {add = true}
      %dma_wait3A_586 = arith.constant 10 : i32
      %dma_wait3A_587 = arith.constant 0 : i32
      %dma_wait3A_588 = tpu.memref_slice %arg7[%dma_wait3A_586, %dma_wait3A_587] : memref<28x128xi32, #tpu.memory_space<vmem>> -> memref<1x128xi32, #tpu.memory_space<vmem>>
      %dma_wait3A_589 = tpu.memref_squeeze %dma_wait3A_588 : memref<1x128xi32, #tpu.memory_space<vmem>> -> memref<128xi32, #tpu.memory_space<vmem>>
      %dma_wait3A_590 = arith.constant 0 : i32
      %dma_wait3A_591 = arith.constant 0 : i32
      %dma_wait3A_592 = tpu.memref_slice %arg11[%dma_wait3A_590, %dma_wait3A_591] : memref<25104x64xf32, #tpu.memory_space<vmem_shared>> -> memref<25104x64xf32, #tpu.memory_space<vmem_shared>>
      tpu.wait_indirect_dma semaphore(%arg14 : memref<!tpu.dma_semaphore, #tpu.memory_space<semaphore_mem>>) src(%arg8 : memref<128x64xf32, #tpu.memory_space<vmem>>) dst(%dma_wait3A_592 : memref<25104x64xf32, #tpu.memory_space<vmem_shared>>)
      %dma_start3A_593 = arith.constant 12 : i32
      %dma_start3A_594 = arith.constant 0 : i32
      %dma_start3A_595 = tpu.memref_slice %arg6[%dma_start3A_593, %dma_start3A_594] : memref<28x128xi32, #tpu.memory_space<vmem>> -> memref<1x128xi32, #tpu.memory_space<vmem>>
      %dma_start3A_596 = tpu.memref_squeeze %dma_start3A_595 : memref<1x128xi32, #tpu.memory_space<vmem>> -> memref<128xi32, #tpu.memory_space<vmem>>
      %dma_start3A_597 = arith.constant 0 : i32
      %dma_start3A_598 = arith.constant 0 : i32
      %dma_start3A_599 = tpu.memref_slice %arg2[%dma_start3A_597, %dma_start3A_598] : memref<50176x64xf32, #tpu.memory_space<hbm>> -> memref<50176x64xf32, #tpu.memory_space<hbm>>
      tpu.enqueue_indirect_dma source(%dma_start3A_599 : memref<50176x64xf32, #tpu.memory_space<hbm>>) target(%arg8 : memref<128x64xf32, #tpu.memory_space<vmem>>) offsets(%dma_start3A_596 : memref<128xi32, #tpu.memory_space<vmem>>) semaphore(%arg12 : memref<!tpu.dma_semaphore, #tpu.memory_space<semaphore_mem>>)
      %dma_wait3A_600 = arith.constant 11 : i32
      %dma_wait3A_601 = arith.constant 0 : i32
      %dma_wait3A_602 = tpu.memref_slice %arg6[%dma_wait3A_600, %dma_wait3A_601] : memref<28x128xi32, #tpu.memory_space<vmem>> -> memref<1x128xi32, #tpu.memory_space<vmem>>
      %dma_wait3A_603 = tpu.memref_squeeze %dma_wait3A_602 : memref<1x128xi32, #tpu.memory_space<vmem>> -> memref<128xi32, #tpu.memory_space<vmem>>
      %dma_wait3A_604 = arith.constant 0 : i32
      %dma_wait3A_605 = arith.constant 0 : i32
      %dma_wait3A_606 = tpu.memref_slice %arg2[%dma_wait3A_604, %dma_wait3A_605] : memref<50176x64xf32, #tpu.memory_space<hbm>> -> memref<50176x64xf32, #tpu.memory_space<hbm>>
      tpu.wait_indirect_dma semaphore(%arg13 : memref<!tpu.dma_semaphore, #tpu.memory_space<semaphore_mem>>) src(%dma_wait3A_606 : memref<50176x64xf32, #tpu.memory_space<hbm>>) dst(%arg9 : memref<128x64xf32, #tpu.memory_space<vmem>>)
      %dma_start3A_607 = arith.constant 11 : i32
      %dma_start3A_608 = arith.constant 0 : i32
      %dma_start3A_609 = tpu.memref_slice %arg7[%dma_start3A_607, %dma_start3A_608] : memref<28x128xi32, #tpu.memory_space<vmem>> -> memref<1x128xi32, #tpu.memory_space<vmem>>
      %dma_start3A_610 = tpu.memref_squeeze %dma_start3A_609 : memref<1x128xi32, #tpu.memory_space<vmem>> -> memref<128xi32, #tpu.memory_space<vmem>>
      %dma_start3A_611 = arith.constant 0 : i32
      %dma_start3A_612 = arith.constant 0 : i32
      %dma_start3A_613 = tpu.memref_slice %arg11[%dma_start3A_611, %dma_start3A_612] : memref<25104x64xf32, #tpu.memory_space<vmem_shared>> -> memref<25104x64xf32, #tpu.memory_space<vmem_shared>>
      tpu.enqueue_indirect_dma source(%arg9 : memref<128x64xf32, #tpu.memory_space<vmem>>) target(%dma_start3A_613 : memref<25104x64xf32, #tpu.memory_space<vmem_shared>>) offsets(%dma_start3A_610 : memref<128xi32, #tpu.memory_space<vmem>>) semaphore(%arg15 : memref<!tpu.dma_semaphore, #tpu.memory_space<semaphore_mem>>) {add = true}
      %dma_wait3A_614 = arith.constant 11 : i32
      %dma_wait3A_615 = arith.constant 0 : i32
      %dma_wait3A_616 = tpu.memref_slice %arg7[%dma_wait3A_614, %dma_wait3A_615] : memref<28x128xi32, #tpu.memory_space<vmem>> -> memref<1x128xi32, #tpu.memory_space<vmem>>
      %dma_wait3A_617 = tpu.memref_squeeze %dma_wait3A_616 : memref<1x128xi32, #tpu.memory_space<vmem>> -> memref<128xi32, #tpu.memory_space<vmem>>
      %dma_wait3A_618 = arith.constant 0 : i32
      %dma_wait3A_619 = arith.constant 0 : i32
      %dma_wait3A_620 = tpu.memref_slice %arg11[%dma_wait3A_618, %dma_wait3A_619] : memref<25104x64xf32, #tpu.memory_space<vmem_shared>> -> memref<25104x64xf32, #tpu.memory_space<vmem_shared>>
      tpu.wait_indirect_dma semaphore(%arg15 : memref<!tpu.dma_semaphore, #tpu.memory_space<semaphore_mem>>) src(%arg9 : memref<128x64xf32, #tpu.memory_space<vmem>>) dst(%dma_wait3A_620 : memref<25104x64xf32, #tpu.memory_space<vmem_shared>>)
      %dma_start3A_621 = arith.constant 13 : i32
      %dma_start3A_622 = arith.constant 0 : i32
      %dma_start3A_623 = tpu.memref_slice %arg6[%dma_start3A_621, %dma_start3A_622] : memref<28x128xi32, #tpu.memory_space<vmem>> -> memref<1x128xi32, #tpu.memory_space<vmem>>
      %dma_start3A_624 = tpu.memref_squeeze %dma_start3A_623 : memref<1x128xi32, #tpu.memory_space<vmem>> -> memref<128xi32, #tpu.memory_space<vmem>>
      %dma_start3A_625 = arith.constant 0 : i32
      %dma_start3A_626 = arith.constant 0 : i32
      %dma_start3A_627 = tpu.memref_slice %arg2[%dma_start3A_625, %dma_start3A_626] : memref<50176x64xf32, #tpu.memory_space<hbm>> -> memref<50176x64xf32, #tpu.memory_space<hbm>>
      tpu.enqueue_indirect_dma source(%dma_start3A_627 : memref<50176x64xf32, #tpu.memory_space<hbm>>) target(%arg9 : memref<128x64xf32, #tpu.memory_space<vmem>>) offsets(%dma_start3A_624 : memref<128xi32, #tpu.memory_space<vmem>>) semaphore(%arg13 : memref<!tpu.dma_semaphore, #tpu.memory_space<semaphore_mem>>)
      %dma_wait3A_628 = arith.constant 12 : i32
      %dma_wait3A_629 = arith.constant 0 : i32
      %dma_wait3A_630 = tpu.memref_slice %arg6[%dma_wait3A_628, %dma_wait3A_629] : memref<28x128xi32, #tpu.memory_space<vmem>> -> memref<1x128xi32, #tpu.memory_space<vmem>>
      %dma_wait3A_631 = tpu.memref_squeeze %dma_wait3A_630 : memref<1x128xi32, #tpu.memory_space<vmem>> -> memref<128xi32, #tpu.memory_space<vmem>>
      %dma_wait3A_632 = arith.constant 0 : i32
      %dma_wait3A_633 = arith.constant 0 : i32
      %dma_wait3A_634 = tpu.memref_slice %arg2[%dma_wait3A_632, %dma_wait3A_633] : memref<50176x64xf32, #tpu.memory_space<hbm>> -> memref<50176x64xf32, #tpu.memory_space<hbm>>
      tpu.wait_indirect_dma semaphore(%arg12 : memref<!tpu.dma_semaphore, #tpu.memory_space<semaphore_mem>>) src(%dma_wait3A_634 : memref<50176x64xf32, #tpu.memory_space<hbm>>) dst(%arg8 : memref<128x64xf32, #tpu.memory_space<vmem>>)
      %dma_start3A_635 = arith.constant 12 : i32
      %dma_start3A_636 = arith.constant 0 : i32
      %dma_start3A_637 = tpu.memref_slice %arg7[%dma_start3A_635, %dma_start3A_636] : memref<28x128xi32, #tpu.memory_space<vmem>> -> memref<1x128xi32, #tpu.memory_space<vmem>>
      %dma_start3A_638 = tpu.memref_squeeze %dma_start3A_637 : memref<1x128xi32, #tpu.memory_space<vmem>> -> memref<128xi32, #tpu.memory_space<vmem>>
      %dma_start3A_639 = arith.constant 0 : i32
      %dma_start3A_640 = arith.constant 0 : i32
      %dma_start3A_641 = tpu.memref_slice %arg11[%dma_start3A_639, %dma_start3A_640] : memref<25104x64xf32, #tpu.memory_space<vmem_shared>> -> memref<25104x64xf32, #tpu.memory_space<vmem_shared>>
      tpu.enqueue_indirect_dma source(%arg8 : memref<128x64xf32, #tpu.memory_space<vmem>>) target(%dma_start3A_641 : memref<25104x64xf32, #tpu.memory_space<vmem_shared>>) offsets(%dma_start3A_638 : memref<128xi32, #tpu.memory_space<vmem>>) semaphore(%arg14 : memref<!tpu.dma_semaphore, #tpu.memory_space<semaphore_mem>>) {add = true}
      %dma_wait3A_642 = arith.constant 12 : i32
      %dma_wait3A_643 = arith.constant 0 : i32
      %dma_wait3A_644 = tpu.memref_slice %arg7[%dma_wait3A_642, %dma_wait3A_643] : memref<28x128xi32, #tpu.memory_space<vmem>> -> memref<1x128xi32, #tpu.memory_space<vmem>>
      %dma_wait3A_645 = tpu.memref_squeeze %dma_wait3A_644 : memref<1x128xi32, #tpu.memory_space<vmem>> -> memref<128xi32, #tpu.memory_space<vmem>>
      %dma_wait3A_646 = arith.constant 0 : i32
      %dma_wait3A_647 = arith.constant 0 : i32
      %dma_wait3A_648 = tpu.memref_slice %arg11[%dma_wait3A_646, %dma_wait3A_647] : memref<25104x64xf32, #tpu.memory_space<vmem_shared>> -> memref<25104x64xf32, #tpu.memory_space<vmem_shared>>
      tpu.wait_indirect_dma semaphore(%arg14 : memref<!tpu.dma_semaphore, #tpu.memory_space<semaphore_mem>>) src(%arg8 : memref<128x64xf32, #tpu.memory_space<vmem>>) dst(%dma_wait3A_648 : memref<25104x64xf32, #tpu.memory_space<vmem_shared>>)
      %dma_start3A_649 = arith.constant 14 : i32
      %dma_start3A_650 = arith.constant 0 : i32
      %dma_start3A_651 = tpu.memref_slice %arg6[%dma_start3A_649, %dma_start3A_650] : memref<28x128xi32, #tpu.memory_space<vmem>> -> memref<1x128xi32, #tpu.memory_space<vmem>>
      %dma_start3A_652 = tpu.memref_squeeze %dma_start3A_651 : memref<1x128xi32, #tpu.memory_space<vmem>> -> memref<128xi32, #tpu.memory_space<vmem>>
      %dma_start3A_653 = arith.constant 0 : i32
      %dma_start3A_654 = arith.constant 0 : i32
      %dma_start3A_655 = tpu.memref_slice %arg2[%dma_start3A_653, %dma_start3A_654] : memref<50176x64xf32, #tpu.memory_space<hbm>> -> memref<50176x64xf32, #tpu.memory_space<hbm>>
      tpu.enqueue_indirect_dma source(%dma_start3A_655 : memref<50176x64xf32, #tpu.memory_space<hbm>>) target(%arg8 : memref<128x64xf32, #tpu.memory_space<vmem>>) offsets(%dma_start3A_652 : memref<128xi32, #tpu.memory_space<vmem>>) semaphore(%arg12 : memref<!tpu.dma_semaphore, #tpu.memory_space<semaphore_mem>>)
      %dma_wait3A_656 = arith.constant 13 : i32
      %dma_wait3A_657 = arith.constant 0 : i32
      %dma_wait3A_658 = tpu.memref_slice %arg6[%dma_wait3A_656, %dma_wait3A_657] : memref<28x128xi32, #tpu.memory_space<vmem>> -> memref<1x128xi32, #tpu.memory_space<vmem>>
      %dma_wait3A_659 = tpu.memref_squeeze %dma_wait3A_658 : memref<1x128xi32, #tpu.memory_space<vmem>> -> memref<128xi32, #tpu.memory_space<vmem>>
      %dma_wait3A_660 = arith.constant 0 : i32
      %dma_wait3A_661 = arith.constant 0 : i32
      %dma_wait3A_662 = tpu.memref_slice %arg2[%dma_wait3A_660, %dma_wait3A_661] : memref<50176x64xf32, #tpu.memory_space<hbm>> -> memref<50176x64xf32, #tpu.memory_space<hbm>>
      tpu.wait_indirect_dma semaphore(%arg13 : memref<!tpu.dma_semaphore, #tpu.memory_space<semaphore_mem>>) src(%dma_wait3A_662 : memref<50176x64xf32, #tpu.memory_space<hbm>>) dst(%arg9 : memref<128x64xf32, #tpu.memory_space<vmem>>)
      %dma_start3A_663 = arith.constant 13 : i32
      %dma_start3A_664 = arith.constant 0 : i32
      %dma_start3A_665 = tpu.memref_slice %arg7[%dma_start3A_663, %dma_start3A_664] : memref<28x128xi32, #tpu.memory_space<vmem>> -> memref<1x128xi32, #tpu.memory_space<vmem>>
      %dma_start3A_666 = tpu.memref_squeeze %dma_start3A_665 : memref<1x128xi32, #tpu.memory_space<vmem>> -> memref<128xi32, #tpu.memory_space<vmem>>
      %dma_start3A_667 = arith.constant 0 : i32
      %dma_start3A_668 = arith.constant 0 : i32
      %dma_start3A_669 = tpu.memref_slice %arg11[%dma_start3A_667, %dma_start3A_668] : memref<25104x64xf32, #tpu.memory_space<vmem_shared>> -> memref<25104x64xf32, #tpu.memory_space<vmem_shared>>
      tpu.enqueue_indirect_dma source(%arg9 : memref<128x64xf32, #tpu.memory_space<vmem>>) target(%dma_start3A_669 : memref<25104x64xf32, #tpu.memory_space<vmem_shared>>) offsets(%dma_start3A_666 : memref<128xi32, #tpu.memory_space<vmem>>) semaphore(%arg15 : memref<!tpu.dma_semaphore, #tpu.memory_space<semaphore_mem>>) {add = true}
      %dma_wait3A_670 = arith.constant 13 : i32
      %dma_wait3A_671 = arith.constant 0 : i32
      %dma_wait3A_672 = tpu.memref_slice %arg7[%dma_wait3A_670, %dma_wait3A_671] : memref<28x128xi32, #tpu.memory_space<vmem>> -> memref<1x128xi32, #tpu.memory_space<vmem>>
      %dma_wait3A_673 = tpu.memref_squeeze %dma_wait3A_672 : memref<1x128xi32, #tpu.memory_space<vmem>> -> memref<128xi32, #tpu.memory_space<vmem>>
      %dma_wait3A_674 = arith.constant 0 : i32
      %dma_wait3A_675 = arith.constant 0 : i32
      %dma_wait3A_676 = tpu.memref_slice %arg11[%dma_wait3A_674, %dma_wait3A_675] : memref<25104x64xf32, #tpu.memory_space<vmem_shared>> -> memref<25104x64xf32, #tpu.memory_space<vmem_shared>>
      tpu.wait_indirect_dma semaphore(%arg15 : memref<!tpu.dma_semaphore, #tpu.memory_space<semaphore_mem>>) src(%arg9 : memref<128x64xf32, #tpu.memory_space<vmem>>) dst(%dma_wait3A_676 : memref<25104x64xf32, #tpu.memory_space<vmem_shared>>)
      %dma_start3A_677 = arith.constant 15 : i32
      %dma_start3A_678 = arith.constant 0 : i32
      %dma_start3A_679 = tpu.memref_slice %arg6[%dma_start3A_677, %dma_start3A_678] : memref<28x128xi32, #tpu.memory_space<vmem>> -> memref<1x128xi32, #tpu.memory_space<vmem>>
      %dma_start3A_680 = tpu.memref_squeeze %dma_start3A_679 : memref<1x128xi32, #tpu.memory_space<vmem>> -> memref<128xi32, #tpu.memory_space<vmem>>
      %dma_start3A_681 = arith.constant 0 : i32
      %dma_start3A_682 = arith.constant 0 : i32
      %dma_start3A_683 = tpu.memref_slice %arg2[%dma_start3A_681, %dma_start3A_682] : memref<50176x64xf32, #tpu.memory_space<hbm>> -> memref<50176x64xf32, #tpu.memory_space<hbm>>
      tpu.enqueue_indirect_dma source(%dma_start3A_683 : memref<50176x64xf32, #tpu.memory_space<hbm>>) target(%arg9 : memref<128x64xf32, #tpu.memory_space<vmem>>) offsets(%dma_start3A_680 : memref<128xi32, #tpu.memory_space<vmem>>) semaphore(%arg13 : memref<!tpu.dma_semaphore, #tpu.memory_space<semaphore_mem>>)
      %dma_wait3A_684 = arith.constant 14 : i32
      %dma_wait3A_685 = arith.constant 0 : i32
      %dma_wait3A_686 = tpu.memref_slice %arg6[%dma_wait3A_684, %dma_wait3A_685] : memref<28x128xi32, #tpu.memory_space<vmem>> -> memref<1x128xi32, #tpu.memory_space<vmem>>
      %dma_wait3A_687 = tpu.memref_squeeze %dma_wait3A_686 : memref<1x128xi32, #tpu.memory_space<vmem>> -> memref<128xi32, #tpu.memory_space<vmem>>
      %dma_wait3A_688 = arith.constant 0 : i32
      %dma_wait3A_689 = arith.constant 0 : i32
      %dma_wait3A_690 = tpu.memref_slice %arg2[%dma_wait3A_688, %dma_wait3A_689] : memref<50176x64xf32, #tpu.memory_space<hbm>> -> memref<50176x64xf32, #tpu.memory_space<hbm>>
      tpu.wait_indirect_dma semaphore(%arg12 : memref<!tpu.dma_semaphore, #tpu.memory_space<semaphore_mem>>) src(%dma_wait3A_690 : memref<50176x64xf32, #tpu.memory_space<hbm>>) dst(%arg8 : memref<128x64xf32, #tpu.memory_space<vmem>>)
      %dma_start3A_691 = arith.constant 14 : i32
      %dma_start3A_692 = arith.constant 0 : i32
      %dma_start3A_693 = tpu.memref_slice %arg7[%dma_start3A_691, %dma_start3A_692] : memref<28x128xi32, #tpu.memory_space<vmem>> -> memref<1x128xi32, #tpu.memory_space<vmem>>
      %dma_start3A_694 = tpu.memref_squeeze %dma_start3A_693 : memref<1x128xi32, #tpu.memory_space<vmem>> -> memref<128xi32, #tpu.memory_space<vmem>>
      %dma_start3A_695 = arith.constant 0 : i32
      %dma_start3A_696 = arith.constant 0 : i32
      %dma_start3A_697 = tpu.memref_slice %arg11[%dma_start3A_695, %dma_start3A_696] : memref<25104x64xf32, #tpu.memory_space<vmem_shared>> -> memref<25104x64xf32, #tpu.memory_space<vmem_shared>>
      tpu.enqueue_indirect_dma source(%arg8 : memref<128x64xf32, #tpu.memory_space<vmem>>) target(%dma_start3A_697 : memref<25104x64xf32, #tpu.memory_space<vmem_shared>>) offsets(%dma_start3A_694 : memref<128xi32, #tpu.memory_space<vmem>>) semaphore(%arg14 : memref<!tpu.dma_semaphore, #tpu.memory_space<semaphore_mem>>) {add = true}
      %dma_wait3A_698 = arith.constant 14 : i32
      %dma_wait3A_699 = arith.constant 0 : i32
      %dma_wait3A_700 = tpu.memref_slice %arg7[%dma_wait3A_698, %dma_wait3A_699] : memref<28x128xi32, #tpu.memory_space<vmem>> -> memref<1x128xi32, #tpu.memory_space<vmem>>
      %dma_wait3A_701 = tpu.memref_squeeze %dma_wait3A_700 : memref<1x128xi32, #tpu.memory_space<vmem>> -> memref<128xi32, #tpu.memory_space<vmem>>
      %dma_wait3A_702 = arith.constant 0 : i32
      %dma_wait3A_703 = arith.constant 0 : i32
      %dma_wait3A_704 = tpu.memref_slice %arg11[%dma_wait3A_702, %dma_wait3A_703] : memref<25104x64xf32, #tpu.memory_space<vmem_shared>> -> memref<25104x64xf32, #tpu.memory_space<vmem_shared>>
      tpu.wait_indirect_dma semaphore(%arg14 : memref<!tpu.dma_semaphore, #tpu.memory_space<semaphore_mem>>) src(%arg8 : memref<128x64xf32, #tpu.memory_space<vmem>>) dst(%dma_wait3A_704 : memref<25104x64xf32, #tpu.memory_space<vmem_shared>>)
      %dma_start3A_705 = arith.constant 16 : i32
      %dma_start3A_706 = arith.constant 0 : i32
      %dma_start3A_707 = tpu.memref_slice %arg6[%dma_start3A_705, %dma_start3A_706] : memref<28x128xi32, #tpu.memory_space<vmem>> -> memref<1x128xi32, #tpu.memory_space<vmem>>
      %dma_start3A_708 = tpu.memref_squeeze %dma_start3A_707 : memref<1x128xi32, #tpu.memory_space<vmem>> -> memref<128xi32, #tpu.memory_space<vmem>>
      %dma_start3A_709 = arith.constant 0 : i32
      %dma_start3A_710 = arith.constant 0 : i32
      %dma_start3A_711 = tpu.memref_slice %arg2[%dma_start3A_709, %dma_start3A_710] : memref<50176x64xf32, #tpu.memory_space<hbm>> -> memref<50176x64xf32, #tpu.memory_space<hbm>>
      tpu.enqueue_indirect_dma source(%dma_start3A_711 : memref<50176x64xf32, #tpu.memory_space<hbm>>) target(%arg8 : memref<128x64xf32, #tpu.memory_space<vmem>>) offsets(%dma_start3A_708 : memref<128xi32, #tpu.memory_space<vmem>>) semaphore(%arg12 : memref<!tpu.dma_semaphore, #tpu.memory_space<semaphore_mem>>)
      %dma_wait3A_712 = arith.constant 15 : i32
      %dma_wait3A_713 = arith.constant 0 : i32
      %dma_wait3A_714 = tpu.memref_slice %arg6[%dma_wait3A_712, %dma_wait3A_713] : memref<28x128xi32, #tpu.memory_space<vmem>> -> memref<1x128xi32, #tpu.memory_space<vmem>>
      %dma_wait3A_715 = tpu.memref_squeeze %dma_wait3A_714 : memref<1x128xi32, #tpu.memory_space<vmem>> -> memref<128xi32, #tpu.memory_space<vmem>>
      %dma_wait3A_716 = arith.constant 0 : i32
      %dma_wait3A_717 = arith.constant 0 : i32
      %dma_wait3A_718 = tpu.memref_slice %arg2[%dma_wait3A_716, %dma_wait3A_717] : memref<50176x64xf32, #tpu.memory_space<hbm>> -> memref<50176x64xf32, #tpu.memory_space<hbm>>
      tpu.wait_indirect_dma semaphore(%arg13 : memref<!tpu.dma_semaphore, #tpu.memory_space<semaphore_mem>>) src(%dma_wait3A_718 : memref<50176x64xf32, #tpu.memory_space<hbm>>) dst(%arg9 : memref<128x64xf32, #tpu.memory_space<vmem>>)
      %dma_start3A_719 = arith.constant 15 : i32
      %dma_start3A_720 = arith.constant 0 : i32
      %dma_start3A_721 = tpu.memref_slice %arg7[%dma_start3A_719, %dma_start3A_720] : memref<28x128xi32, #tpu.memory_space<vmem>> -> memref<1x128xi32, #tpu.memory_space<vmem>>
      %dma_start3A_722 = tpu.memref_squeeze %dma_start3A_721 : memref<1x128xi32, #tpu.memory_space<vmem>> -> memref<128xi32, #tpu.memory_space<vmem>>
      %dma_start3A_723 = arith.constant 0 : i32
      %dma_start3A_724 = arith.constant 0 : i32
      %dma_start3A_725 = tpu.memref_slice %arg11[%dma_start3A_723, %dma_start3A_724] : memref<25104x64xf32, #tpu.memory_space<vmem_shared>> -> memref<25104x64xf32, #tpu.memory_space<vmem_shared>>
      tpu.enqueue_indirect_dma source(%arg9 : memref<128x64xf32, #tpu.memory_space<vmem>>) target(%dma_start3A_725 : memref<25104x64xf32, #tpu.memory_space<vmem_shared>>) offsets(%dma_start3A_722 : memref<128xi32, #tpu.memory_space<vmem>>) semaphore(%arg15 : memref<!tpu.dma_semaphore, #tpu.memory_space<semaphore_mem>>) {add = true}
      %dma_wait3A_726 = arith.constant 15 : i32
      %dma_wait3A_727 = arith.constant 0 : i32
      %dma_wait3A_728 = tpu.memref_slice %arg7[%dma_wait3A_726, %dma_wait3A_727] : memref<28x128xi32, #tpu.memory_space<vmem>> -> memref<1x128xi32, #tpu.memory_space<vmem>>
      %dma_wait3A_729 = tpu.memref_squeeze %dma_wait3A_728 : memref<1x128xi32, #tpu.memory_space<vmem>> -> memref<128xi32, #tpu.memory_space<vmem>>
      %dma_wait3A_730 = arith.constant 0 : i32
      %dma_wait3A_731 = arith.constant 0 : i32
      %dma_wait3A_732 = tpu.memref_slice %arg11[%dma_wait3A_730, %dma_wait3A_731] : memref<25104x64xf32, #tpu.memory_space<vmem_shared>> -> memref<25104x64xf32, #tpu.memory_space<vmem_shared>>
      tpu.wait_indirect_dma semaphore(%arg15 : memref<!tpu.dma_semaphore, #tpu.memory_space<semaphore_mem>>) src(%arg9 : memref<128x64xf32, #tpu.memory_space<vmem>>) dst(%dma_wait3A_732 : memref<25104x64xf32, #tpu.memory_space<vmem_shared>>)
      %dma_start3A_733 = arith.constant 17 : i32
      %dma_start3A_734 = arith.constant 0 : i32
      %dma_start3A_735 = tpu.memref_slice %arg6[%dma_start3A_733, %dma_start3A_734] : memref<28x128xi32, #tpu.memory_space<vmem>> -> memref<1x128xi32, #tpu.memory_space<vmem>>
      %dma_start3A_736 = tpu.memref_squeeze %dma_start3A_735 : memref<1x128xi32, #tpu.memory_space<vmem>> -> memref<128xi32, #tpu.memory_space<vmem>>
      %dma_start3A_737 = arith.constant 0 : i32
      %dma_start3A_738 = arith.constant 0 : i32
      %dma_start3A_739 = tpu.memref_slice %arg2[%dma_start3A_737, %dma_start3A_738] : memref<50176x64xf32, #tpu.memory_space<hbm>> -> memref<50176x64xf32, #tpu.memory_space<hbm>>
      tpu.enqueue_indirect_dma source(%dma_start3A_739 : memref<50176x64xf32, #tpu.memory_space<hbm>>) target(%arg9 : memref<128x64xf32, #tpu.memory_space<vmem>>) offsets(%dma_start3A_736 : memref<128xi32, #tpu.memory_space<vmem>>) semaphore(%arg13 : memref<!tpu.dma_semaphore, #tpu.memory_space<semaphore_mem>>)
      %dma_wait3A_740 = arith.constant 16 : i32
      %dma_wait3A_741 = arith.constant 0 : i32
      %dma_wait3A_742 = tpu.memref_slice %arg6[%dma_wait3A_740, %dma_wait3A_741] : memref<28x128xi32, #tpu.memory_space<vmem>> -> memref<1x128xi32, #tpu.memory_space<vmem>>
      %dma_wait3A_743 = tpu.memref_squeeze %dma_wait3A_742 : memref<1x128xi32, #tpu.memory_space<vmem>> -> memref<128xi32, #tpu.memory_space<vmem>>
      %dma_wait3A_744 = arith.constant 0 : i32
      %dma_wait3A_745 = arith.constant 0 : i32
      %dma_wait3A_746 = tpu.memref_slice %arg2[%dma_wait3A_744, %dma_wait3A_745] : memref<50176x64xf32, #tpu.memory_space<hbm>> -> memref<50176x64xf32, #tpu.memory_space<hbm>>
      tpu.wait_indirect_dma semaphore(%arg12 : memref<!tpu.dma_semaphore, #tpu.memory_space<semaphore_mem>>) src(%dma_wait3A_746 : memref<50176x64xf32, #tpu.memory_space<hbm>>) dst(%arg8 : memref<128x64xf32, #tpu.memory_space<vmem>>)
      %dma_start3A_747 = arith.constant 16 : i32
      %dma_start3A_748 = arith.constant 0 : i32
      %dma_start3A_749 = tpu.memref_slice %arg7[%dma_start3A_747, %dma_start3A_748] : memref<28x128xi32, #tpu.memory_space<vmem>> -> memref<1x128xi32, #tpu.memory_space<vmem>>
      %dma_start3A_750 = tpu.memref_squeeze %dma_start3A_749 : memref<1x128xi32, #tpu.memory_space<vmem>> -> memref<128xi32, #tpu.memory_space<vmem>>
      %dma_start3A_751 = arith.constant 0 : i32
      %dma_start3A_752 = arith.constant 0 : i32
      %dma_start3A_753 = tpu.memref_slice %arg11[%dma_start3A_751, %dma_start3A_752] : memref<25104x64xf32, #tpu.memory_space<vmem_shared>> -> memref<25104x64xf32, #tpu.memory_space<vmem_shared>>
      tpu.enqueue_indirect_dma source(%arg8 : memref<128x64xf32, #tpu.memory_space<vmem>>) target(%dma_start3A_753 : memref<25104x64xf32, #tpu.memory_space<vmem_shared>>) offsets(%dma_start3A_750 : memref<128xi32, #tpu.memory_space<vmem>>) semaphore(%arg14 : memref<!tpu.dma_semaphore, #tpu.memory_space<semaphore_mem>>) {add = true}
      %dma_wait3A_754 = arith.constant 16 : i32
      %dma_wait3A_755 = arith.constant 0 : i32
      %dma_wait3A_756 = tpu.memref_slice %arg7[%dma_wait3A_754, %dma_wait3A_755] : memref<28x128xi32, #tpu.memory_space<vmem>> -> memref<1x128xi32, #tpu.memory_space<vmem>>
      %dma_wait3A_757 = tpu.memref_squeeze %dma_wait3A_756 : memref<1x128xi32, #tpu.memory_space<vmem>> -> memref<128xi32, #tpu.memory_space<vmem>>
      %dma_wait3A_758 = arith.constant 0 : i32
      %dma_wait3A_759 = arith.constant 0 : i32
      %dma_wait3A_760 = tpu.memref_slice %arg11[%dma_wait3A_758, %dma_wait3A_759] : memref<25104x64xf32, #tpu.memory_space<vmem_shared>> -> memref<25104x64xf32, #tpu.memory_space<vmem_shared>>
      tpu.wait_indirect_dma semaphore(%arg14 : memref<!tpu.dma_semaphore, #tpu.memory_space<semaphore_mem>>) src(%arg8 : memref<128x64xf32, #tpu.memory_space<vmem>>) dst(%dma_wait3A_760 : memref<25104x64xf32, #tpu.memory_space<vmem_shared>>)
      %dma_start3A_761 = arith.constant 18 : i32
      %dma_start3A_762 = arith.constant 0 : i32
      %dma_start3A_763 = tpu.memref_slice %arg6[%dma_start3A_761, %dma_start3A_762] : memref<28x128xi32, #tpu.memory_space<vmem>> -> memref<1x128xi32, #tpu.memory_space<vmem>>
      %dma_start3A_764 = tpu.memref_squeeze %dma_start3A_763 : memref<1x128xi32, #tpu.memory_space<vmem>> -> memref<128xi32, #tpu.memory_space<vmem>>
      %dma_start3A_765 = arith.constant 0 : i32
      %dma_start3A_766 = arith.constant 0 : i32
      %dma_start3A_767 = tpu.memref_slice %arg2[%dma_start3A_765, %dma_start3A_766] : memref<50176x64xf32, #tpu.memory_space<hbm>> -> memref<50176x64xf32, #tpu.memory_space<hbm>>
      tpu.enqueue_indirect_dma source(%dma_start3A_767 : memref<50176x64xf32, #tpu.memory_space<hbm>>) target(%arg8 : memref<128x64xf32, #tpu.memory_space<vmem>>) offsets(%dma_start3A_764 : memref<128xi32, #tpu.memory_space<vmem>>) semaphore(%arg12 : memref<!tpu.dma_semaphore, #tpu.memory_space<semaphore_mem>>)
      %dma_wait3A_768 = arith.constant 17 : i32
      %dma_wait3A_769 = arith.constant 0 : i32
      %dma_wait3A_770 = tpu.memref_slice %arg6[%dma_wait3A_768, %dma_wait3A_769] : memref<28x128xi32, #tpu.memory_space<vmem>> -> memref<1x128xi32, #tpu.memory_space<vmem>>
      %dma_wait3A_771 = tpu.memref_squeeze %dma_wait3A_770 : memref<1x128xi32, #tpu.memory_space<vmem>> -> memref<128xi32, #tpu.memory_space<vmem>>
      %dma_wait3A_772 = arith.constant 0 : i32
      %dma_wait3A_773 = arith.constant 0 : i32
      %dma_wait3A_774 = tpu.memref_slice %arg2[%dma_wait3A_772, %dma_wait3A_773] : memref<50176x64xf32, #tpu.memory_space<hbm>> -> memref<50176x64xf32, #tpu.memory_space<hbm>>
      tpu.wait_indirect_dma semaphore(%arg13 : memref<!tpu.dma_semaphore, #tpu.memory_space<semaphore_mem>>) src(%dma_wait3A_774 : memref<50176x64xf32, #tpu.memory_space<hbm>>) dst(%arg9 : memref<128x64xf32, #tpu.memory_space<vmem>>)
      %dma_start3A_775 = arith.constant 17 : i32
      %dma_start3A_776 = arith.constant 0 : i32
      %dma_start3A_777 = tpu.memref_slice %arg7[%dma_start3A_775, %dma_start3A_776] : memref<28x128xi32, #tpu.memory_space<vmem>> -> memref<1x128xi32, #tpu.memory_space<vmem>>
      %dma_start3A_778 = tpu.memref_squeeze %dma_start3A_777 : memref<1x128xi32, #tpu.memory_space<vmem>> -> memref<128xi32, #tpu.memory_space<vmem>>
      %dma_start3A_779 = arith.constant 0 : i32
      %dma_start3A_780 = arith.constant 0 : i32
      %dma_start3A_781 = tpu.memref_slice %arg11[%dma_start3A_779, %dma_start3A_780] : memref<25104x64xf32, #tpu.memory_space<vmem_shared>> -> memref<25104x64xf32, #tpu.memory_space<vmem_shared>>
      tpu.enqueue_indirect_dma source(%arg9 : memref<128x64xf32, #tpu.memory_space<vmem>>) target(%dma_start3A_781 : memref<25104x64xf32, #tpu.memory_space<vmem_shared>>) offsets(%dma_start3A_778 : memref<128xi32, #tpu.memory_space<vmem>>) semaphore(%arg15 : memref<!tpu.dma_semaphore, #tpu.memory_space<semaphore_mem>>) {add = true}
      %dma_wait3A_782 = arith.constant 17 : i32
      %dma_wait3A_783 = arith.constant 0 : i32
      %dma_wait3A_784 = tpu.memref_slice %arg7[%dma_wait3A_782, %dma_wait3A_783] : memref<28x128xi32, #tpu.memory_space<vmem>> -> memref<1x128xi32, #tpu.memory_space<vmem>>
      %dma_wait3A_785 = tpu.memref_squeeze %dma_wait3A_784 : memref<1x128xi32, #tpu.memory_space<vmem>> -> memref<128xi32, #tpu.memory_space<vmem>>
      %dma_wait3A_786 = arith.constant 0 : i32
      %dma_wait3A_787 = arith.constant 0 : i32
      %dma_wait3A_788 = tpu.memref_slice %arg11[%dma_wait3A_786, %dma_wait3A_787] : memref<25104x64xf32, #tpu.memory_space<vmem_shared>> -> memref<25104x64xf32, #tpu.memory_space<vmem_shared>>
      tpu.wait_indirect_dma semaphore(%arg15 : memref<!tpu.dma_semaphore, #tpu.memory_space<semaphore_mem>>) src(%arg9 : memref<128x64xf32, #tpu.memory_space<vmem>>) dst(%dma_wait3A_788 : memref<25104x64xf32, #tpu.memory_space<vmem_shared>>)
      %dma_start3A_789 = arith.constant 19 : i32
      %dma_start3A_790 = arith.constant 0 : i32
      %dma_start3A_791 = tpu.memref_slice %arg6[%dma_start3A_789, %dma_start3A_790] : memref<28x128xi32, #tpu.memory_space<vmem>> -> memref<1x128xi32, #tpu.memory_space<vmem>>
      %dma_start3A_792 = tpu.memref_squeeze %dma_start3A_791 : memref<1x128xi32, #tpu.memory_space<vmem>> -> memref<128xi32, #tpu.memory_space<vmem>>
      %dma_start3A_793 = arith.constant 0 : i32
      %dma_start3A_794 = arith.constant 0 : i32
      %dma_start3A_795 = tpu.memref_slice %arg2[%dma_start3A_793, %dma_start3A_794] : memref<50176x64xf32, #tpu.memory_space<hbm>> -> memref<50176x64xf32, #tpu.memory_space<hbm>>
      tpu.enqueue_indirect_dma source(%dma_start3A_795 : memref<50176x64xf32, #tpu.memory_space<hbm>>) target(%arg9 : memref<128x64xf32, #tpu.memory_space<vmem>>) offsets(%dma_start3A_792 : memref<128xi32, #tpu.memory_space<vmem>>) semaphore(%arg13 : memref<!tpu.dma_semaphore, #tpu.memory_space<semaphore_mem>>)
      %dma_wait3A_796 = arith.constant 18 : i32
      %dma_wait3A_797 = arith.constant 0 : i32
      %dma_wait3A_798 = tpu.memref_slice %arg6[%dma_wait3A_796, %dma_wait3A_797] : memref<28x128xi32, #tpu.memory_space<vmem>> -> memref<1x128xi32, #tpu.memory_space<vmem>>
      %dma_wait3A_799 = tpu.memref_squeeze %dma_wait3A_798 : memref<1x128xi32, #tpu.memory_space<vmem>> -> memref<128xi32, #tpu.memory_space<vmem>>
      %dma_wait3A_800 = arith.constant 0 : i32
      %dma_wait3A_801 = arith.constant 0 : i32
      %dma_wait3A_802 = tpu.memref_slice %arg2[%dma_wait3A_800, %dma_wait3A_801] : memref<50176x64xf32, #tpu.memory_space<hbm>> -> memref<50176x64xf32, #tpu.memory_space<hbm>>
      tpu.wait_indirect_dma semaphore(%arg12 : memref<!tpu.dma_semaphore, #tpu.memory_space<semaphore_mem>>) src(%dma_wait3A_802 : memref<50176x64xf32, #tpu.memory_space<hbm>>) dst(%arg8 : memref<128x64xf32, #tpu.memory_space<vmem>>)
      %dma_start3A_803 = arith.constant 18 : i32
      %dma_start3A_804 = arith.constant 0 : i32
      %dma_start3A_805 = tpu.memref_slice %arg7[%dma_start3A_803, %dma_start3A_804] : memref<28x128xi32, #tpu.memory_space<vmem>> -> memref<1x128xi32, #tpu.memory_space<vmem>>
      %dma_start3A_806 = tpu.memref_squeeze %dma_start3A_805 : memref<1x128xi32, #tpu.memory_space<vmem>> -> memref<128xi32, #tpu.memory_space<vmem>>
      %dma_start3A_807 = arith.constant 0 : i32
      %dma_start3A_808 = arith.constant 0 : i32
      %dma_start3A_809 = tpu.memref_slice %arg11[%dma_start3A_807, %dma_start3A_808] : memref<25104x64xf32, #tpu.memory_space<vmem_shared>> -> memref<25104x64xf32, #tpu.memory_space<vmem_shared>>
      tpu.enqueue_indirect_dma source(%arg8 : memref<128x64xf32, #tpu.memory_space<vmem>>) target(%dma_start3A_809 : memref<25104x64xf32, #tpu.memory_space<vmem_shared>>) offsets(%dma_start3A_806 : memref<128xi32, #tpu.memory_space<vmem>>) semaphore(%arg14 : memref<!tpu.dma_semaphore, #tpu.memory_space<semaphore_mem>>) {add = true}
      %dma_wait3A_810 = arith.constant 18 : i32
      %dma_wait3A_811 = arith.constant 0 : i32
      %dma_wait3A_812 = tpu.memref_slice %arg7[%dma_wait3A_810, %dma_wait3A_811] : memref<28x128xi32, #tpu.memory_space<vmem>> -> memref<1x128xi32, #tpu.memory_space<vmem>>
      %dma_wait3A_813 = tpu.memref_squeeze %dma_wait3A_812 : memref<1x128xi32, #tpu.memory_space<vmem>> -> memref<128xi32, #tpu.memory_space<vmem>>
      %dma_wait3A_814 = arith.constant 0 : i32
      %dma_wait3A_815 = arith.constant 0 : i32
      %dma_wait3A_816 = tpu.memref_slice %arg11[%dma_wait3A_814, %dma_wait3A_815] : memref<25104x64xf32, #tpu.memory_space<vmem_shared>> -> memref<25104x64xf32, #tpu.memory_space<vmem_shared>>
      tpu.wait_indirect_dma semaphore(%arg14 : memref<!tpu.dma_semaphore, #tpu.memory_space<semaphore_mem>>) src(%arg8 : memref<128x64xf32, #tpu.memory_space<vmem>>) dst(%dma_wait3A_816 : memref<25104x64xf32, #tpu.memory_space<vmem_shared>>)
      %dma_start3A_817 = arith.constant 20 : i32
      %dma_start3A_818 = arith.constant 0 : i32
      %dma_start3A_819 = tpu.memref_slice %arg6[%dma_start3A_817, %dma_start3A_818] : memref<28x128xi32, #tpu.memory_space<vmem>> -> memref<1x128xi32, #tpu.memory_space<vmem>>
      %dma_start3A_820 = tpu.memref_squeeze %dma_start3A_819 : memref<1x128xi32, #tpu.memory_space<vmem>> -> memref<128xi32, #tpu.memory_space<vmem>>
      %dma_start3A_821 = arith.constant 0 : i32
      %dma_start3A_822 = arith.constant 0 : i32
      %dma_start3A_823 = tpu.memref_slice %arg2[%dma_start3A_821, %dma_start3A_822] : memref<50176x64xf32, #tpu.memory_space<hbm>> -> memref<50176x64xf32, #tpu.memory_space<hbm>>
      tpu.enqueue_indirect_dma source(%dma_start3A_823 : memref<50176x64xf32, #tpu.memory_space<hbm>>) target(%arg8 : memref<128x64xf32, #tpu.memory_space<vmem>>) offsets(%dma_start3A_820 : memref<128xi32, #tpu.memory_space<vmem>>) semaphore(%arg12 : memref<!tpu.dma_semaphore, #tpu.memory_space<semaphore_mem>>)
      %dma_wait3A_824 = arith.constant 19 : i32
      %dma_wait3A_825 = arith.constant 0 : i32
      %dma_wait3A_826 = tpu.memref_slice %arg6[%dma_wait3A_824, %dma_wait3A_825] : memref<28x128xi32, #tpu.memory_space<vmem>> -> memref<1x128xi32, #tpu.memory_space<vmem>>
      %dma_wait3A_827 = tpu.memref_squeeze %dma_wait3A_826 : memref<1x128xi32, #tpu.memory_space<vmem>> -> memref<128xi32, #tpu.memory_space<vmem>>
      %dma_wait3A_828 = arith.constant 0 : i32
      %dma_wait3A_829 = arith.constant 0 : i32
      %dma_wait3A_830 = tpu.memref_slice %arg2[%dma_wait3A_828, %dma_wait3A_829] : memref<50176x64xf32, #tpu.memory_space<hbm>> -> memref<50176x64xf32, #tpu.memory_space<hbm>>
      tpu.wait_indirect_dma semaphore(%arg13 : memref<!tpu.dma_semaphore, #tpu.memory_space<semaphore_mem>>) src(%dma_wait3A_830 : memref<50176x64xf32, #tpu.memory_space<hbm>>) dst(%arg9 : memref<128x64xf32, #tpu.memory_space<vmem>>)
      %dma_start3A_831 = arith.constant 19 : i32
      %dma_start3A_832 = arith.constant 0 : i32
      %dma_start3A_833 = tpu.memref_slice %arg7[%dma_start3A_831, %dma_start3A_832] : memref<28x128xi32, #tpu.memory_space<vmem>> -> memref<1x128xi32, #tpu.memory_space<vmem>>
      %dma_start3A_834 = tpu.memref_squeeze %dma_start3A_833 : memref<1x128xi32, #tpu.memory_space<vmem>> -> memref<128xi32, #tpu.memory_space<vmem>>
      %dma_start3A_835 = arith.constant 0 : i32
      %dma_start3A_836 = arith.constant 0 : i32
      %dma_start3A_837 = tpu.memref_slice %arg11[%dma_start3A_835, %dma_start3A_836] : memref<25104x64xf32, #tpu.memory_space<vmem_shared>> -> memref<25104x64xf32, #tpu.memory_space<vmem_shared>>
      tpu.enqueue_indirect_dma source(%arg9 : memref<128x64xf32, #tpu.memory_space<vmem>>) target(%dma_start3A_837 : memref<25104x64xf32, #tpu.memory_space<vmem_shared>>) offsets(%dma_start3A_834 : memref<128xi32, #tpu.memory_space<vmem>>) semaphore(%arg15 : memref<!tpu.dma_semaphore, #tpu.memory_space<semaphore_mem>>) {add = true}
      %dma_wait3A_838 = arith.constant 19 : i32
      %dma_wait3A_839 = arith.constant 0 : i32
      %dma_wait3A_840 = tpu.memref_slice %arg7[%dma_wait3A_838, %dma_wait3A_839] : memref<28x128xi32, #tpu.memory_space<vmem>> -> memref<1x128xi32, #tpu.memory_space<vmem>>
      %dma_wait3A_841 = tpu.memref_squeeze %dma_wait3A_840 : memref<1x128xi32, #tpu.memory_space<vmem>> -> memref<128xi32, #tpu.memory_space<vmem>>
      %dma_wait3A_842 = arith.constant 0 : i32
      %dma_wait3A_843 = arith.constant 0 : i32
      %dma_wait3A_844 = tpu.memref_slice %arg11[%dma_wait3A_842, %dma_wait3A_843] : memref<25104x64xf32, #tpu.memory_space<vmem_shared>> -> memref<25104x64xf32, #tpu.memory_space<vmem_shared>>
      tpu.wait_indirect_dma semaphore(%arg15 : memref<!tpu.dma_semaphore, #tpu.memory_space<semaphore_mem>>) src(%arg9 : memref<128x64xf32, #tpu.memory_space<vmem>>) dst(%dma_wait3A_844 : memref<25104x64xf32, #tpu.memory_space<vmem_shared>>)
      %dma_start3A_845 = arith.constant 21 : i32
      %dma_start3A_846 = arith.constant 0 : i32
      %dma_start3A_847 = tpu.memref_slice %arg6[%dma_start3A_845, %dma_start3A_846] : memref<28x128xi32, #tpu.memory_space<vmem>> -> memref<1x128xi32, #tpu.memory_space<vmem>>
      %dma_start3A_848 = tpu.memref_squeeze %dma_start3A_847 : memref<1x128xi32, #tpu.memory_space<vmem>> -> memref<128xi32, #tpu.memory_space<vmem>>
      %dma_start3A_849 = arith.constant 0 : i32
      %dma_start3A_850 = arith.constant 0 : i32
      %dma_start3A_851 = tpu.memref_slice %arg2[%dma_start3A_849, %dma_start3A_850] : memref<50176x64xf32, #tpu.memory_space<hbm>> -> memref<50176x64xf32, #tpu.memory_space<hbm>>
      tpu.enqueue_indirect_dma source(%dma_start3A_851 : memref<50176x64xf32, #tpu.memory_space<hbm>>) target(%arg9 : memref<128x64xf32, #tpu.memory_space<vmem>>) offsets(%dma_start3A_848 : memref<128xi32, #tpu.memory_space<vmem>>) semaphore(%arg13 : memref<!tpu.dma_semaphore, #tpu.memory_space<semaphore_mem>>)
      %dma_wait3A_852 = arith.constant 20 : i32
      %dma_wait3A_853 = arith.constant 0 : i32
      %dma_wait3A_854 = tpu.memref_slice %arg6[%dma_wait3A_852, %dma_wait3A_853] : memref<28x128xi32, #tpu.memory_space<vmem>> -> memref<1x128xi32, #tpu.memory_space<vmem>>
      %dma_wait3A_855 = tpu.memref_squeeze %dma_wait3A_854 : memref<1x128xi32, #tpu.memory_space<vmem>> -> memref<128xi32, #tpu.memory_space<vmem>>
      %dma_wait3A_856 = arith.constant 0 : i32
      %dma_wait3A_857 = arith.constant 0 : i32
      %dma_wait3A_858 = tpu.memref_slice %arg2[%dma_wait3A_856, %dma_wait3A_857] : memref<50176x64xf32, #tpu.memory_space<hbm>> -> memref<50176x64xf32, #tpu.memory_space<hbm>>
      tpu.wait_indirect_dma semaphore(%arg12 : memref<!tpu.dma_semaphore, #tpu.memory_space<semaphore_mem>>) src(%dma_wait3A_858 : memref<50176x64xf32, #tpu.memory_space<hbm>>) dst(%arg8 : memref<128x64xf32, #tpu.memory_space<vmem>>)
      %dma_start3A_859 = arith.constant 20 : i32
      %dma_start3A_860 = arith.constant 0 : i32
      %dma_start3A_861 = tpu.memref_slice %arg7[%dma_start3A_859, %dma_start3A_860] : memref<28x128xi32, #tpu.memory_space<vmem>> -> memref<1x128xi32, #tpu.memory_space<vmem>>
      %dma_start3A_862 = tpu.memref_squeeze %dma_start3A_861 : memref<1x128xi32, #tpu.memory_space<vmem>> -> memref<128xi32, #tpu.memory_space<vmem>>
      %dma_start3A_863 = arith.constant 0 : i32
      %dma_start3A_864 = arith.constant 0 : i32
      %dma_start3A_865 = tpu.memref_slice %arg11[%dma_start3A_863, %dma_start3A_864] : memref<25104x64xf32, #tpu.memory_space<vmem_shared>> -> memref<25104x64xf32, #tpu.memory_space<vmem_shared>>
      tpu.enqueue_indirect_dma source(%arg8 : memref<128x64xf32, #tpu.memory_space<vmem>>) target(%dma_start3A_865 : memref<25104x64xf32, #tpu.memory_space<vmem_shared>>) offsets(%dma_start3A_862 : memref<128xi32, #tpu.memory_space<vmem>>) semaphore(%arg14 : memref<!tpu.dma_semaphore, #tpu.memory_space<semaphore_mem>>) {add = true}
      %dma_wait3A_866 = arith.constant 20 : i32
      %dma_wait3A_867 = arith.constant 0 : i32
      %dma_wait3A_868 = tpu.memref_slice %arg7[%dma_wait3A_866, %dma_wait3A_867] : memref<28x128xi32, #tpu.memory_space<vmem>> -> memref<1x128xi32, #tpu.memory_space<vmem>>
      %dma_wait3A_869 = tpu.memref_squeeze %dma_wait3A_868 : memref<1x128xi32, #tpu.memory_space<vmem>> -> memref<128xi32, #tpu.memory_space<vmem>>
      %dma_wait3A_870 = arith.constant 0 : i32
      %dma_wait3A_871 = arith.constant 0 : i32
      %dma_wait3A_872 = tpu.memref_slice %arg11[%dma_wait3A_870, %dma_wait3A_871] : memref<25104x64xf32, #tpu.memory_space<vmem_shared>> -> memref<25104x64xf32, #tpu.memory_space<vmem_shared>>
      tpu.wait_indirect_dma semaphore(%arg14 : memref<!tpu.dma_semaphore, #tpu.memory_space<semaphore_mem>>) src(%arg8 : memref<128x64xf32, #tpu.memory_space<vmem>>) dst(%dma_wait3A_872 : memref<25104x64xf32, #tpu.memory_space<vmem_shared>>)
      %dma_start3A_873 = arith.constant 22 : i32
      %dma_start3A_874 = arith.constant 0 : i32
      %dma_start3A_875 = tpu.memref_slice %arg6[%dma_start3A_873, %dma_start3A_874] : memref<28x128xi32, #tpu.memory_space<vmem>> -> memref<1x128xi32, #tpu.memory_space<vmem>>
      %dma_start3A_876 = tpu.memref_squeeze %dma_start3A_875 : memref<1x128xi32, #tpu.memory_space<vmem>> -> memref<128xi32, #tpu.memory_space<vmem>>
      %dma_start3A_877 = arith.constant 0 : i32
      %dma_start3A_878 = arith.constant 0 : i32
      %dma_start3A_879 = tpu.memref_slice %arg2[%dma_start3A_877, %dma_start3A_878] : memref<50176x64xf32, #tpu.memory_space<hbm>> -> memref<50176x64xf32, #tpu.memory_space<hbm>>
      tpu.enqueue_indirect_dma source(%dma_start3A_879 : memref<50176x64xf32, #tpu.memory_space<hbm>>) target(%arg8 : memref<128x64xf32, #tpu.memory_space<vmem>>) offsets(%dma_start3A_876 : memref<128xi32, #tpu.memory_space<vmem>>) semaphore(%arg12 : memref<!tpu.dma_semaphore, #tpu.memory_space<semaphore_mem>>)
      %dma_wait3A_880 = arith.constant 21 : i32
      %dma_wait3A_881 = arith.constant 0 : i32
      %dma_wait3A_882 = tpu.memref_slice %arg6[%dma_wait3A_880, %dma_wait3A_881] : memref<28x128xi32, #tpu.memory_space<vmem>> -> memref<1x128xi32, #tpu.memory_space<vmem>>
      %dma_wait3A_883 = tpu.memref_squeeze %dma_wait3A_882 : memref<1x128xi32, #tpu.memory_space<vmem>> -> memref<128xi32, #tpu.memory_space<vmem>>
      %dma_wait3A_884 = arith.constant 0 : i32
      %dma_wait3A_885 = arith.constant 0 : i32
      %dma_wait3A_886 = tpu.memref_slice %arg2[%dma_wait3A_884, %dma_wait3A_885] : memref<50176x64xf32, #tpu.memory_space<hbm>> -> memref<50176x64xf32, #tpu.memory_space<hbm>>
      tpu.wait_indirect_dma semaphore(%arg13 : memref<!tpu.dma_semaphore, #tpu.memory_space<semaphore_mem>>) src(%dma_wait3A_886 : memref<50176x64xf32, #tpu.memory_space<hbm>>) dst(%arg9 : memref<128x64xf32, #tpu.memory_space<vmem>>)
      %dma_start3A_887 = arith.constant 21 : i32
      %dma_start3A_888 = arith.constant 0 : i32
      %dma_start3A_889 = tpu.memref_slice %arg7[%dma_start3A_887, %dma_start3A_888] : memref<28x128xi32, #tpu.memory_space<vmem>> -> memref<1x128xi32, #tpu.memory_space<vmem>>
      %dma_start3A_890 = tpu.memref_squeeze %dma_start3A_889 : memref<1x128xi32, #tpu.memory_space<vmem>> -> memref<128xi32, #tpu.memory_space<vmem>>
      %dma_start3A_891 = arith.constant 0 : i32
      %dma_start3A_892 = arith.constant 0 : i32
      %dma_start3A_893 = tpu.memref_slice %arg11[%dma_start3A_891, %dma_start3A_892] : memref<25104x64xf32, #tpu.memory_space<vmem_shared>> -> memref<25104x64xf32, #tpu.memory_space<vmem_shared>>
      tpu.enqueue_indirect_dma source(%arg9 : memref<128x64xf32, #tpu.memory_space<vmem>>) target(%dma_start3A_893 : memref<25104x64xf32, #tpu.memory_space<vmem_shared>>) offsets(%dma_start3A_890 : memref<128xi32, #tpu.memory_space<vmem>>) semaphore(%arg15 : memref<!tpu.dma_semaphore, #tpu.memory_space<semaphore_mem>>) {add = true}
      %dma_wait3A_894 = arith.constant 21 : i32
      %dma_wait3A_895 = arith.constant 0 : i32
      %dma_wait3A_896 = tpu.memref_slice %arg7[%dma_wait3A_894, %dma_wait3A_895] : memref<28x128xi32, #tpu.memory_space<vmem>> -> memref<1x128xi32, #tpu.memory_space<vmem>>
      %dma_wait3A_897 = tpu.memref_squeeze %dma_wait3A_896 : memref<1x128xi32, #tpu.memory_space<vmem>> -> memref<128xi32, #tpu.memory_space<vmem>>
      %dma_wait3A_898 = arith.constant 0 : i32
      %dma_wait3A_899 = arith.constant 0 : i32
      %dma_wait3A_900 = tpu.memref_slice %arg11[%dma_wait3A_898, %dma_wait3A_899] : memref<25104x64xf32, #tpu.memory_space<vmem_shared>> -> memref<25104x64xf32, #tpu.memory_space<vmem_shared>>
      tpu.wait_indirect_dma semaphore(%arg15 : memref<!tpu.dma_semaphore, #tpu.memory_space<semaphore_mem>>) src(%arg9 : memref<128x64xf32, #tpu.memory_space<vmem>>) dst(%dma_wait3A_900 : memref<25104x64xf32, #tpu.memory_space<vmem_shared>>)
      %dma_start3A_901 = arith.constant 23 : i32
      %dma_start3A_902 = arith.constant 0 : i32
      %dma_start3A_903 = tpu.memref_slice %arg6[%dma_start3A_901, %dma_start3A_902] : memref<28x128xi32, #tpu.memory_space<vmem>> -> memref<1x128xi32, #tpu.memory_space<vmem>>
      %dma_start3A_904 = tpu.memref_squeeze %dma_start3A_903 : memref<1x128xi32, #tpu.memory_space<vmem>> -> memref<128xi32, #tpu.memory_space<vmem>>
      %dma_start3A_905 = arith.constant 0 : i32
      %dma_start3A_906 = arith.constant 0 : i32
      %dma_start3A_907 = tpu.memref_slice %arg2[%dma_start3A_905, %dma_start3A_906] : memref<50176x64xf32, #tpu.memory_space<hbm>> -> memref<50176x64xf32, #tpu.memory_space<hbm>>
      tpu.enqueue_indirect_dma source(%dma_start3A_907 : memref<50176x64xf32, #tpu.memory_space<hbm>>) target(%arg9 : memref<128x64xf32, #tpu.memory_space<vmem>>) offsets(%dma_start3A_904 : memref<128xi32, #tpu.memory_space<vmem>>) semaphore(%arg13 : memref<!tpu.dma_semaphore, #tpu.memory_space<semaphore_mem>>)
      %dma_wait3A_908 = arith.constant 22 : i32
      %dma_wait3A_909 = arith.constant 0 : i32
      %dma_wait3A_910 = tpu.memref_slice %arg6[%dma_wait3A_908, %dma_wait3A_909] : memref<28x128xi32, #tpu.memory_space<vmem>> -> memref<1x128xi32, #tpu.memory_space<vmem>>
      %dma_wait3A_911 = tpu.memref_squeeze %dma_wait3A_910 : memref<1x128xi32, #tpu.memory_space<vmem>> -> memref<128xi32, #tpu.memory_space<vmem>>
      %dma_wait3A_912 = arith.constant 0 : i32
      %dma_wait3A_913 = arith.constant 0 : i32
      %dma_wait3A_914 = tpu.memref_slice %arg2[%dma_wait3A_912, %dma_wait3A_913] : memref<50176x64xf32, #tpu.memory_space<hbm>> -> memref<50176x64xf32, #tpu.memory_space<hbm>>
      tpu.wait_indirect_dma semaphore(%arg12 : memref<!tpu.dma_semaphore, #tpu.memory_space<semaphore_mem>>) src(%dma_wait3A_914 : memref<50176x64xf32, #tpu.memory_space<hbm>>) dst(%arg8 : memref<128x64xf32, #tpu.memory_space<vmem>>)
      %dma_start3A_915 = arith.constant 22 : i32
      %dma_start3A_916 = arith.constant 0 : i32
      %dma_start3A_917 = tpu.memref_slice %arg7[%dma_start3A_915, %dma_start3A_916] : memref<28x128xi32, #tpu.memory_space<vmem>> -> memref<1x128xi32, #tpu.memory_space<vmem>>
      %dma_start3A_918 = tpu.memref_squeeze %dma_start3A_917 : memref<1x128xi32, #tpu.memory_space<vmem>> -> memref<128xi32, #tpu.memory_space<vmem>>
      %dma_start3A_919 = arith.constant 0 : i32
      %dma_start3A_920 = arith.constant 0 : i32
      %dma_start3A_921 = tpu.memref_slice %arg11[%dma_start3A_919, %dma_start3A_920] : memref<25104x64xf32, #tpu.memory_space<vmem_shared>> -> memref<25104x64xf32, #tpu.memory_space<vmem_shared>>
      tpu.enqueue_indirect_dma source(%arg8 : memref<128x64xf32, #tpu.memory_space<vmem>>) target(%dma_start3A_921 : memref<25104x64xf32, #tpu.memory_space<vmem_shared>>) offsets(%dma_start3A_918 : memref<128xi32, #tpu.memory_space<vmem>>) semaphore(%arg14 : memref<!tpu.dma_semaphore, #tpu.memory_space<semaphore_mem>>) {add = true}
      %dma_wait3A_922 = arith.constant 22 : i32
      %dma_wait3A_923 = arith.constant 0 : i32
      %dma_wait3A_924 = tpu.memref_slice %arg7[%dma_wait3A_922, %dma_wait3A_923] : memref<28x128xi32, #tpu.memory_space<vmem>> -> memref<1x128xi32, #tpu.memory_space<vmem>>
      %dma_wait3A_925 = tpu.memref_squeeze %dma_wait3A_924 : memref<1x128xi32, #tpu.memory_space<vmem>> -> memref<128xi32, #tpu.memory_space<vmem>>
      %dma_wait3A_926 = arith.constant 0 : i32
      %dma_wait3A_927 = arith.constant 0 : i32
      %dma_wait3A_928 = tpu.memref_slice %arg11[%dma_wait3A_926, %dma_wait3A_927] : memref<25104x64xf32, #tpu.memory_space<vmem_shared>> -> memref<25104x64xf32, #tpu.memory_space<vmem_shared>>
      tpu.wait_indirect_dma semaphore(%arg14 : memref<!tpu.dma_semaphore, #tpu.memory_space<semaphore_mem>>) src(%arg8 : memref<128x64xf32, #tpu.memory_space<vmem>>) dst(%dma_wait3A_928 : memref<25104x64xf32, #tpu.memory_space<vmem_shared>>)
      %dma_start3A_929 = arith.constant 24 : i32
      %dma_start3A_930 = arith.constant 0 : i32
      %dma_start3A_931 = tpu.memref_slice %arg6[%dma_start3A_929, %dma_start3A_930] : memref<28x128xi32, #tpu.memory_space<vmem>> -> memref<1x128xi32, #tpu.memory_space<vmem>>
      %dma_start3A_932 = tpu.memref_squeeze %dma_start3A_931 : memref<1x128xi32, #tpu.memory_space<vmem>> -> memref<128xi32, #tpu.memory_space<vmem>>
      %dma_start3A_933 = arith.constant 0 : i32
      %dma_start3A_934 = arith.constant 0 : i32
      %dma_start3A_935 = tpu.memref_slice %arg2[%dma_start3A_933, %dma_start3A_934] : memref<50176x64xf32, #tpu.memory_space<hbm>> -> memref<50176x64xf32, #tpu.memory_space<hbm>>
      tpu.enqueue_indirect_dma source(%dma_start3A_935 : memref<50176x64xf32, #tpu.memory_space<hbm>>) target(%arg8 : memref<128x64xf32, #tpu.memory_space<vmem>>) offsets(%dma_start3A_932 : memref<128xi32, #tpu.memory_space<vmem>>) semaphore(%arg12 : memref<!tpu.dma_semaphore, #tpu.memory_space<semaphore_mem>>)
      %dma_wait3A_936 = arith.constant 23 : i32
      %dma_wait3A_937 = arith.constant 0 : i32
      %dma_wait3A_938 = tpu.memref_slice %arg6[%dma_wait3A_936, %dma_wait3A_937] : memref<28x128xi32, #tpu.memory_space<vmem>> -> memref<1x128xi32, #tpu.memory_space<vmem>>
      %dma_wait3A_939 = tpu.memref_squeeze %dma_wait3A_938 : memref<1x128xi32, #tpu.memory_space<vmem>> -> memref<128xi32, #tpu.memory_space<vmem>>
      %dma_wait3A_940 = arith.constant 0 : i32
      %dma_wait3A_941 = arith.constant 0 : i32
      %dma_wait3A_942 = tpu.memref_slice %arg2[%dma_wait3A_940, %dma_wait3A_941] : memref<50176x64xf32, #tpu.memory_space<hbm>> -> memref<50176x64xf32, #tpu.memory_space<hbm>>
      tpu.wait_indirect_dma semaphore(%arg13 : memref<!tpu.dma_semaphore, #tpu.memory_space<semaphore_mem>>) src(%dma_wait3A_942 : memref<50176x64xf32, #tpu.memory_space<hbm>>) dst(%arg9 : memref<128x64xf32, #tpu.memory_space<vmem>>)
      %dma_start3A_943 = arith.constant 23 : i32
      %dma_start3A_944 = arith.constant 0 : i32
      %dma_start3A_945 = tpu.memref_slice %arg7[%dma_start3A_943, %dma_start3A_944] : memref<28x128xi32, #tpu.memory_space<vmem>> -> memref<1x128xi32, #tpu.memory_space<vmem>>
      %dma_start3A_946 = tpu.memref_squeeze %dma_start3A_945 : memref<1x128xi32, #tpu.memory_space<vmem>> -> memref<128xi32, #tpu.memory_space<vmem>>
      %dma_start3A_947 = arith.constant 0 : i32
      %dma_start3A_948 = arith.constant 0 : i32
      %dma_start3A_949 = tpu.memref_slice %arg11[%dma_start3A_947, %dma_start3A_948] : memref<25104x64xf32, #tpu.memory_space<vmem_shared>> -> memref<25104x64xf32, #tpu.memory_space<vmem_shared>>
      tpu.enqueue_indirect_dma source(%arg9 : memref<128x64xf32, #tpu.memory_space<vmem>>) target(%dma_start3A_949 : memref<25104x64xf32, #tpu.memory_space<vmem_shared>>) offsets(%dma_start3A_946 : memref<128xi32, #tpu.memory_space<vmem>>) semaphore(%arg15 : memref<!tpu.dma_semaphore, #tpu.memory_space<semaphore_mem>>) {add = true}
      %dma_wait3A_950 = arith.constant 23 : i32
      %dma_wait3A_951 = arith.constant 0 : i32
      %dma_wait3A_952 = tpu.memref_slice %arg7[%dma_wait3A_950, %dma_wait3A_951] : memref<28x128xi32, #tpu.memory_space<vmem>> -> memref<1x128xi32, #tpu.memory_space<vmem>>
      %dma_wait3A_953 = tpu.memref_squeeze %dma_wait3A_952 : memref<1x128xi32, #tpu.memory_space<vmem>> -> memref<128xi32, #tpu.memory_space<vmem>>
      %dma_wait3A_954 = arith.constant 0 : i32
      %dma_wait3A_955 = arith.constant 0 : i32
      %dma_wait3A_956 = tpu.memref_slice %arg11[%dma_wait3A_954, %dma_wait3A_955] : memref<25104x64xf32, #tpu.memory_space<vmem_shared>> -> memref<25104x64xf32, #tpu.memory_space<vmem_shared>>
      tpu.wait_indirect_dma semaphore(%arg15 : memref<!tpu.dma_semaphore, #tpu.memory_space<semaphore_mem>>) src(%arg9 : memref<128x64xf32, #tpu.memory_space<vmem>>) dst(%dma_wait3A_956 : memref<25104x64xf32, #tpu.memory_space<vmem_shared>>)
      %dma_start3A_957 = arith.constant 25 : i32
      %dma_start3A_958 = arith.constant 0 : i32
      %dma_start3A_959 = tpu.memref_slice %arg6[%dma_start3A_957, %dma_start3A_958] : memref<28x128xi32, #tpu.memory_space<vmem>> -> memref<1x128xi32, #tpu.memory_space<vmem>>
      %dma_start3A_960 = tpu.memref_squeeze %dma_start3A_959 : memref<1x128xi32, #tpu.memory_space<vmem>> -> memref<128xi32, #tpu.memory_space<vmem>>
      %dma_start3A_961 = arith.constant 0 : i32
      %dma_start3A_962 = arith.constant 0 : i32
      %dma_start3A_963 = tpu.memref_slice %arg2[%dma_start3A_961, %dma_start3A_962] : memref<50176x64xf32, #tpu.memory_space<hbm>> -> memref<50176x64xf32, #tpu.memory_space<hbm>>
      tpu.enqueue_indirect_dma source(%dma_start3A_963 : memref<50176x64xf32, #tpu.memory_space<hbm>>) target(%arg9 : memref<128x64xf32, #tpu.memory_space<vmem>>) offsets(%dma_start3A_960 : memref<128xi32, #tpu.memory_space<vmem>>) semaphore(%arg13 : memref<!tpu.dma_semaphore, #tpu.memory_space<semaphore_mem>>)
      %dma_wait3A_964 = arith.constant 24 : i32
      %dma_wait3A_965 = arith.constant 0 : i32
      %dma_wait3A_966 = tpu.memref_slice %arg6[%dma_wait3A_964, %dma_wait3A_965] : memref<28x128xi32, #tpu.memory_space<vmem>> -> memref<1x128xi32, #tpu.memory_space<vmem>>
      %dma_wait3A_967 = tpu.memref_squeeze %dma_wait3A_966 : memref<1x128xi32, #tpu.memory_space<vmem>> -> memref<128xi32, #tpu.memory_space<vmem>>
      %dma_wait3A_968 = arith.constant 0 : i32
      %dma_wait3A_969 = arith.constant 0 : i32
      %dma_wait3A_970 = tpu.memref_slice %arg2[%dma_wait3A_968, %dma_wait3A_969] : memref<50176x64xf32, #tpu.memory_space<hbm>> -> memref<50176x64xf32, #tpu.memory_space<hbm>>
      tpu.wait_indirect_dma semaphore(%arg12 : memref<!tpu.dma_semaphore, #tpu.memory_space<semaphore_mem>>) src(%dma_wait3A_970 : memref<50176x64xf32, #tpu.memory_space<hbm>>) dst(%arg8 : memref<128x64xf32, #tpu.memory_space<vmem>>)
      %dma_start3A_971 = arith.constant 24 : i32
      %dma_start3A_972 = arith.constant 0 : i32
      %dma_start3A_973 = tpu.memref_slice %arg7[%dma_start3A_971, %dma_start3A_972] : memref<28x128xi32, #tpu.memory_space<vmem>> -> memref<1x128xi32, #tpu.memory_space<vmem>>
      %dma_start3A_974 = tpu.memref_squeeze %dma_start3A_973 : memref<1x128xi32, #tpu.memory_space<vmem>> -> memref<128xi32, #tpu.memory_space<vmem>>
      %dma_start3A_975 = arith.constant 0 : i32
      %dma_start3A_976 = arith.constant 0 : i32
      %dma_start3A_977 = tpu.memref_slice %arg11[%dma_start3A_975, %dma_start3A_976] : memref<25104x64xf32, #tpu.memory_space<vmem_shared>> -> memref<25104x64xf32, #tpu.memory_space<vmem_shared>>
      tpu.enqueue_indirect_dma source(%arg8 : memref<128x64xf32, #tpu.memory_space<vmem>>) target(%dma_start3A_977 : memref<25104x64xf32, #tpu.memory_space<vmem_shared>>) offsets(%dma_start3A_974 : memref<128xi32, #tpu.memory_space<vmem>>) semaphore(%arg14 : memref<!tpu.dma_semaphore, #tpu.memory_space<semaphore_mem>>) {add = true}
      %dma_wait3A_978 = arith.constant 24 : i32
      %dma_wait3A_979 = arith.constant 0 : i32
      %dma_wait3A_980 = tpu.memref_slice %arg7[%dma_wait3A_978, %dma_wait3A_979] : memref<28x128xi32, #tpu.memory_space<vmem>> -> memref<1x128xi32, #tpu.memory_space<vmem>>
      %dma_wait3A_981 = tpu.memref_squeeze %dma_wait3A_980 : memref<1x128xi32, #tpu.memory_space<vmem>> -> memref<128xi32, #tpu.memory_space<vmem>>
      %dma_wait3A_982 = arith.constant 0 : i32
      %dma_wait3A_983 = arith.constant 0 : i32
      %dma_wait3A_984 = tpu.memref_slice %arg11[%dma_wait3A_982, %dma_wait3A_983] : memref<25104x64xf32, #tpu.memory_space<vmem_shared>> -> memref<25104x64xf32, #tpu.memory_space<vmem_shared>>
      tpu.wait_indirect_dma semaphore(%arg14 : memref<!tpu.dma_semaphore, #tpu.memory_space<semaphore_mem>>) src(%arg8 : memref<128x64xf32, #tpu.memory_space<vmem>>) dst(%dma_wait3A_984 : memref<25104x64xf32, #tpu.memory_space<vmem_shared>>)
      %dma_start3A_985 = arith.constant 26 : i32
      %dma_start3A_986 = arith.constant 0 : i32
      %dma_start3A_987 = tpu.memref_slice %arg6[%dma_start3A_985, %dma_start3A_986] : memref<28x128xi32, #tpu.memory_space<vmem>> -> memref<1x128xi32, #tpu.memory_space<vmem>>
      %dma_start3A_988 = tpu.memref_squeeze %dma_start3A_987 : memref<1x128xi32, #tpu.memory_space<vmem>> -> memref<128xi32, #tpu.memory_space<vmem>>
      %dma_start3A_989 = arith.constant 0 : i32
      %dma_start3A_990 = arith.constant 0 : i32
      %dma_start3A_991 = tpu.memref_slice %arg2[%dma_start3A_989, %dma_start3A_990] : memref<50176x64xf32, #tpu.memory_space<hbm>> -> memref<50176x64xf32, #tpu.memory_space<hbm>>
      tpu.enqueue_indirect_dma source(%dma_start3A_991 : memref<50176x64xf32, #tpu.memory_space<hbm>>) target(%arg8 : memref<128x64xf32, #tpu.memory_space<vmem>>) offsets(%dma_start3A_988 : memref<128xi32, #tpu.memory_space<vmem>>) semaphore(%arg12 : memref<!tpu.dma_semaphore, #tpu.memory_space<semaphore_mem>>)
      %dma_wait3A_992 = arith.constant 25 : i32
      %dma_wait3A_993 = arith.constant 0 : i32
      %dma_wait3A_994 = tpu.memref_slice %arg6[%dma_wait3A_992, %dma_wait3A_993] : memref<28x128xi32, #tpu.memory_space<vmem>> -> memref<1x128xi32, #tpu.memory_space<vmem>>
      %dma_wait3A_995 = tpu.memref_squeeze %dma_wait3A_994 : memref<1x128xi32, #tpu.memory_space<vmem>> -> memref<128xi32, #tpu.memory_space<vmem>>
      %dma_wait3A_996 = arith.constant 0 : i32
      %dma_wait3A_997 = arith.constant 0 : i32
      %dma_wait3A_998 = tpu.memref_slice %arg2[%dma_wait3A_996, %dma_wait3A_997] : memref<50176x64xf32, #tpu.memory_space<hbm>> -> memref<50176x64xf32, #tpu.memory_space<hbm>>
      tpu.wait_indirect_dma semaphore(%arg13 : memref<!tpu.dma_semaphore, #tpu.memory_space<semaphore_mem>>) src(%dma_wait3A_998 : memref<50176x64xf32, #tpu.memory_space<hbm>>) dst(%arg9 : memref<128x64xf32, #tpu.memory_space<vmem>>)
      %dma_start3A_999 = arith.constant 25 : i32
      %dma_start3A_1000 = arith.constant 0 : i32
      %dma_start3A_1001 = tpu.memref_slice %arg7[%dma_start3A_999, %dma_start3A_1000] : memref<28x128xi32, #tpu.memory_space<vmem>> -> memref<1x128xi32, #tpu.memory_space<vmem>>
      %dma_start3A_1002 = tpu.memref_squeeze %dma_start3A_1001 : memref<1x128xi32, #tpu.memory_space<vmem>> -> memref<128xi32, #tpu.memory_space<vmem>>
      %dma_start3A_1003 = arith.constant 0 : i32
      %dma_start3A_1004 = arith.constant 0 : i32
      %dma_start3A_1005 = tpu.memref_slice %arg11[%dma_start3A_1003, %dma_start3A_1004] : memref<25104x64xf32, #tpu.memory_space<vmem_shared>> -> memref<25104x64xf32, #tpu.memory_space<vmem_shared>>
      tpu.enqueue_indirect_dma source(%arg9 : memref<128x64xf32, #tpu.memory_space<vmem>>) target(%dma_start3A_1005 : memref<25104x64xf32, #tpu.memory_space<vmem_shared>>) offsets(%dma_start3A_1002 : memref<128xi32, #tpu.memory_space<vmem>>) semaphore(%arg15 : memref<!tpu.dma_semaphore, #tpu.memory_space<semaphore_mem>>) {add = true}
      %dma_wait3A_1006 = arith.constant 25 : i32
      %dma_wait3A_1007 = arith.constant 0 : i32
      %dma_wait3A_1008 = tpu.memref_slice %arg7[%dma_wait3A_1006, %dma_wait3A_1007] : memref<28x128xi32, #tpu.memory_space<vmem>> -> memref<1x128xi32, #tpu.memory_space<vmem>>
      %dma_wait3A_1009 = tpu.memref_squeeze %dma_wait3A_1008 : memref<1x128xi32, #tpu.memory_space<vmem>> -> memref<128xi32, #tpu.memory_space<vmem>>
      %dma_wait3A_1010 = arith.constant 0 : i32
      %dma_wait3A_1011 = arith.constant 0 : i32
      %dma_wait3A_1012 = tpu.memref_slice %arg11[%dma_wait3A_1010, %dma_wait3A_1011] : memref<25104x64xf32, #tpu.memory_space<vmem_shared>> -> memref<25104x64xf32, #tpu.memory_space<vmem_shared>>
      tpu.wait_indirect_dma semaphore(%arg15 : memref<!tpu.dma_semaphore, #tpu.memory_space<semaphore_mem>>) src(%arg9 : memref<128x64xf32, #tpu.memory_space<vmem>>) dst(%dma_wait3A_1012 : memref<25104x64xf32, #tpu.memory_space<vmem_shared>>)
      %dma_start3A_1013 = arith.constant 27 : i32
      %dma_start3A_1014 = arith.constant 0 : i32
      %dma_start3A_1015 = tpu.memref_slice %arg6[%dma_start3A_1013, %dma_start3A_1014] : memref<28x128xi32, #tpu.memory_space<vmem>> -> memref<1x128xi32, #tpu.memory_space<vmem>>
      %dma_start3A_1016 = tpu.memref_squeeze %dma_start3A_1015 : memref<1x128xi32, #tpu.memory_space<vmem>> -> memref<128xi32, #tpu.memory_space<vmem>>
      %dma_start3A_1017 = arith.constant 0 : i32
      %dma_start3A_1018 = arith.constant 0 : i32
      %dma_start3A_1019 = tpu.memref_slice %arg2[%dma_start3A_1017, %dma_start3A_1018] : memref<50176x64xf32, #tpu.memory_space<hbm>> -> memref<50176x64xf32, #tpu.memory_space<hbm>>
      tpu.enqueue_indirect_dma source(%dma_start3A_1019 : memref<50176x64xf32, #tpu.memory_space<hbm>>) target(%arg9 : memref<128x64xf32, #tpu.memory_space<vmem>>) offsets(%dma_start3A_1016 : memref<128xi32, #tpu.memory_space<vmem>>) semaphore(%arg13 : memref<!tpu.dma_semaphore, #tpu.memory_space<semaphore_mem>>)
      %dma_wait3A_1020 = arith.constant 26 : i32
      %dma_wait3A_1021 = arith.constant 0 : i32
      %dma_wait3A_1022 = tpu.memref_slice %arg6[%dma_wait3A_1020, %dma_wait3A_1021] : memref<28x128xi32, #tpu.memory_space<vmem>> -> memref<1x128xi32, #tpu.memory_space<vmem>>
      %dma_wait3A_1023 = tpu.memref_squeeze %dma_wait3A_1022 : memref<1x128xi32, #tpu.memory_space<vmem>> -> memref<128xi32, #tpu.memory_space<vmem>>
      %dma_wait3A_1024 = arith.constant 0 : i32
      %dma_wait3A_1025 = arith.constant 0 : i32
      %dma_wait3A_1026 = tpu.memref_slice %arg2[%dma_wait3A_1024, %dma_wait3A_1025] : memref<50176x64xf32, #tpu.memory_space<hbm>> -> memref<50176x64xf32, #tpu.memory_space<hbm>>
      tpu.wait_indirect_dma semaphore(%arg12 : memref<!tpu.dma_semaphore, #tpu.memory_space<semaphore_mem>>) src(%dma_wait3A_1026 : memref<50176x64xf32, #tpu.memory_space<hbm>>) dst(%arg8 : memref<128x64xf32, #tpu.memory_space<vmem>>)
      %dma_start3A_1027 = arith.constant 26 : i32
      %dma_start3A_1028 = arith.constant 0 : i32
      %dma_start3A_1029 = tpu.memref_slice %arg7[%dma_start3A_1027, %dma_start3A_1028] : memref<28x128xi32, #tpu.memory_space<vmem>> -> memref<1x128xi32, #tpu.memory_space<vmem>>
      %dma_start3A_1030 = tpu.memref_squeeze %dma_start3A_1029 : memref<1x128xi32, #tpu.memory_space<vmem>> -> memref<128xi32, #tpu.memory_space<vmem>>
      %dma_start3A_1031 = arith.constant 0 : i32
      %dma_start3A_1032 = arith.constant 0 : i32
      %dma_start3A_1033 = tpu.memref_slice %arg11[%dma_start3A_1031, %dma_start3A_1032] : memref<25104x64xf32, #tpu.memory_space<vmem_shared>> -> memref<25104x64xf32, #tpu.memory_space<vmem_shared>>
      tpu.enqueue_indirect_dma source(%arg8 : memref<128x64xf32, #tpu.memory_space<vmem>>) target(%dma_start3A_1033 : memref<25104x64xf32, #tpu.memory_space<vmem_shared>>) offsets(%dma_start3A_1030 : memref<128xi32, #tpu.memory_space<vmem>>) semaphore(%arg14 : memref<!tpu.dma_semaphore, #tpu.memory_space<semaphore_mem>>) {add = true}
      %dma_wait3A_1034 = arith.constant 26 : i32
      %dma_wait3A_1035 = arith.constant 0 : i32
      %dma_wait3A_1036 = tpu.memref_slice %arg7[%dma_wait3A_1034, %dma_wait3A_1035] : memref<28x128xi32, #tpu.memory_space<vmem>> -> memref<1x128xi32, #tpu.memory_space<vmem>>
      %dma_wait3A_1037 = tpu.memref_squeeze %dma_wait3A_1036 : memref<1x128xi32, #tpu.memory_space<vmem>> -> memref<128xi32, #tpu.memory_space<vmem>>
      %dma_wait3A_1038 = arith.constant 0 : i32
      %dma_wait3A_1039 = arith.constant 0 : i32
      %dma_wait3A_1040 = tpu.memref_slice %arg11[%dma_wait3A_1038, %dma_wait3A_1039] : memref<25104x64xf32, #tpu.memory_space<vmem_shared>> -> memref<25104x64xf32, #tpu.memory_space<vmem_shared>>
      tpu.wait_indirect_dma semaphore(%arg14 : memref<!tpu.dma_semaphore, #tpu.memory_space<semaphore_mem>>) src(%arg8 : memref<128x64xf32, #tpu.memory_space<vmem>>) dst(%dma_wait3A_1040 : memref<25104x64xf32, #tpu.memory_space<vmem_shared>>)
      %dma_wait3A_1041 = arith.constant 27 : i32
      %dma_wait3A_1042 = arith.constant 0 : i32
      %dma_wait3A_1043 = tpu.memref_slice %arg6[%dma_wait3A_1041, %dma_wait3A_1042] : memref<28x128xi32, #tpu.memory_space<vmem>> -> memref<1x128xi32, #tpu.memory_space<vmem>>
      %dma_wait3A_1044 = tpu.memref_squeeze %dma_wait3A_1043 : memref<1x128xi32, #tpu.memory_space<vmem>> -> memref<128xi32, #tpu.memory_space<vmem>>
      %dma_wait3A_1045 = arith.constant 0 : i32
      %dma_wait3A_1046 = arith.constant 0 : i32
      %dma_wait3A_1047 = tpu.memref_slice %arg2[%dma_wait3A_1045, %dma_wait3A_1046] : memref<50176x64xf32, #tpu.memory_space<hbm>> -> memref<50176x64xf32, #tpu.memory_space<hbm>>
      tpu.wait_indirect_dma semaphore(%arg13 : memref<!tpu.dma_semaphore, #tpu.memory_space<semaphore_mem>>) src(%dma_wait3A_1047 : memref<50176x64xf32, #tpu.memory_space<hbm>>) dst(%arg9 : memref<128x64xf32, #tpu.memory_space<vmem>>)
      %dma_start3A_1048 = arith.constant 27 : i32
      %dma_start3A_1049 = arith.constant 0 : i32
      %dma_start3A_1050 = tpu.memref_slice %arg7[%dma_start3A_1048, %dma_start3A_1049] : memref<28x128xi32, #tpu.memory_space<vmem>> -> memref<1x128xi32, #tpu.memory_space<vmem>>
      %dma_start3A_1051 = tpu.memref_squeeze %dma_start3A_1050 : memref<1x128xi32, #tpu.memory_space<vmem>> -> memref<128xi32, #tpu.memory_space<vmem>>
      %dma_start3A_1052 = arith.constant 0 : i32
      %dma_start3A_1053 = arith.constant 0 : i32
      %dma_start3A_1054 = tpu.memref_slice %arg11[%dma_start3A_1052, %dma_start3A_1053] : memref<25104x64xf32, #tpu.memory_space<vmem_shared>> -> memref<25104x64xf32, #tpu.memory_space<vmem_shared>>
      tpu.enqueue_indirect_dma source(%arg9 : memref<128x64xf32, #tpu.memory_space<vmem>>) target(%dma_start3A_1054 : memref<25104x64xf32, #tpu.memory_space<vmem_shared>>) offsets(%dma_start3A_1051 : memref<128xi32, #tpu.memory_space<vmem>>) semaphore(%arg15 : memref<!tpu.dma_semaphore, #tpu.memory_space<semaphore_mem>>) {add = true}
      %dma_wait3A_1055 = arith.constant 27 : i32
      %dma_wait3A_1056 = arith.constant 0 : i32
      %dma_wait3A_1057 = tpu.memref_slice %arg7[%dma_wait3A_1055, %dma_wait3A_1056] : memref<28x128xi32, #tpu.memory_space<vmem>> -> memref<1x128xi32, #tpu.memory_space<vmem>>
      %dma_wait3A_1058 = tpu.memref_squeeze %dma_wait3A_1057 : memref<1x128xi32, #tpu.memory_space<vmem>> -> memref<128xi32, #tpu.memory_space<vmem>>
      %dma_wait3A_1059 = arith.constant 0 : i32
      %dma_wait3A_1060 = arith.constant 0 : i32
      %dma_wait3A_1061 = tpu.memref_slice %arg11[%dma_wait3A_1059, %dma_wait3A_1060] : memref<25104x64xf32, #tpu.memory_space<vmem_shared>> -> memref<25104x64xf32, #tpu.memory_space<vmem_shared>>
      tpu.wait_indirect_dma semaphore(%arg15 : memref<!tpu.dma_semaphore, #tpu.memory_space<semaphore_mem>>) src(%arg9 : memref<128x64xf32, #tpu.memory_space<vmem>>) dst(%dma_wait3A_1061 : memref<25104x64xf32, #tpu.memory_space<vmem_shared>>)
    }
    %scan3A_124 = arith.constant 14 : i32
    %barrier3A_125 = arith.constant 0 : index
    tpu.barrier barrier_id(%barrier3A_125)
    %mul3A_126 = arith.constant 1568 : i32
    %mul3A_127 = arith.muli %arg1, %mul3A_126 : i32
    %add3A_128 = arith.constant 0 : i32
    %add3A_129 = arith.addi %mul3A_127, %add3A_128 : i32
    "tpu.region"() ({
      %run_scoped3A = tpu.sem_alloc : memref<!tpu.dma_semaphore, #tpu.memory_space<semaphore_mem>>
      %dma_start3A = arith.constant 0 : i32
      %dma_start3A_266 = tpu.memref_slice %arg11[%add3A_129, %dma_start3A] : memref<25104x64xf32, #tpu.memory_space<vmem_shared>> -> memref<56x64xf32, #tpu.memory_space<vmem_shared>>
      %dma_start3A_267 = arith.constant 0 : i32
      %dma_start3A_268 = tpu.memref_slice %arg11[%add3A_129, %dma_start3A_267] : memref<25104x64xf32, #tpu.memory_space<vmem_shared>> -> memref<56x64xf32, #tpu.memory_space<vmem_shared>>
      tpu.enqueue_dma source(%dma_start3A_268 : memref<56x64xf32, #tpu.memory_space<vmem_shared>>) target(%arg10 : memref<56x64xf32, #tpu.memory_space<vmem>>) target_semaphore(%run_scoped3A : memref<!tpu.dma_semaphore, #tpu.memory_space<semaphore_mem>>)
      %dma_wait3A = arith.constant 0 : i32
      %dma_wait3A_269 = tpu.memref_slice %arg11[%add3A_129, %dma_wait3A] : memref<25104x64xf32, #tpu.memory_space<vmem_shared>> -> memref<56x64xf32, #tpu.memory_space<vmem_shared>>
      %dma_wait3A_270 = arith.constant 0 : i32
      %dma_wait3A_271 = tpu.memref_slice %arg11[%add3A_129, %dma_wait3A_270] : memref<25104x64xf32, #tpu.memory_space<vmem_shared>> -> memref<56x64xf32, #tpu.memory_space<vmem_shared>>
      tpu.wait_dma2 semaphore(%run_scoped3A : memref<!tpu.dma_semaphore, #tpu.memory_space<semaphore_mem>>) src(%dma_wait3A_271 : memref<56x64xf32, #tpu.memory_space<vmem_shared>>) dst(%arg10 : memref<56x64xf32, #tpu.memory_space<vmem>>)
      tpu.yield
    }) : () -> ()
    %add3A_130 = arith.addi %mul3A_0, %add3A_129 : i32
    "tpu.region"() ({
      %run_scoped3A = tpu.sem_alloc : memref<!tpu.dma_semaphore, #tpu.memory_space<semaphore_mem>>
      %dma_start3A = arith.constant 0 : i32
      %dma_start3A_266 = tpu.memref_slice %arg5[%add3A_130, %dma_start3A] : memref<50176x64xf32, #tpu.memory_space<hbm>> -> memref<56x64xf32, #tpu.memory_space<hbm>>
      %dma_start3A_267 = arith.constant 0 : i32
      %dma_start3A_268 = tpu.memref_slice %arg5[%add3A_130, %dma_start3A_267] : memref<50176x64xf32, #tpu.memory_space<hbm>> -> memref<56x64xf32, #tpu.memory_space<hbm>>
      tpu.enqueue_dma source(%arg10 : memref<56x64xf32, #tpu.memory_space<vmem>>) target(%dma_start3A_268 : memref<56x64xf32, #tpu.memory_space<hbm>>) target_semaphore(%run_scoped3A : memref<!tpu.dma_semaphore, #tpu.memory_space<semaphore_mem>>)
      %dma_wait3A = arith.constant 0 : i32
      %dma_wait3A_269 = tpu.memref_slice %arg5[%add3A_130, %dma_wait3A] : memref<50176x64xf32, #tpu.memory_space<hbm>> -> memref<56x64xf32, #tpu.memory_space<hbm>>
      %dma_wait3A_270 = arith.constant 0 : i32
      %dma_wait3A_271 = tpu.memref_slice %arg5[%add3A_130, %dma_wait3A_270] : memref<50176x64xf32, #tpu.memory_space<hbm>> -> memref<56x64xf32, #tpu.memory_space<hbm>>
      tpu.wait_dma2 semaphore(%run_scoped3A : memref<!tpu.dma_semaphore, #tpu.memory_space<semaphore_mem>>) src(%arg10 : memref<56x64xf32, #tpu.memory_space<vmem>>) dst(%dma_wait3A_271 : memref<56x64xf32, #tpu.memory_space<hbm>>)
      tpu.yield
    }) : () -> ()
    %mul3A_131 = arith.constant 1568 : i32
    %mul3A_132 = arith.muli %arg1, %mul3A_131 : i32
    %add3A_133 = arith.constant 56 : i32
    %add3A_134 = arith.addi %mul3A_132, %add3A_133 : i32
    "tpu.region"() ({
      %run_scoped3A = tpu.sem_alloc : memref<!tpu.dma_semaphore, #tpu.memory_space<semaphore_mem>>
      %dma_start3A = arith.constant 0 : i32
      %dma_start3A_266 = tpu.memref_slice %arg11[%add3A_134, %dma_start3A] : memref<25104x64xf32, #tpu.memory_space<vmem_shared>> -> memref<56x64xf32, #tpu.memory_space<vmem_shared>>
      %dma_start3A_267 = arith.constant 0 : i32
      %dma_start3A_268 = tpu.memref_slice %arg11[%add3A_134, %dma_start3A_267] : memref<25104x64xf32, #tpu.memory_space<vmem_shared>> -> memref<56x64xf32, #tpu.memory_space<vmem_shared>>
      tpu.enqueue_dma source(%dma_start3A_268 : memref<56x64xf32, #tpu.memory_space<vmem_shared>>) target(%arg10 : memref<56x64xf32, #tpu.memory_space<vmem>>) target_semaphore(%run_scoped3A : memref<!tpu.dma_semaphore, #tpu.memory_space<semaphore_mem>>)
      %dma_wait3A = arith.constant 0 : i32
      %dma_wait3A_269 = tpu.memref_slice %arg11[%add3A_134, %dma_wait3A] : memref<25104x64xf32, #tpu.memory_space<vmem_shared>> -> memref<56x64xf32, #tpu.memory_space<vmem_shared>>
      %dma_wait3A_270 = arith.constant 0 : i32
      %dma_wait3A_271 = tpu.memref_slice %arg11[%add3A_134, %dma_wait3A_270] : memref<25104x64xf32, #tpu.memory_space<vmem_shared>> -> memref<56x64xf32, #tpu.memory_space<vmem_shared>>
      tpu.wait_dma2 semaphore(%run_scoped3A : memref<!tpu.dma_semaphore, #tpu.memory_space<semaphore_mem>>) src(%dma_wait3A_271 : memref<56x64xf32, #tpu.memory_space<vmem_shared>>) dst(%arg10 : memref<56x64xf32, #tpu.memory_space<vmem>>)
      tpu.yield
    }) : () -> ()
    %add3A_135 = arith.addi %mul3A_0, %add3A_134 : i32
    "tpu.region"() ({
      %run_scoped3A = tpu.sem_alloc : memref<!tpu.dma_semaphore, #tpu.memory_space<semaphore_mem>>
      %dma_start3A = arith.constant 0 : i32
      %dma_start3A_266 = tpu.memref_slice %arg5[%add3A_135, %dma_start3A] : memref<50176x64xf32, #tpu.memory_space<hbm>> -> memref<56x64xf32, #tpu.memory_space<hbm>>
      %dma_start3A_267 = arith.constant 0 : i32
      %dma_start3A_268 = tpu.memref_slice %arg5[%add3A_135, %dma_start3A_267] : memref<50176x64xf32, #tpu.memory_space<hbm>> -> memref<56x64xf32, #tpu.memory_space<hbm>>
      tpu.enqueue_dma source(%arg10 : memref<56x64xf32, #tpu.memory_space<vmem>>) target(%dma_start3A_268 : memref<56x64xf32, #tpu.memory_space<hbm>>) target_semaphore(%run_scoped3A : memref<!tpu.dma_semaphore, #tpu.memory_space<semaphore_mem>>)
      %dma_wait3A = arith.constant 0 : i32
      %dma_wait3A_269 = tpu.memref_slice %arg5[%add3A_135, %dma_wait3A] : memref<50176x64xf32, #tpu.memory_space<hbm>> -> memref<56x64xf32, #tpu.memory_space<hbm>>
      %dma_wait3A_270 = arith.constant 0 : i32
      %dma_wait3A_271 = tpu.memref_slice %arg5[%add3A_135, %dma_wait3A_270] : memref<50176x64xf32, #tpu.memory_space<hbm>> -> memref<56x64xf32, #tpu.memory_space<hbm>>
      tpu.wait_dma2 semaphore(%run_scoped3A : memref<!tpu.dma_semaphore, #tpu.memory_space<semaphore_mem>>) src(%arg10 : memref<56x64xf32, #tpu.memory_space<vmem>>) dst(%dma_wait3A_271 : memref<56x64xf32, #tpu.memory_space<hbm>>)
      tpu.yield
    }) : () -> ()
    %mul3A_136 = arith.constant 1568 : i32
    %mul3A_137 = arith.muli %arg1, %mul3A_136 : i32
    %add3A_138 = arith.constant 112 : i32
    %add3A_139 = arith.addi %mul3A_137, %add3A_138 : i32
    "tpu.region"() ({
      %run_scoped3A = tpu.sem_alloc : memref<!tpu.dma_semaphore, #tpu.memory_space<semaphore_mem>>
      %dma_start3A = arith.constant 0 : i32
      %dma_start3A_266 = tpu.memref_slice %arg11[%add3A_139, %dma_start3A] : memref<25104x64xf32, #tpu.memory_space<vmem_shared>> -> memref<56x64xf32, #tpu.memory_space<vmem_shared>>
      %dma_start3A_267 = arith.constant 0 : i32
      %dma_start3A_268 = tpu.memref_slice %arg11[%add3A_139, %dma_start3A_267] : memref<25104x64xf32, #tpu.memory_space<vmem_shared>> -> memref<56x64xf32, #tpu.memory_space<vmem_shared>>
      tpu.enqueue_dma source(%dma_start3A_268 : memref<56x64xf32, #tpu.memory_space<vmem_shared>>) target(%arg10 : memref<56x64xf32, #tpu.memory_space<vmem>>) target_semaphore(%run_scoped3A : memref<!tpu.dma_semaphore, #tpu.memory_space<semaphore_mem>>)
      %dma_wait3A = arith.constant 0 : i32
      %dma_wait3A_269 = tpu.memref_slice %arg11[%add3A_139, %dma_wait3A] : memref<25104x64xf32, #tpu.memory_space<vmem_shared>> -> memref<56x64xf32, #tpu.memory_space<vmem_shared>>
      %dma_wait3A_270 = arith.constant 0 : i32
      %dma_wait3A_271 = tpu.memref_slice %arg11[%add3A_139, %dma_wait3A_270] : memref<25104x64xf32, #tpu.memory_space<vmem_shared>> -> memref<56x64xf32, #tpu.memory_space<vmem_shared>>
      tpu.wait_dma2 semaphore(%run_scoped3A : memref<!tpu.dma_semaphore, #tpu.memory_space<semaphore_mem>>) src(%dma_wait3A_271 : memref<56x64xf32, #tpu.memory_space<vmem_shared>>) dst(%arg10 : memref<56x64xf32, #tpu.memory_space<vmem>>)
      tpu.yield
    }) : () -> ()
    %add3A_140 = arith.addi %mul3A_0, %add3A_139 : i32
    "tpu.region"() ({
      %run_scoped3A = tpu.sem_alloc : memref<!tpu.dma_semaphore, #tpu.memory_space<semaphore_mem>>
      %dma_start3A = arith.constant 0 : i32
      %dma_start3A_266 = tpu.memref_slice %arg5[%add3A_140, %dma_start3A] : memref<50176x64xf32, #tpu.memory_space<hbm>> -> memref<56x64xf32, #tpu.memory_space<hbm>>
      %dma_start3A_267 = arith.constant 0 : i32
      %dma_start3A_268 = tpu.memref_slice %arg5[%add3A_140, %dma_start3A_267] : memref<50176x64xf32, #tpu.memory_space<hbm>> -> memref<56x64xf32, #tpu.memory_space<hbm>>
      tpu.enqueue_dma source(%arg10 : memref<56x64xf32, #tpu.memory_space<vmem>>) target(%dma_start3A_268 : memref<56x64xf32, #tpu.memory_space<hbm>>) target_semaphore(%run_scoped3A : memref<!tpu.dma_semaphore, #tpu.memory_space<semaphore_mem>>)
      %dma_wait3A = arith.constant 0 : i32
      %dma_wait3A_269 = tpu.memref_slice %arg5[%add3A_140, %dma_wait3A] : memref<50176x64xf32, #tpu.memory_space<hbm>> -> memref<56x64xf32, #tpu.memory_space<hbm>>
      %dma_wait3A_270 = arith.constant 0 : i32
      %dma_wait3A_271 = tpu.memref_slice %arg5[%add3A_140, %dma_wait3A_270] : memref<50176x64xf32, #tpu.memory_space<hbm>> -> memref<56x64xf32, #tpu.memory_space<hbm>>
      tpu.wait_dma2 semaphore(%run_scoped3A : memref<!tpu.dma_semaphore, #tpu.memory_space<semaphore_mem>>) src(%arg10 : memref<56x64xf32, #tpu.memory_space<vmem>>) dst(%dma_wait3A_271 : memref<56x64xf32, #tpu.memory_space<hbm>>)
      tpu.yield
    }) : () -> ()
    %mul3A_141 = arith.constant 1568 : i32
    %mul3A_142 = arith.muli %arg1, %mul3A_141 : i32
    %add3A_143 = arith.constant 168 : i32
    %add3A_144 = arith.addi %mul3A_142, %add3A_143 : i32
    "tpu.region"() ({
      %run_scoped3A = tpu.sem_alloc : memref<!tpu.dma_semaphore, #tpu.memory_space<semaphore_mem>>
      %dma_start3A = arith.constant 0 : i32
      %dma_start3A_266 = tpu.memref_slice %arg11[%add3A_144, %dma_start3A] : memref<25104x64xf32, #tpu.memory_space<vmem_shared>> -> memref<56x64xf32, #tpu.memory_space<vmem_shared>>
      %dma_start3A_267 = arith.constant 0 : i32
      %dma_start3A_268 = tpu.memref_slice %arg11[%add3A_144, %dma_start3A_267] : memref<25104x64xf32, #tpu.memory_space<vmem_shared>> -> memref<56x64xf32, #tpu.memory_space<vmem_shared>>
      tpu.enqueue_dma source(%dma_start3A_268 : memref<56x64xf32, #tpu.memory_space<vmem_shared>>) target(%arg10 : memref<56x64xf32, #tpu.memory_space<vmem>>) target_semaphore(%run_scoped3A : memref<!tpu.dma_semaphore, #tpu.memory_space<semaphore_mem>>)
      %dma_wait3A = arith.constant 0 : i32
      %dma_wait3A_269 = tpu.memref_slice %arg11[%add3A_144, %dma_wait3A] : memref<25104x64xf32, #tpu.memory_space<vmem_shared>> -> memref<56x64xf32, #tpu.memory_space<vmem_shared>>
      %dma_wait3A_270 = arith.constant 0 : i32
      %dma_wait3A_271 = tpu.memref_slice %arg11[%add3A_144, %dma_wait3A_270] : memref<25104x64xf32, #tpu.memory_space<vmem_shared>> -> memref<56x64xf32, #tpu.memory_space<vmem_shared>>
      tpu.wait_dma2 semaphore(%run_scoped3A : memref<!tpu.dma_semaphore, #tpu.memory_space<semaphore_mem>>) src(%dma_wait3A_271 : memref<56x64xf32, #tpu.memory_space<vmem_shared>>) dst(%arg10 : memref<56x64xf32, #tpu.memory_space<vmem>>)
      tpu.yield
    }) : () -> ()
    %add3A_145 = arith.addi %mul3A_0, %add3A_144 : i32
    "tpu.region"() ({
      %run_scoped3A = tpu.sem_alloc : memref<!tpu.dma_semaphore, #tpu.memory_space<semaphore_mem>>
      %dma_start3A = arith.constant 0 : i32
      %dma_start3A_266 = tpu.memref_slice %arg5[%add3A_145, %dma_start3A] : memref<50176x64xf32, #tpu.memory_space<hbm>> -> memref<56x64xf32, #tpu.memory_space<hbm>>
      %dma_start3A_267 = arith.constant 0 : i32
      %dma_start3A_268 = tpu.memref_slice %arg5[%add3A_145, %dma_start3A_267] : memref<50176x64xf32, #tpu.memory_space<hbm>> -> memref<56x64xf32, #tpu.memory_space<hbm>>
      tpu.enqueue_dma source(%arg10 : memref<56x64xf32, #tpu.memory_space<vmem>>) target(%dma_start3A_268 : memref<56x64xf32, #tpu.memory_space<hbm>>) target_semaphore(%run_scoped3A : memref<!tpu.dma_semaphore, #tpu.memory_space<semaphore_mem>>)
      %dma_wait3A = arith.constant 0 : i32
      %dma_wait3A_269 = tpu.memref_slice %arg5[%add3A_145, %dma_wait3A] : memref<50176x64xf32, #tpu.memory_space<hbm>> -> memref<56x64xf32, #tpu.memory_space<hbm>>
      %dma_wait3A_270 = arith.constant 0 : i32
      %dma_wait3A_271 = tpu.memref_slice %arg5[%add3A_145, %dma_wait3A_270] : memref<50176x64xf32, #tpu.memory_space<hbm>> -> memref<56x64xf32, #tpu.memory_space<hbm>>
      tpu.wait_dma2 semaphore(%run_scoped3A : memref<!tpu.dma_semaphore, #tpu.memory_space<semaphore_mem>>) src(%arg10 : memref<56x64xf32, #tpu.memory_space<vmem>>) dst(%dma_wait3A_271 : memref<56x64xf32, #tpu.memory_space<hbm>>)
      tpu.yield
    }) : () -> ()
    %mul3A_146 = arith.constant 1568 : i32
    %mul3A_147 = arith.muli %arg1, %mul3A_146 : i32
    %add3A_148 = arith.constant 224 : i32
    %add3A_149 = arith.addi %mul3A_147, %add3A_148 : i32
    "tpu.region"() ({
      %run_scoped3A = tpu.sem_alloc : memref<!tpu.dma_semaphore, #tpu.memory_space<semaphore_mem>>
      %dma_start3A = arith.constant 0 : i32
      %dma_start3A_266 = tpu.memref_slice %arg11[%add3A_149, %dma_start3A] : memref<25104x64xf32, #tpu.memory_space<vmem_shared>> -> memref<56x64xf32, #tpu.memory_space<vmem_shared>>
      %dma_start3A_267 = arith.constant 0 : i32
      %dma_start3A_268 = tpu.memref_slice %arg11[%add3A_149, %dma_start3A_267] : memref<25104x64xf32, #tpu.memory_space<vmem_shared>> -> memref<56x64xf32, #tpu.memory_space<vmem_shared>>
      tpu.enqueue_dma source(%dma_start3A_268 : memref<56x64xf32, #tpu.memory_space<vmem_shared>>) target(%arg10 : memref<56x64xf32, #tpu.memory_space<vmem>>) target_semaphore(%run_scoped3A : memref<!tpu.dma_semaphore, #tpu.memory_space<semaphore_mem>>)
      %dma_wait3A = arith.constant 0 : i32
      %dma_wait3A_269 = tpu.memref_slice %arg11[%add3A_149, %dma_wait3A] : memref<25104x64xf32, #tpu.memory_space<vmem_shared>> -> memref<56x64xf32, #tpu.memory_space<vmem_shared>>
      %dma_wait3A_270 = arith.constant 0 : i32
      %dma_wait3A_271 = tpu.memref_slice %arg11[%add3A_149, %dma_wait3A_270] : memref<25104x64xf32, #tpu.memory_space<vmem_shared>> -> memref<56x64xf32, #tpu.memory_space<vmem_shared>>
      tpu.wait_dma2 semaphore(%run_scoped3A : memref<!tpu.dma_semaphore, #tpu.memory_space<semaphore_mem>>) src(%dma_wait3A_271 : memref<56x64xf32, #tpu.memory_space<vmem_shared>>) dst(%arg10 : memref<56x64xf32, #tpu.memory_space<vmem>>)
      tpu.yield
    }) : () -> ()
    %add3A_150 = arith.addi %mul3A_0, %add3A_149 : i32
    "tpu.region"() ({
      %run_scoped3A = tpu.sem_alloc : memref<!tpu.dma_semaphore, #tpu.memory_space<semaphore_mem>>
      %dma_start3A = arith.constant 0 : i32
      %dma_start3A_266 = tpu.memref_slice %arg5[%add3A_150, %dma_start3A] : memref<50176x64xf32, #tpu.memory_space<hbm>> -> memref<56x64xf32, #tpu.memory_space<hbm>>
      %dma_start3A_267 = arith.constant 0 : i32
      %dma_start3A_268 = tpu.memref_slice %arg5[%add3A_150, %dma_start3A_267] : memref<50176x64xf32, #tpu.memory_space<hbm>> -> memref<56x64xf32, #tpu.memory_space<hbm>>
      tpu.enqueue_dma source(%arg10 : memref<56x64xf32, #tpu.memory_space<vmem>>) target(%dma_start3A_268 : memref<56x64xf32, #tpu.memory_space<hbm>>) target_semaphore(%run_scoped3A : memref<!tpu.dma_semaphore, #tpu.memory_space<semaphore_mem>>)
      %dma_wait3A = arith.constant 0 : i32
      %dma_wait3A_269 = tpu.memref_slice %arg5[%add3A_150, %dma_wait3A] : memref<50176x64xf32, #tpu.memory_space<hbm>> -> memref<56x64xf32, #tpu.memory_space<hbm>>
      %dma_wait3A_270 = arith.constant 0 : i32
      %dma_wait3A_271 = tpu.memref_slice %arg5[%add3A_150, %dma_wait3A_270] : memref<50176x64xf32, #tpu.memory_space<hbm>> -> memref<56x64xf32, #tpu.memory_space<hbm>>
      tpu.wait_dma2 semaphore(%run_scoped3A : memref<!tpu.dma_semaphore, #tpu.memory_space<semaphore_mem>>) src(%arg10 : memref<56x64xf32, #tpu.memory_space<vmem>>) dst(%dma_wait3A_271 : memref<56x64xf32, #tpu.memory_space<hbm>>)
      tpu.yield
    }) : () -> ()
    %mul3A_151 = arith.constant 1568 : i32
    %mul3A_152 = arith.muli %arg1, %mul3A_151 : i32
    %add3A_153 = arith.constant 280 : i32
    %add3A_154 = arith.addi %mul3A_152, %add3A_153 : i32
    "tpu.region"() ({
      %run_scoped3A = tpu.sem_alloc : memref<!tpu.dma_semaphore, #tpu.memory_space<semaphore_mem>>
      %dma_start3A = arith.constant 0 : i32
      %dma_start3A_266 = tpu.memref_slice %arg11[%add3A_154, %dma_start3A] : memref<25104x64xf32, #tpu.memory_space<vmem_shared>> -> memref<56x64xf32, #tpu.memory_space<vmem_shared>>
      %dma_start3A_267 = arith.constant 0 : i32
      %dma_start3A_268 = tpu.memref_slice %arg11[%add3A_154, %dma_start3A_267] : memref<25104x64xf32, #tpu.memory_space<vmem_shared>> -> memref<56x64xf32, #tpu.memory_space<vmem_shared>>
      tpu.enqueue_dma source(%dma_start3A_268 : memref<56x64xf32, #tpu.memory_space<vmem_shared>>) target(%arg10 : memref<56x64xf32, #tpu.memory_space<vmem>>) target_semaphore(%run_scoped3A : memref<!tpu.dma_semaphore, #tpu.memory_space<semaphore_mem>>)
      %dma_wait3A = arith.constant 0 : i32
      %dma_wait3A_269 = tpu.memref_slice %arg11[%add3A_154, %dma_wait3A] : memref<25104x64xf32, #tpu.memory_space<vmem_shared>> -> memref<56x64xf32, #tpu.memory_space<vmem_shared>>
      %dma_wait3A_270 = arith.constant 0 : i32
      %dma_wait3A_271 = tpu.memref_slice %arg11[%add3A_154, %dma_wait3A_270] : memref<25104x64xf32, #tpu.memory_space<vmem_shared>> -> memref<56x64xf32, #tpu.memory_space<vmem_shared>>
      tpu.wait_dma2 semaphore(%run_scoped3A : memref<!tpu.dma_semaphore, #tpu.memory_space<semaphore_mem>>) src(%dma_wait3A_271 : memref<56x64xf32, #tpu.memory_space<vmem_shared>>) dst(%arg10 : memref<56x64xf32, #tpu.memory_space<vmem>>)
      tpu.yield
    }) : () -> ()
    %add3A_155 = arith.addi %mul3A_0, %add3A_154 : i32
    "tpu.region"() ({
      %run_scoped3A = tpu.sem_alloc : memref<!tpu.dma_semaphore, #tpu.memory_space<semaphore_mem>>
      %dma_start3A = arith.constant 0 : i32
      %dma_start3A_266 = tpu.memref_slice %arg5[%add3A_155, %dma_start3A] : memref<50176x64xf32, #tpu.memory_space<hbm>> -> memref<56x64xf32, #tpu.memory_space<hbm>>
      %dma_start3A_267 = arith.constant 0 : i32
      %dma_start3A_268 = tpu.memref_slice %arg5[%add3A_155, %dma_start3A_267] : memref<50176x64xf32, #tpu.memory_space<hbm>> -> memref<56x64xf32, #tpu.memory_space<hbm>>
      tpu.enqueue_dma source(%arg10 : memref<56x64xf32, #tpu.memory_space<vmem>>) target(%dma_start3A_268 : memref<56x64xf32, #tpu.memory_space<hbm>>) target_semaphore(%run_scoped3A : memref<!tpu.dma_semaphore, #tpu.memory_space<semaphore_mem>>)
      %dma_wait3A = arith.constant 0 : i32
      %dma_wait3A_269 = tpu.memref_slice %arg5[%add3A_155, %dma_wait3A] : memref<50176x64xf32, #tpu.memory_space<hbm>> -> memref<56x64xf32, #tpu.memory_space<hbm>>
      %dma_wait3A_270 = arith.constant 0 : i32
      %dma_wait3A_271 = tpu.memref_slice %arg5[%add3A_155, %dma_wait3A_270] : memref<50176x64xf32, #tpu.memory_space<hbm>> -> memref<56x64xf32, #tpu.memory_space<hbm>>
      tpu.wait_dma2 semaphore(%run_scoped3A : memref<!tpu.dma_semaphore, #tpu.memory_space<semaphore_mem>>) src(%arg10 : memref<56x64xf32, #tpu.memory_space<vmem>>) dst(%dma_wait3A_271 : memref<56x64xf32, #tpu.memory_space<hbm>>)
      tpu.yield
    }) : () -> ()
    %mul3A_156 = arith.constant 1568 : i32
    %mul3A_157 = arith.muli %arg1, %mul3A_156 : i32
    %add3A_158 = arith.constant 336 : i32
    %add3A_159 = arith.addi %mul3A_157, %add3A_158 : i32
    "tpu.region"() ({
      %run_scoped3A = tpu.sem_alloc : memref<!tpu.dma_semaphore, #tpu.memory_space<semaphore_mem>>
      %dma_start3A = arith.constant 0 : i32
      %dma_start3A_266 = tpu.memref_slice %arg11[%add3A_159, %dma_start3A] : memref<25104x64xf32, #tpu.memory_space<vmem_shared>> -> memref<56x64xf32, #tpu.memory_space<vmem_shared>>
      %dma_start3A_267 = arith.constant 0 : i32
      %dma_start3A_268 = tpu.memref_slice %arg11[%add3A_159, %dma_start3A_267] : memref<25104x64xf32, #tpu.memory_space<vmem_shared>> -> memref<56x64xf32, #tpu.memory_space<vmem_shared>>
      tpu.enqueue_dma source(%dma_start3A_268 : memref<56x64xf32, #tpu.memory_space<vmem_shared>>) target(%arg10 : memref<56x64xf32, #tpu.memory_space<vmem>>) target_semaphore(%run_scoped3A : memref<!tpu.dma_semaphore, #tpu.memory_space<semaphore_mem>>)
      %dma_wait3A = arith.constant 0 : i32
      %dma_wait3A_269 = tpu.memref_slice %arg11[%add3A_159, %dma_wait3A] : memref<25104x64xf32, #tpu.memory_space<vmem_shared>> -> memref<56x64xf32, #tpu.memory_space<vmem_shared>>
      %dma_wait3A_270 = arith.constant 0 : i32
      %dma_wait3A_271 = tpu.memref_slice %arg11[%add3A_159, %dma_wait3A_270] : memref<25104x64xf32, #tpu.memory_space<vmem_shared>> -> memref<56x64xf32, #tpu.memory_space<vmem_shared>>
      tpu.wait_dma2 semaphore(%run_scoped3A : memref<!tpu.dma_semaphore, #tpu.memory_space<semaphore_mem>>) src(%dma_wait3A_271 : memref<56x64xf32, #tpu.memory_space<vmem_shared>>) dst(%arg10 : memref<56x64xf32, #tpu.memory_space<vmem>>)
      tpu.yield
    }) : () -> ()
    %add3A_160 = arith.addi %mul3A_0, %add3A_159 : i32
    "tpu.region"() ({
      %run_scoped3A = tpu.sem_alloc : memref<!tpu.dma_semaphore, #tpu.memory_space<semaphore_mem>>
      %dma_start3A = arith.constant 0 : i32
      %dma_start3A_266 = tpu.memref_slice %arg5[%add3A_160, %dma_start3A] : memref<50176x64xf32, #tpu.memory_space<hbm>> -> memref<56x64xf32, #tpu.memory_space<hbm>>
      %dma_start3A_267 = arith.constant 0 : i32
      %dma_start3A_268 = tpu.memref_slice %arg5[%add3A_160, %dma_start3A_267] : memref<50176x64xf32, #tpu.memory_space<hbm>> -> memref<56x64xf32, #tpu.memory_space<hbm>>
      tpu.enqueue_dma source(%arg10 : memref<56x64xf32, #tpu.memory_space<vmem>>) target(%dma_start3A_268 : memref<56x64xf32, #tpu.memory_space<hbm>>) target_semaphore(%run_scoped3A : memref<!tpu.dma_semaphore, #tpu.memory_space<semaphore_mem>>)
      %dma_wait3A = arith.constant 0 : i32
      %dma_wait3A_269 = tpu.memref_slice %arg5[%add3A_160, %dma_wait3A] : memref<50176x64xf32, #tpu.memory_space<hbm>> -> memref<56x64xf32, #tpu.memory_space<hbm>>
      %dma_wait3A_270 = arith.constant 0 : i32
      %dma_wait3A_271 = tpu.memref_slice %arg5[%add3A_160, %dma_wait3A_270] : memref<50176x64xf32, #tpu.memory_space<hbm>> -> memref<56x64xf32, #tpu.memory_space<hbm>>
      tpu.wait_dma2 semaphore(%run_scoped3A : memref<!tpu.dma_semaphore, #tpu.memory_space<semaphore_mem>>) src(%arg10 : memref<56x64xf32, #tpu.memory_space<vmem>>) dst(%dma_wait3A_271 : memref<56x64xf32, #tpu.memory_space<hbm>>)
      tpu.yield
    }) : () -> ()
    %mul3A_161 = arith.constant 1568 : i32
    %mul3A_162 = arith.muli %arg1, %mul3A_161 : i32
    %add3A_163 = arith.constant 392 : i32
    %add3A_164 = arith.addi %mul3A_162, %add3A_163 : i32
    "tpu.region"() ({
      %run_scoped3A = tpu.sem_alloc : memref<!tpu.dma_semaphore, #tpu.memory_space<semaphore_mem>>
      %dma_start3A = arith.constant 0 : i32
      %dma_start3A_266 = tpu.memref_slice %arg11[%add3A_164, %dma_start3A] : memref<25104x64xf32, #tpu.memory_space<vmem_shared>> -> memref<56x64xf32, #tpu.memory_space<vmem_shared>>
      %dma_start3A_267 = arith.constant 0 : i32
      %dma_start3A_268 = tpu.memref_slice %arg11[%add3A_164, %dma_start3A_267] : memref<25104x64xf32, #tpu.memory_space<vmem_shared>> -> memref<56x64xf32, #tpu.memory_space<vmem_shared>>
      tpu.enqueue_dma source(%dma_start3A_268 : memref<56x64xf32, #tpu.memory_space<vmem_shared>>) target(%arg10 : memref<56x64xf32, #tpu.memory_space<vmem>>) target_semaphore(%run_scoped3A : memref<!tpu.dma_semaphore, #tpu.memory_space<semaphore_mem>>)
      %dma_wait3A = arith.constant 0 : i32
      %dma_wait3A_269 = tpu.memref_slice %arg11[%add3A_164, %dma_wait3A] : memref<25104x64xf32, #tpu.memory_space<vmem_shared>> -> memref<56x64xf32, #tpu.memory_space<vmem_shared>>
      %dma_wait3A_270 = arith.constant 0 : i32
      %dma_wait3A_271 = tpu.memref_slice %arg11[%add3A_164, %dma_wait3A_270] : memref<25104x64xf32, #tpu.memory_space<vmem_shared>> -> memref<56x64xf32, #tpu.memory_space<vmem_shared>>
      tpu.wait_dma2 semaphore(%run_scoped3A : memref<!tpu.dma_semaphore, #tpu.memory_space<semaphore_mem>>) src(%dma_wait3A_271 : memref<56x64xf32, #tpu.memory_space<vmem_shared>>) dst(%arg10 : memref<56x64xf32, #tpu.memory_space<vmem>>)
      tpu.yield
    }) : () -> ()
    %add3A_165 = arith.addi %mul3A_0, %add3A_164 : i32
    "tpu.region"() ({
      %run_scoped3A = tpu.sem_alloc : memref<!tpu.dma_semaphore, #tpu.memory_space<semaphore_mem>>
      %dma_start3A = arith.constant 0 : i32
      %dma_start3A_266 = tpu.memref_slice %arg5[%add3A_165, %dma_start3A] : memref<50176x64xf32, #tpu.memory_space<hbm>> -> memref<56x64xf32, #tpu.memory_space<hbm>>
      %dma_start3A_267 = arith.constant 0 : i32
      %dma_start3A_268 = tpu.memref_slice %arg5[%add3A_165, %dma_start3A_267] : memref<50176x64xf32, #tpu.memory_space<hbm>> -> memref<56x64xf32, #tpu.memory_space<hbm>>
      tpu.enqueue_dma source(%arg10 : memref<56x64xf32, #tpu.memory_space<vmem>>) target(%dma_start3A_268 : memref<56x64xf32, #tpu.memory_space<hbm>>) target_semaphore(%run_scoped3A : memref<!tpu.dma_semaphore, #tpu.memory_space<semaphore_mem>>)
      %dma_wait3A = arith.constant 0 : i32
      %dma_wait3A_269 = tpu.memref_slice %arg5[%add3A_165, %dma_wait3A] : memref<50176x64xf32, #tpu.memory_space<hbm>> -> memref<56x64xf32, #tpu.memory_space<hbm>>
      %dma_wait3A_270 = arith.constant 0 : i32
      %dma_wait3A_271 = tpu.memref_slice %arg5[%add3A_165, %dma_wait3A_270] : memref<50176x64xf32, #tpu.memory_space<hbm>> -> memref<56x64xf32, #tpu.memory_space<hbm>>
      tpu.wait_dma2 semaphore(%run_scoped3A : memref<!tpu.dma_semaphore, #tpu.memory_space<semaphore_mem>>) src(%arg10 : memref<56x64xf32, #tpu.memory_space<vmem>>) dst(%dma_wait3A_271 : memref<56x64xf32, #tpu.memory_space<hbm>>)
      tpu.yield
    }) : () -> ()
    %mul3A_166 = arith.constant 1568 : i32
    %mul3A_167 = arith.muli %arg1, %mul3A_166 : i32
    %add3A_168 = arith.constant 448 : i32
    %add3A_169 = arith.addi %mul3A_167, %add3A_168 : i32
    "tpu.region"() ({
      %run_scoped3A = tpu.sem_alloc : memref<!tpu.dma_semaphore, #tpu.memory_space<semaphore_mem>>
      %dma_start3A = arith.constant 0 : i32
      %dma_start3A_266 = tpu.memref_slice %arg11[%add3A_169, %dma_start3A] : memref<25104x64xf32, #tpu.memory_space<vmem_shared>> -> memref<56x64xf32, #tpu.memory_space<vmem_shared>>
      %dma_start3A_267 = arith.constant 0 : i32
      %dma_start3A_268 = tpu.memref_slice %arg11[%add3A_169, %dma_start3A_267] : memref<25104x64xf32, #tpu.memory_space<vmem_shared>> -> memref<56x64xf32, #tpu.memory_space<vmem_shared>>
      tpu.enqueue_dma source(%dma_start3A_268 : memref<56x64xf32, #tpu.memory_space<vmem_shared>>) target(%arg10 : memref<56x64xf32, #tpu.memory_space<vmem>>) target_semaphore(%run_scoped3A : memref<!tpu.dma_semaphore, #tpu.memory_space<semaphore_mem>>)
      %dma_wait3A = arith.constant 0 : i32
      %dma_wait3A_269 = tpu.memref_slice %arg11[%add3A_169, %dma_wait3A] : memref<25104x64xf32, #tpu.memory_space<vmem_shared>> -> memref<56x64xf32, #tpu.memory_space<vmem_shared>>
      %dma_wait3A_270 = arith.constant 0 : i32
      %dma_wait3A_271 = tpu.memref_slice %arg11[%add3A_169, %dma_wait3A_270] : memref<25104x64xf32, #tpu.memory_space<vmem_shared>> -> memref<56x64xf32, #tpu.memory_space<vmem_shared>>
      tpu.wait_dma2 semaphore(%run_scoped3A : memref<!tpu.dma_semaphore, #tpu.memory_space<semaphore_mem>>) src(%dma_wait3A_271 : memref<56x64xf32, #tpu.memory_space<vmem_shared>>) dst(%arg10 : memref<56x64xf32, #tpu.memory_space<vmem>>)
      tpu.yield
    }) : () -> ()
    %add3A_170 = arith.addi %mul3A_0, %add3A_169 : i32
    "tpu.region"() ({
      %run_scoped3A = tpu.sem_alloc : memref<!tpu.dma_semaphore, #tpu.memory_space<semaphore_mem>>
      %dma_start3A = arith.constant 0 : i32
      %dma_start3A_266 = tpu.memref_slice %arg5[%add3A_170, %dma_start3A] : memref<50176x64xf32, #tpu.memory_space<hbm>> -> memref<56x64xf32, #tpu.memory_space<hbm>>
      %dma_start3A_267 = arith.constant 0 : i32
      %dma_start3A_268 = tpu.memref_slice %arg5[%add3A_170, %dma_start3A_267] : memref<50176x64xf32, #tpu.memory_space<hbm>> -> memref<56x64xf32, #tpu.memory_space<hbm>>
      tpu.enqueue_dma source(%arg10 : memref<56x64xf32, #tpu.memory_space<vmem>>) target(%dma_start3A_268 : memref<56x64xf32, #tpu.memory_space<hbm>>) target_semaphore(%run_scoped3A : memref<!tpu.dma_semaphore, #tpu.memory_space<semaphore_mem>>)
      %dma_wait3A = arith.constant 0 : i32
      %dma_wait3A_269 = tpu.memref_slice %arg5[%add3A_170, %dma_wait3A] : memref<50176x64xf32, #tpu.memory_space<hbm>> -> memref<56x64xf32, #tpu.memory_space<hbm>>
      %dma_wait3A_270 = arith.constant 0 : i32
      %dma_wait3A_271 = tpu.memref_slice %arg5[%add3A_170, %dma_wait3A_270] : memref<50176x64xf32, #tpu.memory_space<hbm>> -> memref<56x64xf32, #tpu.memory_space<hbm>>
      tpu.wait_dma2 semaphore(%run_scoped3A : memref<!tpu.dma_semaphore, #tpu.memory_space<semaphore_mem>>) src(%arg10 : memref<56x64xf32, #tpu.memory_space<vmem>>) dst(%dma_wait3A_271 : memref<56x64xf32, #tpu.memory_space<hbm>>)
      tpu.yield
    }) : () -> ()
    %mul3A_171 = arith.constant 1568 : i32
    %mul3A_172 = arith.muli %arg1, %mul3A_171 : i32
    %add3A_173 = arith.constant 504 : i32
    %add3A_174 = arith.addi %mul3A_172, %add3A_173 : i32
    "tpu.region"() ({
      %run_scoped3A = tpu.sem_alloc : memref<!tpu.dma_semaphore, #tpu.memory_space<semaphore_mem>>
      %dma_start3A = arith.constant 0 : i32
      %dma_start3A_266 = tpu.memref_slice %arg11[%add3A_174, %dma_start3A] : memref<25104x64xf32, #tpu.memory_space<vmem_shared>> -> memref<56x64xf32, #tpu.memory_space<vmem_shared>>
      %dma_start3A_267 = arith.constant 0 : i32
      %dma_start3A_268 = tpu.memref_slice %arg11[%add3A_174, %dma_start3A_267] : memref<25104x64xf32, #tpu.memory_space<vmem_shared>> -> memref<56x64xf32, #tpu.memory_space<vmem_shared>>
      tpu.enqueue_dma source(%dma_start3A_268 : memref<56x64xf32, #tpu.memory_space<vmem_shared>>) target(%arg10 : memref<56x64xf32, #tpu.memory_space<vmem>>) target_semaphore(%run_scoped3A : memref<!tpu.dma_semaphore, #tpu.memory_space<semaphore_mem>>)
      %dma_wait3A = arith.constant 0 : i32
      %dma_wait3A_269 = tpu.memref_slice %arg11[%add3A_174, %dma_wait3A] : memref<25104x64xf32, #tpu.memory_space<vmem_shared>> -> memref<56x64xf32, #tpu.memory_space<vmem_shared>>
      %dma_wait3A_270 = arith.constant 0 : i32
      %dma_wait3A_271 = tpu.memref_slice %arg11[%add3A_174, %dma_wait3A_270] : memref<25104x64xf32, #tpu.memory_space<vmem_shared>> -> memref<56x64xf32, #tpu.memory_space<vmem_shared>>
      tpu.wait_dma2 semaphore(%run_scoped3A : memref<!tpu.dma_semaphore, #tpu.memory_space<semaphore_mem>>) src(%dma_wait3A_271 : memref<56x64xf32, #tpu.memory_space<vmem_shared>>) dst(%arg10 : memref<56x64xf32, #tpu.memory_space<vmem>>)
      tpu.yield
    }) : () -> ()
    %add3A_175 = arith.addi %mul3A_0, %add3A_174 : i32
    "tpu.region"() ({
      %run_scoped3A = tpu.sem_alloc : memref<!tpu.dma_semaphore, #tpu.memory_space<semaphore_mem>>
      %dma_start3A = arith.constant 0 : i32
      %dma_start3A_266 = tpu.memref_slice %arg5[%add3A_175, %dma_start3A] : memref<50176x64xf32, #tpu.memory_space<hbm>> -> memref<56x64xf32, #tpu.memory_space<hbm>>
      %dma_start3A_267 = arith.constant 0 : i32
      %dma_start3A_268 = tpu.memref_slice %arg5[%add3A_175, %dma_start3A_267] : memref<50176x64xf32, #tpu.memory_space<hbm>> -> memref<56x64xf32, #tpu.memory_space<hbm>>
      tpu.enqueue_dma source(%arg10 : memref<56x64xf32, #tpu.memory_space<vmem>>) target(%dma_start3A_268 : memref<56x64xf32, #tpu.memory_space<hbm>>) target_semaphore(%run_scoped3A : memref<!tpu.dma_semaphore, #tpu.memory_space<semaphore_mem>>)
      %dma_wait3A = arith.constant 0 : i32
      %dma_wait3A_269 = tpu.memref_slice %arg5[%add3A_175, %dma_wait3A] : memref<50176x64xf32, #tpu.memory_space<hbm>> -> memref<56x64xf32, #tpu.memory_space<hbm>>
      %dma_wait3A_270 = arith.constant 0 : i32
      %dma_wait3A_271 = tpu.memref_slice %arg5[%add3A_175, %dma_wait3A_270] : memref<50176x64xf32, #tpu.memory_space<hbm>> -> memref<56x64xf32, #tpu.memory_space<hbm>>
      tpu.wait_dma2 semaphore(%run_scoped3A : memref<!tpu.dma_semaphore, #tpu.memory_space<semaphore_mem>>) src(%arg10 : memref<56x64xf32, #tpu.memory_space<vmem>>) dst(%dma_wait3A_271 : memref<56x64xf32, #tpu.memory_space<hbm>>)
      tpu.yield
    }) : () -> ()
    %mul3A_176 = arith.constant 1568 : i32
    %mul3A_177 = arith.muli %arg1, %mul3A_176 : i32
    %add3A_178 = arith.constant 560 : i32
    %add3A_179 = arith.addi %mul3A_177, %add3A_178 : i32
    "tpu.region"() ({
      %run_scoped3A = tpu.sem_alloc : memref<!tpu.dma_semaphore, #tpu.memory_space<semaphore_mem>>
      %dma_start3A = arith.constant 0 : i32
      %dma_start3A_266 = tpu.memref_slice %arg11[%add3A_179, %dma_start3A] : memref<25104x64xf32, #tpu.memory_space<vmem_shared>> -> memref<56x64xf32, #tpu.memory_space<vmem_shared>>
      %dma_start3A_267 = arith.constant 0 : i32
      %dma_start3A_268 = tpu.memref_slice %arg11[%add3A_179, %dma_start3A_267] : memref<25104x64xf32, #tpu.memory_space<vmem_shared>> -> memref<56x64xf32, #tpu.memory_space<vmem_shared>>
      tpu.enqueue_dma source(%dma_start3A_268 : memref<56x64xf32, #tpu.memory_space<vmem_shared>>) target(%arg10 : memref<56x64xf32, #tpu.memory_space<vmem>>) target_semaphore(%run_scoped3A : memref<!tpu.dma_semaphore, #tpu.memory_space<semaphore_mem>>)
      %dma_wait3A = arith.constant 0 : i32
      %dma_wait3A_269 = tpu.memref_slice %arg11[%add3A_179, %dma_wait3A] : memref<25104x64xf32, #tpu.memory_space<vmem_shared>> -> memref<56x64xf32, #tpu.memory_space<vmem_shared>>
      %dma_wait3A_270 = arith.constant 0 : i32
      %dma_wait3A_271 = tpu.memref_slice %arg11[%add3A_179, %dma_wait3A_270] : memref<25104x64xf32, #tpu.memory_space<vmem_shared>> -> memref<56x64xf32, #tpu.memory_space<vmem_shared>>
      tpu.wait_dma2 semaphore(%run_scoped3A : memref<!tpu.dma_semaphore, #tpu.memory_space<semaphore_mem>>) src(%dma_wait3A_271 : memref<56x64xf32, #tpu.memory_space<vmem_shared>>) dst(%arg10 : memref<56x64xf32, #tpu.memory_space<vmem>>)
      tpu.yield
    }) : () -> ()
    %add3A_180 = arith.addi %mul3A_0, %add3A_179 : i32
    "tpu.region"() ({
      %run_scoped3A = tpu.sem_alloc : memref<!tpu.dma_semaphore, #tpu.memory_space<semaphore_mem>>
      %dma_start3A = arith.constant 0 : i32
      %dma_start3A_266 = tpu.memref_slice %arg5[%add3A_180, %dma_start3A] : memref<50176x64xf32, #tpu.memory_space<hbm>> -> memref<56x64xf32, #tpu.memory_space<hbm>>
      %dma_start3A_267 = arith.constant 0 : i32
      %dma_start3A_268 = tpu.memref_slice %arg5[%add3A_180, %dma_start3A_267] : memref<50176x64xf32, #tpu.memory_space<hbm>> -> memref<56x64xf32, #tpu.memory_space<hbm>>
      tpu.enqueue_dma source(%arg10 : memref<56x64xf32, #tpu.memory_space<vmem>>) target(%dma_start3A_268 : memref<56x64xf32, #tpu.memory_space<hbm>>) target_semaphore(%run_scoped3A : memref<!tpu.dma_semaphore, #tpu.memory_space<semaphore_mem>>)
      %dma_wait3A = arith.constant 0 : i32
      %dma_wait3A_269 = tpu.memref_slice %arg5[%add3A_180, %dma_wait3A] : memref<50176x64xf32, #tpu.memory_space<hbm>> -> memref<56x64xf32, #tpu.memory_space<hbm>>
      %dma_wait3A_270 = arith.constant 0 : i32
      %dma_wait3A_271 = tpu.memref_slice %arg5[%add3A_180, %dma_wait3A_270] : memref<50176x64xf32, #tpu.memory_space<hbm>> -> memref<56x64xf32, #tpu.memory_space<hbm>>
      tpu.wait_dma2 semaphore(%run_scoped3A : memref<!tpu.dma_semaphore, #tpu.memory_space<semaphore_mem>>) src(%arg10 : memref<56x64xf32, #tpu.memory_space<vmem>>) dst(%dma_wait3A_271 : memref<56x64xf32, #tpu.memory_space<hbm>>)
      tpu.yield
    }) : () -> ()
    %mul3A_181 = arith.constant 1568 : i32
    %mul3A_182 = arith.muli %arg1, %mul3A_181 : i32
    %add3A_183 = arith.constant 616 : i32
    %add3A_184 = arith.addi %mul3A_182, %add3A_183 : i32
    "tpu.region"() ({
      %run_scoped3A = tpu.sem_alloc : memref<!tpu.dma_semaphore, #tpu.memory_space<semaphore_mem>>
      %dma_start3A = arith.constant 0 : i32
      %dma_start3A_266 = tpu.memref_slice %arg11[%add3A_184, %dma_start3A] : memref<25104x64xf32, #tpu.memory_space<vmem_shared>> -> memref<56x64xf32, #tpu.memory_space<vmem_shared>>
      %dma_start3A_267 = arith.constant 0 : i32
      %dma_start3A_268 = tpu.memref_slice %arg11[%add3A_184, %dma_start3A_267] : memref<25104x64xf32, #tpu.memory_space<vmem_shared>> -> memref<56x64xf32, #tpu.memory_space<vmem_shared>>
      tpu.enqueue_dma source(%dma_start3A_268 : memref<56x64xf32, #tpu.memory_space<vmem_shared>>) target(%arg10 : memref<56x64xf32, #tpu.memory_space<vmem>>) target_semaphore(%run_scoped3A : memref<!tpu.dma_semaphore, #tpu.memory_space<semaphore_mem>>)
      %dma_wait3A = arith.constant 0 : i32
      %dma_wait3A_269 = tpu.memref_slice %arg11[%add3A_184, %dma_wait3A] : memref<25104x64xf32, #tpu.memory_space<vmem_shared>> -> memref<56x64xf32, #tpu.memory_space<vmem_shared>>
      %dma_wait3A_270 = arith.constant 0 : i32
      %dma_wait3A_271 = tpu.memref_slice %arg11[%add3A_184, %dma_wait3A_270] : memref<25104x64xf32, #tpu.memory_space<vmem_shared>> -> memref<56x64xf32, #tpu.memory_space<vmem_shared>>
      tpu.wait_dma2 semaphore(%run_scoped3A : memref<!tpu.dma_semaphore, #tpu.memory_space<semaphore_mem>>) src(%dma_wait3A_271 : memref<56x64xf32, #tpu.memory_space<vmem_shared>>) dst(%arg10 : memref<56x64xf32, #tpu.memory_space<vmem>>)
      tpu.yield
    }) : () -> ()
    %add3A_185 = arith.addi %mul3A_0, %add3A_184 : i32
    "tpu.region"() ({
      %run_scoped3A = tpu.sem_alloc : memref<!tpu.dma_semaphore, #tpu.memory_space<semaphore_mem>>
      %dma_start3A = arith.constant 0 : i32
      %dma_start3A_266 = tpu.memref_slice %arg5[%add3A_185, %dma_start3A] : memref<50176x64xf32, #tpu.memory_space<hbm>> -> memref<56x64xf32, #tpu.memory_space<hbm>>
      %dma_start3A_267 = arith.constant 0 : i32
      %dma_start3A_268 = tpu.memref_slice %arg5[%add3A_185, %dma_start3A_267] : memref<50176x64xf32, #tpu.memory_space<hbm>> -> memref<56x64xf32, #tpu.memory_space<hbm>>
      tpu.enqueue_dma source(%arg10 : memref<56x64xf32, #tpu.memory_space<vmem>>) target(%dma_start3A_268 : memref<56x64xf32, #tpu.memory_space<hbm>>) target_semaphore(%run_scoped3A : memref<!tpu.dma_semaphore, #tpu.memory_space<semaphore_mem>>)
      %dma_wait3A = arith.constant 0 : i32
      %dma_wait3A_269 = tpu.memref_slice %arg5[%add3A_185, %dma_wait3A] : memref<50176x64xf32, #tpu.memory_space<hbm>> -> memref<56x64xf32, #tpu.memory_space<hbm>>
      %dma_wait3A_270 = arith.constant 0 : i32
      %dma_wait3A_271 = tpu.memref_slice %arg5[%add3A_185, %dma_wait3A_270] : memref<50176x64xf32, #tpu.memory_space<hbm>> -> memref<56x64xf32, #tpu.memory_space<hbm>>
      tpu.wait_dma2 semaphore(%run_scoped3A : memref<!tpu.dma_semaphore, #tpu.memory_space<semaphore_mem>>) src(%arg10 : memref<56x64xf32, #tpu.memory_space<vmem>>) dst(%dma_wait3A_271 : memref<56x64xf32, #tpu.memory_space<hbm>>)
      tpu.yield
    }) : () -> ()
    %mul3A_186 = arith.constant 1568 : i32
    %mul3A_187 = arith.muli %arg1, %mul3A_186 : i32
    %add3A_188 = arith.constant 672 : i32
    %add3A_189 = arith.addi %mul3A_187, %add3A_188 : i32
    "tpu.region"() ({
      %run_scoped3A = tpu.sem_alloc : memref<!tpu.dma_semaphore, #tpu.memory_space<semaphore_mem>>
      %dma_start3A = arith.constant 0 : i32
      %dma_start3A_266 = tpu.memref_slice %arg11[%add3A_189, %dma_start3A] : memref<25104x64xf32, #tpu.memory_space<vmem_shared>> -> memref<56x64xf32, #tpu.memory_space<vmem_shared>>
      %dma_start3A_267 = arith.constant 0 : i32
      %dma_start3A_268 = tpu.memref_slice %arg11[%add3A_189, %dma_start3A_267] : memref<25104x64xf32, #tpu.memory_space<vmem_shared>> -> memref<56x64xf32, #tpu.memory_space<vmem_shared>>
      tpu.enqueue_dma source(%dma_start3A_268 : memref<56x64xf32, #tpu.memory_space<vmem_shared>>) target(%arg10 : memref<56x64xf32, #tpu.memory_space<vmem>>) target_semaphore(%run_scoped3A : memref<!tpu.dma_semaphore, #tpu.memory_space<semaphore_mem>>)
      %dma_wait3A = arith.constant 0 : i32
      %dma_wait3A_269 = tpu.memref_slice %arg11[%add3A_189, %dma_wait3A] : memref<25104x64xf32, #tpu.memory_space<vmem_shared>> -> memref<56x64xf32, #tpu.memory_space<vmem_shared>>
      %dma_wait3A_270 = arith.constant 0 : i32
      %dma_wait3A_271 = tpu.memref_slice %arg11[%add3A_189, %dma_wait3A_270] : memref<25104x64xf32, #tpu.memory_space<vmem_shared>> -> memref<56x64xf32, #tpu.memory_space<vmem_shared>>
      tpu.wait_dma2 semaphore(%run_scoped3A : memref<!tpu.dma_semaphore, #tpu.memory_space<semaphore_mem>>) src(%dma_wait3A_271 : memref<56x64xf32, #tpu.memory_space<vmem_shared>>) dst(%arg10 : memref<56x64xf32, #tpu.memory_space<vmem>>)
      tpu.yield
    }) : () -> ()
    %add3A_190 = arith.addi %mul3A_0, %add3A_189 : i32
    "tpu.region"() ({
      %run_scoped3A = tpu.sem_alloc : memref<!tpu.dma_semaphore, #tpu.memory_space<semaphore_mem>>
      %dma_start3A = arith.constant 0 : i32
      %dma_start3A_266 = tpu.memref_slice %arg5[%add3A_190, %dma_start3A] : memref<50176x64xf32, #tpu.memory_space<hbm>> -> memref<56x64xf32, #tpu.memory_space<hbm>>
      %dma_start3A_267 = arith.constant 0 : i32
      %dma_start3A_268 = tpu.memref_slice %arg5[%add3A_190, %dma_start3A_267] : memref<50176x64xf32, #tpu.memory_space<hbm>> -> memref<56x64xf32, #tpu.memory_space<hbm>>
      tpu.enqueue_dma source(%arg10 : memref<56x64xf32, #tpu.memory_space<vmem>>) target(%dma_start3A_268 : memref<56x64xf32, #tpu.memory_space<hbm>>) target_semaphore(%run_scoped3A : memref<!tpu.dma_semaphore, #tpu.memory_space<semaphore_mem>>)
      %dma_wait3A = arith.constant 0 : i32
      %dma_wait3A_269 = tpu.memref_slice %arg5[%add3A_190, %dma_wait3A] : memref<50176x64xf32, #tpu.memory_space<hbm>> -> memref<56x64xf32, #tpu.memory_space<hbm>>
      %dma_wait3A_270 = arith.constant 0 : i32
      %dma_wait3A_271 = tpu.memref_slice %arg5[%add3A_190, %dma_wait3A_270] : memref<50176x64xf32, #tpu.memory_space<hbm>> -> memref<56x64xf32, #tpu.memory_space<hbm>>
      tpu.wait_dma2 semaphore(%run_scoped3A : memref<!tpu.dma_semaphore, #tpu.memory_space<semaphore_mem>>) src(%arg10 : memref<56x64xf32, #tpu.memory_space<vmem>>) dst(%dma_wait3A_271 : memref<56x64xf32, #tpu.memory_space<hbm>>)
      tpu.yield
    }) : () -> ()
    %mul3A_191 = arith.constant 1568 : i32
    %mul3A_192 = arith.muli %arg1, %mul3A_191 : i32
    %add3A_193 = arith.constant 728 : i32
    %add3A_194 = arith.addi %mul3A_192, %add3A_193 : i32
    "tpu.region"() ({
      %run_scoped3A = tpu.sem_alloc : memref<!tpu.dma_semaphore, #tpu.memory_space<semaphore_mem>>
      %dma_start3A = arith.constant 0 : i32
      %dma_start3A_266 = tpu.memref_slice %arg11[%add3A_194, %dma_start3A] : memref<25104x64xf32, #tpu.memory_space<vmem_shared>> -> memref<56x64xf32, #tpu.memory_space<vmem_shared>>
      %dma_start3A_267 = arith.constant 0 : i32
      %dma_start3A_268 = tpu.memref_slice %arg11[%add3A_194, %dma_start3A_267] : memref<25104x64xf32, #tpu.memory_space<vmem_shared>> -> memref<56x64xf32, #tpu.memory_space<vmem_shared>>
      tpu.enqueue_dma source(%dma_start3A_268 : memref<56x64xf32, #tpu.memory_space<vmem_shared>>) target(%arg10 : memref<56x64xf32, #tpu.memory_space<vmem>>) target_semaphore(%run_scoped3A : memref<!tpu.dma_semaphore, #tpu.memory_space<semaphore_mem>>)
      %dma_wait3A = arith.constant 0 : i32
      %dma_wait3A_269 = tpu.memref_slice %arg11[%add3A_194, %dma_wait3A] : memref<25104x64xf32, #tpu.memory_space<vmem_shared>> -> memref<56x64xf32, #tpu.memory_space<vmem_shared>>
      %dma_wait3A_270 = arith.constant 0 : i32
      %dma_wait3A_271 = tpu.memref_slice %arg11[%add3A_194, %dma_wait3A_270] : memref<25104x64xf32, #tpu.memory_space<vmem_shared>> -> memref<56x64xf32, #tpu.memory_space<vmem_shared>>
      tpu.wait_dma2 semaphore(%run_scoped3A : memref<!tpu.dma_semaphore, #tpu.memory_space<semaphore_mem>>) src(%dma_wait3A_271 : memref<56x64xf32, #tpu.memory_space<vmem_shared>>) dst(%arg10 : memref<56x64xf32, #tpu.memory_space<vmem>>)
      tpu.yield
    }) : () -> ()
    %add3A_195 = arith.addi %mul3A_0, %add3A_194 : i32
    "tpu.region"() ({
      %run_scoped3A = tpu.sem_alloc : memref<!tpu.dma_semaphore, #tpu.memory_space<semaphore_mem>>
      %dma_start3A = arith.constant 0 : i32
      %dma_start3A_266 = tpu.memref_slice %arg5[%add3A_195, %dma_start3A] : memref<50176x64xf32, #tpu.memory_space<hbm>> -> memref<56x64xf32, #tpu.memory_space<hbm>>
      %dma_start3A_267 = arith.constant 0 : i32
      %dma_start3A_268 = tpu.memref_slice %arg5[%add3A_195, %dma_start3A_267] : memref<50176x64xf32, #tpu.memory_space<hbm>> -> memref<56x64xf32, #tpu.memory_space<hbm>>
      tpu.enqueue_dma source(%arg10 : memref<56x64xf32, #tpu.memory_space<vmem>>) target(%dma_start3A_268 : memref<56x64xf32, #tpu.memory_space<hbm>>) target_semaphore(%run_scoped3A : memref<!tpu.dma_semaphore, #tpu.memory_space<semaphore_mem>>)
      %dma_wait3A = arith.constant 0 : i32
      %dma_wait3A_269 = tpu.memref_slice %arg5[%add3A_195, %dma_wait3A] : memref<50176x64xf32, #tpu.memory_space<hbm>> -> memref<56x64xf32, #tpu.memory_space<hbm>>
      %dma_wait3A_270 = arith.constant 0 : i32
      %dma_wait3A_271 = tpu.memref_slice %arg5[%add3A_195, %dma_wait3A_270] : memref<50176x64xf32, #tpu.memory_space<hbm>> -> memref<56x64xf32, #tpu.memory_space<hbm>>
      tpu.wait_dma2 semaphore(%run_scoped3A : memref<!tpu.dma_semaphore, #tpu.memory_space<semaphore_mem>>) src(%arg10 : memref<56x64xf32, #tpu.memory_space<vmem>>) dst(%dma_wait3A_271 : memref<56x64xf32, #tpu.memory_space<hbm>>)
      tpu.yield
    }) : () -> ()
    %mul3A_196 = arith.constant 1568 : i32
    %mul3A_197 = arith.muli %arg1, %mul3A_196 : i32
    %add3A_198 = arith.constant 784 : i32
    %add3A_199 = arith.addi %mul3A_197, %add3A_198 : i32
    "tpu.region"() ({
      %run_scoped3A = tpu.sem_alloc : memref<!tpu.dma_semaphore, #tpu.memory_space<semaphore_mem>>
      %dma_start3A = arith.constant 0 : i32
      %dma_start3A_266 = tpu.memref_slice %arg11[%add3A_199, %dma_start3A] : memref<25104x64xf32, #tpu.memory_space<vmem_shared>> -> memref<56x64xf32, #tpu.memory_space<vmem_shared>>
      %dma_start3A_267 = arith.constant 0 : i32
      %dma_start3A_268 = tpu.memref_slice %arg11[%add3A_199, %dma_start3A_267] : memref<25104x64xf32, #tpu.memory_space<vmem_shared>> -> memref<56x64xf32, #tpu.memory_space<vmem_shared>>
      tpu.enqueue_dma source(%dma_start3A_268 : memref<56x64xf32, #tpu.memory_space<vmem_shared>>) target(%arg10 : memref<56x64xf32, #tpu.memory_space<vmem>>) target_semaphore(%run_scoped3A : memref<!tpu.dma_semaphore, #tpu.memory_space<semaphore_mem>>)
      %dma_wait3A = arith.constant 0 : i32
      %dma_wait3A_269 = tpu.memref_slice %arg11[%add3A_199, %dma_wait3A] : memref<25104x64xf32, #tpu.memory_space<vmem_shared>> -> memref<56x64xf32, #tpu.memory_space<vmem_shared>>
      %dma_wait3A_270 = arith.constant 0 : i32
      %dma_wait3A_271 = tpu.memref_slice %arg11[%add3A_199, %dma_wait3A_270] : memref<25104x64xf32, #tpu.memory_space<vmem_shared>> -> memref<56x64xf32, #tpu.memory_space<vmem_shared>>
      tpu.wait_dma2 semaphore(%run_scoped3A : memref<!tpu.dma_semaphore, #tpu.memory_space<semaphore_mem>>) src(%dma_wait3A_271 : memref<56x64xf32, #tpu.memory_space<vmem_shared>>) dst(%arg10 : memref<56x64xf32, #tpu.memory_space<vmem>>)
      tpu.yield
    }) : () -> ()
    %add3A_200 = arith.addi %mul3A_0, %add3A_199 : i32
    "tpu.region"() ({
      %run_scoped3A = tpu.sem_alloc : memref<!tpu.dma_semaphore, #tpu.memory_space<semaphore_mem>>
      %dma_start3A = arith.constant 0 : i32
      %dma_start3A_266 = tpu.memref_slice %arg5[%add3A_200, %dma_start3A] : memref<50176x64xf32, #tpu.memory_space<hbm>> -> memref<56x64xf32, #tpu.memory_space<hbm>>
      %dma_start3A_267 = arith.constant 0 : i32
      %dma_start3A_268 = tpu.memref_slice %arg5[%add3A_200, %dma_start3A_267] : memref<50176x64xf32, #tpu.memory_space<hbm>> -> memref<56x64xf32, #tpu.memory_space<hbm>>
      tpu.enqueue_dma source(%arg10 : memref<56x64xf32, #tpu.memory_space<vmem>>) target(%dma_start3A_268 : memref<56x64xf32, #tpu.memory_space<hbm>>) target_semaphore(%run_scoped3A : memref<!tpu.dma_semaphore, #tpu.memory_space<semaphore_mem>>)
      %dma_wait3A = arith.constant 0 : i32
      %dma_wait3A_269 = tpu.memref_slice %arg5[%add3A_200, %dma_wait3A] : memref<50176x64xf32, #tpu.memory_space<hbm>> -> memref<56x64xf32, #tpu.memory_space<hbm>>
      %dma_wait3A_270 = arith.constant 0 : i32
      %dma_wait3A_271 = tpu.memref_slice %arg5[%add3A_200, %dma_wait3A_270] : memref<50176x64xf32, #tpu.memory_space<hbm>> -> memref<56x64xf32, #tpu.memory_space<hbm>>
      tpu.wait_dma2 semaphore(%run_scoped3A : memref<!tpu.dma_semaphore, #tpu.memory_space<semaphore_mem>>) src(%arg10 : memref<56x64xf32, #tpu.memory_space<vmem>>) dst(%dma_wait3A_271 : memref<56x64xf32, #tpu.memory_space<hbm>>)
      tpu.yield
    }) : () -> ()
    %mul3A_201 = arith.constant 1568 : i32
    %mul3A_202 = arith.muli %arg1, %mul3A_201 : i32
    %add3A_203 = arith.constant 840 : i32
    %add3A_204 = arith.addi %mul3A_202, %add3A_203 : i32
    "tpu.region"() ({
      %run_scoped3A = tpu.sem_alloc : memref<!tpu.dma_semaphore, #tpu.memory_space<semaphore_mem>>
      %dma_start3A = arith.constant 0 : i32
      %dma_start3A_266 = tpu.memref_slice %arg11[%add3A_204, %dma_start3A] : memref<25104x64xf32, #tpu.memory_space<vmem_shared>> -> memref<56x64xf32, #tpu.memory_space<vmem_shared>>
      %dma_start3A_267 = arith.constant 0 : i32
      %dma_start3A_268 = tpu.memref_slice %arg11[%add3A_204, %dma_start3A_267] : memref<25104x64xf32, #tpu.memory_space<vmem_shared>> -> memref<56x64xf32, #tpu.memory_space<vmem_shared>>
      tpu.enqueue_dma source(%dma_start3A_268 : memref<56x64xf32, #tpu.memory_space<vmem_shared>>) target(%arg10 : memref<56x64xf32, #tpu.memory_space<vmem>>) target_semaphore(%run_scoped3A : memref<!tpu.dma_semaphore, #tpu.memory_space<semaphore_mem>>)
      %dma_wait3A = arith.constant 0 : i32
      %dma_wait3A_269 = tpu.memref_slice %arg11[%add3A_204, %dma_wait3A] : memref<25104x64xf32, #tpu.memory_space<vmem_shared>> -> memref<56x64xf32, #tpu.memory_space<vmem_shared>>
      %dma_wait3A_270 = arith.constant 0 : i32
      %dma_wait3A_271 = tpu.memref_slice %arg11[%add3A_204, %dma_wait3A_270] : memref<25104x64xf32, #tpu.memory_space<vmem_shared>> -> memref<56x64xf32, #tpu.memory_space<vmem_shared>>
      tpu.wait_dma2 semaphore(%run_scoped3A : memref<!tpu.dma_semaphore, #tpu.memory_space<semaphore_mem>>) src(%dma_wait3A_271 : memref<56x64xf32, #tpu.memory_space<vmem_shared>>) dst(%arg10 : memref<56x64xf32, #tpu.memory_space<vmem>>)
      tpu.yield
    }) : () -> ()
    %add3A_205 = arith.addi %mul3A_0, %add3A_204 : i32
    "tpu.region"() ({
      %run_scoped3A = tpu.sem_alloc : memref<!tpu.dma_semaphore, #tpu.memory_space<semaphore_mem>>
      %dma_start3A = arith.constant 0 : i32
      %dma_start3A_266 = tpu.memref_slice %arg5[%add3A_205, %dma_start3A] : memref<50176x64xf32, #tpu.memory_space<hbm>> -> memref<56x64xf32, #tpu.memory_space<hbm>>
      %dma_start3A_267 = arith.constant 0 : i32
      %dma_start3A_268 = tpu.memref_slice %arg5[%add3A_205, %dma_start3A_267] : memref<50176x64xf32, #tpu.memory_space<hbm>> -> memref<56x64xf32, #tpu.memory_space<hbm>>
      tpu.enqueue_dma source(%arg10 : memref<56x64xf32, #tpu.memory_space<vmem>>) target(%dma_start3A_268 : memref<56x64xf32, #tpu.memory_space<hbm>>) target_semaphore(%run_scoped3A : memref<!tpu.dma_semaphore, #tpu.memory_space<semaphore_mem>>)
      %dma_wait3A = arith.constant 0 : i32
      %dma_wait3A_269 = tpu.memref_slice %arg5[%add3A_205, %dma_wait3A] : memref<50176x64xf32, #tpu.memory_space<hbm>> -> memref<56x64xf32, #tpu.memory_space<hbm>>
      %dma_wait3A_270 = arith.constant 0 : i32
      %dma_wait3A_271 = tpu.memref_slice %arg5[%add3A_205, %dma_wait3A_270] : memref<50176x64xf32, #tpu.memory_space<hbm>> -> memref<56x64xf32, #tpu.memory_space<hbm>>
      tpu.wait_dma2 semaphore(%run_scoped3A : memref<!tpu.dma_semaphore, #tpu.memory_space<semaphore_mem>>) src(%arg10 : memref<56x64xf32, #tpu.memory_space<vmem>>) dst(%dma_wait3A_271 : memref<56x64xf32, #tpu.memory_space<hbm>>)
      tpu.yield
    }) : () -> ()
    %mul3A_206 = arith.constant 1568 : i32
    %mul3A_207 = arith.muli %arg1, %mul3A_206 : i32
    %add3A_208 = arith.constant 896 : i32
    %add3A_209 = arith.addi %mul3A_207, %add3A_208 : i32
    "tpu.region"() ({
      %run_scoped3A = tpu.sem_alloc : memref<!tpu.dma_semaphore, #tpu.memory_space<semaphore_mem>>
      %dma_start3A = arith.constant 0 : i32
      %dma_start3A_266 = tpu.memref_slice %arg11[%add3A_209, %dma_start3A] : memref<25104x64xf32, #tpu.memory_space<vmem_shared>> -> memref<56x64xf32, #tpu.memory_space<vmem_shared>>
      %dma_start3A_267 = arith.constant 0 : i32
      %dma_start3A_268 = tpu.memref_slice %arg11[%add3A_209, %dma_start3A_267] : memref<25104x64xf32, #tpu.memory_space<vmem_shared>> -> memref<56x64xf32, #tpu.memory_space<vmem_shared>>
      tpu.enqueue_dma source(%dma_start3A_268 : memref<56x64xf32, #tpu.memory_space<vmem_shared>>) target(%arg10 : memref<56x64xf32, #tpu.memory_space<vmem>>) target_semaphore(%run_scoped3A : memref<!tpu.dma_semaphore, #tpu.memory_space<semaphore_mem>>)
      %dma_wait3A = arith.constant 0 : i32
      %dma_wait3A_269 = tpu.memref_slice %arg11[%add3A_209, %dma_wait3A] : memref<25104x64xf32, #tpu.memory_space<vmem_shared>> -> memref<56x64xf32, #tpu.memory_space<vmem_shared>>
      %dma_wait3A_270 = arith.constant 0 : i32
      %dma_wait3A_271 = tpu.memref_slice %arg11[%add3A_209, %dma_wait3A_270] : memref<25104x64xf32, #tpu.memory_space<vmem_shared>> -> memref<56x64xf32, #tpu.memory_space<vmem_shared>>
      tpu.wait_dma2 semaphore(%run_scoped3A : memref<!tpu.dma_semaphore, #tpu.memory_space<semaphore_mem>>) src(%dma_wait3A_271 : memref<56x64xf32, #tpu.memory_space<vmem_shared>>) dst(%arg10 : memref<56x64xf32, #tpu.memory_space<vmem>>)
      tpu.yield
    }) : () -> ()
    %add3A_210 = arith.addi %mul3A_0, %add3A_209 : i32
    "tpu.region"() ({
      %run_scoped3A = tpu.sem_alloc : memref<!tpu.dma_semaphore, #tpu.memory_space<semaphore_mem>>
      %dma_start3A = arith.constant 0 : i32
      %dma_start3A_266 = tpu.memref_slice %arg5[%add3A_210, %dma_start3A] : memref<50176x64xf32, #tpu.memory_space<hbm>> -> memref<56x64xf32, #tpu.memory_space<hbm>>
      %dma_start3A_267 = arith.constant 0 : i32
      %dma_start3A_268 = tpu.memref_slice %arg5[%add3A_210, %dma_start3A_267] : memref<50176x64xf32, #tpu.memory_space<hbm>> -> memref<56x64xf32, #tpu.memory_space<hbm>>
      tpu.enqueue_dma source(%arg10 : memref<56x64xf32, #tpu.memory_space<vmem>>) target(%dma_start3A_268 : memref<56x64xf32, #tpu.memory_space<hbm>>) target_semaphore(%run_scoped3A : memref<!tpu.dma_semaphore, #tpu.memory_space<semaphore_mem>>)
      %dma_wait3A = arith.constant 0 : i32
      %dma_wait3A_269 = tpu.memref_slice %arg5[%add3A_210, %dma_wait3A] : memref<50176x64xf32, #tpu.memory_space<hbm>> -> memref<56x64xf32, #tpu.memory_space<hbm>>
      %dma_wait3A_270 = arith.constant 0 : i32
      %dma_wait3A_271 = tpu.memref_slice %arg5[%add3A_210, %dma_wait3A_270] : memref<50176x64xf32, #tpu.memory_space<hbm>> -> memref<56x64xf32, #tpu.memory_space<hbm>>
      tpu.wait_dma2 semaphore(%run_scoped3A : memref<!tpu.dma_semaphore, #tpu.memory_space<semaphore_mem>>) src(%arg10 : memref<56x64xf32, #tpu.memory_space<vmem>>) dst(%dma_wait3A_271 : memref<56x64xf32, #tpu.memory_space<hbm>>)
      tpu.yield
    }) : () -> ()
    %mul3A_211 = arith.constant 1568 : i32
    %mul3A_212 = arith.muli %arg1, %mul3A_211 : i32
    %add3A_213 = arith.constant 952 : i32
    %add3A_214 = arith.addi %mul3A_212, %add3A_213 : i32
    "tpu.region"() ({
      %run_scoped3A = tpu.sem_alloc : memref<!tpu.dma_semaphore, #tpu.memory_space<semaphore_mem>>
      %dma_start3A = arith.constant 0 : i32
      %dma_start3A_266 = tpu.memref_slice %arg11[%add3A_214, %dma_start3A] : memref<25104x64xf32, #tpu.memory_space<vmem_shared>> -> memref<56x64xf32, #tpu.memory_space<vmem_shared>>
      %dma_start3A_267 = arith.constant 0 : i32
      %dma_start3A_268 = tpu.memref_slice %arg11[%add3A_214, %dma_start3A_267] : memref<25104x64xf32, #tpu.memory_space<vmem_shared>> -> memref<56x64xf32, #tpu.memory_space<vmem_shared>>
      tpu.enqueue_dma source(%dma_start3A_268 : memref<56x64xf32, #tpu.memory_space<vmem_shared>>) target(%arg10 : memref<56x64xf32, #tpu.memory_space<vmem>>) target_semaphore(%run_scoped3A : memref<!tpu.dma_semaphore, #tpu.memory_space<semaphore_mem>>)
      %dma_wait3A = arith.constant 0 : i32
      %dma_wait3A_269 = tpu.memref_slice %arg11[%add3A_214, %dma_wait3A] : memref<25104x64xf32, #tpu.memory_space<vmem_shared>> -> memref<56x64xf32, #tpu.memory_space<vmem_shared>>
      %dma_wait3A_270 = arith.constant 0 : i32
      %dma_wait3A_271 = tpu.memref_slice %arg11[%add3A_214, %dma_wait3A_270] : memref<25104x64xf32, #tpu.memory_space<vmem_shared>> -> memref<56x64xf32, #tpu.memory_space<vmem_shared>>
      tpu.wait_dma2 semaphore(%run_scoped3A : memref<!tpu.dma_semaphore, #tpu.memory_space<semaphore_mem>>) src(%dma_wait3A_271 : memref<56x64xf32, #tpu.memory_space<vmem_shared>>) dst(%arg10 : memref<56x64xf32, #tpu.memory_space<vmem>>)
      tpu.yield
    }) : () -> ()
    %add3A_215 = arith.addi %mul3A_0, %add3A_214 : i32
    "tpu.region"() ({
      %run_scoped3A = tpu.sem_alloc : memref<!tpu.dma_semaphore, #tpu.memory_space<semaphore_mem>>
      %dma_start3A = arith.constant 0 : i32
      %dma_start3A_266 = tpu.memref_slice %arg5[%add3A_215, %dma_start3A] : memref<50176x64xf32, #tpu.memory_space<hbm>> -> memref<56x64xf32, #tpu.memory_space<hbm>>
      %dma_start3A_267 = arith.constant 0 : i32
      %dma_start3A_268 = tpu.memref_slice %arg5[%add3A_215, %dma_start3A_267] : memref<50176x64xf32, #tpu.memory_space<hbm>> -> memref<56x64xf32, #tpu.memory_space<hbm>>
      tpu.enqueue_dma source(%arg10 : memref<56x64xf32, #tpu.memory_space<vmem>>) target(%dma_start3A_268 : memref<56x64xf32, #tpu.memory_space<hbm>>) target_semaphore(%run_scoped3A : memref<!tpu.dma_semaphore, #tpu.memory_space<semaphore_mem>>)
      %dma_wait3A = arith.constant 0 : i32
      %dma_wait3A_269 = tpu.memref_slice %arg5[%add3A_215, %dma_wait3A] : memref<50176x64xf32, #tpu.memory_space<hbm>> -> memref<56x64xf32, #tpu.memory_space<hbm>>
      %dma_wait3A_270 = arith.constant 0 : i32
      %dma_wait3A_271 = tpu.memref_slice %arg5[%add3A_215, %dma_wait3A_270] : memref<50176x64xf32, #tpu.memory_space<hbm>> -> memref<56x64xf32, #tpu.memory_space<hbm>>
      tpu.wait_dma2 semaphore(%run_scoped3A : memref<!tpu.dma_semaphore, #tpu.memory_space<semaphore_mem>>) src(%arg10 : memref<56x64xf32, #tpu.memory_space<vmem>>) dst(%dma_wait3A_271 : memref<56x64xf32, #tpu.memory_space<hbm>>)
      tpu.yield
    }) : () -> ()
    %mul3A_216 = arith.constant 1568 : i32
    %mul3A_217 = arith.muli %arg1, %mul3A_216 : i32
    %add3A_218 = arith.constant 1008 : i32
    %add3A_219 = arith.addi %mul3A_217, %add3A_218 : i32
    "tpu.region"() ({
      %run_scoped3A = tpu.sem_alloc : memref<!tpu.dma_semaphore, #tpu.memory_space<semaphore_mem>>
      %dma_start3A = arith.constant 0 : i32
      %dma_start3A_266 = tpu.memref_slice %arg11[%add3A_219, %dma_start3A] : memref<25104x64xf32, #tpu.memory_space<vmem_shared>> -> memref<56x64xf32, #tpu.memory_space<vmem_shared>>
      %dma_start3A_267 = arith.constant 0 : i32
      %dma_start3A_268 = tpu.memref_slice %arg11[%add3A_219, %dma_start3A_267] : memref<25104x64xf32, #tpu.memory_space<vmem_shared>> -> memref<56x64xf32, #tpu.memory_space<vmem_shared>>
      tpu.enqueue_dma source(%dma_start3A_268 : memref<56x64xf32, #tpu.memory_space<vmem_shared>>) target(%arg10 : memref<56x64xf32, #tpu.memory_space<vmem>>) target_semaphore(%run_scoped3A : memref<!tpu.dma_semaphore, #tpu.memory_space<semaphore_mem>>)
      %dma_wait3A = arith.constant 0 : i32
      %dma_wait3A_269 = tpu.memref_slice %arg11[%add3A_219, %dma_wait3A] : memref<25104x64xf32, #tpu.memory_space<vmem_shared>> -> memref<56x64xf32, #tpu.memory_space<vmem_shared>>
      %dma_wait3A_270 = arith.constant 0 : i32
      %dma_wait3A_271 = tpu.memref_slice %arg11[%add3A_219, %dma_wait3A_270] : memref<25104x64xf32, #tpu.memory_space<vmem_shared>> -> memref<56x64xf32, #tpu.memory_space<vmem_shared>>
      tpu.wait_dma2 semaphore(%run_scoped3A : memref<!tpu.dma_semaphore, #tpu.memory_space<semaphore_mem>>) src(%dma_wait3A_271 : memref<56x64xf32, #tpu.memory_space<vmem_shared>>) dst(%arg10 : memref<56x64xf32, #tpu.memory_space<vmem>>)
      tpu.yield
    }) : () -> ()
    %add3A_220 = arith.addi %mul3A_0, %add3A_219 : i32
    "tpu.region"() ({
      %run_scoped3A = tpu.sem_alloc : memref<!tpu.dma_semaphore, #tpu.memory_space<semaphore_mem>>
      %dma_start3A = arith.constant 0 : i32
      %dma_start3A_266 = tpu.memref_slice %arg5[%add3A_220, %dma_start3A] : memref<50176x64xf32, #tpu.memory_space<hbm>> -> memref<56x64xf32, #tpu.memory_space<hbm>>
      %dma_start3A_267 = arith.constant 0 : i32
      %dma_start3A_268 = tpu.memref_slice %arg5[%add3A_220, %dma_start3A_267] : memref<50176x64xf32, #tpu.memory_space<hbm>> -> memref<56x64xf32, #tpu.memory_space<hbm>>
      tpu.enqueue_dma source(%arg10 : memref<56x64xf32, #tpu.memory_space<vmem>>) target(%dma_start3A_268 : memref<56x64xf32, #tpu.memory_space<hbm>>) target_semaphore(%run_scoped3A : memref<!tpu.dma_semaphore, #tpu.memory_space<semaphore_mem>>)
      %dma_wait3A = arith.constant 0 : i32
      %dma_wait3A_269 = tpu.memref_slice %arg5[%add3A_220, %dma_wait3A] : memref<50176x64xf32, #tpu.memory_space<hbm>> -> memref<56x64xf32, #tpu.memory_space<hbm>>
      %dma_wait3A_270 = arith.constant 0 : i32
      %dma_wait3A_271 = tpu.memref_slice %arg5[%add3A_220, %dma_wait3A_270] : memref<50176x64xf32, #tpu.memory_space<hbm>> -> memref<56x64xf32, #tpu.memory_space<hbm>>
      tpu.wait_dma2 semaphore(%run_scoped3A : memref<!tpu.dma_semaphore, #tpu.memory_space<semaphore_mem>>) src(%arg10 : memref<56x64xf32, #tpu.memory_space<vmem>>) dst(%dma_wait3A_271 : memref<56x64xf32, #tpu.memory_space<hbm>>)
      tpu.yield
    }) : () -> ()
    %mul3A_221 = arith.constant 1568 : i32
    %mul3A_222 = arith.muli %arg1, %mul3A_221 : i32
    %add3A_223 = arith.constant 1064 : i32
    %add3A_224 = arith.addi %mul3A_222, %add3A_223 : i32
    "tpu.region"() ({
      %run_scoped3A = tpu.sem_alloc : memref<!tpu.dma_semaphore, #tpu.memory_space<semaphore_mem>>
      %dma_start3A = arith.constant 0 : i32
      %dma_start3A_266 = tpu.memref_slice %arg11[%add3A_224, %dma_start3A] : memref<25104x64xf32, #tpu.memory_space<vmem_shared>> -> memref<56x64xf32, #tpu.memory_space<vmem_shared>>
      %dma_start3A_267 = arith.constant 0 : i32
      %dma_start3A_268 = tpu.memref_slice %arg11[%add3A_224, %dma_start3A_267] : memref<25104x64xf32, #tpu.memory_space<vmem_shared>> -> memref<56x64xf32, #tpu.memory_space<vmem_shared>>
      tpu.enqueue_dma source(%dma_start3A_268 : memref<56x64xf32, #tpu.memory_space<vmem_shared>>) target(%arg10 : memref<56x64xf32, #tpu.memory_space<vmem>>) target_semaphore(%run_scoped3A : memref<!tpu.dma_semaphore, #tpu.memory_space<semaphore_mem>>)
      %dma_wait3A = arith.constant 0 : i32
      %dma_wait3A_269 = tpu.memref_slice %arg11[%add3A_224, %dma_wait3A] : memref<25104x64xf32, #tpu.memory_space<vmem_shared>> -> memref<56x64xf32, #tpu.memory_space<vmem_shared>>
      %dma_wait3A_270 = arith.constant 0 : i32
      %dma_wait3A_271 = tpu.memref_slice %arg11[%add3A_224, %dma_wait3A_270] : memref<25104x64xf32, #tpu.memory_space<vmem_shared>> -> memref<56x64xf32, #tpu.memory_space<vmem_shared>>
      tpu.wait_dma2 semaphore(%run_scoped3A : memref<!tpu.dma_semaphore, #tpu.memory_space<semaphore_mem>>) src(%dma_wait3A_271 : memref<56x64xf32, #tpu.memory_space<vmem_shared>>) dst(%arg10 : memref<56x64xf32, #tpu.memory_space<vmem>>)
      tpu.yield
    }) : () -> ()
    %add3A_225 = arith.addi %mul3A_0, %add3A_224 : i32
    "tpu.region"() ({
      %run_scoped3A = tpu.sem_alloc : memref<!tpu.dma_semaphore, #tpu.memory_space<semaphore_mem>>
      %dma_start3A = arith.constant 0 : i32
      %dma_start3A_266 = tpu.memref_slice %arg5[%add3A_225, %dma_start3A] : memref<50176x64xf32, #tpu.memory_space<hbm>> -> memref<56x64xf32, #tpu.memory_space<hbm>>
      %dma_start3A_267 = arith.constant 0 : i32
      %dma_start3A_268 = tpu.memref_slice %arg5[%add3A_225, %dma_start3A_267] : memref<50176x64xf32, #tpu.memory_space<hbm>> -> memref<56x64xf32, #tpu.memory_space<hbm>>
      tpu.enqueue_dma source(%arg10 : memref<56x64xf32, #tpu.memory_space<vmem>>) target(%dma_start3A_268 : memref<56x64xf32, #tpu.memory_space<hbm>>) target_semaphore(%run_scoped3A : memref<!tpu.dma_semaphore, #tpu.memory_space<semaphore_mem>>)
      %dma_wait3A = arith.constant 0 : i32
      %dma_wait3A_269 = tpu.memref_slice %arg5[%add3A_225, %dma_wait3A] : memref<50176x64xf32, #tpu.memory_space<hbm>> -> memref<56x64xf32, #tpu.memory_space<hbm>>
      %dma_wait3A_270 = arith.constant 0 : i32
      %dma_wait3A_271 = tpu.memref_slice %arg5[%add3A_225, %dma_wait3A_270] : memref<50176x64xf32, #tpu.memory_space<hbm>> -> memref<56x64xf32, #tpu.memory_space<hbm>>
      tpu.wait_dma2 semaphore(%run_scoped3A : memref<!tpu.dma_semaphore, #tpu.memory_space<semaphore_mem>>) src(%arg10 : memref<56x64xf32, #tpu.memory_space<vmem>>) dst(%dma_wait3A_271 : memref<56x64xf32, #tpu.memory_space<hbm>>)
      tpu.yield
    }) : () -> ()
    %mul3A_226 = arith.constant 1568 : i32
    %mul3A_227 = arith.muli %arg1, %mul3A_226 : i32
    %add3A_228 = arith.constant 1120 : i32
    %add3A_229 = arith.addi %mul3A_227, %add3A_228 : i32
    "tpu.region"() ({
      %run_scoped3A = tpu.sem_alloc : memref<!tpu.dma_semaphore, #tpu.memory_space<semaphore_mem>>
      %dma_start3A = arith.constant 0 : i32
      %dma_start3A_266 = tpu.memref_slice %arg11[%add3A_229, %dma_start3A] : memref<25104x64xf32, #tpu.memory_space<vmem_shared>> -> memref<56x64xf32, #tpu.memory_space<vmem_shared>>
      %dma_start3A_267 = arith.constant 0 : i32
      %dma_start3A_268 = tpu.memref_slice %arg11[%add3A_229, %dma_start3A_267] : memref<25104x64xf32, #tpu.memory_space<vmem_shared>> -> memref<56x64xf32, #tpu.memory_space<vmem_shared>>
      tpu.enqueue_dma source(%dma_start3A_268 : memref<56x64xf32, #tpu.memory_space<vmem_shared>>) target(%arg10 : memref<56x64xf32, #tpu.memory_space<vmem>>) target_semaphore(%run_scoped3A : memref<!tpu.dma_semaphore, #tpu.memory_space<semaphore_mem>>)
      %dma_wait3A = arith.constant 0 : i32
      %dma_wait3A_269 = tpu.memref_slice %arg11[%add3A_229, %dma_wait3A] : memref<25104x64xf32, #tpu.memory_space<vmem_shared>> -> memref<56x64xf32, #tpu.memory_space<vmem_shared>>
      %dma_wait3A_270 = arith.constant 0 : i32
      %dma_wait3A_271 = tpu.memref_slice %arg11[%add3A_229, %dma_wait3A_270] : memref<25104x64xf32, #tpu.memory_space<vmem_shared>> -> memref<56x64xf32, #tpu.memory_space<vmem_shared>>
      tpu.wait_dma2 semaphore(%run_scoped3A : memref<!tpu.dma_semaphore, #tpu.memory_space<semaphore_mem>>) src(%dma_wait3A_271 : memref<56x64xf32, #tpu.memory_space<vmem_shared>>) dst(%arg10 : memref<56x64xf32, #tpu.memory_space<vmem>>)
      tpu.yield
    }) : () -> ()
    %add3A_230 = arith.addi %mul3A_0, %add3A_229 : i32
    "tpu.region"() ({
      %run_scoped3A = tpu.sem_alloc : memref<!tpu.dma_semaphore, #tpu.memory_space<semaphore_mem>>
      %dma_start3A = arith.constant 0 : i32
      %dma_start3A_266 = tpu.memref_slice %arg5[%add3A_230, %dma_start3A] : memref<50176x64xf32, #tpu.memory_space<hbm>> -> memref<56x64xf32, #tpu.memory_space<hbm>>
      %dma_start3A_267 = arith.constant 0 : i32
      %dma_start3A_268 = tpu.memref_slice %arg5[%add3A_230, %dma_start3A_267] : memref<50176x64xf32, #tpu.memory_space<hbm>> -> memref<56x64xf32, #tpu.memory_space<hbm>>
      tpu.enqueue_dma source(%arg10 : memref<56x64xf32, #tpu.memory_space<vmem>>) target(%dma_start3A_268 : memref<56x64xf32, #tpu.memory_space<hbm>>) target_semaphore(%run_scoped3A : memref<!tpu.dma_semaphore, #tpu.memory_space<semaphore_mem>>)
      %dma_wait3A = arith.constant 0 : i32
      %dma_wait3A_269 = tpu.memref_slice %arg5[%add3A_230, %dma_wait3A] : memref<50176x64xf32, #tpu.memory_space<hbm>> -> memref<56x64xf32, #tpu.memory_space<hbm>>
      %dma_wait3A_270 = arith.constant 0 : i32
      %dma_wait3A_271 = tpu.memref_slice %arg5[%add3A_230, %dma_wait3A_270] : memref<50176x64xf32, #tpu.memory_space<hbm>> -> memref<56x64xf32, #tpu.memory_space<hbm>>
      tpu.wait_dma2 semaphore(%run_scoped3A : memref<!tpu.dma_semaphore, #tpu.memory_space<semaphore_mem>>) src(%arg10 : memref<56x64xf32, #tpu.memory_space<vmem>>) dst(%dma_wait3A_271 : memref<56x64xf32, #tpu.memory_space<hbm>>)
      tpu.yield
    }) : () -> ()
    %mul3A_231 = arith.constant 1568 : i32
    %mul3A_232 = arith.muli %arg1, %mul3A_231 : i32
    %add3A_233 = arith.constant 1176 : i32
    %add3A_234 = arith.addi %mul3A_232, %add3A_233 : i32
    "tpu.region"() ({
      %run_scoped3A = tpu.sem_alloc : memref<!tpu.dma_semaphore, #tpu.memory_space<semaphore_mem>>
      %dma_start3A = arith.constant 0 : i32
      %dma_start3A_266 = tpu.memref_slice %arg11[%add3A_234, %dma_start3A] : memref<25104x64xf32, #tpu.memory_space<vmem_shared>> -> memref<56x64xf32, #tpu.memory_space<vmem_shared>>
      %dma_start3A_267 = arith.constant 0 : i32
      %dma_start3A_268 = tpu.memref_slice %arg11[%add3A_234, %dma_start3A_267] : memref<25104x64xf32, #tpu.memory_space<vmem_shared>> -> memref<56x64xf32, #tpu.memory_space<vmem_shared>>
      tpu.enqueue_dma source(%dma_start3A_268 : memref<56x64xf32, #tpu.memory_space<vmem_shared>>) target(%arg10 : memref<56x64xf32, #tpu.memory_space<vmem>>) target_semaphore(%run_scoped3A : memref<!tpu.dma_semaphore, #tpu.memory_space<semaphore_mem>>)
      %dma_wait3A = arith.constant 0 : i32
      %dma_wait3A_269 = tpu.memref_slice %arg11[%add3A_234, %dma_wait3A] : memref<25104x64xf32, #tpu.memory_space<vmem_shared>> -> memref<56x64xf32, #tpu.memory_space<vmem_shared>>
      %dma_wait3A_270 = arith.constant 0 : i32
      %dma_wait3A_271 = tpu.memref_slice %arg11[%add3A_234, %dma_wait3A_270] : memref<25104x64xf32, #tpu.memory_space<vmem_shared>> -> memref<56x64xf32, #tpu.memory_space<vmem_shared>>
      tpu.wait_dma2 semaphore(%run_scoped3A : memref<!tpu.dma_semaphore, #tpu.memory_space<semaphore_mem>>) src(%dma_wait3A_271 : memref<56x64xf32, #tpu.memory_space<vmem_shared>>) dst(%arg10 : memref<56x64xf32, #tpu.memory_space<vmem>>)
      tpu.yield
    }) : () -> ()
    %add3A_235 = arith.addi %mul3A_0, %add3A_234 : i32
    "tpu.region"() ({
      %run_scoped3A = tpu.sem_alloc : memref<!tpu.dma_semaphore, #tpu.memory_space<semaphore_mem>>
      %dma_start3A = arith.constant 0 : i32
      %dma_start3A_266 = tpu.memref_slice %arg5[%add3A_235, %dma_start3A] : memref<50176x64xf32, #tpu.memory_space<hbm>> -> memref<56x64xf32, #tpu.memory_space<hbm>>
      %dma_start3A_267 = arith.constant 0 : i32
      %dma_start3A_268 = tpu.memref_slice %arg5[%add3A_235, %dma_start3A_267] : memref<50176x64xf32, #tpu.memory_space<hbm>> -> memref<56x64xf32, #tpu.memory_space<hbm>>
      tpu.enqueue_dma source(%arg10 : memref<56x64xf32, #tpu.memory_space<vmem>>) target(%dma_start3A_268 : memref<56x64xf32, #tpu.memory_space<hbm>>) target_semaphore(%run_scoped3A : memref<!tpu.dma_semaphore, #tpu.memory_space<semaphore_mem>>)
      %dma_wait3A = arith.constant 0 : i32
      %dma_wait3A_269 = tpu.memref_slice %arg5[%add3A_235, %dma_wait3A] : memref<50176x64xf32, #tpu.memory_space<hbm>> -> memref<56x64xf32, #tpu.memory_space<hbm>>
      %dma_wait3A_270 = arith.constant 0 : i32
      %dma_wait3A_271 = tpu.memref_slice %arg5[%add3A_235, %dma_wait3A_270] : memref<50176x64xf32, #tpu.memory_space<hbm>> -> memref<56x64xf32, #tpu.memory_space<hbm>>
      tpu.wait_dma2 semaphore(%run_scoped3A : memref<!tpu.dma_semaphore, #tpu.memory_space<semaphore_mem>>) src(%arg10 : memref<56x64xf32, #tpu.memory_space<vmem>>) dst(%dma_wait3A_271 : memref<56x64xf32, #tpu.memory_space<hbm>>)
      tpu.yield
    }) : () -> ()
    %mul3A_236 = arith.constant 1568 : i32
    %mul3A_237 = arith.muli %arg1, %mul3A_236 : i32
    %add3A_238 = arith.constant 1232 : i32
    %add3A_239 = arith.addi %mul3A_237, %add3A_238 : i32
    "tpu.region"() ({
      %run_scoped3A = tpu.sem_alloc : memref<!tpu.dma_semaphore, #tpu.memory_space<semaphore_mem>>
      %dma_start3A = arith.constant 0 : i32
      %dma_start3A_266 = tpu.memref_slice %arg11[%add3A_239, %dma_start3A] : memref<25104x64xf32, #tpu.memory_space<vmem_shared>> -> memref<56x64xf32, #tpu.memory_space<vmem_shared>>
      %dma_start3A_267 = arith.constant 0 : i32
      %dma_start3A_268 = tpu.memref_slice %arg11[%add3A_239, %dma_start3A_267] : memref<25104x64xf32, #tpu.memory_space<vmem_shared>> -> memref<56x64xf32, #tpu.memory_space<vmem_shared>>
      tpu.enqueue_dma source(%dma_start3A_268 : memref<56x64xf32, #tpu.memory_space<vmem_shared>>) target(%arg10 : memref<56x64xf32, #tpu.memory_space<vmem>>) target_semaphore(%run_scoped3A : memref<!tpu.dma_semaphore, #tpu.memory_space<semaphore_mem>>)
      %dma_wait3A = arith.constant 0 : i32
      %dma_wait3A_269 = tpu.memref_slice %arg11[%add3A_239, %dma_wait3A] : memref<25104x64xf32, #tpu.memory_space<vmem_shared>> -> memref<56x64xf32, #tpu.memory_space<vmem_shared>>
      %dma_wait3A_270 = arith.constant 0 : i32
      %dma_wait3A_271 = tpu.memref_slice %arg11[%add3A_239, %dma_wait3A_270] : memref<25104x64xf32, #tpu.memory_space<vmem_shared>> -> memref<56x64xf32, #tpu.memory_space<vmem_shared>>
      tpu.wait_dma2 semaphore(%run_scoped3A : memref<!tpu.dma_semaphore, #tpu.memory_space<semaphore_mem>>) src(%dma_wait3A_271 : memref<56x64xf32, #tpu.memory_space<vmem_shared>>) dst(%arg10 : memref<56x64xf32, #tpu.memory_space<vmem>>)
      tpu.yield
    }) : () -> ()
    %add3A_240 = arith.addi %mul3A_0, %add3A_239 : i32
    "tpu.region"() ({
      %run_scoped3A = tpu.sem_alloc : memref<!tpu.dma_semaphore, #tpu.memory_space<semaphore_mem>>
      %dma_start3A = arith.constant 0 : i32
      %dma_start3A_266 = tpu.memref_slice %arg5[%add3A_240, %dma_start3A] : memref<50176x64xf32, #tpu.memory_space<hbm>> -> memref<56x64xf32, #tpu.memory_space<hbm>>
      %dma_start3A_267 = arith.constant 0 : i32
      %dma_start3A_268 = tpu.memref_slice %arg5[%add3A_240, %dma_start3A_267] : memref<50176x64xf32, #tpu.memory_space<hbm>> -> memref<56x64xf32, #tpu.memory_space<hbm>>
      tpu.enqueue_dma source(%arg10 : memref<56x64xf32, #tpu.memory_space<vmem>>) target(%dma_start3A_268 : memref<56x64xf32, #tpu.memory_space<hbm>>) target_semaphore(%run_scoped3A : memref<!tpu.dma_semaphore, #tpu.memory_space<semaphore_mem>>)
      %dma_wait3A = arith.constant 0 : i32
      %dma_wait3A_269 = tpu.memref_slice %arg5[%add3A_240, %dma_wait3A] : memref<50176x64xf32, #tpu.memory_space<hbm>> -> memref<56x64xf32, #tpu.memory_space<hbm>>
      %dma_wait3A_270 = arith.constant 0 : i32
      %dma_wait3A_271 = tpu.memref_slice %arg5[%add3A_240, %dma_wait3A_270] : memref<50176x64xf32, #tpu.memory_space<hbm>> -> memref<56x64xf32, #tpu.memory_space<hbm>>
      tpu.wait_dma2 semaphore(%run_scoped3A : memref<!tpu.dma_semaphore, #tpu.memory_space<semaphore_mem>>) src(%arg10 : memref<56x64xf32, #tpu.memory_space<vmem>>) dst(%dma_wait3A_271 : memref<56x64xf32, #tpu.memory_space<hbm>>)
      tpu.yield
    }) : () -> ()
    %mul3A_241 = arith.constant 1568 : i32
    %mul3A_242 = arith.muli %arg1, %mul3A_241 : i32
    %add3A_243 = arith.constant 1288 : i32
    %add3A_244 = arith.addi %mul3A_242, %add3A_243 : i32
    "tpu.region"() ({
      %run_scoped3A = tpu.sem_alloc : memref<!tpu.dma_semaphore, #tpu.memory_space<semaphore_mem>>
      %dma_start3A = arith.constant 0 : i32
      %dma_start3A_266 = tpu.memref_slice %arg11[%add3A_244, %dma_start3A] : memref<25104x64xf32, #tpu.memory_space<vmem_shared>> -> memref<56x64xf32, #tpu.memory_space<vmem_shared>>
      %dma_start3A_267 = arith.constant 0 : i32
      %dma_start3A_268 = tpu.memref_slice %arg11[%add3A_244, %dma_start3A_267] : memref<25104x64xf32, #tpu.memory_space<vmem_shared>> -> memref<56x64xf32, #tpu.memory_space<vmem_shared>>
      tpu.enqueue_dma source(%dma_start3A_268 : memref<56x64xf32, #tpu.memory_space<vmem_shared>>) target(%arg10 : memref<56x64xf32, #tpu.memory_space<vmem>>) target_semaphore(%run_scoped3A : memref<!tpu.dma_semaphore, #tpu.memory_space<semaphore_mem>>)
      %dma_wait3A = arith.constant 0 : i32
      %dma_wait3A_269 = tpu.memref_slice %arg11[%add3A_244, %dma_wait3A] : memref<25104x64xf32, #tpu.memory_space<vmem_shared>> -> memref<56x64xf32, #tpu.memory_space<vmem_shared>>
      %dma_wait3A_270 = arith.constant 0 : i32
      %dma_wait3A_271 = tpu.memref_slice %arg11[%add3A_244, %dma_wait3A_270] : memref<25104x64xf32, #tpu.memory_space<vmem_shared>> -> memref<56x64xf32, #tpu.memory_space<vmem_shared>>
      tpu.wait_dma2 semaphore(%run_scoped3A : memref<!tpu.dma_semaphore, #tpu.memory_space<semaphore_mem>>) src(%dma_wait3A_271 : memref<56x64xf32, #tpu.memory_space<vmem_shared>>) dst(%arg10 : memref<56x64xf32, #tpu.memory_space<vmem>>)
      tpu.yield
    }) : () -> ()
    %add3A_245 = arith.addi %mul3A_0, %add3A_244 : i32
    "tpu.region"() ({
      %run_scoped3A = tpu.sem_alloc : memref<!tpu.dma_semaphore, #tpu.memory_space<semaphore_mem>>
      %dma_start3A = arith.constant 0 : i32
      %dma_start3A_266 = tpu.memref_slice %arg5[%add3A_245, %dma_start3A] : memref<50176x64xf32, #tpu.memory_space<hbm>> -> memref<56x64xf32, #tpu.memory_space<hbm>>
      %dma_start3A_267 = arith.constant 0 : i32
      %dma_start3A_268 = tpu.memref_slice %arg5[%add3A_245, %dma_start3A_267] : memref<50176x64xf32, #tpu.memory_space<hbm>> -> memref<56x64xf32, #tpu.memory_space<hbm>>
      tpu.enqueue_dma source(%arg10 : memref<56x64xf32, #tpu.memory_space<vmem>>) target(%dma_start3A_268 : memref<56x64xf32, #tpu.memory_space<hbm>>) target_semaphore(%run_scoped3A : memref<!tpu.dma_semaphore, #tpu.memory_space<semaphore_mem>>)
      %dma_wait3A = arith.constant 0 : i32
      %dma_wait3A_269 = tpu.memref_slice %arg5[%add3A_245, %dma_wait3A] : memref<50176x64xf32, #tpu.memory_space<hbm>> -> memref<56x64xf32, #tpu.memory_space<hbm>>
      %dma_wait3A_270 = arith.constant 0 : i32
      %dma_wait3A_271 = tpu.memref_slice %arg5[%add3A_245, %dma_wait3A_270] : memref<50176x64xf32, #tpu.memory_space<hbm>> -> memref<56x64xf32, #tpu.memory_space<hbm>>
      tpu.wait_dma2 semaphore(%run_scoped3A : memref<!tpu.dma_semaphore, #tpu.memory_space<semaphore_mem>>) src(%arg10 : memref<56x64xf32, #tpu.memory_space<vmem>>) dst(%dma_wait3A_271 : memref<56x64xf32, #tpu.memory_space<hbm>>)
      tpu.yield
    }) : () -> ()
    %mul3A_246 = arith.constant 1568 : i32
    %mul3A_247 = arith.muli %arg1, %mul3A_246 : i32
    %add3A_248 = arith.constant 1344 : i32
    %add3A_249 = arith.addi %mul3A_247, %add3A_248 : i32
    "tpu.region"() ({
      %run_scoped3A = tpu.sem_alloc : memref<!tpu.dma_semaphore, #tpu.memory_space<semaphore_mem>>
      %dma_start3A = arith.constant 0 : i32
      %dma_start3A_266 = tpu.memref_slice %arg11[%add3A_249, %dma_start3A] : memref<25104x64xf32, #tpu.memory_space<vmem_shared>> -> memref<56x64xf32, #tpu.memory_space<vmem_shared>>
      %dma_start3A_267 = arith.constant 0 : i32
      %dma_start3A_268 = tpu.memref_slice %arg11[%add3A_249, %dma_start3A_267] : memref<25104x64xf32, #tpu.memory_space<vmem_shared>> -> memref<56x64xf32, #tpu.memory_space<vmem_shared>>
      tpu.enqueue_dma source(%dma_start3A_268 : memref<56x64xf32, #tpu.memory_space<vmem_shared>>) target(%arg10 : memref<56x64xf32, #tpu.memory_space<vmem>>) target_semaphore(%run_scoped3A : memref<!tpu.dma_semaphore, #tpu.memory_space<semaphore_mem>>)
      %dma_wait3A = arith.constant 0 : i32
      %dma_wait3A_269 = tpu.memref_slice %arg11[%add3A_249, %dma_wait3A] : memref<25104x64xf32, #tpu.memory_space<vmem_shared>> -> memref<56x64xf32, #tpu.memory_space<vmem_shared>>
      %dma_wait3A_270 = arith.constant 0 : i32
      %dma_wait3A_271 = tpu.memref_slice %arg11[%add3A_249, %dma_wait3A_270] : memref<25104x64xf32, #tpu.memory_space<vmem_shared>> -> memref<56x64xf32, #tpu.memory_space<vmem_shared>>
      tpu.wait_dma2 semaphore(%run_scoped3A : memref<!tpu.dma_semaphore, #tpu.memory_space<semaphore_mem>>) src(%dma_wait3A_271 : memref<56x64xf32, #tpu.memory_space<vmem_shared>>) dst(%arg10 : memref<56x64xf32, #tpu.memory_space<vmem>>)
      tpu.yield
    }) : () -> ()
    %add3A_250 = arith.addi %mul3A_0, %add3A_249 : i32
    "tpu.region"() ({
      %run_scoped3A = tpu.sem_alloc : memref<!tpu.dma_semaphore, #tpu.memory_space<semaphore_mem>>
      %dma_start3A = arith.constant 0 : i32
      %dma_start3A_266 = tpu.memref_slice %arg5[%add3A_250, %dma_start3A] : memref<50176x64xf32, #tpu.memory_space<hbm>> -> memref<56x64xf32, #tpu.memory_space<hbm>>
      %dma_start3A_267 = arith.constant 0 : i32
      %dma_start3A_268 = tpu.memref_slice %arg5[%add3A_250, %dma_start3A_267] : memref<50176x64xf32, #tpu.memory_space<hbm>> -> memref<56x64xf32, #tpu.memory_space<hbm>>
      tpu.enqueue_dma source(%arg10 : memref<56x64xf32, #tpu.memory_space<vmem>>) target(%dma_start3A_268 : memref<56x64xf32, #tpu.memory_space<hbm>>) target_semaphore(%run_scoped3A : memref<!tpu.dma_semaphore, #tpu.memory_space<semaphore_mem>>)
      %dma_wait3A = arith.constant 0 : i32
      %dma_wait3A_269 = tpu.memref_slice %arg5[%add3A_250, %dma_wait3A] : memref<50176x64xf32, #tpu.memory_space<hbm>> -> memref<56x64xf32, #tpu.memory_space<hbm>>
      %dma_wait3A_270 = arith.constant 0 : i32
      %dma_wait3A_271 = tpu.memref_slice %arg5[%add3A_250, %dma_wait3A_270] : memref<50176x64xf32, #tpu.memory_space<hbm>> -> memref<56x64xf32, #tpu.memory_space<hbm>>
      tpu.wait_dma2 semaphore(%run_scoped3A : memref<!tpu.dma_semaphore, #tpu.memory_space<semaphore_mem>>) src(%arg10 : memref<56x64xf32, #tpu.memory_space<vmem>>) dst(%dma_wait3A_271 : memref<56x64xf32, #tpu.memory_space<hbm>>)
      tpu.yield
    }) : () -> ()
    %mul3A_251 = arith.constant 1568 : i32
    %mul3A_252 = arith.muli %arg1, %mul3A_251 : i32
    %add3A_253 = arith.constant 1400 : i32
    %add3A_254 = arith.addi %mul3A_252, %add3A_253 : i32
    "tpu.region"() ({
      %run_scoped3A = tpu.sem_alloc : memref<!tpu.dma_semaphore, #tpu.memory_space<semaphore_mem>>
      %dma_start3A = arith.constant 0 : i32
      %dma_start3A_266 = tpu.memref_slice %arg11[%add3A_254, %dma_start3A] : memref<25104x64xf32, #tpu.memory_space<vmem_shared>> -> memref<56x64xf32, #tpu.memory_space<vmem_shared>>
      %dma_start3A_267 = arith.constant 0 : i32
      %dma_start3A_268 = tpu.memref_slice %arg11[%add3A_254, %dma_start3A_267] : memref<25104x64xf32, #tpu.memory_space<vmem_shared>> -> memref<56x64xf32, #tpu.memory_space<vmem_shared>>
      tpu.enqueue_dma source(%dma_start3A_268 : memref<56x64xf32, #tpu.memory_space<vmem_shared>>) target(%arg10 : memref<56x64xf32, #tpu.memory_space<vmem>>) target_semaphore(%run_scoped3A : memref<!tpu.dma_semaphore, #tpu.memory_space<semaphore_mem>>)
      %dma_wait3A = arith.constant 0 : i32
      %dma_wait3A_269 = tpu.memref_slice %arg11[%add3A_254, %dma_wait3A] : memref<25104x64xf32, #tpu.memory_space<vmem_shared>> -> memref<56x64xf32, #tpu.memory_space<vmem_shared>>
      %dma_wait3A_270 = arith.constant 0 : i32
      %dma_wait3A_271 = tpu.memref_slice %arg11[%add3A_254, %dma_wait3A_270] : memref<25104x64xf32, #tpu.memory_space<vmem_shared>> -> memref<56x64xf32, #tpu.memory_space<vmem_shared>>
      tpu.wait_dma2 semaphore(%run_scoped3A : memref<!tpu.dma_semaphore, #tpu.memory_space<semaphore_mem>>) src(%dma_wait3A_271 : memref<56x64xf32, #tpu.memory_space<vmem_shared>>) dst(%arg10 : memref<56x64xf32, #tpu.memory_space<vmem>>)
      tpu.yield
    }) : () -> ()
    %add3A_255 = arith.addi %mul3A_0, %add3A_254 : i32
    "tpu.region"() ({
      %run_scoped3A = tpu.sem_alloc : memref<!tpu.dma_semaphore, #tpu.memory_space<semaphore_mem>>
      %dma_start3A = arith.constant 0 : i32
      %dma_start3A_266 = tpu.memref_slice %arg5[%add3A_255, %dma_start3A] : memref<50176x64xf32, #tpu.memory_space<hbm>> -> memref<56x64xf32, #tpu.memory_space<hbm>>
      %dma_start3A_267 = arith.constant 0 : i32
      %dma_start3A_268 = tpu.memref_slice %arg5[%add3A_255, %dma_start3A_267] : memref<50176x64xf32, #tpu.memory_space<hbm>> -> memref<56x64xf32, #tpu.memory_space<hbm>>
      tpu.enqueue_dma source(%arg10 : memref<56x64xf32, #tpu.memory_space<vmem>>) target(%dma_start3A_268 : memref<56x64xf32, #tpu.memory_space<hbm>>) target_semaphore(%run_scoped3A : memref<!tpu.dma_semaphore, #tpu.memory_space<semaphore_mem>>)
      %dma_wait3A = arith.constant 0 : i32
      %dma_wait3A_269 = tpu.memref_slice %arg5[%add3A_255, %dma_wait3A] : memref<50176x64xf32, #tpu.memory_space<hbm>> -> memref<56x64xf32, #tpu.memory_space<hbm>>
      %dma_wait3A_270 = arith.constant 0 : i32
      %dma_wait3A_271 = tpu.memref_slice %arg5[%add3A_255, %dma_wait3A_270] : memref<50176x64xf32, #tpu.memory_space<hbm>> -> memref<56x64xf32, #tpu.memory_space<hbm>>
      tpu.wait_dma2 semaphore(%run_scoped3A : memref<!tpu.dma_semaphore, #tpu.memory_space<semaphore_mem>>) src(%arg10 : memref<56x64xf32, #tpu.memory_space<vmem>>) dst(%dma_wait3A_271 : memref<56x64xf32, #tpu.memory_space<hbm>>)
      tpu.yield
    }) : () -> ()
    %mul3A_256 = arith.constant 1568 : i32
    %mul3A_257 = arith.muli %arg1, %mul3A_256 : i32
    %add3A_258 = arith.constant 1456 : i32
    %add3A_259 = arith.addi %mul3A_257, %add3A_258 : i32
    "tpu.region"() ({
      %run_scoped3A = tpu.sem_alloc : memref<!tpu.dma_semaphore, #tpu.memory_space<semaphore_mem>>
      %dma_start3A = arith.constant 0 : i32
      %dma_start3A_266 = tpu.memref_slice %arg11[%add3A_259, %dma_start3A] : memref<25104x64xf32, #tpu.memory_space<vmem_shared>> -> memref<56x64xf32, #tpu.memory_space<vmem_shared>>
      %dma_start3A_267 = arith.constant 0 : i32
      %dma_start3A_268 = tpu.memref_slice %arg11[%add3A_259, %dma_start3A_267] : memref<25104x64xf32, #tpu.memory_space<vmem_shared>> -> memref<56x64xf32, #tpu.memory_space<vmem_shared>>
      tpu.enqueue_dma source(%dma_start3A_268 : memref<56x64xf32, #tpu.memory_space<vmem_shared>>) target(%arg10 : memref<56x64xf32, #tpu.memory_space<vmem>>) target_semaphore(%run_scoped3A : memref<!tpu.dma_semaphore, #tpu.memory_space<semaphore_mem>>)
      %dma_wait3A = arith.constant 0 : i32
      %dma_wait3A_269 = tpu.memref_slice %arg11[%add3A_259, %dma_wait3A] : memref<25104x64xf32, #tpu.memory_space<vmem_shared>> -> memref<56x64xf32, #tpu.memory_space<vmem_shared>>
      %dma_wait3A_270 = arith.constant 0 : i32
      %dma_wait3A_271 = tpu.memref_slice %arg11[%add3A_259, %dma_wait3A_270] : memref<25104x64xf32, #tpu.memory_space<vmem_shared>> -> memref<56x64xf32, #tpu.memory_space<vmem_shared>>
      tpu.wait_dma2 semaphore(%run_scoped3A : memref<!tpu.dma_semaphore, #tpu.memory_space<semaphore_mem>>) src(%dma_wait3A_271 : memref<56x64xf32, #tpu.memory_space<vmem_shared>>) dst(%arg10 : memref<56x64xf32, #tpu.memory_space<vmem>>)
      tpu.yield
    }) : () -> ()
    %add3A_260 = arith.addi %mul3A_0, %add3A_259 : i32
    "tpu.region"() ({
      %run_scoped3A = tpu.sem_alloc : memref<!tpu.dma_semaphore, #tpu.memory_space<semaphore_mem>>
      %dma_start3A = arith.constant 0 : i32
      %dma_start3A_266 = tpu.memref_slice %arg5[%add3A_260, %dma_start3A] : memref<50176x64xf32, #tpu.memory_space<hbm>> -> memref<56x64xf32, #tpu.memory_space<hbm>>
      %dma_start3A_267 = arith.constant 0 : i32
      %dma_start3A_268 = tpu.memref_slice %arg5[%add3A_260, %dma_start3A_267] : memref<50176x64xf32, #tpu.memory_space<hbm>> -> memref<56x64xf32, #tpu.memory_space<hbm>>
      tpu.enqueue_dma source(%arg10 : memref<56x64xf32, #tpu.memory_space<vmem>>) target(%dma_start3A_268 : memref<56x64xf32, #tpu.memory_space<hbm>>) target_semaphore(%run_scoped3A : memref<!tpu.dma_semaphore, #tpu.memory_space<semaphore_mem>>)
      %dma_wait3A = arith.constant 0 : i32
      %dma_wait3A_269 = tpu.memref_slice %arg5[%add3A_260, %dma_wait3A] : memref<50176x64xf32, #tpu.memory_space<hbm>> -> memref<56x64xf32, #tpu.memory_space<hbm>>
      %dma_wait3A_270 = arith.constant 0 : i32
      %dma_wait3A_271 = tpu.memref_slice %arg5[%add3A_260, %dma_wait3A_270] : memref<50176x64xf32, #tpu.memory_space<hbm>> -> memref<56x64xf32, #tpu.memory_space<hbm>>
      tpu.wait_dma2 semaphore(%run_scoped3A : memref<!tpu.dma_semaphore, #tpu.memory_space<semaphore_mem>>) src(%arg10 : memref<56x64xf32, #tpu.memory_space<vmem>>) dst(%dma_wait3A_271 : memref<56x64xf32, #tpu.memory_space<hbm>>)
      tpu.yield
    }) : () -> ()
    %mul3A_261 = arith.constant 1568 : i32
    %mul3A_262 = arith.muli %arg1, %mul3A_261 : i32
    %add3A_263 = arith.constant 1512 : i32
    %add3A_264 = arith.addi %mul3A_262, %add3A_263 : i32
    "tpu.region"() ({
      %run_scoped3A = tpu.sem_alloc : memref<!tpu.dma_semaphore, #tpu.memory_space<semaphore_mem>>
      %dma_start3A = arith.constant 0 : i32
      %dma_start3A_266 = tpu.memref_slice %arg11[%add3A_264, %dma_start3A] : memref<25104x64xf32, #tpu.memory_space<vmem_shared>> -> memref<56x64xf32, #tpu.memory_space<vmem_shared>>
      %dma_start3A_267 = arith.constant 0 : i32
      %dma_start3A_268 = tpu.memref_slice %arg11[%add3A_264, %dma_start3A_267] : memref<25104x64xf32, #tpu.memory_space<vmem_shared>> -> memref<56x64xf32, #tpu.memory_space<vmem_shared>>
      tpu.enqueue_dma source(%dma_start3A_268 : memref<56x64xf32, #tpu.memory_space<vmem_shared>>) target(%arg10 : memref<56x64xf32, #tpu.memory_space<vmem>>) target_semaphore(%run_scoped3A : memref<!tpu.dma_semaphore, #tpu.memory_space<semaphore_mem>>)
      %dma_wait3A = arith.constant 0 : i32
      %dma_wait3A_269 = tpu.memref_slice %arg11[%add3A_264, %dma_wait3A] : memref<25104x64xf32, #tpu.memory_space<vmem_shared>> -> memref<56x64xf32, #tpu.memory_space<vmem_shared>>
      %dma_wait3A_270 = arith.constant 0 : i32
      %dma_wait3A_271 = tpu.memref_slice %arg11[%add3A_264, %dma_wait3A_270] : memref<25104x64xf32, #tpu.memory_space<vmem_shared>> -> memref<56x64xf32, #tpu.memory_space<vmem_shared>>
      tpu.wait_dma2 semaphore(%run_scoped3A : memref<!tpu.dma_semaphore, #tpu.memory_space<semaphore_mem>>) src(%dma_wait3A_271 : memref<56x64xf32, #tpu.memory_space<vmem_shared>>) dst(%arg10 : memref<56x64xf32, #tpu.memory_space<vmem>>)
      tpu.yield
    }) : () -> ()
    %add3A_265 = arith.addi %mul3A_0, %add3A_264 : i32
    "tpu.region"() ({
      %run_scoped3A = tpu.sem_alloc : memref<!tpu.dma_semaphore, #tpu.memory_space<semaphore_mem>>
      %dma_start3A = arith.constant 0 : i32
      %dma_start3A_266 = tpu.memref_slice %arg5[%add3A_265, %dma_start3A] : memref<50176x64xf32, #tpu.memory_space<hbm>> -> memref<56x64xf32, #tpu.memory_space<hbm>>
      %dma_start3A_267 = arith.constant 0 : i32
      %dma_start3A_268 = tpu.memref_slice %arg5[%add3A_265, %dma_start3A_267] : memref<50176x64xf32, #tpu.memory_space<hbm>> -> memref<56x64xf32, #tpu.memory_space<hbm>>
      tpu.enqueue_dma source(%arg10 : memref<56x64xf32, #tpu.memory_space<vmem>>) target(%dma_start3A_268 : memref<56x64xf32, #tpu.memory_space<hbm>>) target_semaphore(%run_scoped3A : memref<!tpu.dma_semaphore, #tpu.memory_space<semaphore_mem>>)
      %dma_wait3A = arith.constant 0 : i32
      %dma_wait3A_269 = tpu.memref_slice %arg5[%add3A_265, %dma_wait3A] : memref<50176x64xf32, #tpu.memory_space<hbm>> -> memref<56x64xf32, #tpu.memory_space<hbm>>
      %dma_wait3A_270 = arith.constant 0 : i32
      %dma_wait3A_271 = tpu.memref_slice %arg5[%add3A_265, %dma_wait3A_270] : memref<50176x64xf32, #tpu.memory_space<hbm>> -> memref<56x64xf32, #tpu.memory_space<hbm>>
      tpu.wait_dma2 semaphore(%run_scoped3A : memref<!tpu.dma_semaphore, #tpu.memory_space<semaphore_mem>>) src(%arg10 : memref<56x64xf32, #tpu.memory_space<vmem>>) dst(%dma_wait3A_271 : memref<56x64xf32, #tpu.memory_space<hbm>>)
      tpu.yield
    }) : () -> ()
    return
  }
}

module attributes {stable_mosaic.version = 14 : i64} {
  func.func @_dense1_body(%arg0: i32, %arg1: memref<2x6272x1xf32, #tpu.memory_space<vmem>>, %arg2: memref<1x64xf32, #tpu.memory_space<vmem>>, %arg3: memref<1x64xf32, #tpu.memory_space<vmem>>, %arg4: memref<1x64xf32, #tpu.memory_space<vmem>>, %arg5: memref<1xf32, #tpu.memory_space<smem>>, %arg6: memref<6272x64xf32, #tpu.memory_space<vmem>>, %arg7: memref<1x1xf32, #tpu.memory_space<smem>>, %arg8: memref<1xf32, #tpu.memory_space<smem>>) attributes {dimension_semantics = [#tpu.dimension_semantics<arbitrary>], iteration_bounds = array<i64: 8>, scalar_prefetch = 0 : i64, scratch_operands = 1 : i64, tpu.core_type = #tpu.core_type<tc>, window_params = [{transform_indices = @transform_0, window_bounds = array<i64: 2, 6272, 1>}, {pipeline_mode = #tpu.pipeline_mode<synchronous>, transform_indices = @transform_1, window_bounds = array<i64: 1, 64>}, {pipeline_mode = #tpu.pipeline_mode<synchronous>, transform_indices = @transform_2, window_bounds = array<i64: 1, 64>}, {pipeline_mode = #tpu.pipeline_mode<synchronous>, transform_indices = @transform_3, window_bounds = array<i64: 1, 64>}, {transform_indices = @transform_4, window_bounds = array<i64: 1>}, {transform_indices = @transform_5, window_bounds = array<i64: 6272, 64>}, {transform_indices = @transform_6, window_bounds = array<i64: 1, 1>}]} {
    %eq3A = arith.constant 0 : i32
    %eq3A_0 = arith.cmpi eq, %arg0, %eq3A : i32
    %convert_element_type3A = arith.extui %eq3A_0 : i1 to i32
    %cond3A = arith.constant 0 : i32
    %cond3A_1 = arith.cmpi ne, %convert_element_type3A, %cond3A : i32
    scf.if %cond3A_1 {
      %swap3A_62 = arith.constant 0.000000e+00 : f32
      %swap3A_63 = arith.constant 0 : index
      %swap3A_64 = memref.load %arg8[%swap3A_63] : memref<1xf32, #tpu.memory_space<smem>>
      memref.store %swap3A_62, %arg8[%swap3A_63] : memref<1xf32, #tpu.memory_space<smem>>
    } else {
    }
    %get3A = arith.constant 0 : index
    %get3A_2 = arith.constant 0 : index
    %get3A_3 = arith.constant 0 : index
    %get3A_4 = vector.load %arg1[%get3A, %get3A_2, %get3A_3] : memref<2x6272x1xf32, #tpu.memory_space<vmem>>, vector<1x6272x1xf32>
    %get3A_5 = vector.shape_cast %get3A_4 : vector<1x6272x1xf32> to vector<6272x1xf32>
    %get3A_6 = arith.constant 1 : index
    %get3A_7 = arith.constant 0 : index
    %get3A_8 = arith.constant 0 : index
    %get3A_9 = vector.load %arg1[%get3A_6, %get3A_7, %get3A_8] : memref<2x6272x1xf32, #tpu.memory_space<vmem>>, vector<1x6272x1xf32>
    %get3A_10 = vector.shape_cast %get3A_9 : vector<1x6272x1xf32> to vector<6272x1xf32>
    %add3A = arith.addf %get3A_5, %get3A_10 : vector<6272x1xf32>
    %get3A_11 = arith.constant 0 : index
    %get3A_12 = arith.constant 0 : index
    %get3A_13 = vector.load %arg2[%get3A_11, %get3A_12] : memref<1x64xf32, #tpu.memory_space<vmem>>, vector<1x64xf32>
    %mul3A = vector.broadcast %add3A : vector<6272x1xf32> to vector<6272x64xf32>
    %mul3A_14 = vector.broadcast %get3A_13 : vector<1x64xf32> to vector<6272x64xf32>
    %mul3A_15 = arith.mulf %mul3A, %mul3A_14 : vector<6272x64xf32>
    %get3A_16 = arith.constant 0 : index
    %get3A_17 = arith.constant 0 : index
    %get3A_18 = vector.load %arg3[%get3A_16, %get3A_17] : memref<1x64xf32, #tpu.memory_space<vmem>>, vector<1x64xf32>
    %add3A_19 = vector.broadcast %get3A_18 : vector<1x64xf32> to vector<6272x64xf32>
    %add3A_20 = arith.addf %mul3A_15, %add3A_19 : vector<6272x64xf32>
    %max3A = arith.constant 0.000000e+00 : f32
    %max3A_21 = vector.broadcast %max3A : f32 to vector<6272x64xf32>
    %max3A_22 = arith.maximumf %add3A_20, %max3A_21 : vector<6272x64xf32>
    %swap3A = arith.constant 0 : index
    %swap3A_23 = arith.constant 0 : index
    %swap3A_24 = vector.load %arg6[%swap3A, %swap3A_23] : memref<6272x64xf32, #tpu.memory_space<vmem>>, vector<6272x64xf32>
    tpu.vector_store %arg6[%swap3A, %swap3A_23], %max3A_22 {strides = array<i32>} : memref<6272x64xf32, #tpu.memory_space<vmem>>, vector<6272x64xf32>,
    %mul3A_25 = arith.constant 6272 : i32
    %mul3A_26 = arith.muli %arg0, %mul3A_25 : i32
    %iota3A = tpu.iota {dimensions = array<i32: 0>} : vector<6272x64xi32>
    %add3A_27 = vector.broadcast %mul3A_26 : i32 to vector<6272x64xi32>
    %add3A_28 = arith.addi %add3A_27, %iota3A : vector<6272x64xi32>
    %bitcast_convert_type3A = tpu.bitcast %max3A_22 : vector<6272x64xf32> -> vector<6272x64xi32>
    %add3A_29 = arith.constant 32767 : i32
    %add3A_30 = vector.broadcast %add3A_29 : i32 to vector<6272x64xi32>
    %add3A_31 = arith.addi %bitcast_convert_type3A, %add3A_30 : vector<6272x64xi32>
    %shift_right_logical3A = arith.constant 16 : i32
    %shift_right_logical3A_32 = vector.broadcast %shift_right_logical3A : i32 to vector<6272x64xi32>
    %shift_right_logical3A_33 = arith.shrui %bitcast_convert_type3A, %shift_right_logical3A_32 : vector<6272x64xi32>
    %and3A = arith.constant 1 : i32
    %and3A_34 = vector.broadcast %and3A : i32 to vector<6272x64xi32>
    %and3A_35 = arith.andi %shift_right_logical3A_33, %and3A_34 : vector<6272x64xi32>
    %add3A_36 = arith.addi %add3A_31, %and3A_35 : vector<6272x64xi32>
    %and3A_37 = arith.constant -65536 : i32
    %and3A_38 = vector.broadcast %and3A_37 : i32 to vector<6272x64xi32>
    %and3A_39 = arith.andi %add3A_36, %and3A_38 : vector<6272x64xi32>
    %bitcast_convert_type3A_40 = tpu.bitcast %and3A_39 : vector<6272x64xi32> -> vector<6272x64xf32>
    %get3A_41 = arith.constant 0 : index
    %get3A_42 = arith.constant 0 : index
    %get3A_43 = vector.load %arg4[%get3A_41, %get3A_42] : memref<1x64xf32, #tpu.memory_space<vmem>>, vector<1x64xf32>
    %mul3A_44 = vector.broadcast %get3A_43 : vector<1x64xf32> to vector<6272x64xf32>
    %mul3A_45 = arith.mulf %bitcast_convert_type3A_40, %mul3A_44 : vector<6272x64xf32>
    %get3A_46 = arith.constant 0 : index
    %get3A_47 = memref.load %arg8[%get3A_46] : memref<1xf32, #tpu.memory_space<smem>>
    %lt3A = arith.constant 50000 : i32
    %lt3A_48 = vector.broadcast %lt3A : i32 to vector<6272x64xi32>
    %lt3A_49 = arith.cmpi slt, %add3A_28, %lt3A_48 : vector<6272x64xi32>
    %jit3A = arith.constant 0.000000e+00 : f32
    %broadcast_in_dim3A = vector.broadcast %jit3A : f32 to vector<6272x64xf32>
    %select_n3A = arith.select %lt3A_49, %mul3A_45, %broadcast_in_dim3A : vector<6272x64xi1>, vector<6272x64xf32>
    %reduce_sum3A = vector.shape_cast %select_n3A : vector<6272x64xf32> to vector<1x6272x64xf32>
    %reduce_sum3A_50 = arith.constant dense<0.000000e+00> : vector<1xf32>
    %reduce_sum3A_51 = vector.multi_reduction <add>, %reduce_sum3A, %reduce_sum3A_50 [1, 2] : vector<1x6272x64xf32> to vector<1xf32>
    %reduce_sum3A_52 = vector.shape_cast %reduce_sum3A_51 : vector<1xf32> to vector<1x1x1xf32>
    %reduce_sum3A_53 = vector.extract %reduce_sum3A_52[0, 0, 0] : f32 from vector<1x1x1xf32>
    %add3A_54 = arith.addf %get3A_47, %reduce_sum3A_53 : f32
    %swap3A_55 = arith.constant 0 : index
    %swap3A_56 = memref.load %arg8[%swap3A_55] : memref<1xf32, #tpu.memory_space<smem>>
    memref.store %add3A_54, %arg8[%swap3A_55] : memref<1xf32, #tpu.memory_space<smem>>
    %eq3A_57 = arith.constant 7 : i32
    %eq3A_58 = arith.cmpi eq, %arg0, %eq3A_57 : i32
    %convert_element_type3A_59 = arith.extui %eq3A_58 : i1 to i32
    %cond3A_60 = arith.constant 0 : i32
    %cond3A_61 = arith.cmpi ne, %convert_element_type3A_59, %cond3A_60 : i32
    scf.if %cond3A_61 {
      %get3A_62 = arith.constant 0 : index
      %get3A_63 = memref.load %arg8[%get3A_62] : memref<1xf32, #tpu.memory_space<smem>>
      %div3A = arith.constant 5.000000e+04 : f32
      %div3A_64 = arith.divf %get3A_63, %div3A : f32
      %get3A_65 = arith.constant 0 : index
      %get3A_66 = memref.load %arg5[%get3A_65] : memref<1xf32, #tpu.memory_space<smem>>
      %add3A_67 = arith.addf %div3A_64, %get3A_66 : f32
      %swap3A_68 = arith.constant 0 : index
      %swap3A_69 = arith.constant 0 : index
      %swap3A_70 = memref.load %arg7[%swap3A_68, %swap3A_69] : memref<1x1xf32, #tpu.memory_space<smem>>
      memref.store %add3A_67, %arg7[%swap3A_68, %swap3A_69] : memref<1x1xf32, #tpu.memory_space<smem>>
    } else {
    }
    return
  }
  func.func @transform_0(%arg0: i32) -> (i32, i32, i32) {
    %c0_i32 = arith.constant 0 : i32
    %c0_i32_0 = arith.constant 0 : i32
    %c0_i32_1 = arith.constant 0 : i32
    return %c0_i32, %arg0, %c0_i32_0 : i32, i32, i32
  }
  func.func @transform_1(%arg0: i32) -> (i32, i32) {
    %c0_i32 = arith.constant 0 : i32
    %c0_i32_0 = arith.constant 0 : i32
    %c0_i32_1 = arith.constant 0 : i32
    return %c0_i32, %c0_i32_0 : i32, i32
  }
  func.func @transform_2(%arg0: i32) -> (i32, i32) {
    %c0_i32 = arith.constant 0 : i32
    %c0_i32_0 = arith.constant 0 : i32
    %c0_i32_1 = arith.constant 0 : i32
    return %c0_i32, %c0_i32_0 : i32, i32
  }
  func.func @transform_3(%arg0: i32) -> (i32, i32) {
    %c0_i32 = arith.constant 0 : i32
    %c0_i32_0 = arith.constant 0 : i32
    %c0_i32_1 = arith.constant 0 : i32
    return %c0_i32, %c0_i32_0 : i32, i32
  }
  func.func @transform_4(%arg0: i32) -> i32 {
    %c0_i32 = arith.constant 0 : i32
    %c0_i32_0 = arith.constant 0 : i32
    return %c0_i32 : i32
  }
  func.func @transform_5(%arg0: i32) -> (i32, i32) {
    %c0_i32 = arith.constant 0 : i32
    %c0_i32_0 = arith.constant 0 : i32
    return %arg0, %c0_i32 : i32, i32
  }
  func.func @transform_6(%arg0: i32) -> (i32, i32) {
    %c0_i32 = arith.constant 0 : i32
    %c0_i32_0 = arith.constant 0 : i32
    %c0_i32_1 = arith.constant 0 : i32
    return %c0_i32, %c0_i32_0 : i32, i32
  }
}

module attributes {stable_mosaic.version = 14 : i64} {
  func.func @_final_body(%arg0: i32, %arg1: i32, %arg2: memref<6272x64xf32, #tpu.memory_space<vmem>>, %arg3: memref<1x64xf32, #tpu.memory_space<vmem>>, %arg4: memref<1xf32, #tpu.memory_space<smem>>, %arg5: memref<6272x1xf32, #tpu.memory_space<vmem>>, %arg6: memref<1x1xi32, #tpu.memory_space<smem>>, %arg7: memref<1x1xf32, #tpu.memory_space<smem>>, %arg8: memref<1xf32, #tpu.memory_space<smem>>, %arg9: memref<1xf32, #tpu.memory_space<smem>>, %arg10: memref<1xf32, #tpu.memory_space<smem>>, %arg11: memref<1xi32, #tpu.memory_space<smem>>, %arg12: memref<1xf32, #tpu.memory_space<smem>>) attributes {dimension_semantics = [#tpu.dimension_semantics<arbitrary>, #tpu.dimension_semantics<arbitrary>], iteration_bounds = array<i64: 2, 8>, scalar_prefetch = 0 : i64, scratch_operands = 5 : i64, tpu.core_type = #tpu.core_type<tc>, window_params = [{transform_indices = @transform_0, window_bounds = array<i64: 6272, 64>}, {pipeline_mode = #tpu.pipeline_mode<synchronous>, transform_indices = @transform_1, window_bounds = array<i64: 1, 64>}, {transform_indices = @transform_2, window_bounds = array<i64: 1>}, {transform_indices = @transform_3, window_bounds = array<i64: 6272, 1>}, {transform_indices = @transform_4, window_bounds = array<i64: 1, 1>}, {transform_indices = @transform_5, window_bounds = array<i64: 1, 1>}]} {
    %eq3A = arith.constant 0 : i32
    %eq3A_0 = arith.cmpi eq, %arg0, %eq3A : i32
    %eq3A_1 = arith.constant 0 : i32
    %eq3A_2 = arith.cmpi eq, %arg1, %eq3A_1 : i32
    %and3A = arith.andi %eq3A_0, %eq3A_2 : i1
    %convert_element_type3A = arith.extui %and3A : i1 to i32
    %cond3A = arith.constant 0 : i32
    %cond3A_3 = arith.cmpi ne, %convert_element_type3A, %cond3A : i32
    scf.if %cond3A_3 {
      %swap3A = arith.constant 0xFF800000 : f32
      %swap3A_51 = arith.constant 0 : index
      %swap3A_52 = memref.load %arg8[%swap3A_51] : memref<1xf32, #tpu.memory_space<smem>>
      memref.store %swap3A, %arg8[%swap3A_51] : memref<1xf32, #tpu.memory_space<smem>>
      %swap3A_53 = arith.constant 0xFF800000 : f32
      %swap3A_54 = arith.constant 0 : index
      %swap3A_55 = memref.load %arg10[%swap3A_54] : memref<1xf32, #tpu.memory_space<smem>>
      memref.store %swap3A_53, %arg10[%swap3A_54] : memref<1xf32, #tpu.memory_space<smem>>
      %swap3A_56 = arith.constant 2147483647 : i32
      %swap3A_57 = arith.constant 0 : index
      %swap3A_58 = memref.load %arg11[%swap3A_57] : memref<1xi32, #tpu.memory_space<smem>>
      memref.store %swap3A_56, %arg11[%swap3A_57] : memref<1xi32, #tpu.memory_space<smem>>
      %swap3A_59 = arith.constant 0.000000e+00 : f32
      %swap3A_60 = arith.constant 0 : index
      %swap3A_61 = memref.load %arg9[%swap3A_60] : memref<1xf32, #tpu.memory_space<smem>>
      memref.store %swap3A_59, %arg9[%swap3A_60] : memref<1xf32, #tpu.memory_space<smem>>
      %swap3A_62 = arith.constant 0.000000e+00 : f32
      %swap3A_63 = arith.constant 0 : index
      %swap3A_64 = memref.load %arg12[%swap3A_63] : memref<1xf32, #tpu.memory_space<smem>>
      memref.store %swap3A_62, %arg12[%swap3A_63] : memref<1xf32, #tpu.memory_space<smem>>
    } else {
    }
    %get3A = arith.constant 0 : index
    %get3A_4 = arith.constant 0 : index
    %get3A_5 = vector.load %arg2[%get3A, %get3A_4] : memref<6272x64xf32, #tpu.memory_space<vmem>>, vector<6272x64xf32>
    %bitcast_convert_type3A = tpu.bitcast %get3A_5 : vector<6272x64xf32> -> vector<6272x64xi32>
    %add3A = arith.constant 32767 : i32
    %add3A_6 = vector.broadcast %add3A : i32 to vector<6272x64xi32>
    %add3A_7 = arith.addi %bitcast_convert_type3A, %add3A_6 : vector<6272x64xi32>
    %shift_right_logical3A = arith.constant 16 : i32
    %shift_right_logical3A_8 = vector.broadcast %shift_right_logical3A : i32 to vector<6272x64xi32>
    %shift_right_logical3A_9 = arith.shrui %bitcast_convert_type3A, %shift_right_logical3A_8 : vector<6272x64xi32>
    %and3A_10 = arith.constant 1 : i32
    %and3A_11 = vector.broadcast %and3A_10 : i32 to vector<6272x64xi32>
    %and3A_12 = arith.andi %shift_right_logical3A_9, %and3A_11 : vector<6272x64xi32>
    %add3A_13 = arith.addi %add3A_7, %and3A_12 : vector<6272x64xi32>
    %and3A_14 = arith.constant -65536 : i32
    %and3A_15 = vector.broadcast %and3A_14 : i32 to vector<6272x64xi32>
    %and3A_16 = arith.andi %add3A_13, %and3A_15 : vector<6272x64xi32>
    %bitcast_convert_type3A_17 = tpu.bitcast %and3A_16 : vector<6272x64xi32> -> vector<6272x64xf32>
    %get3A_18 = arith.constant 0 : index
    %get3A_19 = arith.constant 0 : index
    %get3A_20 = vector.load %arg3[%get3A_18, %get3A_19] : memref<1x64xf32, #tpu.memory_space<vmem>>, vector<1x64xf32>
    %mul3A = vector.broadcast %get3A_20 : vector<1x64xf32> to vector<6272x64xf32>
    %mul3A_21 = arith.mulf %bitcast_convert_type3A_17, %mul3A : vector<6272x64xf32>
    %reduce_sum3A = arith.constant dense<0.000000e+00> : vector<6272xf32>
    %reduce_sum3A_22 = vector.multi_reduction <add>, %mul3A_21, %reduce_sum3A [1] : vector<6272x64xf32> to vector<6272xf32>
    %broadcast_in_dim3A = vector.shape_cast %reduce_sum3A_22 : vector<6272xf32> to vector<6272x1xf32>
    %get3A_23 = arith.constant 0 : index
    %get3A_24 = memref.load %arg4[%get3A_23] : memref<1xf32, #tpu.memory_space<smem>>
    %add3A_25 = vector.broadcast %get3A_24 : f32 to vector<6272x1xf32>
    %add3A_26 = arith.addf %broadcast_in_dim3A, %add3A_25 : vector<6272x1xf32>
    %mul3A_27 = arith.constant 6272 : i32
    %mul3A_28 = arith.muli %arg1, %mul3A_27 : i32
    %iota3A = tpu.iota {dimensions = array<i32: 0>} : vector<6272x1xi32>
    %add3A_29 = vector.broadcast %mul3A_28 : i32 to vector<6272x1xi32>
    %add3A_30 = arith.addi %add3A_29, %iota3A : vector<6272x1xi32>
    %lt3A = arith.constant 50000 : i32
    %lt3A_31 = vector.broadcast %lt3A : i32 to vector<6272x1xi32>
    %lt3A_32 = arith.cmpi slt, %add3A_30, %lt3A_31 : vector<6272x1xi32>
    %eq3A_33 = arith.constant 0 : i32
    %eq3A_34 = arith.cmpi eq, %arg0, %eq3A_33 : i32
    %convert_element_type3A_35 = arith.extui %eq3A_34 : i1 to i32
    %cond3A_36 = arith.constant 0 : i32
    %cond3A_37 = arith.cmpi ne, %convert_element_type3A_35, %cond3A_36 : i32
    scf.if %cond3A_37 {
      %jit3A = arith.constant 0xFF800000 : f32
      %broadcast_in_dim3A_51 = vector.broadcast %jit3A : f32 to vector<6272x1xf32>
      %select_n3A = arith.select %lt3A_32, %add3A_26, %broadcast_in_dim3A_51 : vector<6272x1xi1>, vector<6272x1xf32>
      %get3A_52 = arith.constant 0 : index
      %get3A_53 = memref.load %arg8[%get3A_52] : memref<1xf32, #tpu.memory_space<smem>>
      %reduce_max3A = vector.shape_cast %select_n3A : vector<6272x1xf32> to vector<1x6272x1xf32>
      %reduce_max3A_54 = arith.constant dense<0xFF800000> : vector<1xf32>
      %reduce_max3A_55 = vector.multi_reduction <maximumf>, %reduce_max3A, %reduce_max3A_54 [1, 2] : vector<1x6272x1xf32> to vector<1xf32>
      %reduce_max3A_56 = vector.shape_cast %reduce_max3A_55 : vector<1xf32> to vector<1x1x1xf32>
      %reduce_max3A_57 = vector.extract %reduce_max3A_56[0, 0, 0] : f32 from vector<1x1x1xf32>
      %max3A = arith.maximumf %get3A_53, %reduce_max3A_57 : f32
      %swap3A = arith.constant 0 : index
      %swap3A_58 = memref.load %arg8[%swap3A] : memref<1xf32, #tpu.memory_space<smem>>
      memref.store %max3A, %arg8[%swap3A] : memref<1xf32, #tpu.memory_space<smem>>
      %get3A_59 = arith.constant 0 : index
      %get3A_60 = arith.constant 0 : index
      %get3A_61 = vector.load %arg5[%get3A_59, %get3A_60] : memref<6272x1xf32, #tpu.memory_space<vmem>>, vector<6272x1xf32>
      %add3A_62 = arith.addf %add3A_26, %get3A_61 : vector<6272x1xf32>
      %jit3A_63 = arith.constant 0xFF800000 : f32
      %broadcast_in_dim3A_64 = vector.broadcast %jit3A_63 : f32 to vector<6272x1xf32>
      %select_n3A_65 = arith.select %lt3A_32, %add3A_62, %broadcast_in_dim3A_64 : vector<6272x1xi1>, vector<6272x1xf32>
      %reduce_max3A_66 = vector.shape_cast %select_n3A_65 : vector<6272x1xf32> to vector<1x6272x1xf32>
      %reduce_max3A_67 = arith.constant dense<0xFF800000> : vector<1xf32>
      %reduce_max3A_68 = vector.multi_reduction <maximumf>, %reduce_max3A_66, %reduce_max3A_67 [1, 2] : vector<1x6272x1xf32> to vector<1xf32>
      %reduce_max3A_69 = vector.shape_cast %reduce_max3A_68 : vector<1xf32> to vector<1x1x1xf32>
      %reduce_max3A_70 = vector.extract %reduce_max3A_69[0, 0, 0] : f32 from vector<1x1x1xf32>
      %eq3A_71 = vector.broadcast %reduce_max3A_70 : f32 to vector<6272x1xf32>
      %eq3A_72 = arith.cmpf oeq, %select_n3A_65, %eq3A_71 : vector<6272x1xf32>
      %jit3A_73 = arith.constant 2147483647 : i32
      %broadcast_in_dim3A_74 = vector.broadcast %jit3A_73 : i32 to vector<6272x1xi32>
      %select_n3A_75 = arith.select %eq3A_72, %add3A_30, %broadcast_in_dim3A_74 : vector<6272x1xi1>, vector<6272x1xi32>
      %reduce_min3A = vector.shape_cast %select_n3A_75 : vector<6272x1xi32> to vector<1x6272x1xi32>
      %reduce_min3A_76 = arith.constant dense<2147483647> : vector<1xi32>
      %reduce_min3A_77 = vector.multi_reduction <minsi>, %reduce_min3A, %reduce_min3A_76 [1, 2] : vector<1x6272x1xi32> to vector<1xi32>
      %reduce_min3A_78 = vector.shape_cast %reduce_min3A_77 : vector<1xi32> to vector<1x1x1xi32>
      %reduce_min3A_79 = vector.extract %reduce_min3A_78[0, 0, 0] : i32 from vector<1x1x1xi32>
      %get3A_80 = arith.constant 0 : index
      %get3A_81 = memref.load %arg10[%get3A_80] : memref<1xf32, #tpu.memory_space<smem>>
      %gt3A = arith.cmpf ogt, %reduce_max3A_70, %get3A_81 : f32
      %get3A_82 = arith.constant 0 : index
      %get3A_83 = memref.load %arg10[%get3A_82] : memref<1xf32, #tpu.memory_space<smem>>
      %eq3A_84 = arith.cmpf oeq, %reduce_max3A_70, %get3A_83 : f32
      %get3A_85 = arith.constant 0 : index
      %get3A_86 = memref.load %arg11[%get3A_85] : memref<1xi32, #tpu.memory_space<smem>>
      %min3A = arith.minsi %get3A_86, %reduce_min3A_79 : i32
      %get3A_87 = arith.constant 0 : index
      %get3A_88 = memref.load %arg11[%get3A_87] : memref<1xi32, #tpu.memory_space<smem>>
      %select_n3A_89 = arith.select %eq3A_84, %min3A, %get3A_88 : i32
      %select_n3A_90 = arith.select %gt3A, %reduce_min3A_79, %select_n3A_89 : i32
      %swap3A_91 = arith.constant 0 : index
      %swap3A_92 = memref.load %arg11[%swap3A_91] : memref<1xi32, #tpu.memory_space<smem>>
      memref.store %select_n3A_90, %arg11[%swap3A_91] : memref<1xi32, #tpu.memory_space<smem>>
      %get3A_93 = arith.constant 0 : index
      %get3A_94 = memref.load %arg10[%get3A_93] : memref<1xf32, #tpu.memory_space<smem>>
      %max3A_95 = arith.maximumf %get3A_94, %reduce_max3A_70 : f32
      %swap3A_96 = arith.constant 0 : index
      %swap3A_97 = memref.load %arg10[%swap3A_96] : memref<1xf32, #tpu.memory_space<smem>>
      memref.store %max3A_95, %arg10[%swap3A_96] : memref<1xf32, #tpu.memory_space<smem>>
    } else {
    }
    %eq3A_38 = arith.constant 1 : i32
    %eq3A_39 = arith.cmpi eq, %arg0, %eq3A_38 : i32
    %convert_element_type3A_40 = arith.extui %eq3A_39 : i1 to i32
    %cond3A_41 = arith.constant 0 : i32
    %cond3A_42 = arith.cmpi ne, %convert_element_type3A_40, %cond3A_41 : i32
    scf.if %cond3A_42 {
      %get3A_51 = arith.constant 0 : index
      %get3A_52 = memref.load %arg9[%get3A_51] : memref<1xf32, #tpu.memory_space<smem>>
      %get3A_53 = arith.constant 0 : index
      %get3A_54 = memref.load %arg8[%get3A_53] : memref<1xf32, #tpu.memory_space<smem>>
      %sub3A = vector.broadcast %get3A_54 : f32 to vector<6272x1xf32>
      %sub3A_55 = arith.subf %add3A_26, %sub3A : vector<6272x1xf32>
      %exp3A = math.exp %sub3A_55 : vector<6272x1xf32>
      %jit3A = arith.constant 0.000000e+00 : f32
      %broadcast_in_dim3A_56 = vector.broadcast %jit3A : f32 to vector<6272x1xf32>
      %select_n3A = arith.select %lt3A_32, %exp3A, %broadcast_in_dim3A_56 : vector<6272x1xi1>, vector<6272x1xf32>
      %reduce_sum3A_57 = vector.shape_cast %select_n3A : vector<6272x1xf32> to vector<1x6272x1xf32>
      %reduce_sum3A_58 = arith.constant dense<0.000000e+00> : vector<1xf32>
      %reduce_sum3A_59 = vector.multi_reduction <add>, %reduce_sum3A_57, %reduce_sum3A_58 [1, 2] : vector<1x6272x1xf32> to vector<1xf32>
      %reduce_sum3A_60 = vector.shape_cast %reduce_sum3A_59 : vector<1xf32> to vector<1x1x1xf32>
      %reduce_sum3A_61 = vector.extract %reduce_sum3A_60[0, 0, 0] : f32 from vector<1x1x1xf32>
      %add3A_62 = arith.addf %get3A_52, %reduce_sum3A_61 : f32
      %swap3A = arith.constant 0 : index
      %swap3A_63 = memref.load %arg9[%swap3A] : memref<1xf32, #tpu.memory_space<smem>>
      memref.store %add3A_62, %arg9[%swap3A] : memref<1xf32, #tpu.memory_space<smem>>
      %get3A_64 = arith.constant 0 : index
      %get3A_65 = memref.load %arg12[%get3A_64] : memref<1xf32, #tpu.memory_space<smem>>
      %get3A_66 = arith.constant 0 : index
      %get3A_67 = memref.load %arg11[%get3A_66] : memref<1xi32, #tpu.memory_space<smem>>
      %eq3A_68 = vector.broadcast %get3A_67 : i32 to vector<6272x1xi32>
      %eq3A_69 = arith.cmpi eq, %add3A_30, %eq3A_68 : vector<6272x1xi32>
      %jit3A_70 = arith.constant 0.000000e+00 : f32
      %broadcast_in_dim3A_71 = vector.broadcast %jit3A_70 : f32 to vector<6272x1xf32>
      %select_n3A_72 = arith.select %eq3A_69, %add3A_26, %broadcast_in_dim3A_71 : vector<6272x1xi1>, vector<6272x1xf32>
      %reduce_sum3A_73 = vector.shape_cast %select_n3A_72 : vector<6272x1xf32> to vector<1x6272x1xf32>
      %reduce_sum3A_74 = arith.constant dense<0.000000e+00> : vector<1xf32>
      %reduce_sum3A_75 = vector.multi_reduction <add>, %reduce_sum3A_73, %reduce_sum3A_74 [1, 2] : vector<1x6272x1xf32> to vector<1xf32>
      %reduce_sum3A_76 = vector.shape_cast %reduce_sum3A_75 : vector<1xf32> to vector<1x1x1xf32>
      %reduce_sum3A_77 = vector.extract %reduce_sum3A_76[0, 0, 0] : f32 from vector<1x1x1xf32>
      %add3A_78 = arith.addf %get3A_65, %reduce_sum3A_77 : f32
      %swap3A_79 = arith.constant 0 : index
      %swap3A_80 = memref.load %arg12[%swap3A_79] : memref<1xf32, #tpu.memory_space<smem>>
      memref.store %add3A_78, %arg12[%swap3A_79] : memref<1xf32, #tpu.memory_space<smem>>
    } else {
    }
    %eq3A_43 = arith.constant 1 : i32
    %eq3A_44 = arith.cmpi eq, %arg0, %eq3A_43 : i32
    %eq3A_45 = arith.constant 7 : i32
    %eq3A_46 = arith.cmpi eq, %arg1, %eq3A_45 : i32
    %and3A_47 = arith.andi %eq3A_44, %eq3A_46 : i1
    %convert_element_type3A_48 = arith.extui %and3A_47 : i1 to i32
    %cond3A_49 = arith.constant 0 : i32
    %cond3A_50 = arith.cmpi ne, %convert_element_type3A_48, %cond3A_49 : i32
    scf.if %cond3A_50 {
      %get3A_51 = arith.constant 0 : index
      %get3A_52 = memref.load %arg11[%get3A_51] : memref<1xi32, #tpu.memory_space<smem>>
      %swap3A = arith.constant 0 : index
      %swap3A_53 = arith.constant 0 : index
      %swap3A_54 = memref.load %arg6[%swap3A, %swap3A_53] : memref<1x1xi32, #tpu.memory_space<smem>>
      memref.store %get3A_52, %arg6[%swap3A, %swap3A_53] : memref<1x1xi32, #tpu.memory_space<smem>>
      %get3A_55 = arith.constant 0 : index
      %get3A_56 = memref.load %arg12[%get3A_55] : memref<1xf32, #tpu.memory_space<smem>>
      %get3A_57 = arith.constant 0 : index
      %get3A_58 = memref.load %arg8[%get3A_57] : memref<1xf32, #tpu.memory_space<smem>>
      %sub3A = arith.subf %get3A_56, %get3A_58 : f32
      %get3A_59 = arith.constant 0 : index
      %get3A_60 = memref.load %arg9[%get3A_59] : memref<1xf32, #tpu.memory_space<smem>>
      %log3A = math.log %get3A_60 : f32
      %sub3A_61 = arith.subf %sub3A, %log3A : f32
      %swap3A_62 = arith.constant 0 : index
      %swap3A_63 = arith.constant 0 : index
      %swap3A_64 = memref.load %arg7[%swap3A_62, %swap3A_63] : memref<1x1xf32, #tpu.memory_space<smem>>
      memref.store %sub3A_61, %arg7[%swap3A_62, %swap3A_63] : memref<1x1xf32, #tpu.memory_space<smem>>
    } else {
    }
    return
  }
  func.func @transform_0(%arg0: i32, %arg1: i32) -> (i32, i32) {
    %c0_i32 = arith.constant 0 : i32
    %c0_i32_0 = arith.constant 0 : i32
    return %arg1, %c0_i32 : i32, i32
  }
  func.func @transform_1(%arg0: i32, %arg1: i32) -> (i32, i32) {
    %c0_i32 = arith.constant 0 : i32
    %c0_i32_0 = arith.constant 0 : i32
    %c0_i32_1 = arith.constant 0 : i32
    return %c0_i32, %c0_i32_0 : i32, i32
  }
  func.func @transform_2(%arg0: i32, %arg1: i32) -> i32 {
    %c0_i32 = arith.constant 0 : i32
    %c0_i32_0 = arith.constant 0 : i32
    return %c0_i32 : i32
  }
  func.func @transform_3(%arg0: i32, %arg1: i32) -> (i32, i32) {
    %c0_i32 = arith.constant 0 : i32
    %c0_i32_0 = arith.constant 0 : i32
    return %arg1, %c0_i32 : i32, i32
  }
  func.func @transform_4(%arg0: i32, %arg1: i32) -> (i32, i32) {
    %c0_i32 = arith.constant 0 : i32
    %c0_i32_0 = arith.constant 0 : i32
    %c0_i32_1 = arith.constant 0 : i32
    return %c0_i32, %c0_i32_0 : i32, i32
  }
  func.func @transform_5(%arg0: i32, %arg1: i32) -> (i32, i32) {
    %c0_i32 = arith.constant 0 : i32
    %c0_i32_0 = arith.constant 0 : i32
    %c0_i32_1 = arith.constant 0 : i32
    return %c0_i32, %c0_i32_0 : i32, i32
  }
}

</mosaic_0001>

<sc_bundles>
// kernel: kernel.6.cloned.1.call-start
scs
__scs_entry_jumppad:
0x0: {  	(pc) =	sbr.rel $0x88, $3  }
0x1: {  	(tag) =	ssettag $0x0;
	lr =	simm.s32 $0x1  }
0x2: {  	[smem:$0x3F99] =	sst lr;
	_ =	strace $0xD0000000  }
0x3: {  	_ = 	snop  }
0x4: {  	_ = 	snop  }
0x5: {  	_ = 	snop  }
0x6: {  	_ = 	snop  }
0x7: {  	_ = 	snop  }
__scs_overlays_trampoline_lowered:
0x8: {  	[smem:$0x3FA8] =	sst s0  }
0x9: {  	[smem:$0x3FA9] =	sst s1  }
0xa: {  	[smem:$0x3FAA] =	sst s2  }
0xb: {  	[smem:$0x3FAB] =	sst s3  }
0xc: {  	[smem:$0x3FAC] =	sst s4  }
0xd: {  	[smem:$0x3FAD] =	sst s5  }
0xe: {  	[smem:$0x3FAE] =	sst s6  }
0xf: {  	[smem:$0x3FAF] =	sst s7  }
0x10: {  	[smem:$0x3FB0] =	sst s8  }
0x11: {  	[smem:$0x3FB1] =	sst s9;
	s0 =	simm.s32 @!p0 $0x0  }
0x12: {  	s1 =	sld [smem:$0x3F97];
	s0 =	simm.s32 @p0 $0x1  }
0x13: {  	[smem:$0x3FB2] =	sst s0;
	s0 =	simm.s32 @!p1 $0x0  }
0x14: {  	s2 =	sld [smem:$0x3F96];
	s0 =	simm.s32 @p1 $0x1  }
0x15: {  	[smem:$0x3FB3] =	sst s0;
	s0 =	simm.s32 @!p2 $0x0  }
0x16: {  	s3 =	sld [smem:$0x3FDB];
	s0 =	simm.s32 @p2 $0x1  }
0x17: {  	s4 =	simm.s32 $0x1BF5;
	[smem:$0x3FB5] =	sst s0  }
0x18: {  	s0 =	sld [smem:$0x3F98];
	_ =	swait.ge [sflag:s4], $0x0  }
0x19: {  	s7 =	sld [smem:$0x3F99]  }
0x1a: {  	s8 =	sadd.s32 $0xFFFFE003, lr  }
0x1b: {  	s9 =	sadd.s32 $0xFFFFFEF7, lr;
	s5 =	simm.s32 $0xFFFFFFFF;
	p2 =	slt.u32 s8, $0xFFFFF086  }
0x1c: {  	p1 =	slt.u32 s9, $0xF7A;
	s5 =	simm.s32 @!p2 $0x0  }
0x1d: {  	s5 =	simm.s32 @p1 $0x1;
	p0 =	seq.s32 s7, s2  }
0x1e: {  	s7 =	smul.u32 @!p0 $0xF7A, s2;
	p2 =	seq.s32 @!p0 s5, $0x0  }
0x1f: {  	s9 =	smul.u32 $0xF7A, s1;
	s8 =	simm.s32 @!p0 $0x1BF5;
	p2 =	por !p2, p0  }
0x20: {  	[sflag:s8] =	ssyncset.s32 @!p0 $0xFFFFF086;
	s6 =	sadd.s32 @!p0 s3, s7;
	s7 =	simm.s32 @!p0 $0x108  }
0x21: {  	s3 =	sadd.s32 s3, s9;
	s6 =	sadd.s32 @!p0 $0x88, s6;
	s7 =	simm.s32 @p2 $0x1082  }
0x22: {  	[simem:s7], [sflag:s8] =	dma.local @!p0 [hbm:s6], $0xF7A  }
0x23: {  	s9 =	sor.u32 $0xD0000000, s2;
	s6 =	simm.s32 $0x108;
	_ =	swait.ge @!p0 [sflag:s8], $0x0  }
0x24: {  	s3 =	sadd.s32 $0x88, s3;
	s6 =	simm.s32 @!p1 $0x1082;
	[sflag:s4] =	ssyncset.s32 $0xFFFFF086  }
0x25: {  	[simem:s6], [sflag:s4] =	dma.local [hbm:s3], $0xF7A  }
0x26: {  	[smem:$0x3F99] =	sst s1;
	(tag) =	ssettag s2;
	_ =	strace s9  }
0x27: {  	s1 =	sld [smem:$0x3FA9]  }
0x28: {  	s2 =	sld [smem:$0x3FAA]  }
0x29: {  	s4 =	sld [smem:$0x3FAC]  }
0x2a: {  	p0 =	seq.s32 s5, $0x0;
	s5 =	sld [smem:$0x3FAD]  }
0x2b: {  	s6 =	sld [smem:$0x3FAE]  }
0x2c: {  	s7 =	sld [smem:$0x3FAF]  }
0x2d: {  	s3 =	simm.s32 $0x108;
	s8 =	sld [smem:$0x3FB0]  }
0x2e: {  	s3 =	simm.s32 @!p0 $0x1082;
	s9 =	sld [smem:$0x3FB1]  }
0x2f: {  	lr =	sadd.s32 s0, s3;
	s0 =	sld [smem:$0x3FA8]  }
0x30: {  	s3 =	sld [smem:$0x3FAB]  }
0x31: {  	[smem:$0x3FB4] =	sst s10  }
0x32: {  	s10 =	sld [smem:$0x3FB2];
	_ =	sdelay $0x3  }
0x33: {  	p0 =	seq.s32 s10, $0x1;
	s10 =	sld [smem:$0x3FB4];
	_ =	sdelay $0x3  }
0x34: {  	[smem:$0x3FB4] =	sst s10  }
0x35: {  	s10 =	sld [smem:$0x3FB3];
	_ =	sdelay $0x3  }
0x36: {  	p1 =	seq.s32 s10, $0x1;
	s10 =	sld [smem:$0x3FB4];
	_ =	sdelay $0x3  }
0x37: {  	[smem:$0x3FB4] =	sst s10  }
0x38: {  	s10 =	sld [smem:$0x3FB5]  }
0x39: {  	_ = 	snop;
	(pc) =	sbr.ind lr, $3  }
0x3a: {  	_ = 	snop  }
0x3b: {  	_ = 	snop  }
0x3c: {  	p2 =	seq.s32 s10, $0x1;
	s10 =	sld [smem:$0x3FB4]  }
0x3d: {  	_ =	shalt  }
0x3e: {  	_ =	shalt  }
0x3f: {  	_ =	shalt  }
0x40: {  	_ =	shalt  }
0x41: {  	_ =	shalt  }
0x42: {  	_ =	shalt  }
0x43: {  	_ =	shalt  }
0x44: {  	_ =	shalt  }
0x45: {  	_ =	shalt  }
0x46: {  	_ =	shalt  }
0x47: {  	_ =	shalt  }
0x48: {  	_ =	shalt  }
0x49: {  	_ =	shalt  }
0x4a: {  	_ =	shalt  }
0x4b: {  	_ =	shalt  }
0x4c: {  	_ =	shalt  }
0x4d: {  	_ =	shalt  }
0x4e: {  	_ =	shalt  }
0x4f: {  	_ =	shalt  }
0x50: {  	_ =	shalt  }
0x51: {  	_ =	shalt  }
0x52: {  	_ =	shalt  }
0x53: {  	_ =	shalt  }
0x54: {  	_ =	shalt  }
0x55: {  	_ =	shalt  }
0x56: {  	_ =	shalt  }
0x57: {  	_ =	shalt  }
0x58: {  	_ =	shalt  }
0x59: {  	_ =	shalt  }
0x5a: {  	_ =	shalt  }
0x5b: {  	_ =	shalt  }
0x5c: {  	_ =	shalt  }
0x5d: {  	_ =	shalt  }
0x5e: {  	_ =	shalt  }
0x5f: {  	_ =	shalt  }
0x60: {  	_ =	shalt  }
0x61: {  	_ =	shalt  }
0x62: {  	_ =	shalt  }
0x63: {  	_ =	shalt  }
0x64: {  	_ =	shalt  }
0x65: {  	_ =	shalt  }
0x66: {  	_ =	shalt  }
0x67: {  	_ =	shalt  }
0x68: {  	_ =	shalt  }
0x69: {  	_ =	shalt  }
0x6a: {  	_ =	shalt  }
0x6b: {  	_ =	shalt  }
0x6c: {  	_ =	shalt  }
0x6d: {  	_ =	shalt  }
0x6e: {  	_ =	shalt  }
0x6f: {  	_ =	shalt  }
0x70: {  	_ =	shalt  }
0x71: {  	_ =	shalt  }
0x72: {  	_ =	shalt  }
0x73: {  	_ =	shalt  }
0x74: {  	_ =	shalt  }
0x75: {  	_ =	shalt  }
0x76: {  	_ =	shalt  }
0x77: {  	_ =	shalt  }
0x78: {  	_ =	shalt  }
0x79: {  	_ =	shalt  }
0x7a: {  	_ =	shalt  }
0x7b: {  	_ =	shalt  }
0x7c: {  	_ =	shalt  }
0x7d: {  	_ =	shalt  }
0x7e: {  	_ =	shalt  }
0x7f: {  	_ =	shalt  }
0x80: {  	_ =	shalt  }
0x81: {  	_ =	shalt  }
0x82: {  	_ =	shalt  }
0x83: {  	_ =	shalt  }
0x84: {  	_ =	shalt  }
0x85: {  	_ =	shalt  }
0x86: {  	_ =	shalt  }
0x87: {  	_ =	shalt  }
.Lfunc_end0:
.L_simem_size_0:
called_computation_lowered:
.L_overlay_start_0:
0x88: {  	s2 =	sld [smem:$0x3FD9]  }
0x89: {  	s3 =	sld [smem:$0x3FFE];
	_ =	sdelay $0x1  }
0x8a: {  	s1 =	srdreg.scid  }
0x8b: {  	s0 =	sand.u32 $0x1, s1  }
0x8c: {  	s16 =	sshll.u32 s0, $0xA;
	s2 =	sadd.s32 s3, s2  }
0x8d: {  	s2 =	sadd.s32 s2, s16  }
0x8e: {  	[smem:$0x3FC0] =	sst s2  }
0x8f: {  	_ = 	snop  }
0x90: {  	(tm) =	ssettm $0x1  }
0x91: {  	s17 =	sld [smem:$0x3FFB];
	_ =	sdelay $0x3  }
0x92: {  	_ =	strace s17  }
0x93: {  	s2 =	sld [smem:$0x3FFC];
	_ =	sdelay $0x3  }
0x94: {  	_ =	strace s2  }
0x95: {  	s2 =	sld [smem:$0x3FFD];
	_ =	sdelay $0x3  }
0x96: {  	_ =	strace s2  }
0x97: {  	_ =	strace $0x8FFFFFFF  }
0x98: {  	s18 =	sld [smem:$0x3FDB];
	_ =	sdelay $0x1  }
0x99: {  	s19 =	simm.s32 $_scs_section_size  }
0x9a: {  	s4 =	simm.s32 $_size__tile_overlayer_lowered;
	s5 =	simm.s32 $_tile_overlayer_lowered  }
0x9b: {  	s22 =	simm.s32 $0x1BFF;
	s21 =	sshll.u32 s5, $0x1;
	s2 =	sadd.s32 s19, s18  }
0x9c: {  	s6 =	simm.s32 $0x0;
	s20 =	sshll.u32 s4, $0x1;
	s4 =	sadd.s32 s21, s2  }
0x9d: {  	[timem:s6], [sflag:s22] =	dma.local [hbm:s4], s20  }
0x9e: {  	_ =	swait.ge [sflag:s22], s20  }
0x9f: {  	s3 =	ssub.s32 $0x0, s20;
	[sflag:s22] =	ssyncset.done $0x0  }
0xa0: {  	[sflag:s22] =	ssyncadd.s32 s3;
	_ =	sdelay $0x1  }
0xa1: {  	s23 =	simm.s32 $0x1B8B  }
0xa2: {  	_ =	swait.ge [sflag:s23], $0x1  }
0xa3: {  	[sflag:s23] =	ssyncset.done $0x0  }
0xa4: {  	s25 =	simm.s32 $0x1B8E;
	s24 =	sld [smem:$0x3FFE];
	[sflag:s23] =	ssyncadd.s32 $0xFFFFFFFF  }
0xa5: {  	s26 =	simm.s32 $execute0_lowered;
	[smem:$0x3FD2] =	sst s25  }
0xa6: {  	s4 =	sshll.u32 s26, $0x1;
	_ =	strace $0x80000046;
	[dreg:$0x1] =	wrdreg $0xFFFFFFFF  }
0xa7: {  	s28 =	simm.s32 $_size_execute0_lowered;
	s2 =	sadd.s32 s2, s4;
	[dreg:$0x0] =	wrdreg $0x0  }
0xa8: {  	s4 =	sshll.u32 s28, $0x1;
	[dreg:$0x2] =	wrdreg s2  }
0xa9: {  	[dreg:$0x3] =	wrdreg s4  }
0xaa: {  	[dreg:$0x4] =	wrdreg $0xC0  }
0xab: {  	_ =	task [dreg:s6], $0x5FFFF  }
0xac: {  	[dreg:$0x1] =	wrdreg $0xFFFFFFFF  }
0xad: {  	[dreg:$0x0] =	wrdreg $0x60  }
0xae: {  	[dreg:$0x2] =	wrdreg s24  }
0xaf: {  	[dreg:$0x3] =	wrdreg $0x199000  }
0xb0: {  	[dreg:$0x4] =	wrdreg $0x9  }
0xb1: {  	_ =	task.clear_ibuf [dreg:s6], $0x5FFFF;
	_ =	strace $0x90000046  }
0xb2: {  	s29 =	simm.s32 $0x9;
	_ =	strace $0x80000048  }
0xb3: {  	_ =	swait.ge [sflag:s29], $0x1  }
0xb4: {  	[sflag:s29] =	ssyncadd.s32 $0xFFFFFFFF  }
0xb5: {  	_ =	strace $0x90000048  }
0xb6: {  	_ =	sfence  }
0xb7: {  	s30 =	sld [smem:$0x0];
	_ =	sdelay $0x2  }
0xb8: {  	s31 =	sshll.u32 s1, $0xD;
	s1 =	sshrl.u32 s1, $0x2  }
0xb9: {  	s3 =	sand.u32 $0x4000, s31;
	s1 =	sadd.s32 s1, s30  }
0xba: {  	s0 =	sor.u32 s3, s0;
	s1 =	sshll.u32 s1, $0x11  }
0xbb: {  	s0 =	sor.u32 s1, s0  }
0xbc: {  	s0 =	sadd.s32 $0x8F2B, s0  }
0xbd: {  	[sflag:s0] =	ssyncadd.remote.s32 $0x1  }
0xbe: {  	_ =	sfence.sel $0xFFFF  }
0xbf: {  	[dreg:$0x0] =	wrdreg $0xFFFFFFFF;
	(pc) =	sbr.abs _section_cstart, $3  }
0xc0: {  	[dreg:$0x1] =	wrdreg $0xFFFFFFFF  }
0xc1: {  	_ =	task.clear_ibuf [dreg:s6], $0x2FFFF;
	_ =	strace $0x9FFFFFFF  }
0xc2: {  	(tm) =	ssettm $0x7FFFFFFF  }
0xc3: {  	_ =	shalt  }
tec
execute0_lowered:
.L_overlay_start_1:
0x0: {  	(tag) =	ssettag $0x1  }
0x1: {  	s5 =	rddreg [dreg:$0x0]  }
0x2: {  	s2 =	rddreg [dreg:$0x1]  }
0x3: {  	s0 =	rddreg [dreg:$0x2];
	s4 =	srdreg.scid  }
0x4: {  	s1 =	stileid.u32;
	s3 =	simm.s32 $0x0;
	s11 =	simm.s32 $0x1  }
0x5: {  	s12 =	simm.s32 $0xC400;
	s13 =	simm.s32 $0x12800;
	s14 =	simm.s32 $0x80  }
0x6: {  	s15 =	simm.s32 $0x18C00;
	s16 =	simm.s32 $0x0;
	s4 =	sand.u32 $0x1, s4  }
0x7: {  	s6 =	smul.u32 $0xC40, s1;
	[smem:$0x7FF] =	sst s3;
	s7 =	sshll.u32 s1, $0x1  }
0x8: {  	s8 =	smul.u32 $0xC400, s4;
	s7 =	sor.u32 s4, s7;
	s9 =	ssub.s32 $0x2, s4  }
0x9: {  	_ =	strace $0x80000047;
	s7 =	smul.u32 $0xC80, s7;
	s10 =	sshrl.u32 s9, $0x1  }
0xa: {  	s4 =	sadd.s32 $0x63C00, s5;
	s8 =	sadd.s32 s6, s8;
	s9 =	ssub.s32 s9, s10  }
0xb: {  	s10 =	simm.s32 $0x18C80;
	s8 =	sshrl.u32 s8, $0x3;
	s7 =	sadd.s32 s7, s5  }
0xc: {  	s9 =	smax.u32 s9, $0x1;
	s8 =	sadd.s32 s8, s5;
	s5 =	sadd.s32 s6, s2  }
0xd: {  	v0 =	vimm.f32 $0.0e+00;
	s6 =	sadd.s32 $0x19400, s7;
	s7 =	sadd.s32 $0x4AC00, s7;
	s8 =	sadd.s32 $0x65600, s8  }
.LBB2_1:
0xe: {  	s17 =	simm.s32 $0x40;
	s18 =	simm.s32 $0x0  }
.LBB2_2:
0xf: {  	p0 =	sne.s32 s17, $0x30C0;
	[tilespmem:s18+$0x18C80] =	vst v0;
	s18 =	smov.u32 s17;
	s17 =	sadd.s32 $0x40, s17  }
.Ltmp0:
0x10: {  	(pc) =	sbr.rel @p0 .LBB2_2-.Ltmp0, $2  }
0x11: {  	_ =	sdelay $0x2  }
0x12: {  	s18 =	sshra.s32 s18, $0x2  }
0x13: {  	[tilespmem:s18+$0x18C80] =	vst v0  }
0x14: {  	[spmem:s5] =	stream.linear.scatter [tilespmem:s10], [sflag:$0x1], $0xC40, $0x38;
	[tilespmem:$0x1A540] =	vst v63  }
0x15: {  	_ =	swait.ge [sflag:s11], $0xC40  }
0x16: {  	[sflag:s11] =	ssyncset.done $0x0  }
0x17: {  	s17 =	simm.s32 $0x0;
	[sflag:s11] =	ssyncadd.s32 $0xFFFFF3C0  }
0x18: {  	[tilespmem:s17], [sflag:$0x1] =	stream.linear.gather [hbm4b:s4+s17], $0xC400, $0x38;
	[tilespmem:$0x1A540] =	vst v63  }
0x19: {  	_ =	swait.ge [sflag:s11], $0xC400  }
0x1a: {  	[sflag:s11] =	ssyncset.done $0x0  }
0x1b: {  	[sflag:s11] =	ssyncadd.s32 $0xFFFF3C00  }
0x1c: {  	[tilespmem:s12], [sflag:$0x1] =	stream.linear.gather [hbm4b:s6+s17], $0x6200, $0x38;
	[tilespmem:$0x1A540] =	vst v63  }
0x1d: {  	_ =	swait.ge [sflag:s11], $0x6200  }
0x1e: {  	[sflag:s11] =	ssyncset.done $0x0  }
0x1f: {  	[sflag:s11] =	ssyncadd.s32 $0xFFFF9E00  }
0x20: {  	[tilespmem:s13], [sflag:$0x1] =	stream.linear.gather [hbm4b:s7+s17], $0x6200, $0x38;
	[tilespmem:$0x1A540] =	vst v63  }
0x21: {  	_ =	swait.ge [sflag:s11], $0x6200  }
0x22: {  	[sflag:s11] =	ssyncset.done $0x0  }
0x23: {  	[sflag:s11] =	ssyncadd.s32 $0xFFFF9E00  }
0x24: {  	[bflag:$0x0] =	sbarrier.arrive $0xFFFF  }
.LBB2_4:
0x25: {  	s18 =	sshra.s32 s17, $0x2  }
0x26: {  	v1 =	vld [tilespmem:s18+$0xC400];
	_ =	sdelay $0x7  }
0x27: {  	v1 =	vld.idx.msk [tilespmem:v1+s3+$0x0], $0xffff;
	_ =	sdelay $0x4  }
0x28: {  	[tilespmem:$0x18C00] =	vst v1  }
0x29: {  	v1 =	vld [tilespmem:s18+$0xC410];
	_ =	sdelay $0x7  }
0x2a: {  	v1 =	vld.idx.msk [tilespmem:v1+s3+$0x0], $0xffff;
	_ =	sdelay $0x4  }
0x2b: {  	[tilespmem:$0x18C10] =	vst v1  }
0x2c: {  	v1 =	vld [tilespmem:s18+$0xC420];
	_ =	sdelay $0x7  }
0x2d: {  	v1 =	vld.idx.msk [tilespmem:v1+s3+$0x0], $0xffff;
	_ =	sdelay $0x4  }
0x2e: {  	[tilespmem:$0x18C20] =	vst v1  }
0x2f: {  	v1 =	vld [tilespmem:s18+$0xC430];
	_ =	sdelay $0x7  }
0x30: {  	v1 =	vld.idx.msk [tilespmem:v1+s3+$0x0], $0xffff;
	_ =	sdelay $0x4  }
0x31: {  	[tilespmem:$0x18C30] =	vst v1  }
0x32: {  	v1 =	vld [tilespmem:s18+$0xC440];
	_ =	sdelay $0x7  }
0x33: {  	v1 =	vld.idx.msk [tilespmem:v1+s3+$0x0], $0xffff;
	_ =	sdelay $0x4  }
0x34: {  	[tilespmem:$0x18C40] =	vst v1  }
0x35: {  	v1 =	vld [tilespmem:s18+$0xC450];
	_ =	sdelay $0x7  }
0x36: {  	v1 =	vld.idx.msk [tilespmem:v1+s3+$0x0], $0xffff;
	_ =	sdelay $0x4  }
0x37: {  	[tilespmem:$0x18C50] =	vst v1  }
0x38: {  	v1 =	vld [tilespmem:s18+$0xC460];
	_ =	sdelay $0x7  }
0x39: {  	v1 =	vld.idx.msk [tilespmem:v1+s3+$0x0], $0xffff;
	_ =	sdelay $0x4  }
0x3a: {  	[tilespmem:$0x18C60] =	vst v1  }
0x3b: {  	v1 =	vld [tilespmem:s18+$0xC470];
	_ =	sdelay $0x7  }
0x3c: {  	v1 =	vld.idx.msk [tilespmem:v1+s3+$0x0], $0xffff;
	_ =	sdelay $0x3  }
0x3d: {  	p0 =	sne.s32 s17, $0x18600  }
.Ltmp1:
0x3e: {  	s18 =	sadd.s32 $0x12800, s18;
	[tilespmem:$0x18C70] =	vst v1;
	(pc) =	sbr.rel @p0 .LBB2_4-.Ltmp1, $4  }
0x3f: {  	[spmem:s2] =	stream.indirect.scatter.add.f32 [tilespmem:s15], [sflag:$0x1], $0x1, s18, s14, $0xb8;
	[tilespmem:$0x1A540] =	vst v63  }
0x40: {  	_ =	swait.ge [sflag:s11], $0x80  }
0x41: {  	[sflag:s11] =	ssyncset.done $0x0  }
0x42: {  	s17 =	sadd.s32 $0x200, s17;
	[sflag:s11] =	ssyncadd.s32 $0xFFFFFF80  }
0x43: {  	[bflag:$0x0] =	sbarrier.arrive $0xFFFF  }
0x44: {  	[tilespmem:s10], [sflag:$0x1] =	stream.linear.gather [spmem:s5], $0xC40, $0x38;
	[tilespmem:$0x1A540] =	vst v63  }
0x45: {  	s16 =	sadd.s32 $0x1, s16;
	_ =	swait.ge [sflag:s11], $0xC40  }
0x46: {  	p0 =	sne.s32 s16, s9;
	[sflag:s11] =	ssyncset.done $0x0  }
.Ltmp2:
0x47: {  	[sflag:s11] =	ssyncadd.s32 $0xFFFFF3C0;
	(pc) =	sbr.rel @p0 .LBB2_1-.Ltmp2, $4  }
0x48: {  	[hbm4b:s8+s3] =	stream.linear.scatter [tilespmem:s10], [sflag:$0x1], $0xC40, $0x38;
	[tilespmem:$0x1A540] =	vst v63  }
0x49: {  	_ =	swait.ge [sflag:s11], $0xC40  }
0x4a: {  	[sflag:s11] =	ssyncset.done $0x0  }
0x4b: {  	[sflag:s11] =	ssyncadd.s32 $0xFFFFF3C0  }
0x4c: {  	_ =	sfence.sel $0x180000  }
0x4d: {  	[bflag:$0x0] =	sbarrier.arrive $0xFFFF  }
0x4e: {  	p0 =	sne.s32 s1, $0x0;
	_ =	strace $0x90000047  }
0x4f: {  	s0 =	sadd.s32 @!p0 $0x100000, s0;
	[bflag:$0x2] =	sbarrier.arrive $0xFFFF  }
0x50: {  	[sflag:s0] =	ssyncadd.tile.s32 @!p0 $0x1;
	_ =	shalt  }
.Lfunc_end2:
_tile_overlayer_lowered:
.L_overlay_start_2:
0x51: {  	(tag) =	ssettag $0x2  }
0x52: {  	s0 =	rddreg [dreg:$0x0];
	s2 =	stileid.u32  }
0x53: {  	s1 =	rddreg [dreg:$0x1];
	p0 =	sne.s32 s2, $0x0  }
0x54: {  	s3 =	rddreg [dreg:$0x2];
	[bflag:$0x3] =	sbarrier.arrive $0xFFFF;
	s2 =	simm.s32 @!p0 $0x1C01  }
0x55: {  	[timem:s3], [sflag:s2] =	dma.local @!p0 [hbm:s0], s1  }
0x56: {  	s0 =	simm.s32 @!p0 $0x1  }
0x57: {  	_ =	swait.ge @!p0 [sflag:s0], s1  }
0x58: {  	s1 =	ssub.s32 @!p0 $0x0, s1;
	[sflag:s0] =	ssyncset.done @!p0 $0x0  }
0x59: {  	[sflag:s0] =	ssyncadd.s32 @!p0 s1  }
0x5a: {  	[bflag:$0x3] =	sbarrier.arrive $0xFFFF  }
0x5b: {  	_ =	shalt  }

// kernel: kernel.9.cloned.1.call-start
scs
__scs_entry_jumppad:
0x0: {  	(pc) =	sbr.rel $0x88, $3  }
0x1: {  	(tag) =	ssettag $0x0;
	lr =	simm.s32 $0x1  }
0x2: {  	[smem:$0x3F99] =	sst lr;
	_ =	strace $0xD0000000  }
0x3: {  	_ = 	snop  }
0x4: {  	_ = 	snop  }
0x5: {  	_ = 	snop  }
0x6: {  	_ = 	snop  }
0x7: {  	_ = 	snop  }
__scs_overlays_trampoline_lowered:
0x8: {  	[smem:$0x3FA8] =	sst s0  }
0x9: {  	[smem:$0x3FA9] =	sst s1  }
0xa: {  	[smem:$0x3FAA] =	sst s2  }
0xb: {  	[smem:$0x3FAB] =	sst s3  }
0xc: {  	[smem:$0x3FAC] =	sst s4  }
0xd: {  	[smem:$0x3FAD] =	sst s5  }
0xe: {  	[smem:$0x3FAE] =	sst s6  }
0xf: {  	[smem:$0x3FAF] =	sst s7  }
0x10: {  	[smem:$0x3FB0] =	sst s8  }
0x11: {  	[smem:$0x3FB1] =	sst s9;
	s0 =	simm.s32 @!p0 $0x0  }
0x12: {  	s1 =	sld [smem:$0x3F97];
	s0 =	simm.s32 @p0 $0x1  }
0x13: {  	[smem:$0x3FB2] =	sst s0;
	s0 =	simm.s32 @!p1 $0x0  }
0x14: {  	s2 =	sld [smem:$0x3F96];
	s0 =	simm.s32 @p1 $0x1  }
0x15: {  	[smem:$0x3FB3] =	sst s0;
	s0 =	simm.s32 @!p2 $0x0  }
0x16: {  	s3 =	sld [smem:$0x3FDB];
	s0 =	simm.s32 @p2 $0x1  }
0x17: {  	s4 =	simm.s32 $0x1BF5;
	[smem:$0x3FB5] =	sst s0  }
0x18: {  	s0 =	sld [smem:$0x3F98];
	_ =	swait.ge [sflag:s4], $0x0  }
0x19: {  	s7 =	sld [smem:$0x3F99]  }
0x1a: {  	s8 =	sadd.s32 $0xFFFFE003, lr  }
0x1b: {  	s9 =	sadd.s32 $0xFFFFFEF7, lr;
	s5 =	simm.s32 $0xFFFFFFFF;
	p2 =	slt.u32 s8, $0xFFFFF086  }
0x1c: {  	p1 =	slt.u32 s9, $0xF7A;
	s5 =	simm.s32 @!p2 $0x0  }
0x1d: {  	s5 =	simm.s32 @p1 $0x1;
	p0 =	seq.s32 s7, s2  }
0x1e: {  	s7 =	smul.u32 @!p0 $0xF7A, s2;
	p2 =	seq.s32 @!p0 s5, $0x0  }
0x1f: {  	s9 =	smul.u32 $0xF7A, s1;
	s8 =	simm.s32 @!p0 $0x1BF5;
	p2 =	por !p2, p0  }
0x20: {  	[sflag:s8] =	ssyncset.s32 @!p0 $0xFFFFF086;
	s6 =	sadd.s32 @!p0 s3, s7;
	s7 =	simm.s32 @!p0 $0x108  }
0x21: {  	s3 =	sadd.s32 s3, s9;
	s6 =	sadd.s32 @!p0 $0x88, s6;
	s7 =	simm.s32 @p2 $0x1082  }
0x22: {  	[simem:s7], [sflag:s8] =	dma.local @!p0 [hbm:s6], $0xF7A  }
0x23: {  	s9 =	sor.u32 $0xD0000000, s2;
	s6 =	simm.s32 $0x108;
	_ =	swait.ge @!p0 [sflag:s8], $0x0  }
0x24: {  	s3 =	sadd.s32 $0x88, s3;
	s6 =	simm.s32 @!p1 $0x1082;
	[sflag:s4] =	ssyncset.s32 $0xFFFFF086  }
0x25: {  	[simem:s6], [sflag:s4] =	dma.local [hbm:s3], $0xF7A  }
0x26: {  	[smem:$0x3F99] =	sst s1;
	(tag) =	ssettag s2;
	_ =	strace s9  }
0x27: {  	s1 =	sld [smem:$0x3FA9]  }
0x28: {  	s2 =	sld [smem:$0x3FAA]  }
0x29: {  	s4 =	sld [smem:$0x3FAC]  }
0x2a: {  	p0 =	seq.s32 s5, $0x0;
	s5 =	sld [smem:$0x3FAD]  }
0x2b: {  	s6 =	sld [smem:$0x3FAE]  }
0x2c: {  	s7 =	sld [smem:$0x3FAF]  }
0x2d: {  	s3 =	simm.s32 $0x108;
	s8 =	sld [smem:$0x3FB0]  }
0x2e: {  	s3 =	simm.s32 @!p0 $0x1082;
	s9 =	sld [smem:$0x3FB1]  }
0x2f: {  	lr =	sadd.s32 s0, s3;
	s0 =	sld [smem:$0x3FA8]  }
0x30: {  	s3 =	sld [smem:$0x3FAB]  }
0x31: {  	[smem:$0x3FB4] =	sst s10  }
0x32: {  	s10 =	sld [smem:$0x3FB2];
	_ =	sdelay $0x3  }
0x33: {  	p0 =	seq.s32 s10, $0x1;
	s10 =	sld [smem:$0x3FB4];
	_ =	sdelay $0x3  }
0x34: {  	[smem:$0x3FB4] =	sst s10  }
0x35: {  	s10 =	sld [smem:$0x3FB3];
	_ =	sdelay $0x3  }
0x36: {  	p1 =	seq.s32 s10, $0x1;
	s10 =	sld [smem:$0x3FB4];
	_ =	sdelay $0x3  }
0x37: {  	[smem:$0x3FB4] =	sst s10  }
0x38: {  	s10 =	sld [smem:$0x3FB5]  }
0x39: {  	_ = 	snop;
	(pc) =	sbr.ind lr, $3  }
0x3a: {  	_ = 	snop  }
0x3b: {  	_ = 	snop  }
0x3c: {  	p2 =	seq.s32 s10, $0x1;
	s10 =	sld [smem:$0x3FB4]  }
0x3d: {  	_ =	shalt  }
0x3e: {  	_ =	shalt  }
0x3f: {  	_ =	shalt  }
0x40: {  	_ =	shalt  }
0x41: {  	_ =	shalt  }
0x42: {  	_ =	shalt  }
0x43: {  	_ =	shalt  }
0x44: {  	_ =	shalt  }
0x45: {  	_ =	shalt  }
0x46: {  	_ =	shalt  }
0x47: {  	_ =	shalt  }
0x48: {  	_ =	shalt  }
0x49: {  	_ =	shalt  }
0x4a: {  	_ =	shalt  }
0x4b: {  	_ =	shalt  }
0x4c: {  	_ =	shalt  }
0x4d: {  	_ =	shalt  }
0x4e: {  	_ =	shalt  }
0x4f: {  	_ =	shalt  }
0x50: {  	_ =	shalt  }
0x51: {  	_ =	shalt  }
0x52: {  	_ =	shalt  }
0x53: {  	_ =	shalt  }
0x54: {  	_ =	shalt  }
0x55: {  	_ =	shalt  }
0x56: {  	_ =	shalt  }
0x57: {  	_ =	shalt  }
0x58: {  	_ =	shalt  }
0x59: {  	_ =	shalt  }
0x5a: {  	_ =	shalt  }
0x5b: {  	_ =	shalt  }
0x5c: {  	_ =	shalt  }
0x5d: {  	_ =	shalt  }
0x5e: {  	_ =	shalt  }
0x5f: {  	_ =	shalt  }
0x60: {  	_ =	shalt  }
0x61: {  	_ =	shalt  }
0x62: {  	_ =	shalt  }
0x63: {  	_ =	shalt  }
0x64: {  	_ =	shalt  }
0x65: {  	_ =	shalt  }
0x66: {  	_ =	shalt  }
0x67: {  	_ =	shalt  }
0x68: {  	_ =	shalt  }
0x69: {  	_ =	shalt  }
0x6a: {  	_ =	shalt  }
0x6b: {  	_ =	shalt  }
0x6c: {  	_ =	shalt  }
0x6d: {  	_ =	shalt  }
0x6e: {  	_ =	shalt  }
0x6f: {  	_ =	shalt  }
0x70: {  	_ =	shalt  }
0x71: {  	_ =	shalt  }
0x72: {  	_ =	shalt  }
0x73: {  	_ =	shalt  }
0x74: {  	_ =	shalt  }
0x75: {  	_ =	shalt  }
0x76: {  	_ =	shalt  }
0x77: {  	_ =	shalt  }
0x78: {  	_ =	shalt  }
0x79: {  	_ =	shalt  }
0x7a: {  	_ =	shalt  }
0x7b: {  	_ =	shalt  }
0x7c: {  	_ =	shalt  }
0x7d: {  	_ =	shalt  }
0x7e: {  	_ =	shalt  }
0x7f: {  	_ =	shalt  }
0x80: {  	_ =	shalt  }
0x81: {  	_ =	shalt  }
0x82: {  	_ =	shalt  }
0x83: {  	_ =	shalt  }
0x84: {  	_ =	shalt  }
0x85: {  	_ =	shalt  }
0x86: {  	_ =	shalt  }
0x87: {  	_ =	shalt  }
.Lfunc_end0:
.L_simem_size_0:
called_computation.1_lowered:
.L_overlay_start_0:
0x88: {  	s2 =	sld [smem:$0x3FD9]  }
0x89: {  	s3 =	sld [smem:$0x3FFE];
	_ =	sdelay $0x1  }
0x8a: {  	s1 =	srdreg.scid  }
0x8b: {  	s0 =	sand.u32 $0x1, s1  }
0x8c: {  	s16 =	sshll.u32 s0, $0xA;
	s2 =	sadd.s32 s3, s2  }
0x8d: {  	s2 =	sadd.s32 s2, s16  }
0x8e: {  	[smem:$0x3FC0] =	sst s2  }
0x8f: {  	_ = 	snop  }
0x90: {  	(tm) =	ssettm $0x1  }
0x91: {  	s17 =	sld [smem:$0x3FFB];
	_ =	sdelay $0x3  }
0x92: {  	_ =	strace s17  }
0x93: {  	s2 =	sld [smem:$0x3FFC];
	_ =	sdelay $0x3  }
0x94: {  	_ =	strace s2  }
0x95: {  	s2 =	sld [smem:$0x3FFD];
	_ =	sdelay $0x3  }
0x96: {  	_ =	strace s2  }
0x97: {  	_ =	strace $0x8FFFFFFF  }
0x98: {  	s18 =	sld [smem:$0x3FDB];
	_ =	sdelay $0x1  }
0x99: {  	s19 =	simm.s32 $_scs_section_size  }
0x9a: {  	s4 =	simm.s32 $_size__tile_overlayer_lowered;
	s5 =	simm.s32 $_tile_overlayer_lowered  }
0x9b: {  	s22 =	simm.s32 $0x1BFF;
	s21 =	sshll.u32 s5, $0x1;
	s2 =	sadd.s32 s19, s18  }
0x9c: {  	s6 =	simm.s32 $0x0;
	s20 =	sshll.u32 s4, $0x1;
	s4 =	sadd.s32 s21, s2  }
0x9d: {  	[timem:s6], [sflag:s22] =	dma.local [hbm:s4], s20  }
0x9e: {  	_ =	swait.ge [sflag:s22], s20  }
0x9f: {  	s3 =	ssub.s32 $0x0, s20;
	[sflag:s22] =	ssyncset.done $0x0  }
0xa0: {  	[sflag:s22] =	ssyncadd.s32 s3;
	_ =	sdelay $0x1  }
0xa1: {  	s23 =	simm.s32 $0x1B8B  }
0xa2: {  	_ =	swait.ge [sflag:s23], $0x1  }
0xa3: {  	[sflag:s23] =	ssyncset.done $0x0  }
0xa4: {  	s25 =	simm.s32 $0x1B8E;
	s24 =	sld [smem:$0x3FFE];
	[sflag:s23] =	ssyncadd.s32 $0xFFFFFFFF  }
0xa5: {  	s26 =	simm.s32 $execute0_lowered;
	[smem:$0x3FD2] =	sst s25  }
0xa6: {  	s4 =	sshll.u32 s26, $0x1;
	_ =	strace $0x80000049;
	[dreg:$0x1] =	wrdreg $0xFFFFFFFF  }
0xa7: {  	s28 =	simm.s32 $_size_execute0_lowered;
	s2 =	sadd.s32 s2, s4;
	[dreg:$0x0] =	wrdreg $0x0  }
0xa8: {  	s4 =	sshll.u32 s28, $0x1;
	[dreg:$0x2] =	wrdreg s2  }
0xa9: {  	[dreg:$0x3] =	wrdreg s4  }
0xaa: {  	[dreg:$0x4] =	wrdreg $0xC0  }
0xab: {  	_ =	task [dreg:s6], $0x5FFFF  }
0xac: {  	[dreg:$0x1] =	wrdreg $0xFFFFFFFF  }
0xad: {  	[dreg:$0x0] =	wrdreg $0x60  }
0xae: {  	[dreg:$0x2] =	wrdreg s24  }
0xaf: {  	[dreg:$0x3] =	wrdreg $0x6A000  }
0xb0: {  	[dreg:$0x4] =	wrdreg $0x9  }
0xb1: {  	_ =	task.clear_ibuf [dreg:s6], $0x5FFFF;
	_ =	strace $0x90000049  }
0xb2: {  	s29 =	simm.s32 $0x9;
	_ =	strace $0x8000004B  }
0xb3: {  	_ =	swait.ge [sflag:s29], $0x1  }
0xb4: {  	[sflag:s29] =	ssyncadd.s32 $0xFFFFFFFF  }
0xb5: {  	_ =	strace $0x9000004B  }
0xb6: {  	_ =	sfence  }
0xb7: {  	s30 =	sld [smem:$0x0];
	_ =	sdelay $0x2  }
0xb8: {  	s31 =	sshll.u32 s1, $0xD;
	s1 =	sshrl.u32 s1, $0x2  }
0xb9: {  	s3 =	sand.u32 $0x4000, s31;
	s1 =	sadd.s32 s1, s30  }
0xba: {  	s0 =	sor.u32 s3, s0;
	s1 =	sshll.u32 s1, $0x11  }
0xbb: {  	s0 =	sor.u32 s1, s0  }
0xbc: {  	s0 =	sadd.s32 $0x8F2B, s0  }
0xbd: {  	[sflag:s0] =	ssyncadd.remote.s32 $0x1  }
0xbe: {  	_ =	sfence.sel $0xFFFF  }
0xbf: {  	[dreg:$0x0] =	wrdreg $0xFFFFFFFF;
	(pc) =	sbr.abs _section_cstart, $3  }
0xc0: {  	[dreg:$0x1] =	wrdreg $0xFFFFFFFF  }
0xc1: {  	_ =	task.clear_ibuf [dreg:s6], $0x2FFFF;
	_ =	strace $0x9FFFFFFF  }
0xc2: {  	(tm) =	ssettm $0x7FFFFFFF  }
0xc3: {  	_ =	shalt  }
tec
execute0_lowered:
.L_overlay_start_1:
0x0: {  	(tag) =	ssettag $0x1  }
0x1: {  	s0 =	srdreg.scid  }
0x2: {  	s3 =	stileid.u32;
	s1 =	sand.u32 $0x1, s0  }
0x3: {  	s0 =	simm.s32 $0x0;
	s28 =	smul.u32 $0x620, s3;
	s2 =	ssub.s32 $0x2, s1  }
0x4: {  	[smem:$0x7FF] =	sst s0;
	s22 =	smul.u32 $0x6200, s1;
	s26 =	sshrl.u32 s2, $0x1  }
0x5: {  	s4 =	sadd.s32 $0x70, s28;
	s5 =	sadd.s32 $0xA8, s28;
	s6 =	sadd.s32 $0xE0, s28  }
0x6: {  	s7 =	sadd.s32 $0x118, s28;
	s9 =	sadd.s32 $0x150, s28;
	s8 =	sadd.s32 $0x188, s28  }
0x7: {  	s10 =	sadd.s32 $0x1C0, s28;
	s11 =	sadd.s32 $0x1F8, s28;
	[smem:$0x7D6] =	sst s4  }
0x8: {  	s12 =	sadd.s32 $0x230, s28;
	s13 =	sadd.s32 $0x268, s28;
	[smem:$0x7D9] =	sst s5  }
0x9: {  	s16 =	sadd.s32 $0x2A0, s28;
	s14 =	sadd.s32 $0x2D8, s28;
	[smem:$0x7DC] =	sst s9  }
0xa: {  	s25 =	sadd.s32 $0x310, s28;
	s23 =	sadd.s32 $0x348, s28;
	[smem:$0x7DF] =	sst s11  }
0xb: {  	s21 =	sadd.s32 $0x380, s28;
	s19 =	sadd.s32 $0x3B8, s28;
	[smem:$0x7E1] =	sst s12  }
0xc: {  	s15 =	sadd.s32 $0x3F0, s28;
	s17 =	sadd.s32 $0x428, s28;
	[smem:$0x7E2] =	sst s13  }
0xd: {  	s18 =	sadd.s32 $0x460, s28;
	s24 =	sadd.s32 $0x498, s28;
	[smem:$0x7E5] =	sst s16  }
0xe: {  	s20 =	sadd.s32 $0x4D0, s28;
	s3 =	sadd.s32 $0x5B0, s28;
	[smem:$0x7E7] =	sst s14  }
0xf: {  	s31 =	sadd.s32 $0x540, s28;
	s2 =	ssub.s32 s2, s26;
	[smem:$0x7F4] =	sst s3  }
0x10: {  	s29 =	sadd.s32 $0x578, s28;
	s3 =	sadd.s32 $0x5E8, s28;
	[smem:$0x7F9] =	sst s2  }
0x11: {  	s26 =	sadd.s32 $0x508, s28;
	[smem:$0x7F7] =	sst s3;
	s3 =	sadd.s32 s28, s22  }
0x12: {  	s2 =	sadd.s32 $0x38, s28;
	s28 =	sshll.u32 s3, $0x3;
	s3 =	rddreg [dreg:$0x0]  }
0x13: {  	[smem:$0x7D5] =	sst s2;
	s2 =	sadd.s32 s22, s2;
	s1 =	sadd.s32 $0xACC00, s3  }
0x14: {  	s30 =	sshll.u32 s2, $0x3;
	s2 =	sadd.s32 s22, s4;
	s3 =	sadd.s32 s1, s28  }
0x15: {  	s4 =	sadd.s32 s1, s30;
	s2 =	sshll.u32 s2, $0x3;
	[dreg:$0x3] =	wrdreg s3  }
0x16: {  	s28 =	sadd.s32 s22, s6;
	s30 =	sadd.s32 s22, s7;
	[dreg:$0x4] =	wrdreg s4  }
0x17: {  	s2 =	sadd.s32 s1, s2;
	s4 =	sadd.s32 s22, s5;
	s5 =	smov.u32 s6  }
0x18: {  	s28 =	sshll.u32 s28, $0x3;
	s3 =	sshll.u32 s30, $0x3;
	s30 =	sadd.s32 s22, s10  }
0x19: {  	[dreg:$0x5] =	wrdreg s2;
	s2 =	sshll.u32 s4, $0x3;
	s6 =	sadd.s32 s1, s28  }
0x1a: {  	s4 =	sadd.s32 s22, s9;
	s28 =	sadd.s32 s22, s8;
	s2 =	sadd.s32 s1, s2  }
0x1b: {  	[dreg:$0x7] =	wrdreg s6;
	s6 =	smov.u32 s8;
	s28 =	sshll.u32 s28, $0x3  }
0x1c: {  	[dreg:$0x6] =	wrdreg s2;
	s2 =	sadd.s32 s1, s3;
	s9 =	sadd.s32 s1, s28  }
0x1d: {  	s3 =	sshll.u32 s30, $0x3;
	s28 =	sadd.s32 s22, s12;
	[dreg:$0x8] =	wrdreg s2  }
0x1e: {  	s30 =	sadd.s32 s22, s13;
	s2 =	sshll.u32 s4, $0x3;
	[dreg:$0xa] =	wrdreg s9  }
0x1f: {  	s4 =	sadd.s32 s22, s11;
	s28 =	sshll.u32 s28, $0x3;
	s9 =	sshll.u32 s30, $0x3  }
0x20: {  	s11 =	sadd.s32 s22, s16;
	s30 =	sadd.s32 s22, s25;
	s2 =	sadd.s32 s1, s2  }
0x21: {  	s8 =	sadd.s32 s1, s28;
	s28 =	sadd.s32 s22, s14;
	s13 =	sshll.u32 s30, $0x3  }
0x22: {  	s14 =	sadd.s32 s22, s23;
	s30 =	sadd.s32 s22, s19;
	[dreg:$0x9] =	wrdreg s2  }
0x23: {  	s2 =	sadd.s32 s1, s3;
	[dreg:$0xd] =	wrdreg s8;
	s28 =	sshll.u32 s28, $0x3  }
0x24: {  	s3 =	sshll.u32 s30, $0x3;
	s30 =	sadd.s32 s22, s18;
	[dreg:$0xb] =	wrdreg s2  }
0x25: {  	s2 =	sshll.u32 s4, $0x3;
	s12 =	sadd.s32 s1, s28;
	s28 =	sadd.s32 s22, s21  }
0x26: {  	s4 =	sadd.s32 s22, s15;
	s2 =	sadd.s32 s1, s2;
	[dreg:$0x10] =	wrdreg s12  }
0x27: {  	s28 =	sshll.u32 s28, $0x3;
	[dreg:$0xc] =	wrdreg s2;
	s2 =	sadd.s32 s1, s9  }
0x28: {  	s16 =	sadd.s32 s1, s28;
	s28 =	sadd.s32 s22, s17;
	[dreg:$0xe] =	wrdreg s2  }
0x29: {  	s9 =	sshll.u32 s30, $0x3;
	s2 =	sshll.u32 s11, $0x3;
	[dreg:$0x13] =	wrdreg s16  }
0x2a: {  	s30 =	sadd.s32 s22, s26;
	s16 =	sld [smem:$0x7F4];
	s2 =	sadd.s32 s1, s2  }
0x2b: {  	s28 =	sshll.u32 s28, $0x3;
	[dreg:$0xf] =	wrdreg s2;
	s2 =	sadd.s32 s1, s13  }
0x2c: {  	s11 =	sadd.s32 s22, s24;
	[dreg:$0x11] =	wrdreg s2;
	s2 =	sshll.u32 s14, $0x3  }
0x2d: {  	s8 =	sadd.s32 s1, s28;
	s28 =	sadd.s32 s22, s20;
	s2 =	sadd.s32 s1, s2  }
0x2e: {  	s28 =	sshll.u32 s28, $0x3;
	[dreg:$0x12] =	wrdreg s2;
	s2 =	sadd.s32 s1, s3  }
0x2f: {  	s12 =	sadd.s32 s1, s28;
	[dreg:$0x14] =	wrdreg s2;
	s2 =	sshll.u32 s4, $0x3  }
0x30: {  	s13 =	sshll.u32 s30, $0x3;
	[dreg:$0x19] =	wrdreg s12;
	s2 =	sadd.s32 s1, s2  }
0x31: {  	s14 =	sadd.s32 s22, s31;
	[dreg:$0x15] =	wrdreg s2;
	s2 =	sadd.s32 s1, s9  }
0x32: {  	s28 =	sadd.s32 s22, s29;
	[dreg:$0x17] =	wrdreg s2;
	s2 =	sshll.u32 s11, $0x3  }
0x33: {  	s30 =	sadd.s32 s22, s16;
	s11 =	sld [smem:$0x7F7];
	s2 =	sadd.s32 s1, s2  }
0x34: {  	s28 =	sshll.u32 s28, $0x3;
	[dreg:$0x18] =	wrdreg s2;
	s2 =	sadd.s32 s1, s13  }
0x35: {  	s3 =	sadd.s32 s1, s28;
	[dreg:$0x1a] =	wrdreg s2;
	s2 =	sshll.u32 s14, $0x3  }
0x36: {  	[dreg:$0x1c] =	wrdreg s3;
	s4 =	sshll.u32 s30, $0x3;
	s2 =	sadd.s32 s1, s2  }
0x37: {  	s12 =	stileid.u32;
	[dreg:$0x1b] =	wrdreg s2;
	s2 =	sadd.s32 s1, s4  }
0x38: {  	s3 =	smul.u32 $0x62000, s12;
	[dreg:$0x1d] =	wrdreg s2;
	s2 =	sadd.s32 s22, s11  }
0x39: {  	[dreg:$0x16] =	wrdreg s8;
	s8 =	smov.u32 s31;
	s2 =	sshll.u32 s2, $0x3  }
0x3a: {  	s30 =	rddreg [dreg:$0x1];
	s3 =	sshrl.u32 s3, $0x2;
	s1 =	sadd.s32 s1, s2  }
0x3b: {  	s12 =	sshll.u32 s5, $0x6;
	s3 =	sadd.s32 s3, s30;
	[dreg:$0x1e] =	wrdreg s1  }
0x3c: {  	s31 =	sadd.s32 s12, s30;
	_ =	strace $0x8000004A;
	[dreg:$0x1f] =	wrdreg s3  }
0x3d: {  	[smem:$0x7FC] =	sst s31  }
0x3e: {  	s13 =	rddreg [dreg:$0x0]  }
0x3f: {  	s14 =	sld [smem:$0x7D5]  }
0x40: {  	s16 =	sld [smem:$0x7D6]  }
0x41: {  	s5 =	sshll.u32 s10, $0x6;
	s11 =	sld [smem:$0x7D9]  }
0x42: {  	s10 =	sld [smem:$0x7E1];
	s28 =	sadd.s32 $0x4AC00, s13;
	s1 =	sadd.s32 $0xC00, s13  }
0x43: {  	s2 =	sadd.s32 $0x32400, s13;
	s13 =	sshll.u32 s7, $0x6;
	s7 =	sld [smem:$0x7DF]  }
0x44: {  	s4 =	sshll.u32 s16, $0x6;
	s16 =	sld [smem:$0x7DC]  }
0x45: {  	s3 =	sshll.u32 s14, $0x6;
	s14 =	sadd.s32 s13, s30;
	s13 =	sld [smem:$0x7E5]  }
0x46: {  	[smem:$0x7DB] =	sst s14  }
0x47: {  	s3 =	sadd.s32 s3, s30;
	s14 =	sld [smem:$0x7E7]  }
0x48: {  	s4 =	sadd.s32 s4, s30;
	[smem:$0x7D7] =	sst s3  }
0x49: {  	s9 =	smov.u32 s29;
	[smem:$0x7D8] =	sst s4;
	s3 =	sshll.u32 s11, $0x6  }
0x4a: {  	s4 =	sshll.u32 s6, $0x6;
	s6 =	sadd.s32 s5, s30;
	s11 =	sld [smem:$0x7E2]  }
0x4b: {  	v0 =	vmov s22;
	s22 =	simm.s32 $0x1B00;
	s3 =	sadd.s32 s3, s30;
	[smem:$0x7DE] =	sst s6  }
0x4c: {  	s5 =	sshll.u32 s21, $0x6;
	[smem:$0x7DA] =	sst s3;
	s3 =	sshll.u32 s16, $0x6  }
0x4d: {  	s16 =	sshll.u32 s25, $0x6;
	s29 =	sadd.s32 s3, s30;
	s3 =	sadd.s32 s4, s30  }
0x4e: {  	s6 =	sshll.u32 s19, $0x6;
	s25 =	sadd.s32 s16, s30;
	[smem:$0x7DD] =	sst s3  }
0x4f: {  	s19 =	sshll.u32 s9, $0x6;
	s4 =	sshll.u32 s11, $0x6;
	[smem:$0x7E9] =	sst s25  }
0x50: {  	s12 =	sadd.s32 s4, s30;
	s4 =	sshll.u32 s23, $0x6;
	s23 =	sld [smem:$0x7F7]  }
0x51: {  	s16 =	sshll.u32 s26, $0x6;
	s26 =	sadd.s32 $0x188000, s30;
	s25 =	sld [smem:$0x7F9]  }
0x52: {  	s9 =	simm.s32 $0x80;
	s11 =	sshll.u32 s17, $0x6;
	[smem:$0x7FB] =	sst s26  }
0x53: {  	s3 =	sshll.u32 s7, $0x6;
	s7 =	sadd.s32 s6, s30;
	[smem:$0x7FD] =	sst s29  }
0x54: {  	s17 =	sadd.s32 s16, s30;
	s6 =	simm.s32 $0x5C00;
	[smem:$0x7E4] =	sst s12  }
0x55: {  	s16 =	simm.s32 $0xC80;
	s3 =	sadd.s32 s3, s30;
	[smem:$0x7EC] =	sst s7  }
0x56: {  	s12 =	sshll.u32 s18, $0x6;
	[smem:$0x7F2] =	sst s17;
	s18 =	sshll.u32 s8, $0x6  }
0x57: {  	s7 =	simm.s32 $0x5;
	s8 =	simm.s32 $0xE00;
	s17 =	simm.s32 $0x4  }
0x58: {  	[smem:$0x7E0] =	sst s3;
	s3 =	sshll.u32 s10, $0x6;
	s10 =	sshll.u32 s15, $0x6  }
0x59: {  	s15 =	sshll.u32 s20, $0x6;
	s20 =	sld [smem:$0x7F4];
	s3 =	sadd.s32 s3, s30  }
0x5a: {  	[smem:$0x7E3] =	sst s3;
	s3 =	sshll.u32 s13, $0x6;
	s13 =	sadd.s32 s12, s30  }
0x5b: {  	s12 =	simm.s32 $0x1;
	s3 =	sadd.s32 s3, s30;
	[smem:$0x7EF] =	sst s13  }
0x5c: {  	s13 =	simm.s32 $0x3;
	[smem:$0x7E6] =	sst s3;
	s3 =	sshll.u32 s14, $0x6  }
0x5d: {  	s14 =	sshll.u32 s24, $0x6;
	s24 =	stileid.u32;
	s3 =	sadd.s32 s3, s30  }
0x5e: {  	p0 =	sne.s32 s24, $0x0;
	[smem:$0x7E8] =	sst s3;
	s3 =	sadd.s32 s4, s30  }
0x5f: {  	s4 =	sshll.u32 s20, $0x6;
	[smem:$0x7EA] =	sst s3;
	s3 =	sadd.s32 s5, s30  }
0x60: {  	s20 =	simm.s32 $0x1A80;
	s21 =	sadd.s32 s4, s30;
	[smem:$0x7EB] =	sst s3  }
0x61: {  	s5 =	smul.u32 $0xC400, s24;
	s3 =	sadd.s32 s10, s30;
	[smem:$0x7F6] =	sst s21  }
0x62: {  	s4 =	simm.s32 $0xC00;
	[smem:$0x7ED] =	sst s3;
	s3 =	sadd.s32 s11, s30  }
0x63: {  	s10 =	simm.s32 $0x1C00;
	[smem:$0x7EE] =	sst s3;
	s3 =	sadd.s32 s14, s30  }
0x64: {  	s21 =	simm.s32 $0xD80;
	[smem:$0x7F0] =	sst s3;
	s3 =	sadd.s32 s15, s30  }
0x65: {  	s11 =	simm.s32 $0x3C00;
	[smem:$0x7F1] =	sst s3;
	s3 =	sadd.s32 s18, s30  }
0x66: {  	s14 =	simm.s32 $0x1980;
	[smem:$0x7F3] =	sst s3;
	s3 =	sadd.s32 s19, s30  }
0x67: {  	s15 =	simm.s32 $0x2;
	[smem:$0x7F5] =	sst s3;
	s3 =	sshll.u32 s23, $0x6  }
0x68: {  	s18 =	simm.s32 $0x1A00;
	s19 =	simm.s32 $0xD00;
	s3 =	sadd.s32 s3, s30  }
0x69: {  	v2 =	vlaneseq.u32;
	s23 =	simm.s32 $0x1B80;
	[smem:$0x7F8] =	sst s3;
	s3 =	smax.u32 s25, $0x1  }
0x6a: {  	v1 =	vimm.f32 $0.0e+00;
	v2 =	vor.u32 $0x6200, v2;
	s25 =	simm.s32 $0x0;
	[smem:$0x7FA] =	sst s3;
	s3 =	simm.s32 $0x1900  }
.LBB2_1:
0x6b: {  	[smem:$0x7D4] =	sst s25;
	s25 =	simm.s32 $0x100;
	s24 =	simm.s32 $0x0  }
.LBB2_2:
0x6c: {  	p1 =	sne.s32 s25, $0x3700;
	[tilespmem:s24+$0x5C30] =	vst v1;
	s26 =	smov.u32 s25;
	s25 =	sadd.s32 $0x100, s25  }
.Ltmp0:
0x6d: {  	[tilespmem:s24+$0x5C20] =	vst v1;
	(pc) =	sbr.rel @p1 .LBB2_2-.Ltmp0, $3  }
0x6e: {  	[tilespmem:s24+$0x5C00] =	vst v1  }
0x6f: {  	[tilespmem:s24+$0x5C10] =	vst v1;
	_ =	sdelay $0x1  }
0x70: {  	s24 =	sshra.s32 s26, $0x2  }
0x71: {  	[tilespmem:s24+$0x5C30] =	vst v1  }
0x72: {  	[tilespmem:s24+$0x5C20] =	vst v1  }
0x73: {  	[tilespmem:s24+$0x5C00] =	vst v1  }
0x74: {  	[tilespmem:s24+$0x5C10] =	vst v1;
	s26 =	rddreg [dreg:$0x1f]  }
0x75: {  	[spmem:s26] =	stream.linear.scatter [tilespmem:s6], [sflag:$0x5], $0xE00, $0x38;
	[tilespmem:$0x1F240] =	vst v63  }
0x76: {  	_ =	swait.ge [sflag:s7], $0xE00  }
0x77: {  	s25 =	sld [smem:$0x7D7]  }
0x78: {  	[sflag:s7] =	ssyncset.done $0x0  }
0x79: {  	[sflag:s7] =	ssyncadd.s32 $0xFFFFF200  }
0x7a: {  	[spmem:s25] =	stream.linear.scatter [tilespmem:s6], [sflag:$0x5], $0xE00, $0x38;
	[tilespmem:$0x1F240] =	vst v63  }
0x7b: {  	_ =	swait.ge [sflag:s7], $0xE00  }
0x7c: {  	s26 =	sld [smem:$0x7D8]  }
0x7d: {  	[sflag:s7] =	ssyncset.done $0x0  }
0x7e: {  	[sflag:s7] =	ssyncadd.s32 $0xFFFFF200  }
0x7f: {  	[spmem:s26] =	stream.linear.scatter [tilespmem:s6], [sflag:$0x5], $0xE00, $0x38;
	[tilespmem:$0x1F240] =	vst v63  }
0x80: {  	_ =	swait.ge [sflag:s7], $0xE00  }
0x81: {  	s25 =	sld [smem:$0x7DA]  }
0x82: {  	[sflag:s7] =	ssyncset.done $0x0  }
0x83: {  	[sflag:s7] =	ssyncadd.s32 $0xFFFFF200  }
0x84: {  	[spmem:s25] =	stream.linear.scatter [tilespmem:s6], [sflag:$0x5], $0xE00, $0x38;
	[tilespmem:$0x1F240] =	vst v63  }
0x85: {  	_ =	swait.ge [sflag:s7], $0xE00  }
0x86: {  	[sflag:s7] =	ssyncset.done $0x0  }
0x87: {  	[sflag:s7] =	ssyncadd.s32 $0xFFFFF200  }
0x88: {  	[spmem:s31] =	stream.linear.scatter [tilespmem:s6], [sflag:$0x5], $0xE00, $0x38;
	[tilespmem:$0x1F240] =	vst v63  }
0x89: {  	_ =	swait.ge [sflag:s7], $0xE00  }
0x8a: {  	s26 =	sld [smem:$0x7DB]  }
0x8b: {  	[sflag:s7] =	ssyncset.done $0x0  }
0x8c: {  	[sflag:s7] =	ssyncadd.s32 $0xFFFFF200  }
0x8d: {  	[spmem:s26] =	stream.linear.scatter [tilespmem:s6], [sflag:$0x5], $0xE00, $0x38;
	[tilespmem:$0x1F240] =	vst v63  }
0x8e: {  	_ =	swait.ge [sflag:s7], $0xE00  }
0x8f: {  	[sflag:s7] =	ssyncset.done $0x0  }
0x90: {  	[sflag:s7] =	ssyncadd.s32 $0xFFFFF200  }
0x91: {  	[spmem:s29] =	stream.linear.scatter [tilespmem:s6], [sflag:$0x5], $0xE00, $0x38;
	[tilespmem:$0x1F240] =	vst v63  }
0x92: {  	_ =	swait.ge [sflag:s7], $0xE00  }
0x93: {  	s31 =	sld [smem:$0x7DD]  }
0x94: {  	[sflag:s7] =	ssyncset.done $0x0  }
0x95: {  	[sflag:s7] =	ssyncadd.s32 $0xFFFFF200  }
0x96: {  	[spmem:s31] =	stream.linear.scatter [tilespmem:s6], [sflag:$0x5], $0xE00, $0x38;
	[tilespmem:$0x1F240] =	vst v63  }
0x97: {  	_ =	swait.ge [sflag:s7], $0xE00  }
0x98: {  	s25 =	sld [smem:$0x7DE]  }
0x99: {  	[sflag:s7] =	ssyncset.done $0x0  }
0x9a: {  	[sflag:s7] =	ssyncadd.s32 $0xFFFFF200  }
0x9b: {  	[spmem:s25] =	stream.linear.scatter [tilespmem:s6], [sflag:$0x5], $0xE00, $0x38;
	[tilespmem:$0x1F240] =	vst v63  }
0x9c: {  	_ =	swait.ge [sflag:s7], $0xE00  }
0x9d: {  	s26 =	sld [smem:$0x7E0]  }
0x9e: {  	[sflag:s7] =	ssyncset.done $0x0  }
0x9f: {  	[sflag:s7] =	ssyncadd.s32 $0xFFFFF200  }
0xa0: {  	[spmem:s26] =	stream.linear.scatter [tilespmem:s6], [sflag:$0x5], $0xE00, $0x38;
	[tilespmem:$0x1F240] =	vst v63  }
0xa1: {  	_ =	swait.ge [sflag:s7], $0xE00  }
0xa2: {  	s29 =	sld [smem:$0x7E3]  }
0xa3: {  	[sflag:s7] =	ssyncset.done $0x0  }
0xa4: {  	[sflag:s7] =	ssyncadd.s32 $0xFFFFF200  }
0xa5: {  	[spmem:s29] =	stream.linear.scatter [tilespmem:s6], [sflag:$0x5], $0xE00, $0x38;
	[tilespmem:$0x1F240] =	vst v63  }
0xa6: {  	_ =	swait.ge [sflag:s7], $0xE00  }
0xa7: {  	s31 =	sld [smem:$0x7E4]  }
0xa8: {  	[sflag:s7] =	ssyncset.done $0x0  }
0xa9: {  	[sflag:s7] =	ssyncadd.s32 $0xFFFFF200  }
0xaa: {  	[spmem:s31] =	stream.linear.scatter [tilespmem:s6], [sflag:$0x5], $0xE00, $0x38;
	[tilespmem:$0x1F240] =	vst v63  }
0xab: {  	_ =	swait.ge [sflag:s7], $0xE00  }
0xac: {  	s25 =	sld [smem:$0x7E6]  }
0xad: {  	[sflag:s7] =	ssyncset.done $0x0  }
0xae: {  	[sflag:s7] =	ssyncadd.s32 $0xFFFFF200  }
0xaf: {  	[spmem:s25] =	stream.linear.scatter [tilespmem:s6], [sflag:$0x5], $0xE00, $0x38;
	[tilespmem:$0x1F240] =	vst v63  }
0xb0: {  	_ =	swait.ge [sflag:s7], $0xE00  }
0xb1: {  	s26 =	sld [smem:$0x7E8]  }
0xb2: {  	[sflag:s7] =	ssyncset.done $0x0  }
0xb3: {  	[sflag:s7] =	ssyncadd.s32 $0xFFFFF200  }
0xb4: {  	[spmem:s26] =	stream.linear.scatter [tilespmem:s6], [sflag:$0x5], $0xE00, $0x38;
	[tilespmem:$0x1F240] =	vst v63  }
0xb5: {  	_ =	swait.ge [sflag:s7], $0xE00  }
0xb6: {  	s29 =	sld [smem:$0x7E9]  }
0xb7: {  	[sflag:s7] =	ssyncset.done $0x0  }
0xb8: {  	[sflag:s7] =	ssyncadd.s32 $0xFFFFF200  }
0xb9: {  	[spmem:s29] =	stream.linear.scatter [tilespmem:s6], [sflag:$0x5], $0xE00, $0x38;
	[tilespmem:$0x1F240] =	vst v63  }
0xba: {  	_ =	swait.ge [sflag:s7], $0xE00  }
0xbb: {  	s31 =	sld [smem:$0x7EA]  }
0xbc: {  	[sflag:s7] =	ssyncset.done $0x0  }
0xbd: {  	[sflag:s7] =	ssyncadd.s32 $0xFFFFF200  }
0xbe: {  	[spmem:s31] =	stream.linear.scatter [tilespmem:s6], [sflag:$0x5], $0xE00, $0x38;
	[tilespmem:$0x1F240] =	vst v63  }
0xbf: {  	_ =	swait.ge [sflag:s7], $0xE00  }
0xc0: {  	s25 =	sld [smem:$0x7EB]  }
0xc1: {  	[sflag:s7] =	ssyncset.done $0x0  }
0xc2: {  	[sflag:s7] =	ssyncadd.s32 $0xFFFFF200  }
0xc3: {  	[spmem:s25] =	stream.linear.scatter [tilespmem:s6], [sflag:$0x5], $0xE00, $0x38;
	[tilespmem:$0x1F240] =	vst v63  }
0xc4: {  	_ =	swait.ge [sflag:s7], $0xE00  }
0xc5: {  	s26 =	sld [smem:$0x7EC]  }
0xc6: {  	[sflag:s7] =	ssyncset.done $0x0  }
0xc7: {  	[sflag:s7] =	ssyncadd.s32 $0xFFFFF200  }
0xc8: {  	[spmem:s26] =	stream.linear.scatter [tilespmem:s6], [sflag:$0x5], $0xE00, $0x38;
	[tilespmem:$0x1F240] =	vst v63  }
0xc9: {  	_ =	swait.ge [sflag:s7], $0xE00  }
0xca: {  	s29 =	sld [smem:$0x7ED]  }
0xcb: {  	[sflag:s7] =	ssyncset.done $0x0  }
0xcc: {  	[sflag:s7] =	ssyncadd.s32 $0xFFFFF200  }
0xcd: {  	[spmem:s29] =	stream.linear.scatter [tilespmem:s6], [sflag:$0x5], $0xE00, $0x38;
	[tilespmem:$0x1F240] =	vst v63  }
0xce: {  	_ =	swait.ge [sflag:s7], $0xE00  }
0xcf: {  	s31 =	sld [smem:$0x7EE]  }
0xd0: {  	[sflag:s7] =	ssyncset.done $0x0  }
0xd1: {  	[sflag:s7] =	ssyncadd.s32 $0xFFFFF200  }
0xd2: {  	[spmem:s31] =	stream.linear.scatter [tilespmem:s6], [sflag:$0x5], $0xE00, $0x38;
	[tilespmem:$0x1F240] =	vst v63  }
0xd3: {  	_ =	swait.ge [sflag:s7], $0xE00  }
0xd4: {  	s25 =	sld [smem:$0x7EF]  }
0xd5: {  	[sflag:s7] =	ssyncset.done $0x0  }
0xd6: {  	[sflag:s7] =	ssyncadd.s32 $0xFFFFF200  }
0xd7: {  	[spmem:s25] =	stream.linear.scatter [tilespmem:s6], [sflag:$0x5], $0xE00, $0x38;
	[tilespmem:$0x1F240] =	vst v63  }
0xd8: {  	_ =	swait.ge [sflag:s7], $0xE00  }
0xd9: {  	s26 =	sld [smem:$0x7F0]  }
0xda: {  	[sflag:s7] =	ssyncset.done $0x0  }
0xdb: {  	[sflag:s7] =	ssyncadd.s32 $0xFFFFF200  }
0xdc: {  	[spmem:s26] =	stream.linear.scatter [tilespmem:s6], [sflag:$0x5], $0xE00, $0x38;
	[tilespmem:$0x1F240] =	vst v63  }
0xdd: {  	_ =	swait.ge [sflag:s7], $0xE00  }
0xde: {  	s29 =	sld [smem:$0x7F1]  }
0xdf: {  	[sflag:s7] =	ssyncset.done $0x0  }
0xe0: {  	[sflag:s7] =	ssyncadd.s32 $0xFFFFF200  }
0xe1: {  	[spmem:s29] =	stream.linear.scatter [tilespmem:s6], [sflag:$0x5], $0xE00, $0x38;
	[tilespmem:$0x1F240] =	vst v63  }
0xe2: {  	_ =	swait.ge [sflag:s7], $0xE00  }
0xe3: {  	s31 =	sld [smem:$0x7F2]  }
0xe4: {  	[sflag:s7] =	ssyncset.done $0x0  }
0xe5: {  	[sflag:s7] =	ssyncadd.s32 $0xFFFFF200  }
0xe6: {  	[spmem:s31] =	stream.linear.scatter [tilespmem:s6], [sflag:$0x5], $0xE00, $0x38;
	[tilespmem:$0x1F240] =	vst v63  }
0xe7: {  	_ =	swait.ge [sflag:s7], $0xE00  }
0xe8: {  	s25 =	sld [smem:$0x7F3]  }
0xe9: {  	[sflag:s7] =	ssyncset.done $0x0  }
0xea: {  	[sflag:s7] =	ssyncadd.s32 $0xFFFFF200  }
0xeb: {  	[spmem:s25] =	stream.linear.scatter [tilespmem:s6], [sflag:$0x5], $0xE00, $0x38;
	[tilespmem:$0x1F240] =	vst v63  }
0xec: {  	_ =	swait.ge [sflag:s7], $0xE00  }
0xed: {  	s26 =	sld [smem:$0x7F5]  }
0xee: {  	[sflag:s7] =	ssyncset.done $0x0  }
0xef: {  	[sflag:s7] =	ssyncadd.s32 $0xFFFFF200  }
0xf0: {  	[spmem:s26] =	stream.linear.scatter [tilespmem:s6], [sflag:$0x5], $0xE00, $0x38;
	[tilespmem:$0x1F240] =	vst v63  }
0xf1: {  	_ =	swait.ge [sflag:s7], $0xE00  }
0xf2: {  	s29 =	sld [smem:$0x7F6]  }
0xf3: {  	[sflag:s7] =	ssyncset.done $0x0  }
0xf4: {  	[sflag:s7] =	ssyncadd.s32 $0xFFFFF200  }
0xf5: {  	[spmem:s29] =	stream.linear.scatter [tilespmem:s6], [sflag:$0x5], $0xE00, $0x38;
	[tilespmem:$0x1F240] =	vst v63  }
0xf6: {  	_ =	swait.ge [sflag:s7], $0xE00  }
0xf7: {  	s31 =	sld [smem:$0x7F8]  }
0xf8: {  	[sflag:s7] =	ssyncset.done $0x0  }
0xf9: {  	[sflag:s7] =	ssyncadd.s32 $0xFFFFF200  }
0xfa: {  	[spmem:s31] =	stream.linear.scatter [tilespmem:s6], [sflag:$0x5], $0xE00, $0x38;
	[tilespmem:$0x1F240] =	vst v63  }
0xfb: {  	_ =	swait.ge [sflag:s7], $0xE00  }
0xfc: {  	s25 =	sld [smem:$0x7FB]  }
0xfd: {  	[sflag:s7] =	ssyncset.done $0x0  }
0xfe: {  	s24 =	simm.s32 @!p0 $0x5C00;
	[sflag:s7] =	ssyncadd.s32 $0xFFFFF200  }
0xff: {  	[spmem:s25] =	stream.linear.scatter @!p0 [tilespmem:s24], [sflag:$0x5], $0x400, $0x38;
	[tilespmem:$0x1F240] =	vst v63  }
0x100: {  	s24 =	simm.s32 @!p0 $0x5  }
0x101: {  	_ =	swait.ge @!p0 [sflag:s24], $0x400  }
0x102: {  	[sflag:s24] =	ssyncset.done @!p0 $0x0  }
0x103: {  	[sflag:s24] =	ssyncadd.s32 @!p0 $0xFFFFFC00  }
0x104: {  	s25 =	simm.s32 $0x0;
	s24 =	simm.s32 $0x0;
	[bflag:$0x0] =	sbarrier.arrive $0xFFFF  }
.LBB2_4:
0x105: {  	s26 =	smul.u32 $0xE00, s25;
	_ =	sdelay $0x1  }
0x106: {  	s26 =	sadd.s32 s5, s26  }
0x107: {  	s26 =	sshrl.u32 s26, $0x3  }
0x108: {  	s29 =	sadd.s32 s1, s26  }
0x109: {  	[tilespmem:s24], [sflag:$0x5] =	stream.linear.gather [hbm4b:s29+s24], $0xE00, $0x38;
	[tilespmem:$0x1F240] =	vst v63  }
0x10a: {  	_ =	swait.ge [sflag:s7], $0xE00  }
0x10b: {  	[sflag:s7] =	ssyncset.done $0x0  }
0x10c: {  	s26 =	sadd.s32 s2, s26;
	[sflag:s7] =	ssyncadd.s32 $0xFFFFF200  }
0x10d: {  	[tilespmem:s8], [sflag:$0x5] =	stream.linear.gather [hbm4b:s26+s24], $0xE00, $0x38;
	[tilespmem:$0x1F240] =	vst v63  }
0x10e: {  	_ =	swait.ge [sflag:s7], $0xE00  }
0x10f: {  	[sflag:s7] =	ssyncset.done $0x0  }
0x110: {  	s26 =	simm.s32 $0x0;
	[sflag:s7] =	ssyncadd.s32 $0xFFFFF200  }
0x111: {  	v3 =	vld [tilespmem:s26+$0xE00]  }
0x112: {  	v8 =	vld [tilespmem:s26+$0xE10]  }
0x113: {  	v7 =	vld [tilespmem:s26+$0xE20]  }
0x114: {  	v6 =	vld [tilespmem:s26+$0xE30]  }
0x115: {  	v5 =	vld [tilespmem:s26+$0xE40]  }
0x116: {  	v4 =	vld [tilespmem:s26+$0xE50];
	v9 =	vsub.s32 v3, v0  }
0x117: {  	s29 =	simm.s32 $0x200;
	v8 =	vsub.s32 v8, v0;
	v3 =	vld [tilespmem:s26+$0xE60];
	vm0 =	vlt.u32 v9, $0x6200  }
.LBB2_5:
0x118: {  	p1 =	sne.s32 s29, $0x3600;
	v9 =	vsel vm0, v9, v2;
	vm0 =	vlt.u32 v8, $0x6200;
	v7 =	vsub.s32 v7, v0;
	v10 =	vld [tilespmem:s26+$0xE70]  }
0x119: {  	s31 =	sshra.s32 s29, $0x2;
	[tilespmem:s26+$0xE00] =	vst v9;
	v8 =	vsel vm0, v8, v2;
	vm0 =	vlt.u32 v7, $0x6200;
	v6 =	vsub.s32 v6, v0  }
0x11a: {  	v9 =	vld [tilespmem:s31+$0xE00];
	[tilespmem:s26+$0xE10] =	vst v8;
	v7 =	vsel vm0, v7, v2;
	vm0 =	vlt.u32 v6, $0x6200;
	v5 =	vsub.s32 v5, v0  }
0x11b: {  	v8 =	vld [tilespmem:s31+$0xE10];
	[tilespmem:s26+$0xE20] =	vst v7;
	v6 =	vsel vm0, v6, v2;
	vm0 =	vlt.u32 v5, $0x6200;
	v4 =	vsub.s32 v4, v0  }
.Ltmp1:
0x11c: {  	v7 =	vld [tilespmem:s31+$0xE20];
	[tilespmem:s26+$0xE30] =	vst v6;
	v5 =	vsel vm0, v5, v2;
	vm0 =	vlt.u32 v4, $0x6200;
	v3 =	vsub.s32 v3, v0;
	(pc) =	sbr.rel @p1 .LBB2_5-.Ltmp1, $4  }
0x11d: {  	v6 =	vld [tilespmem:s31+$0xE30];
	[tilespmem:s26+$0xE40] =	vst v5;
	v4 =	vsel vm0, v4, v2;
	vm0 =	vlt.u32 v3, $0x6200;
	v10 =	vsub.s32 v10, v0  }
0x11e: {  	v5 =	vld [tilespmem:s31+$0xE40];
	[tilespmem:s26+$0xE50] =	vst v4;
	v3 =	vsel vm0, v3, v2;
	vm0 =	vlt.u32 v10, $0x6200  }
0x11f: {  	v9 =	vsub.s32 v9, v0;
	v4 =	vld [tilespmem:s31+$0xE50];
	[tilespmem:s26+$0xE60] =	vst v3;
	v10 =	vsel vm0, v10, v2  }
0x120: {  	s29 =	sadd.s32 $0x200, s29;
	vm0 =	vlt.u32 v9, $0x6200;
	v8 =	vsub.s32 v8, v0;
	v3 =	vld [tilespmem:s31+$0xE60];
	[tilespmem:s26+$0xE70] =	vst v10;
	s26 =	smov.u32 s31  }
0x121: {  	v9 =	vsel vm0, v9, v2;
	vm9 =	vlt.u32 v8, $0x6200;
	v7 =	vsub.s32 v7, v0;
	v10 =	vld [tilespmem:s26+$0xE70]  }
0x122: {  	[tilespmem:s26+$0xE00] =	vst v9;
	v8 =	vsel vm9, v8, v2;
	vm10 =	vlt.u32 v7, $0x6200;
	v6 =	vsub.s32 v6, v0  }
0x123: {  	[tilespmem:s26+$0xE10] =	vst v8;
	v7 =	vsel vm10, v7, v2;
	vm11 =	vlt.u32 v6, $0x6200;
	v5 =	vsub.s32 v5, v0  }
0x124: {  	[tilespmem:s26+$0xE20] =	vst v7;
	v6 =	vsel vm11, v6, v2;
	vm12 =	vlt.u32 v5, $0x6200;
	v4 =	vsub.s32 v4, v0  }
0x125: {  	[tilespmem:s26+$0xE30] =	vst v6;
	v5 =	vsel vm12, v5, v2;
	vm13 =	vlt.u32 v4, $0x6200;
	v3 =	vsub.s32 v3, v0  }
0x126: {  	[tilespmem:s26+$0xE40] =	vst v5;
	v4 =	vsel vm13, v4, v2;
	vm14 =	vlt.u32 v3, $0x6200;
	v63 =	vsub.s32 v10, v0  }
0x127: {  	[tilespmem:s26+$0xE50] =	vst v4;
	v3 =	vsel vm14, v3, v2;
	vm15 =	vlt.u32 v63, $0x6200  }
0x128: {  	[tilespmem:s26+$0xE60] =	vst v3;
	v3 =	vsel vm15, v63, v2  }
0x129: {  	[tilespmem:s26+$0xE70] =	vst v3  }
0x12a: {  	[tilespmem:s10], [sflag:$0x1] =	stream.indirect.gather [hbm4b:s28+s9], $0x40, s0, s9, $0xb8;
	[tilespmem:$0x1F240] =	vst v63  }
0x12b: {  	_ = 	snop  }
0x12c: {  	[tilespmem:s11], [sflag:$0x2] =	stream.indirect.gather [hbm4b:s28+s9], $0x40, s9, s9, $0xb8;
	[tilespmem:$0x1F240] =	vst v63  }
0x12d: {  	_ =	swait.ge [sflag:s12], $0x2000  }
0x12e: {  	[sflag:s12] =	ssyncset.done $0x0  }
0x12f: {  	[sflag:s12] =	ssyncadd.s32 $0xFFFFE000  }
0x130: {  	[spmem:s30] =	stream.indirect.scatter.add.f32 [tilespmem:s10], [sflag:$0x3], $0x40, s8, s9, $0xb8;
	[tilespmem:$0x1F240] =	vst v63  }
0x131: {  	_ =	swait.ge [sflag:s13], $0x2000  }
0x132: {  	[sflag:s13] =	ssyncset.done $0x0  }
0x133: {  	s31 =	simm.s32 $0x100;
	[sflag:s13] =	ssyncadd.s32 $0xFFFFE000  }
0x134: {  	[tilespmem:s10], [sflag:$0x1] =	stream.indirect.gather [hbm4b:s28+s9], $0x40, s31, s9, $0xb8;
	[tilespmem:$0x1F240] =	vst v63  }
0x135: {  	_ =	swait.ge [sflag:s15], $0x2000  }
0x136: {  	[sflag:s15] =	ssyncset.done $0x0  }
0x137: {  	s29 =	simm.s32 $0xE80;
	[sflag:s15] =	ssyncadd.s32 $0xFFFFE000  }
0x138: {  	[spmem:s30] =	stream.indirect.scatter.add.f32 [tilespmem:s11], [sflag:$0x4], $0x40, s29, s9, $0xb8;
	[tilespmem:$0x1F240] =	vst v63  }
0x139: {  	_ =	swait.ge [sflag:s17], $0x2000  }
0x13a: {  	[sflag:s17] =	ssyncset.done $0x0  }
0x13b: {  	s31 =	simm.s32 $0x180;
	[sflag:s17] =	ssyncadd.s32 $0xFFFFE000  }
0x13c: {  	[tilespmem:s11], [sflag:$0x2] =	stream.indirect.gather [hbm4b:s28+s9], $0x40, s31, s9, $0xb8;
	[tilespmem:$0x1F240] =	vst v63  }
0x13d: {  	_ =	swait.ge [sflag:s12], $0x2000  }
0x13e: {  	[sflag:s12] =	ssyncset.done $0x0  }
0x13f: {  	s29 =	simm.s32 $0xF00;
	[sflag:s12] =	ssyncadd.s32 $0xFFFFE000  }
0x140: {  	[spmem:s30] =	stream.indirect.scatter.add.f32 [tilespmem:s10], [sflag:$0x3], $0x40, s29, s9, $0xb8;
	[tilespmem:$0x1F240] =	vst v63  }
0x141: {  	_ =	swait.ge [sflag:s13], $0x2000  }
0x142: {  	[sflag:s13] =	ssyncset.done $0x0  }
0x143: {  	s31 =	simm.s32 $0x200;
	[sflag:s13] =	ssyncadd.s32 $0xFFFFE000  }
0x144: {  	[tilespmem:s10], [sflag:$0x1] =	stream.indirect.gather [hbm4b:s28+s9], $0x40, s31, s9, $0xb8;
	[tilespmem:$0x1F240] =	vst v63  }
0x145: {  	_ =	swait.ge [sflag:s15], $0x2000  }
0x146: {  	[sflag:s15] =	ssyncset.done $0x0  }
0x147: {  	s29 =	simm.s32 $0xF80;
	[sflag:s15] =	ssyncadd.s32 $0xFFFFE000  }
0x148: {  	[spmem:s30] =	stream.indirect.scatter.add.f32 [tilespmem:s11], [sflag:$0x4], $0x40, s29, s9, $0xb8;
	[tilespmem:$0x1F240] =	vst v63  }
0x149: {  	_ =	swait.ge [sflag:s17], $0x2000  }
0x14a: {  	[sflag:s17] =	ssyncset.done $0x0  }
0x14b: {  	s31 =	simm.s32 $0x280;
	[sflag:s17] =	ssyncadd.s32 $0xFFFFE000  }
0x14c: {  	[tilespmem:s11], [sflag:$0x2] =	stream.indirect.gather [hbm4b:s28+s9], $0x40, s31, s9, $0xb8;
	[tilespmem:$0x1F240] =	vst v63  }
0x14d: {  	_ =	swait.ge [sflag:s12], $0x2000  }
0x14e: {  	[sflag:s12] =	ssyncset.done $0x0  }
0x14f: {  	s29 =	simm.s32 $0x1000;
	[sflag:s12] =	ssyncadd.s32 $0xFFFFE000  }
0x150: {  	[spmem:s30] =	stream.indirect.scatter.add.f32 [tilespmem:s10], [sflag:$0x3], $0x40, s29, s9, $0xb8;
	[tilespmem:$0x1F240] =	vst v63  }
0x151: {  	_ =	swait.ge [sflag:s13], $0x2000  }
0x152: {  	[sflag:s13] =	ssyncset.done $0x0  }
0x153: {  	s31 =	simm.s32 $0x300;
	[sflag:s13] =	ssyncadd.s32 $0xFFFFE000  }
0x154: {  	[tilespmem:s10], [sflag:$0x1] =	stream.indirect.gather [hbm4b:s28+s9], $0x40, s31, s9, $0xb8;
	[tilespmem:$0x1F240] =	vst v63  }
0x155: {  	_ =	swait.ge [sflag:s15], $0x2000  }
0x156: {  	[sflag:s15] =	ssyncset.done $0x0  }
0x157: {  	s29 =	simm.s32 $0x1080;
	[sflag:s15] =	ssyncadd.s32 $0xFFFFE000  }
0x158: {  	[spmem:s30] =	stream.indirect.scatter.add.f32 [tilespmem:s11], [sflag:$0x4], $0x40, s29, s9, $0xb8;
	[tilespmem:$0x1F240] =	vst v63  }
0x159: {  	_ =	swait.ge [sflag:s17], $0x2000  }
0x15a: {  	[sflag:s17] =	ssyncset.done $0x0  }
0x15b: {  	s31 =	simm.s32 $0x380;
	[sflag:s17] =	ssyncadd.s32 $0xFFFFE000  }
0x15c: {  	[tilespmem:s11], [sflag:$0x2] =	stream.indirect.gather [hbm4b:s28+s9], $0x40, s31, s9, $0xb8;
	[tilespmem:$0x1F240] =	vst v63  }
0x15d: {  	_ =	swait.ge [sflag:s12], $0x2000  }
0x15e: {  	[sflag:s12] =	ssyncset.done $0x0  }
0x15f: {  	s29 =	simm.s32 $0x1100;
	[sflag:s12] =	ssyncadd.s32 $0xFFFFE000  }
0x160: {  	[spmem:s30] =	stream.indirect.scatter.add.f32 [tilespmem:s10], [sflag:$0x3], $0x40, s29, s9, $0xb8;
	[tilespmem:$0x1F240] =	vst v63  }
0x161: {  	_ =	swait.ge [sflag:s13], $0x2000  }
0x162: {  	[sflag:s13] =	ssyncset.done $0x0  }
0x163: {  	s31 =	simm.s32 $0x400;
	[sflag:s13] =	ssyncadd.s32 $0xFFFFE000  }
0x164: {  	[tilespmem:s10], [sflag:$0x1] =	stream.indirect.gather [hbm4b:s28+s9], $0x40, s31, s9, $0xb8;
	[tilespmem:$0x1F240] =	vst v63  }
0x165: {  	_ =	swait.ge [sflag:s15], $0x2000  }
0x166: {  	[sflag:s15] =	ssyncset.done $0x0  }
0x167: {  	s29 =	simm.s32 $0x1180;
	[sflag:s15] =	ssyncadd.s32 $0xFFFFE000  }
0x168: {  	[spmem:s30] =	stream.indirect.scatter.add.f32 [tilespmem:s11], [sflag:$0x4], $0x40, s29, s9, $0xb8;
	[tilespmem:$0x1F240] =	vst v63  }
0x169: {  	_ =	swait.ge [sflag:s17], $0x2000  }
0x16a: {  	[sflag:s17] =	ssyncset.done $0x0  }
0x16b: {  	s31 =	simm.s32 $0x480;
	[sflag:s17] =	ssyncadd.s32 $0xFFFFE000  }
0x16c: {  	[tilespmem:s11], [sflag:$0x2] =	stream.indirect.gather [hbm4b:s28+s9], $0x40, s31, s9, $0xb8;
	[tilespmem:$0x1F240] =	vst v63  }
0x16d: {  	_ =	swait.ge [sflag:s12], $0x2000  }
0x16e: {  	[sflag:s12] =	ssyncset.done $0x0  }
0x16f: {  	s29 =	simm.s32 $0x1200;
	[sflag:s12] =	ssyncadd.s32 $0xFFFFE000  }
0x170: {  	[spmem:s30] =	stream.indirect.scatter.add.f32 [tilespmem:s10], [sflag:$0x3], $0x40, s29, s9, $0xb8;
	[tilespmem:$0x1F240] =	vst v63  }
0x171: {  	_ =	swait.ge [sflag:s13], $0x2000  }
0x172: {  	[sflag:s13] =	ssyncset.done $0x0  }
0x173: {  	s31 =	simm.s32 $0x500;
	[sflag:s13] =	ssyncadd.s32 $0xFFFFE000  }
0x174: {  	[tilespmem:s10], [sflag:$0x1] =	stream.indirect.gather [hbm4b:s28+s9], $0x40, s31, s9, $0xb8;
	[tilespmem:$0x1F240] =	vst v63  }
0x175: {  	_ =	swait.ge [sflag:s15], $0x2000  }
0x176: {  	[sflag:s15] =	ssyncset.done $0x0  }
0x177: {  	s29 =	simm.s32 $0x1280;
	[sflag:s15] =	ssyncadd.s32 $0xFFFFE000  }
0x178: {  	[spmem:s30] =	stream.indirect.scatter.add.f32 [tilespmem:s11], [sflag:$0x4], $0x40, s29, s9, $0xb8;
	[tilespmem:$0x1F240] =	vst v63  }
0x179: {  	_ =	swait.ge [sflag:s17], $0x2000  }
0x17a: {  	[sflag:s17] =	ssyncset.done $0x0  }
0x17b: {  	s31 =	simm.s32 $0x580;
	[sflag:s17] =	ssyncadd.s32 $0xFFFFE000  }
0x17c: {  	[tilespmem:s11], [sflag:$0x2] =	stream.indirect.gather [hbm4b:s28+s9], $0x40, s31, s9, $0xb8;
	[tilespmem:$0x1F240] =	vst v63  }
0x17d: {  	_ =	swait.ge [sflag:s12], $0x2000  }
0x17e: {  	[sflag:s12] =	ssyncset.done $0x0  }
0x17f: {  	s29 =	simm.s32 $0x1300;
	[sflag:s12] =	ssyncadd.s32 $0xFFFFE000  }
0x180: {  	[spmem:s30] =	stream.indirect.scatter.add.f32 [tilespmem:s10], [sflag:$0x3], $0x40, s29, s9, $0xb8;
	[tilespmem:$0x1F240] =	vst v63  }
0x181: {  	_ =	swait.ge [sflag:s13], $0x2000  }
0x182: {  	[sflag:s13] =	ssyncset.done $0x0  }
0x183: {  	s31 =	simm.s32 $0x600;
	[sflag:s13] =	ssyncadd.s32 $0xFFFFE000  }
0x184: {  	[tilespmem:s10], [sflag:$0x1] =	stream.indirect.gather [hbm4b:s28+s9], $0x40, s31, s9, $0xb8;
	[tilespmem:$0x1F240] =	vst v63  }
0x185: {  	_ =	swait.ge [sflag:s15], $0x2000  }
0x186: {  	[sflag:s15] =	ssyncset.done $0x0  }
0x187: {  	s29 =	simm.s32 $0x1380;
	[sflag:s15] =	ssyncadd.s32 $0xFFFFE000  }
0x188: {  	[spmem:s30] =	stream.indirect.scatter.add.f32 [tilespmem:s11], [sflag:$0x4], $0x40, s29, s9, $0xb8;
	[tilespmem:$0x1F240] =	vst v63  }
0x189: {  	_ =	swait.ge [sflag:s17], $0x2000  }
0x18a: {  	[sflag:s17] =	ssyncset.done $0x0  }
0x18b: {  	s31 =	simm.s32 $0x680;
	[sflag:s17] =	ssyncadd.s32 $0xFFFFE000  }
0x18c: {  	[tilespmem:s11], [sflag:$0x2] =	stream.indirect.gather [hbm4b:s28+s9], $0x40, s31, s9, $0xb8;
	[tilespmem:$0x1F240] =	vst v63  }
0x18d: {  	_ =	swait.ge [sflag:s12], $0x2000  }
0x18e: {  	[sflag:s12] =	ssyncset.done $0x0  }
0x18f: {  	s29 =	simm.s32 $0x1400;
	[sflag:s12] =	ssyncadd.s32 $0xFFFFE000  }
0x190: {  	[spmem:s30] =	stream.indirect.scatter.add.f32 [tilespmem:s10], [sflag:$0x3], $0x40, s29, s9, $0xb8;
	[tilespmem:$0x1F240] =	vst v63  }
0x191: {  	_ =	swait.ge [sflag:s13], $0x2000  }
0x192: {  	[sflag:s13] =	ssyncset.done $0x0  }
0x193: {  	s31 =	simm.s32 $0x700;
	[sflag:s13] =	ssyncadd.s32 $0xFFFFE000  }
0x194: {  	[tilespmem:s10], [sflag:$0x1] =	stream.indirect.gather [hbm4b:s28+s9], $0x40, s31, s9, $0xb8;
	[tilespmem:$0x1F240] =	vst v63  }
0x195: {  	_ =	swait.ge [sflag:s15], $0x2000  }
0x196: {  	[sflag:s15] =	ssyncset.done $0x0  }
0x197: {  	s29 =	simm.s32 $0x1480;
	[sflag:s15] =	ssyncadd.s32 $0xFFFFE000  }
0x198: {  	[spmem:s30] =	stream.indirect.scatter.add.f32 [tilespmem:s11], [sflag:$0x4], $0x40, s29, s9, $0xb8;
	[tilespmem:$0x1F240] =	vst v63  }
0x199: {  	_ =	swait.ge [sflag:s17], $0x2000  }
0x19a: {  	[sflag:s17] =	ssyncset.done $0x0  }
0x19b: {  	s31 =	simm.s32 $0x780;
	[sflag:s17] =	ssyncadd.s32 $0xFFFFE000  }
0x19c: {  	[tilespmem:s11], [sflag:$0x2] =	stream.indirect.gather [hbm4b:s28+s9], $0x40, s31, s9, $0xb8;
	[tilespmem:$0x1F240] =	vst v63  }
0x19d: {  	_ =	swait.ge [sflag:s12], $0x2000  }
0x19e: {  	[sflag:s12] =	ssyncset.done $0x0  }
0x19f: {  	s29 =	simm.s32 $0x1500;
	[sflag:s12] =	ssyncadd.s32 $0xFFFFE000  }
0x1a0: {  	[spmem:s30] =	stream.indirect.scatter.add.f32 [tilespmem:s10], [sflag:$0x3], $0x40, s29, s9, $0xb8;
	[tilespmem:$0x1F240] =	vst v63  }
0x1a1: {  	_ =	swait.ge [sflag:s13], $0x2000  }
0x1a2: {  	[sflag:s13] =	ssyncset.done $0x0  }
0x1a3: {  	s31 =	simm.s32 $0x800;
	[sflag:s13] =	ssyncadd.s32 $0xFFFFE000  }
0x1a4: {  	[tilespmem:s10], [sflag:$0x1] =	stream.indirect.gather [hbm4b:s28+s9], $0x40, s31, s9, $0xb8;
	[tilespmem:$0x1F240] =	vst v63  }
0x1a5: {  	_ =	swait.ge [sflag:s15], $0x2000  }
0x1a6: {  	[sflag:s15] =	ssyncset.done $0x0  }
0x1a7: {  	s29 =	simm.s32 $0x1580;
	[sflag:s15] =	ssyncadd.s32 $0xFFFFE000  }
0x1a8: {  	[spmem:s30] =	stream.indirect.scatter.add.f32 [tilespmem:s11], [sflag:$0x4], $0x40, s29, s9, $0xb8;
	[tilespmem:$0x1F240] =	vst v63  }
0x1a9: {  	_ =	swait.ge [sflag:s17], $0x2000  }
0x1aa: {  	[sflag:s17] =	ssyncset.done $0x0  }
0x1ab: {  	s31 =	simm.s32 $0x880;
	[sflag:s17] =	ssyncadd.s32 $0xFFFFE000  }
0x1ac: {  	[tilespmem:s11], [sflag:$0x2] =	stream.indirect.gather [hbm4b:s28+s9], $0x40, s31, s9, $0xb8;
	[tilespmem:$0x1F240] =	vst v63  }
0x1ad: {  	_ =	swait.ge [sflag:s12], $0x2000  }
0x1ae: {  	[sflag:s12] =	ssyncset.done $0x0  }
0x1af: {  	s29 =	simm.s32 $0x1600;
	[sflag:s12] =	ssyncadd.s32 $0xFFFFE000  }
0x1b0: {  	[spmem:s30] =	stream.indirect.scatter.add.f32 [tilespmem:s10], [sflag:$0x3], $0x40, s29, s9, $0xb8;
	[tilespmem:$0x1F240] =	vst v63  }
0x1b1: {  	_ =	swait.ge [sflag:s13], $0x2000  }
0x1b2: {  	[sflag:s13] =	ssyncset.done $0x0  }
0x1b3: {  	s31 =	simm.s32 $0x900;
	[sflag:s13] =	ssyncadd.s32 $0xFFFFE000  }
0x1b4: {  	[tilespmem:s10], [sflag:$0x1] =	stream.indirect.gather [hbm4b:s28+s9], $0x40, s31, s9, $0xb8;
	[tilespmem:$0x1F240] =	vst v63  }
0x1b5: {  	_ =	swait.ge [sflag:s15], $0x2000  }
0x1b6: {  	[sflag:s15] =	ssyncset.done $0x0  }
0x1b7: {  	s29 =	simm.s32 $0x1680;
	[sflag:s15] =	ssyncadd.s32 $0xFFFFE000  }
0x1b8: {  	[spmem:s30] =	stream.indirect.scatter.add.f32 [tilespmem:s11], [sflag:$0x4], $0x40, s29, s9, $0xb8;
	[tilespmem:$0x1F240] =	vst v63  }
0x1b9: {  	_ =	swait.ge [sflag:s17], $0x2000  }
0x1ba: {  	[sflag:s17] =	ssyncset.done $0x0  }
0x1bb: {  	s31 =	simm.s32 $0x980;
	[sflag:s17] =	ssyncadd.s32 $0xFFFFE000  }
0x1bc: {  	[tilespmem:s11], [sflag:$0x2] =	stream.indirect.gather [hbm4b:s28+s9], $0x40, s31, s9, $0xb8;
	[tilespmem:$0x1F240] =	vst v63  }
0x1bd: {  	_ =	swait.ge [sflag:s12], $0x2000  }
0x1be: {  	[sflag:s12] =	ssyncset.done $0x0  }
0x1bf: {  	s29 =	simm.s32 $0x1700;
	[sflag:s12] =	ssyncadd.s32 $0xFFFFE000  }
0x1c0: {  	[spmem:s30] =	stream.indirect.scatter.add.f32 [tilespmem:s10], [sflag:$0x3], $0x40, s29, s9, $0xb8;
	[tilespmem:$0x1F240] =	vst v63  }
0x1c1: {  	_ =	swait.ge [sflag:s13], $0x2000  }
0x1c2: {  	[sflag:s13] =	ssyncset.done $0x0  }
0x1c3: {  	s31 =	simm.s32 $0xA00;
	[sflag:s13] =	ssyncadd.s32 $0xFFFFE000  }
0x1c4: {  	[tilespmem:s10], [sflag:$0x1] =	stream.indirect.gather [hbm4b:s28+s9], $0x40, s31, s9, $0xb8;
	[tilespmem:$0x1F240] =	vst v63  }
0x1c5: {  	_ =	swait.ge [sflag:s15], $0x2000  }
0x1c6: {  	[sflag:s15] =	ssyncset.done $0x0  }
0x1c7: {  	s29 =	simm.s32 $0x1780;
	[sflag:s15] =	ssyncadd.s32 $0xFFFFE000  }
0x1c8: {  	[spmem:s30] =	stream.indirect.scatter.add.f32 [tilespmem:s11], [sflag:$0x4], $0x40, s29, s9, $0xb8;
	[tilespmem:$0x1F240] =	vst v63  }
0x1c9: {  	_ =	swait.ge [sflag:s17], $0x2000  }
0x1ca: {  	[sflag:s17] =	ssyncset.done $0x0  }
0x1cb: {  	s31 =	simm.s32 $0xA80;
	[sflag:s17] =	ssyncadd.s32 $0xFFFFE000  }
0x1cc: {  	[tilespmem:s11], [sflag:$0x2] =	stream.indirect.gather [hbm4b:s28+s9], $0x40, s31, s9, $0xb8;
	[tilespmem:$0x1F240] =	vst v63  }
0x1cd: {  	_ =	swait.ge [sflag:s12], $0x2000  }
0x1ce: {  	[sflag:s12] =	ssyncset.done $0x0  }
0x1cf: {  	s29 =	simm.s32 $0x1800;
	[sflag:s12] =	ssyncadd.s32 $0xFFFFE000  }
0x1d0: {  	[spmem:s30] =	stream.indirect.scatter.add.f32 [tilespmem:s10], [sflag:$0x3], $0x40, s29, s9, $0xb8;
	[tilespmem:$0x1F240] =	vst v63  }
0x1d1: {  	_ =	swait.ge [sflag:s13], $0x2000  }
0x1d2: {  	[sflag:s13] =	ssyncset.done $0x0  }
0x1d3: {  	s31 =	simm.s32 $0xB00;
	[sflag:s13] =	ssyncadd.s32 $0xFFFFE000  }
0x1d4: {  	[tilespmem:s10], [sflag:$0x1] =	stream.indirect.gather [hbm4b:s28+s9], $0x40, s31, s9, $0xb8;
	[tilespmem:$0x1F240] =	vst v63  }
0x1d5: {  	_ =	swait.ge [sflag:s15], $0x2000  }
0x1d6: {  	[sflag:s15] =	ssyncset.done $0x0  }
0x1d7: {  	s29 =	simm.s32 $0x1880;
	[sflag:s15] =	ssyncadd.s32 $0xFFFFE000  }
0x1d8: {  	[spmem:s30] =	stream.indirect.scatter.add.f32 [tilespmem:s11], [sflag:$0x4], $0x40, s29, s9, $0xb8;
	[tilespmem:$0x1F240] =	vst v63  }
0x1d9: {  	_ =	swait.ge [sflag:s17], $0x2000  }
0x1da: {  	[sflag:s17] =	ssyncset.done $0x0  }
0x1db: {  	s31 =	simm.s32 $0xB80;
	[sflag:s17] =	ssyncadd.s32 $0xFFFFE000  }
0x1dc: {  	[tilespmem:s11], [sflag:$0x2] =	stream.indirect.gather [hbm4b:s28+s9], $0x40, s31, s9, $0xb8;
	[tilespmem:$0x1F240] =	vst v63  }
0x1dd: {  	_ =	swait.ge [sflag:s12], $0x2000  }
0x1de: {  	[sflag:s12] =	ssyncset.done $0x0  }
0x1df: {  	[sflag:s12] =	ssyncadd.s32 $0xFFFFE000  }
0x1e0: {  	[spmem:s30] =	stream.indirect.scatter.add.f32 [tilespmem:s10], [sflag:$0x3], $0x40, s3, s9, $0xb8;
	[tilespmem:$0x1F240] =	vst v63  }
0x1e1: {  	_ =	swait.ge [sflag:s13], $0x2000  }
0x1e2: {  	[sflag:s13] =	ssyncset.done $0x0  }
0x1e3: {  	[sflag:s13] =	ssyncadd.s32 $0xFFFFE000  }
0x1e4: {  	[tilespmem:s10], [sflag:$0x1] =	stream.indirect.gather [hbm4b:s28+s9], $0x40, s4, s9, $0xb8;
	[tilespmem:$0x1F240] =	vst v63  }
0x1e5: {  	_ =	swait.ge [sflag:s15], $0x2000  }
0x1e6: {  	[sflag:s15] =	ssyncset.done $0x0  }
0x1e7: {  	[sflag:s15] =	ssyncadd.s32 $0xFFFFE000  }
0x1e8: {  	[spmem:s30] =	stream.indirect.scatter.add.f32 [tilespmem:s11], [sflag:$0x4], $0x40, s14, s9, $0xb8;
	[tilespmem:$0x1F240] =	vst v63  }
0x1e9: {  	_ =	swait.ge [sflag:s17], $0x2000  }
0x1ea: {  	[sflag:s17] =	ssyncset.done $0x0  }
0x1eb: {  	[sflag:s17] =	ssyncadd.s32 $0xFFFFE000  }
0x1ec: {  	[tilespmem:s11], [sflag:$0x2] =	stream.indirect.gather [hbm4b:s28+s9], $0x40, s16, s9, $0xb8;
	[tilespmem:$0x1F240] =	vst v63  }
0x1ed: {  	_ =	swait.ge [sflag:s12], $0x2000  }
0x1ee: {  	[sflag:s12] =	ssyncset.done $0x0  }
0x1ef: {  	[sflag:s12] =	ssyncadd.s32 $0xFFFFE000  }
0x1f0: {  	[spmem:s30] =	stream.indirect.scatter.add.f32 [tilespmem:s10], [sflag:$0x3], $0x40, s18, s9, $0xb8;
	[tilespmem:$0x1F240] =	vst v63  }
0x1f1: {  	_ =	swait.ge [sflag:s13], $0x2000  }
0x1f2: {  	[sflag:s13] =	ssyncset.done $0x0  }
0x1f3: {  	[sflag:s13] =	ssyncadd.s32 $0xFFFFE000  }
0x1f4: {  	[tilespmem:s10], [sflag:$0x1] =	stream.indirect.gather [hbm4b:s28+s9], $0x40, s19, s9, $0xb8;
	[tilespmem:$0x1F240] =	vst v63  }
0x1f5: {  	_ =	swait.ge [sflag:s15], $0x2000  }
0x1f6: {  	[sflag:s15] =	ssyncset.done $0x0  }
0x1f7: {  	[sflag:s15] =	ssyncadd.s32 $0xFFFFE000  }
0x1f8: {  	[spmem:s30] =	stream.indirect.scatter.add.f32 [tilespmem:s11], [sflag:$0x4], $0x40, s20, s9, $0xb8;
	[tilespmem:$0x1F240] =	vst v63  }
0x1f9: {  	_ =	swait.ge [sflag:s17], $0x2000  }
0x1fa: {  	[sflag:s17] =	ssyncset.done $0x0  }
0x1fb: {  	[sflag:s17] =	ssyncadd.s32 $0xFFFFE000  }
0x1fc: {  	[tilespmem:s11], [sflag:$0x2] =	stream.indirect.gather [hbm4b:s28+s9], $0x40, s21, s9, $0xb8;
	[tilespmem:$0x1F240] =	vst v63  }
0x1fd: {  	_ =	swait.ge [sflag:s12], $0x2000  }
0x1fe: {  	[sflag:s12] =	ssyncset.done $0x0  }
0x1ff: {  	[sflag:s12] =	ssyncadd.s32 $0xFFFFE000  }
0x200: {  	[spmem:s30] =	stream.indirect.scatter.add.f32 [tilespmem:s10], [sflag:$0x3], $0x40, s22, s9, $0xb8;
	[tilespmem:$0x1F240] =	vst v63  }
0x201: {  	_ =	swait.ge [sflag:s13], $0x2000  }
0x202: {  	[sflag:s13] =	ssyncset.done $0x0  }
0x203: {  	[sflag:s13] =	ssyncadd.s32 $0xFFFFE000  }
0x204: {  	s25 =	sadd.s32 $0x1, s25;
	_ =	swait.ge [sflag:s15], $0x2000  }
0x205: {  	p1 =	sne.s32 s25, $0xE;
	[sflag:s15] =	ssyncset.done $0x0  }
.Ltmp2:
0x206: {  	[sflag:s15] =	ssyncadd.s32 $0xFFFFE000;
	(pc) =	sbr.rel @p1 .LBB2_4-.Ltmp2, $4  }
0x207: {  	[spmem:s30] =	stream.indirect.scatter.add.f32 [tilespmem:s11], [sflag:$0x4], $0x40, s23, s9, $0xb8;
	[tilespmem:$0x1F240] =	vst v63  }
0x208: {  	_ =	swait.ge [sflag:s17], $0x2000  }
0x209: {  	[sflag:s17] =	ssyncset.done $0x0  }
0x20a: {  	[sflag:s17] =	ssyncadd.s32 $0xFFFFE000  }
0x20b: {  	[bflag:$0x0] =	sbarrier.arrive $0xFFFF  }
0x20c: {  	s24 =	rddreg [dreg:$0x1f]  }
0x20d: {  	[tilespmem:s6], [sflag:$0x5] =	stream.linear.gather [spmem:s24], $0xE00, $0x38;
	[tilespmem:$0x1F240] =	vst v63  }
0x20e: {  	_ =	swait.ge [sflag:s7], $0xE00  }
0x20f: {  	[sflag:s7] =	ssyncset.done $0x0  }
0x210: {  	s25 =	rddreg [dreg:$0x3];
	[sflag:s7] =	ssyncadd.s32 $0xFFFFF200  }
0x211: {  	[hbm4b:s25+s0] =	stream.linear.scatter [tilespmem:s6], [sflag:$0x5], $0xE00, $0x38;
	[tilespmem:$0x1F240] =	vst v63  }
0x212: {  	_ =	swait.ge [sflag:s7], $0xE00  }
0x213: {  	s26 =	sld [smem:$0x7D7]  }
0x214: {  	[sflag:s7] =	ssyncset.done $0x0  }
0x215: {  	[sflag:s7] =	ssyncadd.s32 $0xFFFFF200  }
0x216: {  	[tilespmem:s6], [sflag:$0x5] =	stream.linear.gather [spmem:s26], $0xE00, $0x38;
	[tilespmem:$0x1F240] =	vst v63  }
0x217: {  	_ =	swait.ge [sflag:s7], $0xE00  }
0x218: {  	[sflag:s7] =	ssyncset.done $0x0  }
0x219: {  	s25 =	rddreg [dreg:$0x4];
	[sflag:s7] =	ssyncadd.s32 $0xFFFFF200  }
0x21a: {  	[hbm4b:s25+s0] =	stream.linear.scatter [tilespmem:s6], [sflag:$0x5], $0xE00, $0x38;
	[tilespmem:$0x1F240] =	vst v63  }
0x21b: {  	_ =	swait.ge [sflag:s7], $0xE00  }
0x21c: {  	s26 =	sld [smem:$0x7D8]  }
0x21d: {  	[sflag:s7] =	ssyncset.done $0x0  }
0x21e: {  	[sflag:s7] =	ssyncadd.s32 $0xFFFFF200  }
0x21f: {  	[tilespmem:s6], [sflag:$0x5] =	stream.linear.gather [spmem:s26], $0xE00, $0x38;
	[tilespmem:$0x1F240] =	vst v63  }
0x220: {  	_ =	swait.ge [sflag:s7], $0xE00  }
0x221: {  	[sflag:s7] =	ssyncset.done $0x0  }
0x222: {  	s25 =	rddreg [dreg:$0x5];
	[sflag:s7] =	ssyncadd.s32 $0xFFFFF200  }
0x223: {  	[hbm4b:s25+s0] =	stream.linear.scatter [tilespmem:s6], [sflag:$0x5], $0xE00, $0x38;
	[tilespmem:$0x1F240] =	vst v63  }
0x224: {  	_ =	swait.ge [sflag:s7], $0xE00  }
0x225: {  	s26 =	sld [smem:$0x7DA]  }
0x226: {  	[sflag:s7] =	ssyncset.done $0x0  }
0x227: {  	[sflag:s7] =	ssyncadd.s32 $0xFFFFF200  }
0x228: {  	[tilespmem:s6], [sflag:$0x5] =	stream.linear.gather [spmem:s26], $0xE00, $0x38;
	[tilespmem:$0x1F240] =	vst v63  }
0x229: {  	_ =	swait.ge [sflag:s7], $0xE00  }
0x22a: {  	[sflag:s7] =	ssyncset.done $0x0  }
0x22b: {  	s25 =	rddreg [dreg:$0x6];
	[sflag:s7] =	ssyncadd.s32 $0xFFFFF200  }
0x22c: {  	[hbm4b:s25+s0] =	stream.linear.scatter [tilespmem:s6], [sflag:$0x5], $0xE00, $0x38;
	[tilespmem:$0x1F240] =	vst v63  }
0x22d: {  	_ =	swait.ge [sflag:s7], $0xE00  }
0x22e: {  	s31 =	sld [smem:$0x7FC]  }
0x22f: {  	[sflag:s7] =	ssyncset.done $0x0  }
0x230: {  	[sflag:s7] =	ssyncadd.s32 $0xFFFFF200  }
0x231: {  	[tilespmem:s6], [sflag:$0x5] =	stream.linear.gather [spmem:s31], $0xE00, $0x38;
	[tilespmem:$0x1F240] =	vst v63  }
0x232: {  	_ =	swait.ge [sflag:s7], $0xE00  }
0x233: {  	[sflag:s7] =	ssyncset.done $0x0  }
0x234: {  	s26 =	rddreg [dreg:$0x7];
	[sflag:s7] =	ssyncadd.s32 $0xFFFFF200  }
0x235: {  	[hbm4b:s26+s0] =	stream.linear.scatter [tilespmem:s6], [sflag:$0x5], $0xE00, $0x38;
	[tilespmem:$0x1F240] =	vst v63  }
0x236: {  	_ =	swait.ge [sflag:s7], $0xE00  }
0x237: {  	s25 =	sld [smem:$0x7DB]  }
0x238: {  	[sflag:s7] =	ssyncset.done $0x0  }
0x239: {  	[sflag:s7] =	ssyncadd.s32 $0xFFFFF200  }
0x23a: {  	[tilespmem:s6], [sflag:$0x5] =	stream.linear.gather [spmem:s25], $0xE00, $0x38;
	[tilespmem:$0x1F240] =	vst v63  }
0x23b: {  	_ =	swait.ge [sflag:s7], $0xE00  }
0x23c: {  	[sflag:s7] =	ssyncset.done $0x0  }
0x23d: {  	s26 =	rddreg [dreg:$0x8];
	[sflag:s7] =	ssyncadd.s32 $0xFFFFF200  }
0x23e: {  	[hbm4b:s26+s0] =	stream.linear.scatter [tilespmem:s6], [sflag:$0x5], $0xE00, $0x38;
	[tilespmem:$0x1F240] =	vst v63  }
0x23f: {  	_ =	swait.ge [sflag:s7], $0xE00  }
0x240: {  	s29 =	sld [smem:$0x7FD]  }
0x241: {  	[sflag:s7] =	ssyncset.done $0x0  }
0x242: {  	[sflag:s7] =	ssyncadd.s32 $0xFFFFF200  }
0x243: {  	[tilespmem:s6], [sflag:$0x5] =	stream.linear.gather [spmem:s29], $0xE00, $0x38;
	[tilespmem:$0x1F240] =	vst v63  }
0x244: {  	_ =	swait.ge [sflag:s7], $0xE00  }
0x245: {  	[sflag:s7] =	ssyncset.done $0x0  }
0x246: {  	s25 =	rddreg [dreg:$0x9];
	[sflag:s7] =	ssyncadd.s32 $0xFFFFF200  }
0x247: {  	[hbm4b:s25+s0] =	stream.linear.scatter [tilespmem:s6], [sflag:$0x5], $0xE00, $0x38;
	[tilespmem:$0x1F240] =	vst v63  }
0x248: {  	_ =	swait.ge [sflag:s7], $0xE00  }
0x249: {  	s26 =	sld [smem:$0x7DD]  }
0x24a: {  	[sflag:s7] =	ssyncset.done $0x0  }
0x24b: {  	[sflag:s7] =	ssyncadd.s32 $0xFFFFF200  }
0x24c: {  	[tilespmem:s6], [sflag:$0x5] =	stream.linear.gather [spmem:s26], $0xE00, $0x38;
	[tilespmem:$0x1F240] =	vst v63  }
0x24d: {  	_ =	swait.ge [sflag:s7], $0xE00  }
0x24e: {  	[sflag:s7] =	ssyncset.done $0x0  }
0x24f: {  	s25 =	rddreg [dreg:$0xa];
	[sflag:s7] =	ssyncadd.s32 $0xFFFFF200  }
0x250: {  	[hbm4b:s25+s0] =	stream.linear.scatter [tilespmem:s6], [sflag:$0x5], $0xE00, $0x38;
	[tilespmem:$0x1F240] =	vst v63  }
0x251: {  	_ =	swait.ge [sflag:s7], $0xE00  }
0x252: {  	s26 =	sld [smem:$0x7DE]  }
0x253: {  	[sflag:s7] =	ssyncset.done $0x0  }
0x254: {  	[sflag:s7] =	ssyncadd.s32 $0xFFFFF200  }
0x255: {  	[tilespmem:s6], [sflag:$0x5] =	stream.linear.gather [spmem:s26], $0xE00, $0x38;
	[tilespmem:$0x1F240] =	vst v63  }
0x256: {  	_ =	swait.ge [sflag:s7], $0xE00  }
0x257: {  	[sflag:s7] =	ssyncset.done $0x0  }
0x258: {  	s25 =	rddreg [dreg:$0xb];
	[sflag:s7] =	ssyncadd.s32 $0xFFFFF200  }
0x259: {  	[hbm4b:s25+s0] =	stream.linear.scatter [tilespmem:s6], [sflag:$0x5], $0xE00, $0x38;
	[tilespmem:$0x1F240] =	vst v63  }
0x25a: {  	_ =	swait.ge [sflag:s7], $0xE00  }
0x25b: {  	s26 =	sld [smem:$0x7E0]  }
0x25c: {  	[sflag:s7] =	ssyncset.done $0x0  }
0x25d: {  	[sflag:s7] =	ssyncadd.s32 $0xFFFFF200  }
0x25e: {  	[tilespmem:s6], [sflag:$0x5] =	stream.linear.gather [spmem:s26], $0xE00, $0x38;
	[tilespmem:$0x1F240] =	vst v63  }
0x25f: {  	_ =	swait.ge [sflag:s7], $0xE00  }
0x260: {  	[sflag:s7] =	ssyncset.done $0x0  }
0x261: {  	s25 =	rddreg [dreg:$0xc];
	[sflag:s7] =	ssyncadd.s32 $0xFFFFF200  }
0x262: {  	[hbm4b:s25+s0] =	stream.linear.scatter [tilespmem:s6], [sflag:$0x5], $0xE00, $0x38;
	[tilespmem:$0x1F240] =	vst v63  }
0x263: {  	_ =	swait.ge [sflag:s7], $0xE00  }
0x264: {  	s26 =	sld [smem:$0x7E3]  }
0x265: {  	[sflag:s7] =	ssyncset.done $0x0  }
0x266: {  	[sflag:s7] =	ssyncadd.s32 $0xFFFFF200  }
0x267: {  	[tilespmem:s6], [sflag:$0x5] =	stream.linear.gather [spmem:s26], $0xE00, $0x38;
	[tilespmem:$0x1F240] =	vst v63  }
0x268: {  	_ =	swait.ge [sflag:s7], $0xE00  }
0x269: {  	[sflag:s7] =	ssyncset.done $0x0  }
0x26a: {  	s25 =	rddreg [dreg:$0xd];
	[sflag:s7] =	ssyncadd.s32 $0xFFFFF200  }
0x26b: {  	[hbm4b:s25+s0] =	stream.linear.scatter [tilespmem:s6], [sflag:$0x5], $0xE00, $0x38;
	[tilespmem:$0x1F240] =	vst v63  }
0x26c: {  	_ =	swait.ge [sflag:s7], $0xE00  }
0x26d: {  	s26 =	sld [smem:$0x7E4]  }
0x26e: {  	[sflag:s7] =	ssyncset.done $0x0  }
0x26f: {  	[sflag:s7] =	ssyncadd.s32 $0xFFFFF200  }
0x270: {  	[tilespmem:s6], [sflag:$0x5] =	stream.linear.gather [spmem:s26], $0xE00, $0x38;
	[tilespmem:$0x1F240] =	vst v63  }
0x271: {  	_ =	swait.ge [sflag:s7], $0xE00  }
0x272: {  	[sflag:s7] =	ssyncset.done $0x0  }
0x273: {  	s25 =	rddreg [dreg:$0xe];
	[sflag:s7] =	ssyncadd.s32 $0xFFFFF200  }
0x274: {  	[hbm4b:s25+s0] =	stream.linear.scatter [tilespmem:s6], [sflag:$0x5], $0xE00, $0x38;
	[tilespmem:$0x1F240] =	vst v63  }
0x275: {  	_ =	swait.ge [sflag:s7], $0xE00  }
0x276: {  	s26 =	sld [smem:$0x7E6]  }
0x277: {  	[sflag:s7] =	ssyncset.done $0x0  }
0x278: {  	[sflag:s7] =	ssyncadd.s32 $0xFFFFF200  }
0x279: {  	[tilespmem:s6], [sflag:$0x5] =	stream.linear.gather [spmem:s26], $0xE00, $0x38;
	[tilespmem:$0x1F240] =	vst v63  }
0x27a: {  	_ =	swait.ge [sflag:s7], $0xE00  }
0x27b: {  	[sflag:s7] =	ssyncset.done $0x0  }
0x27c: {  	s25 =	rddreg [dreg:$0xf];
	[sflag:s7] =	ssyncadd.s32 $0xFFFFF200  }
0x27d: {  	[hbm4b:s25+s0] =	stream.linear.scatter [tilespmem:s6], [sflag:$0x5], $0xE00, $0x38;
	[tilespmem:$0x1F240] =	vst v63  }
0x27e: {  	_ =	swait.ge [sflag:s7], $0xE00  }
0x27f: {  	s26 =	sld [smem:$0x7E8]  }
0x280: {  	[sflag:s7] =	ssyncset.done $0x0  }
0x281: {  	[sflag:s7] =	ssyncadd.s32 $0xFFFFF200  }
0x282: {  	[tilespmem:s6], [sflag:$0x5] =	stream.linear.gather [spmem:s26], $0xE00, $0x38;
	[tilespmem:$0x1F240] =	vst v63  }
0x283: {  	_ =	swait.ge [sflag:s7], $0xE00  }
0x284: {  	[sflag:s7] =	ssyncset.done $0x0  }
0x285: {  	s25 =	rddreg [dreg:$0x10];
	[sflag:s7] =	ssyncadd.s32 $0xFFFFF200  }
0x286: {  	[hbm4b:s25+s0] =	stream.linear.scatter [tilespmem:s6], [sflag:$0x5], $0xE00, $0x38;
	[tilespmem:$0x1F240] =	vst v63  }
0x287: {  	_ =	swait.ge [sflag:s7], $0xE00  }
0x288: {  	s26 =	sld [smem:$0x7E9]  }
0x289: {  	[sflag:s7] =	ssyncset.done $0x0  }
0x28a: {  	[sflag:s7] =	ssyncadd.s32 $0xFFFFF200  }
0x28b: {  	[tilespmem:s6], [sflag:$0x5] =	stream.linear.gather [spmem:s26], $0xE00, $0x38;
	[tilespmem:$0x1F240] =	vst v63  }
0x28c: {  	_ =	swait.ge [sflag:s7], $0xE00  }
0x28d: {  	[sflag:s7] =	ssyncset.done $0x0  }
0x28e: {  	s25 =	rddreg [dreg:$0x11];
	[sflag:s7] =	ssyncadd.s32 $0xFFFFF200  }
0x28f: {  	[hbm4b:s25+s0] =	stream.linear.scatter [tilespmem:s6], [sflag:$0x5], $0xE00, $0x38;
	[tilespmem:$0x1F240] =	vst v63  }
0x290: {  	_ =	swait.ge [sflag:s7], $0xE00  }
0x291: {  	s26 =	sld [smem:$0x7EA]  }
0x292: {  	[sflag:s7] =	ssyncset.done $0x0  }
0x293: {  	[sflag:s7] =	ssyncadd.s32 $0xFFFFF200  }
0x294: {  	[tilespmem:s6], [sflag:$0x5] =	stream.linear.gather [spmem:s26], $0xE00, $0x38;
	[tilespmem:$0x1F240] =	vst v63  }
0x295: {  	_ =	swait.ge [sflag:s7], $0xE00  }
0x296: {  	[sflag:s7] =	ssyncset.done $0x0  }
0x297: {  	s25 =	rddreg [dreg:$0x12];
	[sflag:s7] =	ssyncadd.s32 $0xFFFFF200  }
0x298: {  	[hbm4b:s25+s0] =	stream.linear.scatter [tilespmem:s6], [sflag:$0x5], $0xE00, $0x38;
	[tilespmem:$0x1F240] =	vst v63  }
0x299: {  	_ =	swait.ge [sflag:s7], $0xE00  }
0x29a: {  	s26 =	sld [smem:$0x7EB]  }
0x29b: {  	[sflag:s7] =	ssyncset.done $0x0  }
0x29c: {  	[sflag:s7] =	ssyncadd.s32 $0xFFFFF200  }
0x29d: {  	[tilespmem:s6], [sflag:$0x5] =	stream.linear.gather [spmem:s26], $0xE00, $0x38;
	[tilespmem:$0x1F240] =	vst v63  }
0x29e: {  	_ =	swait.ge [sflag:s7], $0xE00  }
0x29f: {  	[sflag:s7] =	ssyncset.done $0x0  }
0x2a0: {  	s25 =	rddreg [dreg:$0x13];
	[sflag:s7] =	ssyncadd.s32 $0xFFFFF200  }
0x2a1: {  	[hbm4b:s25+s0] =	stream.linear.scatter [tilespmem:s6], [sflag:$0x5], $0xE00, $0x38;
	[tilespmem:$0x1F240] =	vst v63  }
0x2a2: {  	_ =	swait.ge [sflag:s7], $0xE00  }
0x2a3: {  	s26 =	sld [smem:$0x7EC]  }
0x2a4: {  	[sflag:s7] =	ssyncset.done $0x0  }
0x2a5: {  	[sflag:s7] =	ssyncadd.s32 $0xFFFFF200  }
0x2a6: {  	[tilespmem:s6], [sflag:$0x5] =	stream.linear.gather [spmem:s26], $0xE00, $0x38;
	[tilespmem:$0x1F240] =	vst v63  }
0x2a7: {  	_ =	swait.ge [sflag:s7], $0xE00  }
0x2a8: {  	[sflag:s7] =	ssyncset.done $0x0  }
0x2a9: {  	s25 =	rddreg [dreg:$0x14];
	[sflag:s7] =	ssyncadd.s32 $0xFFFFF200  }
0x2aa: {  	[hbm4b:s25+s0] =	stream.linear.scatter [tilespmem:s6], [sflag:$0x5], $0xE00, $0x38;
	[tilespmem:$0x1F240] =	vst v63  }
0x2ab: {  	_ =	swait.ge [sflag:s7], $0xE00  }
0x2ac: {  	s26 =	sld [smem:$0x7ED]  }
0x2ad: {  	[sflag:s7] =	ssyncset.done $0x0  }
0x2ae: {  	[sflag:s7] =	ssyncadd.s32 $0xFFFFF200  }
0x2af: {  	[tilespmem:s6], [sflag:$0x5] =	stream.linear.gather [spmem:s26], $0xE00, $0x38;
	[tilespmem:$0x1F240] =	vst v63  }
0x2b0: {  	_ =	swait.ge [sflag:s7], $0xE00  }
0x2b1: {  	[sflag:s7] =	ssyncset.done $0x0  }
0x2b2: {  	s25 =	rddreg [dreg:$0x15];
	[sflag:s7] =	ssyncadd.s32 $0xFFFFF200  }
0x2b3: {  	[hbm4b:s25+s0] =	stream.linear.scatter [tilespmem:s6], [sflag:$0x5], $0xE00, $0x38;
	[tilespmem:$0x1F240] =	vst v63  }
0x2b4: {  	_ =	swait.ge [sflag:s7], $0xE00  }
0x2b5: {  	s26 =	sld [smem:$0x7EE]  }
0x2b6: {  	[sflag:s7] =	ssyncset.done $0x0  }
0x2b7: {  	[sflag:s7] =	ssyncadd.s32 $0xFFFFF200  }
0x2b8: {  	[tilespmem:s6], [sflag:$0x5] =	stream.linear.gather [spmem:s26], $0xE00, $0x38;
	[tilespmem:$0x1F240] =	vst v63  }
0x2b9: {  	_ =	swait.ge [sflag:s7], $0xE00  }
0x2ba: {  	[sflag:s7] =	ssyncset.done $0x0  }
0x2bb: {  	s25 =	rddreg [dreg:$0x16];
	[sflag:s7] =	ssyncadd.s32 $0xFFFFF200  }
0x2bc: {  	[hbm4b:s25+s0] =	stream.linear.scatter [tilespmem:s6], [sflag:$0x5], $0xE00, $0x38;
	[tilespmem:$0x1F240] =	vst v63  }
0x2bd: {  	_ =	swait.ge [sflag:s7], $0xE00  }
0x2be: {  	s26 =	sld [smem:$0x7EF]  }
0x2bf: {  	[sflag:s7] =	ssyncset.done $0x0  }
0x2c0: {  	[sflag:s7] =	ssyncadd.s32 $0xFFFFF200  }
0x2c1: {  	[tilespmem:s6], [sflag:$0x5] =	stream.linear.gather [spmem:s26], $0xE00, $0x38;
	[tilespmem:$0x1F240] =	vst v63  }
0x2c2: {  	_ =	swait.ge [sflag:s7], $0xE00  }
0x2c3: {  	[sflag:s7] =	ssyncset.done $0x0  }
0x2c4: {  	s25 =	rddreg [dreg:$0x17];
	[sflag:s7] =	ssyncadd.s32 $0xFFFFF200  }
0x2c5: {  	[hbm4b:s25+s0] =	stream.linear.scatter [tilespmem:s6], [sflag:$0x5], $0xE00, $0x38;
	[tilespmem:$0x1F240] =	vst v63  }
0x2c6: {  	_ =	swait.ge [sflag:s7], $0xE00  }
0x2c7: {  	s26 =	sld [smem:$0x7F0]  }
0x2c8: {  	[sflag:s7] =	ssyncset.done $0x0  }
0x2c9: {  	[sflag:s7] =	ssyncadd.s32 $0xFFFFF200  }
0x2ca: {  	[tilespmem:s6], [sflag:$0x5] =	stream.linear.gather [spmem:s26], $0xE00, $0x38;
	[tilespmem:$0x1F240] =	vst v63  }
0x2cb: {  	_ =	swait.ge [sflag:s7], $0xE00  }
0x2cc: {  	[sflag:s7] =	ssyncset.done $0x0  }
0x2cd: {  	s25 =	rddreg [dreg:$0x18];
	[sflag:s7] =	ssyncadd.s32 $0xFFFFF200  }
0x2ce: {  	[hbm4b:s25+s0] =	stream.linear.scatter [tilespmem:s6], [sflag:$0x5], $0xE00, $0x38;
	[tilespmem:$0x1F240] =	vst v63  }
0x2cf: {  	_ =	swait.ge [sflag:s7], $0xE00  }
0x2d0: {  	s26 =	sld [smem:$0x7F1]  }
0x2d1: {  	[sflag:s7] =	ssyncset.done $0x0  }
0x2d2: {  	[sflag:s7] =	ssyncadd.s32 $0xFFFFF200  }
0x2d3: {  	[tilespmem:s6], [sflag:$0x5] =	stream.linear.gather [spmem:s26], $0xE00, $0x38;
	[tilespmem:$0x1F240] =	vst v63  }
0x2d4: {  	_ =	swait.ge [sflag:s7], $0xE00  }
0x2d5: {  	[sflag:s7] =	ssyncset.done $0x0  }
0x2d6: {  	s25 =	rddreg [dreg:$0x19];
	[sflag:s7] =	ssyncadd.s32 $0xFFFFF200  }
0x2d7: {  	[hbm4b:s25+s0] =	stream.linear.scatter [tilespmem:s6], [sflag:$0x5], $0xE00, $0x38;
	[tilespmem:$0x1F240] =	vst v63  }
0x2d8: {  	_ =	swait.ge [sflag:s7], $0xE00  }
0x2d9: {  	s26 =	sld [smem:$0x7F2]  }
0x2da: {  	[sflag:s7] =	ssyncset.done $0x0  }
0x2db: {  	[sflag:s7] =	ssyncadd.s32 $0xFFFFF200  }
0x2dc: {  	[tilespmem:s6], [sflag:$0x5] =	stream.linear.gather [spmem:s26], $0xE00, $0x38;
	[tilespmem:$0x1F240] =	vst v63  }
0x2dd: {  	_ =	swait.ge [sflag:s7], $0xE00  }
0x2de: {  	[sflag:s7] =	ssyncset.done $0x0  }
0x2df: {  	s25 =	rddreg [dreg:$0x1a];
	[sflag:s7] =	ssyncadd.s32 $0xFFFFF200  }
0x2e0: {  	[hbm4b:s25+s0] =	stream.linear.scatter [tilespmem:s6], [sflag:$0x5], $0xE00, $0x38;
	[tilespmem:$0x1F240] =	vst v63  }
0x2e1: {  	_ =	swait.ge [sflag:s7], $0xE00  }
0x2e2: {  	s26 =	sld [smem:$0x7F3]  }
0x2e3: {  	[sflag:s7] =	ssyncset.done $0x0  }
0x2e4: {  	[sflag:s7] =	ssyncadd.s32 $0xFFFFF200  }
0x2e5: {  	[tilespmem:s6], [sflag:$0x5] =	stream.linear.gather [spmem:s26], $0xE00, $0x38;
	[tilespmem:$0x1F240] =	vst v63  }
0x2e6: {  	_ =	swait.ge [sflag:s7], $0xE00  }
0x2e7: {  	[sflag:s7] =	ssyncset.done $0x0  }
0x2e8: {  	s25 =	rddreg [dreg:$0x1b];
	[sflag:s7] =	ssyncadd.s32 $0xFFFFF200  }
0x2e9: {  	[hbm4b:s25+s0] =	stream.linear.scatter [tilespmem:s6], [sflag:$0x5], $0xE00, $0x38;
	[tilespmem:$0x1F240] =	vst v63  }
0x2ea: {  	_ =	swait.ge [sflag:s7], $0xE00  }
0x2eb: {  	s26 =	sld [smem:$0x7F5]  }
0x2ec: {  	[sflag:s7] =	ssyncset.done $0x0  }
0x2ed: {  	[sflag:s7] =	ssyncadd.s32 $0xFFFFF200  }
0x2ee: {  	[tilespmem:s6], [sflag:$0x5] =	stream.linear.gather [spmem:s26], $0xE00, $0x38;
	[tilespmem:$0x1F240] =	vst v63  }
0x2ef: {  	_ =	swait.ge [sflag:s7], $0xE00  }
0x2f0: {  	[sflag:s7] =	ssyncset.done $0x0  }
0x2f1: {  	s25 =	rddreg [dreg:$0x1c];
	[sflag:s7] =	ssyncadd.s32 $0xFFFFF200  }
0x2f2: {  	[hbm4b:s25+s0] =	stream.linear.scatter [tilespmem:s6], [sflag:$0x5], $0xE00, $0x38;
	[tilespmem:$0x1F240] =	vst v63  }
0x2f3: {  	_ =	swait.ge [sflag:s7], $0xE00  }
0x2f4: {  	s26 =	sld [smem:$0x7F6]  }
0x2f5: {  	[sflag:s7] =	ssyncset.done $0x0  }
0x2f6: {  	[sflag:s7] =	ssyncadd.s32 $0xFFFFF200  }
0x2f7: {  	[tilespmem:s6], [sflag:$0x5] =	stream.linear.gather [spmem:s26], $0xE00, $0x38;
	[tilespmem:$0x1F240] =	vst v63  }
0x2f8: {  	_ =	swait.ge [sflag:s7], $0xE00  }
0x2f9: {  	[sflag:s7] =	ssyncset.done $0x0  }
0x2fa: {  	s25 =	rddreg [dreg:$0x1d];
	[sflag:s7] =	ssyncadd.s32 $0xFFFFF200  }
0x2fb: {  	[hbm4b:s25+s0] =	stream.linear.scatter [tilespmem:s6], [sflag:$0x5], $0xE00, $0x38;
	[tilespmem:$0x1F240] =	vst v63  }
0x2fc: {  	_ =	swait.ge [sflag:s7], $0xE00  }
0x2fd: {  	s26 =	sld [smem:$0x7F8]  }
0x2fe: {  	[sflag:s7] =	ssyncset.done $0x0  }
0x2ff: {  	[sflag:s7] =	ssyncadd.s32 $0xFFFFF200  }
0x300: {  	[tilespmem:s6], [sflag:$0x5] =	stream.linear.gather [spmem:s26], $0xE00, $0x38;
	[tilespmem:$0x1F240] =	vst v63  }
0x301: {  	_ =	swait.ge [sflag:s7], $0xE00  }
0x302: {  	[sflag:s7] =	ssyncset.done $0x0  }
0x303: {  	s25 =	rddreg [dreg:$0x1e];
	[sflag:s7] =	ssyncadd.s32 $0xFFFFF200  }
0x304: {  	[hbm4b:s25+s0] =	stream.linear.scatter [tilespmem:s6], [sflag:$0x5], $0xE00, $0x38;
	[tilespmem:$0x1F240] =	vst v63  }
0x305: {  	_ =	swait.ge [sflag:s7], $0xE00  }
0x306: {  	s25 =	sld [smem:$0x7D4]  }
0x307: {  	s26 =	sld [smem:$0x7FA];
	_ =	sdelay $0x1  }
0x308: {  	s25 =	sadd.s32 $0x1, s25  }
0x309: {  	p1 =	sne.s32 s25, s26  }
.Ltmp3:
0x30a: {  	_ = 	snop;
	(pc) =	sbr.rel @p1 .LBB2_1-.Ltmp3, $3  }
0x30b: {  	_ =	sdelay $0x1  }
0x30c: {  	[sflag:s7] =	ssyncset.done $0x0  }
0x30d: {  	[sflag:s7] =	ssyncadd.s32 $0xFFFFF200  }
0x30e: {  	_ =	sfence.sel $0x180000  }
0x30f: {  	[bflag:$0x0] =	sbarrier.arrive $0xFFFF  }
0x310: {  	_ =	strace $0x9000004A  }
0x311: {  	[bflag:$0x2] =	sbarrier.arrive $0xFFFF  }
0x312: {  	s0 =	rddreg [dreg:$0x2]  }
0x313: {  	s0 =	sadd.s32 @!p0 $0x100000, s0  }
0x314: {  	[sflag:s0] =	ssyncadd.tile.s32 @!p0 $0x1;
	_ =	shalt  }
.Lfunc_end2:
_tile_overlayer_lowered:
.L_overlay_start_2:
0x315: {  	(tag) =	ssettag $0x2  }
0x316: {  	s0 =	rddreg [dreg:$0x0];
	s2 =	stileid.u32  }
0x317: {  	s1 =	rddreg [dreg:$0x1];
	p0 =	sne.s32 s2, $0x0  }
0x318: {  	s3 =	rddreg [dreg:$0x2];
	[bflag:$0x3] =	sbarrier.arrive $0xFFFF;
	s2 =	simm.s32 @!p0 $0x1C05  }
0x319: {  	[timem:s3], [sflag:s2] =	dma.local @!p0 [hbm:s0], s1  }
0x31a: {  	s0 =	simm.s32 @!p0 $0x5  }
0x31b: {  	_ =	swait.ge @!p0 [sflag:s0], s1  }
0x31c: {  	s1 =	ssub.s32 @!p0 $0x0, s1;
	[sflag:s0] =	ssyncset.done @!p0 $0x0  }
0x31d: {  	[sflag:s0] =	ssyncadd.s32 @!p0 s1  }
0x31e: {  	[bflag:$0x3] =	sbarrier.arrive $0xFFFF  }
0x31f: {  	_ =	shalt  }

</sc_bundles>
